<compile_context>
chip_gen: v7x
topology: tpu7x:2x2x1
jax: 0.10.2.dev20260603
libtpu: 0.0.44.dev20260713+nightly
codegen_flags: <defaults>
</compile_context>

<pallas_src>
import math as _math

import jax
import jax.numpy as jnp
from jax.experimental import pallas as pl
from jax.experimental.pallas import tpu as pltpu

_B = 256
_D = 768
_G = 1000
_P = 128
_K = 5
_TEMP = 1.6
_MAX_REF = 1000.0
_H_THRESH = _math.sin(_MAX_REF / (2.0 * 6371.0)) ** 2


_W = 40
_CHUNK = (_B * _K) // _W


def _dist_kernel(sc_ref, ob_ref, qb_ref, g2_ref, emb_ref, *rest):
    p_refs = rest[:_W]
    coords_ref = rest[_W]
    out_ref = rest[_W + 1]
    i = pl.program_id(0)
    ii = jax.lax.broadcasted_iota(jnp.int32, (_P, 1), 0)
    lane = jax.lax.broadcasted_iota(jnp.int32, (1, 128), 1)

    def heavy(j):
        idx = j * _CHUNK + i
        r = ob_ref[idx]
        b = qb_ref[idx]
        g2 = g2_ref[idx]
        e = emb_ref[pl.ds(b, 1), :]
        pr = p_refs[j][0]
        diff = pr - e
        sums = jnp.sum(diff * diff, axis=1, keepdims=True)
        crows = coords_ref[pl.ds(g2, 2), :]
        return r, sums, crows

    def tail(state):
        r, sums, crows = state
        minv = jnp.min(sums)
        amin = jnp.min(jnp.where(sums == minv, ii, _P))
        lmask = lane == amin
        ll = jnp.sum(jnp.where(lmask, crows, 0.0), axis=1, keepdims=True)
        lng = ll[0:1, :]
        lat = ll[1:2, :]
        row = jnp.where(lane == 0, minv,
                        jnp.where(lane == 1, lng,
                                  jnp.where(lane == 2, lat, 0.0)))
        out_ref[pl.ds(r, 1), :] = row

    pending = []
    for j in range(_W):
        pending.append(heavy(j))
        if len(pending) > 3:
            tail(pending.pop(0))
    for state in pending:
        tail(state)


def _epilogue_kernel(minsq_ref, lng_ref, lat_ref, cprobs_ref, ip_ref,
                     llh_ref, pid_ref, fprobs_ref):
    minsq = minsq_ref[...]
    lngs = lng_ref[...]
    lats = lat_ref[...]
    cprobs = cprobs_ref[...]
    ip = ip_ref[...]

    td = -jnp.sqrt(minsq + 1e-12)
    z = td / _TEMP
    zmax = jnp.max(z, axis=1, keepdims=True)
    ez = jnp.exp(z - zmax)
    probs = ez / jnp.sum(ez, axis=1, keepdims=True)
    fp = cprobs * probs

    jj = jax.lax.broadcasted_iota(jnp.int32, (_B, _K), 1)

    fmax = jnp.max(fp, axis=1, keepdims=True)
    rg = jnp.min(jnp.where(fp == fmax, jj, _K), axis=1, keepdims=True)
    sel = jj == rg
    r_lng = jnp.sum(jnp.where(sel, lngs, 0.0), axis=1, keepdims=True)
    r_lat = jnp.sum(jnp.where(sel, lats, 0.0), axis=1, keepdims=True)

    r = jnp.pi / 180.0
    lng1 = ip[:, 0:1] * r
    lat1 = ip[:, 1:2] * r
    lng2 = r_lng * r
    lat2 = r_lat * r
    h = (jnp.sin((lat2 - lat1) * 0.5) ** 2
         + jnp.cos(lat1) * jnp.cos(lat2) * jnp.sin((lng2 - lng1) * 0.5) ** 2)
    far = jnp.clip(h, 0.0, 1.0) > _H_THRESH

    fp2 = jnp.where(far, cprobs, fp)
    fmax2 = jnp.max(fp2, axis=1, keepdims=True)
    pid = jnp.min(jnp.where(fp2 == fmax2, jj, _K), axis=1, keepdims=True)
    sel2 = jj == pid
    f_lng = jnp.sum(jnp.where(sel2, lngs, 0.0), axis=1, keepdims=True)
    f_lat = jnp.sum(jnp.where(sel2, lats, 0.0), axis=1, keepdims=True)

    llh_ref[:, 0:1] = f_lng
    llh_ref[:, 1:2] = f_lat
    pid_ref[...] = pid
    fprobs_ref[...] = fp2


def kernel(embedding, initial_preds, candidate_cells, candidate_probs,
           protos, proto_coords):
    if embedding.ndim == 3:
        embedding = embedding.mean(axis=1)
    B, K = _B, _K
    n = B * K
    cand = candidate_cells[:, :K].reshape(-1).astype(jnp.int32)
    order = jnp.argsort(cand).astype(jnp.int32)
    sc = jnp.take(cand, order)
    qb = order // _K
    g2 = 2 * sc
    coords_t = proto_coords.transpose(0, 2, 1).reshape(2 * _G, _P)

    grid_spec = pltpu.PrefetchScalarGridSpec(
        num_scalar_prefetch=4,
        grid=(_CHUNK,),
        in_specs=(
            [pl.BlockSpec((B, _D), lambda i, s, o, q, g: (0, 0))]
            + [pl.BlockSpec((1, _P, _D),
                            lambda i, s, o, q, g, j=j:
                            (s[j * _CHUNK + i], 0, 0))
               for j in range(_W)]
            + [pl.BlockSpec((2 * _G, _P), lambda i, s, o, q, g: (0, 0))]
        ),
        out_specs=pl.BlockSpec((n, 128), lambda i, s, o, q, g: (0, 0)),
    )
    out = pl.pallas_call(
        _dist_kernel,
        grid_spec=grid_spec,
        out_shape=jax.ShapeDtypeStruct((n, 128), jnp.float32),
    )(sc, order, qb, g2, embedding, *([protos] * _W), coords_t)

    minsq_bk = out[:, 0].reshape(B, K)
    lngs_bk = out[:, 1].reshape(B, K)
    lats_bk = out[:, 2].reshape(B, K)

    llh, pid, fprobs = pl.pallas_call(
        _epilogue_kernel,
        out_shape=[
            jax.ShapeDtypeStruct((B, 2), jnp.float32),
            jax.ShapeDtypeStruct((B, 1), jnp.int32),
            jax.ShapeDtypeStruct((B, K), jnp.float32),
        ],
    )(minsq_bk, lngs_bk, lats_bk, candidate_probs[:, :K].astype(jnp.float32),
      initial_preds)

    return llh, pid[:, 0], fprobs

# --- scband reference (transcript-rebuilt; emitter-appended) ---
"""Pipeline reference for scband-proto-refiner-18476949307399 (READ-ONLY COPY).

The authoritative reference and input builder live on the scoring server;
editing this copy changes nothing except your own understanding.
"""

import jax, jax.numpy as jnp
import numpy as np

B = 256; D = 768; G = 1000; P = 128; K = 5
TEMP = 1.6
MAX_REF = 1000.0

def haversine(a, b):
    r = jnp.pi / 180.0
    lng1, lat1 = a[..., 0] * r, a[..., 1] * r
    lng2, lat2 = b[..., 0] * r, b[..., 1] * r
    h = jnp.sin((lat2 - lat1) / 2.0) ** 2 + jnp.cos(lat1) * jnp.cos(lat2) * jnp.sin((lng2 - lng1) / 2.0) ** 2
    return 2.0 * 6371.0 * jnp.arcsin(jnp.sqrt(jnp.clip(h, 0.0, 1.0)))

def setup_inputs(seed: int = 0):
    key = jax.random.key(seed)
    k1, k2, k3, k4, k5, k6, k7, k8 = jax.random.split(key, 8)
    embedding = jax.random.normal(k1, (B, D), dtype=jnp.float32)
    initial_preds = jnp.stack([
        jax.random.uniform(k2, (B,), minval=-180.0, maxval=180.0),
        jax.random.uniform(k3, (B,), minval=-90.0, maxval=90.0)], axis=-1).astype(jnp.float32)
    candidate_cells = jax.random.randint(k4, (B, K), 0, G)
    candidate_probs = jax.nn.softmax(jax.random.uniform(k5, (B, K), dtype=jnp.float32), axis=-1)
    protos = jax.random.normal(k6, (G, P, D), dtype=jnp.float32)
    proto_coords = jnp.stack([
        jax.random.uniform(k7, (G, P), minval=-180.0, maxval=180.0),
        jax.random.uniform(k8, (G, P), minval=-90.0, maxval=90.0)], axis=-1).astype(jnp.float32)
    return {"embedding": embedding, "initial_preds": initial_preds,
            "candidate_cells": candidate_cells, "candidate_probs": candidate_probs,
            "protos": protos, "proto_coords": proto_coords}

def reference(embedding, initial_preds, candidate_cells, candidate_probs, protos, proto_coords):
    if embedding.ndim == 3:
        embedding = embedding.mean(axis=1)
    cand = candidate_cells[:, :K]                       # [B, K]
    cprobs = candidate_probs[:, :K]                     # [B, K]
    # gather per-candidate prototype embeddings
    cell_embs = jnp.take(protos, cand, axis=0)          # [B, K, P, D]
    diff = cell_embs - embedding[:, None, None, :]
    dist = jnp.sqrt(jnp.sum(diff * diff, axis=-1) + 1e-12)   # [B, K, P]
    logits = -dist
    top_distances = jnp.max(logits, axis=-1)            # [B, K]
    pred_id = jnp.argmax(logits, axis=-1)               # [B, K]
    coords_cells = jnp.take(proto_coords, cand, axis=0) # [B, K, P, 2]
    top_preds = jnp.take_along_axis(coords_cells, pred_id[:, :, None, None], axis=2)[:, :, 0, :]  # [B, K, 2]
    probs = jax.nn.softmax(top_distances / TEMP, axis=-1)
    final_probs = cprobs * probs
    refined_guess = jnp.argmax(final_probs, axis=-1)    # [B]
    refined_LLH = jnp.take_along_axis(top_preds, refined_guess[:, None, None], axis=1)[:, 0, :]  # [B, 2]
    distance = haversine(initial_preds, refined_LLH)    # [B]
    final_probs = jnp.where((distance > MAX_REF)[:, None], cprobs, final_probs)
    final_pred_id = jnp.argmax(final_probs, axis=-1)    # [B]
    preds_LLH = jnp.take_along_axis(top_preds, final_pred_id[:, None, None], axis=1)[:, 0, :]    # [B, 2]
    return preds_LLH, final_pred_id, final_probs

if __name__ == "__main__":
    import jax
    _d = setup_inputs()
    print(jax.jit(kernel)(*tuple(_d.values())))

</pallas_src>

<mosaic_0001>
module attributes {stable_mosaic.version = 14 : i64} {
  func.func @_dist_kernel(%arg0: i32, %arg1: memref<1280xi32, #tpu.memory_space<smem>>, %arg2: memref<1280xi32, #tpu.memory_space<smem>>, %arg3: memref<1280xi32, #tpu.memory_space<smem>>, %arg4: memref<1280xi32, #tpu.memory_space<smem>>, %arg5: memref<256x768xf32, #tpu.memory_space<vmem>>, %arg6: memref<1x128x768xf32, #tpu.memory_space<vmem>>, %arg7: memref<1x128x768xf32, #tpu.memory_space<vmem>>, %arg8: memref<1x128x768xf32, #tpu.memory_space<vmem>>, %arg9: memref<1x128x768xf32, #tpu.memory_space<vmem>>, %arg10: memref<1x128x768xf32, #tpu.memory_space<vmem>>, %arg11: memref<1x128x768xf32, #tpu.memory_space<vmem>>, %arg12: memref<1x128x768xf32, #tpu.memory_space<vmem>>, %arg13: memref<1x128x768xf32, #tpu.memory_space<vmem>>, %arg14: memref<1x128x768xf32, #tpu.memory_space<vmem>>, %arg15: memref<1x128x768xf32, #tpu.memory_space<vmem>>, %arg16: memref<1x128x768xf32, #tpu.memory_space<vmem>>, %arg17: memref<1x128x768xf32, #tpu.memory_space<vmem>>, %arg18: memref<1x128x768xf32, #tpu.memory_space<vmem>>, %arg19: memref<1x128x768xf32, #tpu.memory_space<vmem>>, %arg20: memref<1x128x768xf32, #tpu.memory_space<vmem>>, %arg21: memref<1x128x768xf32, #tpu.memory_space<vmem>>, %arg22: memref<1x128x768xf32, #tpu.memory_space<vmem>>, %arg23: memref<1x128x768xf32, #tpu.memory_space<vmem>>, %arg24: memref<1x128x768xf32, #tpu.memory_space<vmem>>, %arg25: memref<1x128x768xf32, #tpu.memory_space<vmem>>, %arg26: memref<1x128x768xf32, #tpu.memory_space<vmem>>, %arg27: memref<1x128x768xf32, #tpu.memory_space<vmem>>, %arg28: memref<1x128x768xf32, #tpu.memory_space<vmem>>, %arg29: memref<1x128x768xf32, #tpu.memory_space<vmem>>, %arg30: memref<1x128x768xf32, #tpu.memory_space<vmem>>, %arg31: memref<1x128x768xf32, #tpu.memory_space<vmem>>, %arg32: memref<1x128x768xf32, #tpu.memory_space<vmem>>, %arg33: memref<1x128x768xf32, #tpu.memory_space<vmem>>, %arg34: memref<1x128x768xf32, #tpu.memory_space<vmem>>, %arg35: memref<1x128x768xf32, #tpu.memory_space<vmem>>, %arg36: memref<1x128x768xf32, #tpu.memory_space<vmem>>, %arg37: memref<1x128x768xf32, #tpu.memory_space<vmem>>, %arg38: memref<1x128x768xf32, #tpu.memory_space<vmem>>, %arg39: memref<1x128x768xf32, #tpu.memory_space<vmem>>, %arg40: memref<1x128x768xf32, #tpu.memory_space<vmem>>, %arg41: memref<1x128x768xf32, #tpu.memory_space<vmem>>, %arg42: memref<1x128x768xf32, #tpu.memory_space<vmem>>, %arg43: memref<1x128x768xf32, #tpu.memory_space<vmem>>, %arg44: memref<1x128x768xf32, #tpu.memory_space<vmem>>, %arg45: memref<1x128x768xf32, #tpu.memory_space<vmem>>, %arg46: memref<2000x128xf32, #tpu.memory_space<vmem>>, %arg47: memref<1280x128xf32, #tpu.memory_space<vmem>>) attributes {dimension_semantics = [#tpu.dimension_semantics<arbitrary>], iteration_bounds = array<i64: 32>, scalar_prefetch = 4 : i64, scratch_operands = 0 : i64, tpu.core_type = #tpu.core_type<tc>, window_params = [{pipeline_mode = #tpu.pipeline_mode<synchronous>, transform_indices = @transform_0, window_bounds = array<i64: 256, 768>}, {transform_indices = @transform_1, window_bounds = array<i64: 1, 128, 768>}, {transform_indices = @transform_2, window_bounds = array<i64: 1, 128, 768>}, {transform_indices = @transform_3, window_bounds = array<i64: 1, 128, 768>}, {transform_indices = @transform_4, window_bounds = array<i64: 1, 128, 768>}, {transform_indices = @transform_5, window_bounds = array<i64: 1, 128, 768>}, {transform_indices = @transform_6, window_bounds = array<i64: 1, 128, 768>}, {transform_indices = @transform_7, window_bounds = array<i64: 1, 128, 768>}, {transform_indices = @transform_8, window_bounds = array<i64: 1, 128, 768>}, {transform_indices = @transform_9, window_bounds = array<i64: 1, 128, 768>}, {transform_indices = @transform_10, window_bounds = array<i64: 1, 128, 768>}, {transform_indices = @transform_11, window_bounds = array<i64: 1, 128, 768>}, {transform_indices = @transform_12, window_bounds = array<i64: 1, 128, 768>}, {transform_indices = @transform_13, window_bounds = array<i64: 1, 128, 768>}, {transform_indices = @transform_14, window_bounds = array<i64: 1, 128, 768>}, {transform_indices = @transform_15, window_bounds = array<i64: 1, 128, 768>}, {transform_indices = @transform_16, window_bounds = array<i64: 1, 128, 768>}, {transform_indices = @transform_17, window_bounds = array<i64: 1, 128, 768>}, {transform_indices = @transform_18, window_bounds = array<i64: 1, 128, 768>}, {transform_indices = @transform_19, window_bounds = array<i64: 1, 128, 768>}, {transform_indices = @transform_20, window_bounds = array<i64: 1, 128, 768>}, {transform_indices = @transform_21, window_bounds = array<i64: 1, 128, 768>}, {transform_indices = @transform_22, window_bounds = array<i64: 1, 128, 768>}, {transform_indices = @transform_23, window_bounds = array<i64: 1, 128, 768>}, {transform_indices = @transform_24, window_bounds = array<i64: 1, 128, 768>}, {transform_indices = @transform_25, window_bounds = array<i64: 1, 128, 768>}, {transform_indices = @transform_26, window_bounds = array<i64: 1, 128, 768>}, {transform_indices = @transform_27, window_bounds = array<i64: 1, 128, 768>}, {transform_indices = @transform_28, window_bounds = array<i64: 1, 128, 768>}, {transform_indices = @transform_29, window_bounds = array<i64: 1, 128, 768>}, {transform_indices = @transform_30, window_bounds = array<i64: 1, 128, 768>}, {transform_indices = @transform_31, window_bounds = array<i64: 1, 128, 768>}, {transform_indices = @transform_32, window_bounds = array<i64: 1, 128, 768>}, {transform_indices = @transform_33, window_bounds = array<i64: 1, 128, 768>}, {transform_indices = @transform_34, window_bounds = array<i64: 1, 128, 768>}, {transform_indices = @transform_35, window_bounds = array<i64: 1, 128, 768>}, {transform_indices = @transform_36, window_bounds = array<i64: 1, 128, 768>}, {transform_indices = @transform_37, window_bounds = array<i64: 1, 128, 768>}, {transform_indices = @transform_38, window_bounds = array<i64: 1, 128, 768>}, {transform_indices = @transform_39, window_bounds = array<i64: 1, 128, 768>}, {transform_indices = @transform_40, window_bounds = array<i64: 1, 128, 768>}, {pipeline_mode = #tpu.pipeline_mode<synchronous>, transform_indices = @transform_41, window_bounds = array<i64: 2000, 128>}, {pipeline_mode = #tpu.pipeline_mode<synchronous>, transform_indices = @transform_42, window_bounds = array<i64: 1280, 128>}]} {
    %iota3A = tpu.iota {dimensions = array<i32: 0>} : vector<128x1xi32>
    %iota3A_0 = tpu.iota {dimensions = array<i32: 1>} : vector<1x128xi32>
    %add3A = arith.constant 0 : i32
    %add3A_1 = arith.addi %add3A, %arg0 : i32
    %get3A = arith.index_cast %add3A_1 : i32 to index
    %get3A_2 = memref.load %arg2[%get3A] : memref<1280xi32, #tpu.memory_space<smem>>
    %get3A_3 = arith.index_cast %add3A_1 : i32 to index
    %get3A_4 = memref.load %arg3[%get3A_3] : memref<1280xi32, #tpu.memory_space<smem>>
    %get3A_5 = arith.index_cast %add3A_1 : i32 to index
    %get3A_6 = memref.load %arg4[%get3A_5] : memref<1280xi32, #tpu.memory_space<smem>>
    %get3A_7 = arith.index_cast %get3A_4 : i32 to index
    %get3A_8 = arith.constant 0 : index
    %get3A_9 = vector.load %arg5[%get3A_7, %get3A_8] : memref<256x768xf32, #tpu.memory_space<vmem>>, vector<1x768xf32>
    %get3A_10 = arith.constant 0 : index
    %get3A_11 = arith.constant 0 : index
    %get3A_12 = arith.constant 0 : index
    %get3A_13 = vector.load %arg6[%get3A_10, %get3A_11, %get3A_12] : memref<1x128x768xf32, #tpu.memory_space<vmem>>, vector<1x128x768xf32>
    %get3A_14 = vector.shape_cast %get3A_13 : vector<1x128x768xf32> to vector<128x768xf32>
    %sub3A = vector.broadcast %get3A_9 : vector<1x768xf32> to vector<128x768xf32>
    %sub3A_15 = arith.subf %get3A_14, %sub3A : vector<128x768xf32>
    %mul3A = arith.mulf %sub3A_15, %sub3A_15 : vector<128x768xf32>
    %reduce_sum3A = arith.constant dense<0.000000e+00> : vector<128xf32>
    %reduce_sum3A_16 = vector.multi_reduction <add>, %mul3A, %reduce_sum3A [1] : vector<128x768xf32> to vector<128xf32>
    %broadcast_in_dim3A = vector.shape_cast %reduce_sum3A_16 : vector<128xf32> to vector<128x1xf32>
    %get3A_17 = arith.index_cast %get3A_6 : i32 to index
    %get3A_18 = arith.constant 0 : index
    %get3A_19 = vector.load %arg46[%get3A_17, %get3A_18] : memref<2000x128xf32, #tpu.memory_space<vmem>>, vector<2x128xf32>
    %add3A_20 = arith.constant 32 : i32
    %add3A_21 = arith.addi %add3A_20, %arg0 : i32
    %get3A_22 = arith.index_cast %add3A_21 : i32 to index
    %get3A_23 = memref.load %arg2[%get3A_22] : memref<1280xi32, #tpu.memory_space<smem>>
    %get3A_24 = arith.index_cast %add3A_21 : i32 to index
    %get3A_25 = memref.load %arg3[%get3A_24] : memref<1280xi32, #tpu.memory_space<smem>>
    %get3A_26 = arith.index_cast %add3A_21 : i32 to index
    %get3A_27 = memref.load %arg4[%get3A_26] : memref<1280xi32, #tpu.memory_space<smem>>
    %get3A_28 = arith.index_cast %get3A_25 : i32 to index
    %get3A_29 = arith.constant 0 : index
    %get3A_30 = vector.load %arg5[%get3A_28, %get3A_29] : memref<256x768xf32, #tpu.memory_space<vmem>>, vector<1x768xf32>
    %get3A_31 = arith.constant 0 : index
    %get3A_32 = arith.constant 0 : index
    %get3A_33 = arith.constant 0 : index
    %get3A_34 = vector.load %arg7[%get3A_31, %get3A_32, %get3A_33] : memref<1x128x768xf32, #tpu.memory_space<vmem>>, vector<1x128x768xf32>
    %get3A_35 = vector.shape_cast %get3A_34 : vector<1x128x768xf32> to vector<128x768xf32>
    %sub3A_36 = vector.broadcast %get3A_30 : vector<1x768xf32> to vector<128x768xf32>
    %sub3A_37 = arith.subf %get3A_35, %sub3A_36 : vector<128x768xf32>
    %mul3A_38 = arith.mulf %sub3A_37, %sub3A_37 : vector<128x768xf32>
    %reduce_sum3A_39 = arith.constant dense<0.000000e+00> : vector<128xf32>
    %reduce_sum3A_40 = vector.multi_reduction <add>, %mul3A_38, %reduce_sum3A_39 [1] : vector<128x768xf32> to vector<128xf32>
    %broadcast_in_dim3A_41 = vector.shape_cast %reduce_sum3A_40 : vector<128xf32> to vector<128x1xf32>
    %get3A_42 = arith.index_cast %get3A_27 : i32 to index
    %get3A_43 = arith.constant 0 : index
    %get3A_44 = vector.load %arg46[%get3A_42, %get3A_43] : memref<2000x128xf32, #tpu.memory_space<vmem>>, vector<2x128xf32>
    %add3A_45 = arith.constant 64 : i32
    %add3A_46 = arith.addi %add3A_45, %arg0 : i32
    %get3A_47 = arith.index_cast %add3A_46 : i32 to index
    %get3A_48 = memref.load %arg2[%get3A_47] : memref<1280xi32, #tpu.memory_space<smem>>
    %get3A_49 = arith.index_cast %add3A_46 : i32 to index
    %get3A_50 = memref.load %arg3[%get3A_49] : memref<1280xi32, #tpu.memory_space<smem>>
    %get3A_51 = arith.index_cast %add3A_46 : i32 to index
    %get3A_52 = memref.load %arg4[%get3A_51] : memref<1280xi32, #tpu.memory_space<smem>>
    %get3A_53 = arith.index_cast %get3A_50 : i32 to index
    %get3A_54 = arith.constant 0 : index
    %get3A_55 = vector.load %arg5[%get3A_53, %get3A_54] : memref<256x768xf32, #tpu.memory_space<vmem>>, vector<1x768xf32>
    %get3A_56 = arith.constant 0 : index
    %get3A_57 = arith.constant 0 : index
    %get3A_58 = arith.constant 0 : index
    %get3A_59 = vector.load %arg8[%get3A_56, %get3A_57, %get3A_58] : memref<1x128x768xf32, #tpu.memory_space<vmem>>, vector<1x128x768xf32>
    %get3A_60 = vector.shape_cast %get3A_59 : vector<1x128x768xf32> to vector<128x768xf32>
    %sub3A_61 = vector.broadcast %get3A_55 : vector<1x768xf32> to vector<128x768xf32>
    %sub3A_62 = arith.subf %get3A_60, %sub3A_61 : vector<128x768xf32>
    %mul3A_63 = arith.mulf %sub3A_62, %sub3A_62 : vector<128x768xf32>
    %reduce_sum3A_64 = arith.constant dense<0.000000e+00> : vector<128xf32>
    %reduce_sum3A_65 = vector.multi_reduction <add>, %mul3A_63, %reduce_sum3A_64 [1] : vector<128x768xf32> to vector<128xf32>
    %broadcast_in_dim3A_66 = vector.shape_cast %reduce_sum3A_65 : vector<128xf32> to vector<128x1xf32>
    %get3A_67 = arith.index_cast %get3A_52 : i32 to index
    %get3A_68 = arith.constant 0 : index
    %get3A_69 = vector.load %arg46[%get3A_67, %get3A_68] : memref<2000x128xf32, #tpu.memory_space<vmem>>, vector<2x128xf32>
    %add3A_70 = arith.constant 96 : i32
    %add3A_71 = arith.addi %add3A_70, %arg0 : i32
    %get3A_72 = arith.index_cast %add3A_71 : i32 to index
    %get3A_73 = memref.load %arg2[%get3A_72] : memref<1280xi32, #tpu.memory_space<smem>>
    %get3A_74 = arith.index_cast %add3A_71 : i32 to index
    %get3A_75 = memref.load %arg3[%get3A_74] : memref<1280xi32, #tpu.memory_space<smem>>
    %get3A_76 = arith.index_cast %add3A_71 : i32 to index
    %get3A_77 = memref.load %arg4[%get3A_76] : memref<1280xi32, #tpu.memory_space<smem>>
    %get3A_78 = arith.index_cast %get3A_75 : i32 to index
    %get3A_79 = arith.constant 0 : index
    %get3A_80 = vector.load %arg5[%get3A_78, %get3A_79] : memref<256x768xf32, #tpu.memory_space<vmem>>, vector<1x768xf32>
    %get3A_81 = arith.constant 0 : index
    %get3A_82 = arith.constant 0 : index
    %get3A_83 = arith.constant 0 : index
    %get3A_84 = vector.load %arg9[%get3A_81, %get3A_82, %get3A_83] : memref<1x128x768xf32, #tpu.memory_space<vmem>>, vector<1x128x768xf32>
    %get3A_85 = vector.shape_cast %get3A_84 : vector<1x128x768xf32> to vector<128x768xf32>
    %sub3A_86 = vector.broadcast %get3A_80 : vector<1x768xf32> to vector<128x768xf32>
    %sub3A_87 = arith.subf %get3A_85, %sub3A_86 : vector<128x768xf32>
    %mul3A_88 = arith.mulf %sub3A_87, %sub3A_87 : vector<128x768xf32>
    %reduce_sum3A_89 = arith.constant dense<0.000000e+00> : vector<128xf32>
    %reduce_sum3A_90 = vector.multi_reduction <add>, %mul3A_88, %reduce_sum3A_89 [1] : vector<128x768xf32> to vector<128xf32>
    %broadcast_in_dim3A_91 = vector.shape_cast %reduce_sum3A_90 : vector<128xf32> to vector<128x1xf32>
    %get3A_92 = arith.index_cast %get3A_77 : i32 to index
    %get3A_93 = arith.constant 0 : index
    %get3A_94 = vector.load %arg46[%get3A_92, %get3A_93] : memref<2000x128xf32, #tpu.memory_space<vmem>>, vector<2x128xf32>
    %reduce_min3A = vector.shape_cast %broadcast_in_dim3A : vector<128x1xf32> to vector<1x128x1xf32>
    %reduce_min3A_95 = arith.constant dense<0x7F800000> : vector<1xf32>
    %reduce_min3A_96 = vector.multi_reduction <minimumf>, %reduce_min3A, %reduce_min3A_95 [1, 2] : vector<1x128x1xf32> to vector<1xf32>
    %reduce_min3A_97 = vector.shape_cast %reduce_min3A_96 : vector<1xf32> to vector<1x1x1xf32>
    %reduce_min3A_98 = vector.extract %reduce_min3A_97[0, 0, 0] : f32 from vector<1x1x1xf32>
    %eq3A = vector.broadcast %reduce_min3A_98 : f32 to vector<128x1xf32>
    %eq3A_99 = arith.cmpf oeq, %broadcast_in_dim3A, %eq3A : vector<128x1xf32>
    %jit3A = arith.constant 128 : i32
    %broadcast_in_dim3A_100 = vector.broadcast %jit3A : i32 to vector<128x1xi32>
    %select_n3A = arith.select %eq3A_99, %iota3A, %broadcast_in_dim3A_100 : vector<128x1xi1>, vector<128x1xi32>
    %reduce_min3A_101 = vector.shape_cast %select_n3A : vector<128x1xi32> to vector<1x128x1xi32>
    %reduce_min3A_102 = arith.constant dense<2147483647> : vector<1xi32>
    %reduce_min3A_103 = vector.multi_reduction <minsi>, %reduce_min3A_101, %reduce_min3A_102 [1, 2] : vector<1x128x1xi32> to vector<1xi32>
    %reduce_min3A_104 = vector.shape_cast %reduce_min3A_103 : vector<1xi32> to vector<1x1x1xi32>
    %reduce_min3A_105 = vector.extract %reduce_min3A_104[0, 0, 0] : i32 from vector<1x1x1xi32>
    %eq3A_106 = vector.broadcast %reduce_min3A_105 : i32 to vector<1x128xi32>
    %eq3A_107 = arith.cmpi eq, %iota3A_0, %eq3A_106 : vector<1x128xi32>
    %jit3A_108 = arith.constant 0.000000e+00 : f32
    %broadcast_in_dim3A_109 = vector.shape_cast %eq3A_107 : vector<1x128xi1> to vector<1x128xi1>
    %broadcast_in_dim3A_110 = vector.broadcast %broadcast_in_dim3A_109 : vector<1x128xi1> to vector<2x128xi1>
    %broadcast_in_dim3A_111 = vector.broadcast %jit3A_108 : f32 to vector<2x128xf32>
    %select_n3A_112 = arith.select %broadcast_in_dim3A_110, %get3A_19, %broadcast_in_dim3A_111 : vector<2x128xi1>, vector<2x128xf32>
    %reduce_sum3A_113 = arith.constant dense<0.000000e+00> : vector<2xf32>
    %reduce_sum3A_114 = vector.multi_reduction <add>, %select_n3A_112, %reduce_sum3A_113 [1] : vector<2x128xf32> to vector<2xf32>
    %broadcast_in_dim3A_115 = vector.shape_cast %reduce_sum3A_114 : vector<2xf32> to vector<2x1xf32>
    %slice3A = vector.extract_strided_slice %broadcast_in_dim3A_115 {offsets = [0, 0], sizes = [1, 1], strides = [1, 1]} : vector<2x1xf32> to vector<1x1xf32>
    %slice3A_116 = vector.extract_strided_slice %broadcast_in_dim3A_115 {offsets = [1, 0], sizes = [1, 1], strides = [1, 1]} : vector<2x1xf32> to vector<1x1xf32>
    %eq3A_117 = arith.constant 0 : i32
    %eq3A_118 = vector.broadcast %eq3A_117 : i32 to vector<1x128xi32>
    %eq3A_119 = arith.cmpi eq, %iota3A_0, %eq3A_118 : vector<1x128xi32>
    %eq3A_120 = arith.constant 1 : i32
    %eq3A_121 = vector.broadcast %eq3A_120 : i32 to vector<1x128xi32>
    %eq3A_122 = arith.cmpi eq, %iota3A_0, %eq3A_121 : vector<1x128xi32>
    %eq3A_123 = arith.constant 2 : i32
    %eq3A_124 = vector.broadcast %eq3A_123 : i32 to vector<1x128xi32>
    %eq3A_125 = arith.cmpi eq, %iota3A_0, %eq3A_124 : vector<1x128xi32>
    %jit3A_126 = arith.constant 0.000000e+00 : f32
    %broadcast_in_dim3A_127 = vector.shape_cast %slice3A_116 : vector<1x1xf32> to vector<1x1xf32>
    %broadcast_in_dim3A_128 = vector.broadcast %broadcast_in_dim3A_127 : vector<1x1xf32> to vector<1x128xf32>
    %broadcast_in_dim3A_129 = vector.broadcast %jit3A_126 : f32 to vector<1x128xf32>
    %select_n3A_130 = arith.select %eq3A_125, %broadcast_in_dim3A_128, %broadcast_in_dim3A_129 : vector<1x128xi1>, vector<1x128xf32>
    %broadcast_in_dim3A_131 = vector.shape_cast %slice3A : vector<1x1xf32> to vector<1x1xf32>
    %broadcast_in_dim3A_132 = vector.broadcast %broadcast_in_dim3A_131 : vector<1x1xf32> to vector<1x128xf32>
    %select_n3A_133 = arith.select %eq3A_122, %broadcast_in_dim3A_132, %select_n3A_130 : vector<1x128xi1>, vector<1x128xf32>
    %broadcast_in_dim3A_134 = vector.broadcast %reduce_min3A_98 : f32 to vector<1x128xf32>
    %select_n3A_135 = arith.select %eq3A_119, %broadcast_in_dim3A_134, %select_n3A_133 : vector<1x128xi1>, vector<1x128xf32>
    %swap3A = arith.index_cast %get3A_2 : i32 to index
    %swap3A_136 = arith.constant 0 : index
    %swap3A_137 = vector.load %arg47[%swap3A, %swap3A_136] : memref<1280x128xf32, #tpu.memory_space<vmem>>, vector<1x128xf32>
    tpu.vector_store %arg47[%swap3A, %swap3A_136], %select_n3A_135 {strides = array<i32>} : memref<1280x128xf32, #tpu.memory_space<vmem>>, vector<1x128xf32>,
    %add3A_138 = arith.constant 128 : i32
    %add3A_139 = arith.addi %add3A_138, %arg0 : i32
    %get3A_140 = arith.index_cast %add3A_139 : i32 to index
    %get3A_141 = memref.load %arg2[%get3A_140] : memref<1280xi32, #tpu.memory_space<smem>>
    %get3A_142 = arith.index_cast %add3A_139 : i32 to index
    %get3A_143 = memref.load %arg3[%get3A_142] : memref<1280xi32, #tpu.memory_space<smem>>
    %get3A_144 = arith.index_cast %add3A_139 : i32 to index
    %get3A_145 = memref.load %arg4[%get3A_144] : memref<1280xi32, #tpu.memory_space<smem>>
    %get3A_146 = arith.index_cast %get3A_143 : i32 to index
    %get3A_147 = arith.constant 0 : index
    %get3A_148 = vector.load %arg5[%get3A_146, %get3A_147] : memref<256x768xf32, #tpu.memory_space<vmem>>, vector<1x768xf32>
    %get3A_149 = arith.constant 0 : index
    %get3A_150 = arith.constant 0 : index
    %get3A_151 = arith.constant 0 : index
    %get3A_152 = vector.load %arg10[%get3A_149, %get3A_150, %get3A_151] : memref<1x128x768xf32, #tpu.memory_space<vmem>>, vector<1x128x768xf32>
    %get3A_153 = vector.shape_cast %get3A_152 : vector<1x128x768xf32> to vector<128x768xf32>
    %sub3A_154 = vector.broadcast %get3A_148 : vector<1x768xf32> to vector<128x768xf32>
    %sub3A_155 = arith.subf %get3A_153, %sub3A_154 : vector<128x768xf32>
    %mul3A_156 = arith.mulf %sub3A_155, %sub3A_155 : vector<128x768xf32>
    %reduce_sum3A_157 = arith.constant dense<0.000000e+00> : vector<128xf32>
    %reduce_sum3A_158 = vector.multi_reduction <add>, %mul3A_156, %reduce_sum3A_157 [1] : vector<128x768xf32> to vector<128xf32>
    %broadcast_in_dim3A_159 = vector.shape_cast %reduce_sum3A_158 : vector<128xf32> to vector<128x1xf32>
    %get3A_160 = arith.index_cast %get3A_145 : i32 to index
    %get3A_161 = arith.constant 0 : index
    %get3A_162 = vector.load %arg46[%get3A_160, %get3A_161] : memref<2000x128xf32, #tpu.memory_space<vmem>>, vector<2x128xf32>
    %reduce_min3A_163 = vector.shape_cast %broadcast_in_dim3A_41 : vector<128x1xf32> to vector<1x128x1xf32>
    %reduce_min3A_164 = arith.constant dense<0x7F800000> : vector<1xf32>
    %reduce_min3A_165 = vector.multi_reduction <minimumf>, %reduce_min3A_163, %reduce_min3A_164 [1, 2] : vector<1x128x1xf32> to vector<1xf32>
    %reduce_min3A_166 = vector.shape_cast %reduce_min3A_165 : vector<1xf32> to vector<1x1x1xf32>
    %reduce_min3A_167 = vector.extract %reduce_min3A_166[0, 0, 0] : f32 from vector<1x1x1xf32>
    %eq3A_168 = vector.broadcast %reduce_min3A_167 : f32 to vector<128x1xf32>
    %eq3A_169 = arith.cmpf oeq, %broadcast_in_dim3A_41, %eq3A_168 : vector<128x1xf32>
    %jit3A_170 = arith.constant 128 : i32
    %broadcast_in_dim3A_171 = vector.broadcast %jit3A_170 : i32 to vector<128x1xi32>
    %select_n3A_172 = arith.select %eq3A_169, %iota3A, %broadcast_in_dim3A_171 : vector<128x1xi1>, vector<128x1xi32>
    %reduce_min3A_173 = vector.shape_cast %select_n3A_172 : vector<128x1xi32> to vector<1x128x1xi32>
    %reduce_min3A_174 = arith.constant dense<2147483647> : vector<1xi32>
    %reduce_min3A_175 = vector.multi_reduction <minsi>, %reduce_min3A_173, %reduce_min3A_174 [1, 2] : vector<1x128x1xi32> to vector<1xi32>
    %reduce_min3A_176 = vector.shape_cast %reduce_min3A_175 : vector<1xi32> to vector<1x1x1xi32>
    %reduce_min3A_177 = vector.extract %reduce_min3A_176[0, 0, 0] : i32 from vector<1x1x1xi32>
    %eq3A_178 = vector.broadcast %reduce_min3A_177 : i32 to vector<1x128xi32>
    %eq3A_179 = arith.cmpi eq, %iota3A_0, %eq3A_178 : vector<1x128xi32>
    %jit3A_180 = arith.constant 0.000000e+00 : f32
    %broadcast_in_dim3A_181 = vector.shape_cast %eq3A_179 : vector<1x128xi1> to vector<1x128xi1>
    %broadcast_in_dim3A_182 = vector.broadcast %broadcast_in_dim3A_181 : vector<1x128xi1> to vector<2x128xi1>
    %broadcast_in_dim3A_183 = vector.broadcast %jit3A_180 : f32 to vector<2x128xf32>
    %select_n3A_184 = arith.select %broadcast_in_dim3A_182, %get3A_44, %broadcast_in_dim3A_183 : vector<2x128xi1>, vector<2x128xf32>
    %reduce_sum3A_185 = arith.constant dense<0.000000e+00> : vector<2xf32>
    %reduce_sum3A_186 = vector.multi_reduction <add>, %select_n3A_184, %reduce_sum3A_185 [1] : vector<2x128xf32> to vector<2xf32>
    %broadcast_in_dim3A_187 = vector.shape_cast %reduce_sum3A_186 : vector<2xf32> to vector<2x1xf32>
    %slice3A_188 = vector.extract_strided_slice %broadcast_in_dim3A_187 {offsets = [0, 0], sizes = [1, 1], strides = [1, 1]} : vector<2x1xf32> to vector<1x1xf32>
    %slice3A_189 = vector.extract_strided_slice %broadcast_in_dim3A_187 {offsets = [1, 0], sizes = [1, 1], strides = [1, 1]} : vector<2x1xf32> to vector<1x1xf32>
    %eq3A_190 = arith.constant 0 : i32
    %eq3A_191 = vector.broadcast %eq3A_190 : i32 to vector<1x128xi32>
    %eq3A_192 = arith.cmpi eq, %iota3A_0, %eq3A_191 : vector<1x128xi32>
    %eq3A_193 = arith.constant 1 : i32
    %eq3A_194 = vector.broadcast %eq3A_193 : i32 to vector<1x128xi32>
    %eq3A_195 = arith.cmpi eq, %iota3A_0, %eq3A_194 : vector<1x128xi32>
    %eq3A_196 = arith.constant 2 : i32
    %eq3A_197 = vector.broadcast %eq3A_196 : i32 to vector<1x128xi32>
    %eq3A_198 = arith.cmpi eq, %iota3A_0, %eq3A_197 : vector<1x128xi32>
    %jit3A_199 = arith.constant 0.000000e+00 : f32
    %broadcast_in_dim3A_200 = vector.shape_cast %slice3A_189 : vector<1x1xf32> to vector<1x1xf32>
    %broadcast_in_dim3A_201 = vector.broadcast %broadcast_in_dim3A_200 : vector<1x1xf32> to vector<1x128xf32>
    %broadcast_in_dim3A_202 = vector.broadcast %jit3A_199 : f32 to vector<1x128xf32>
    %select_n3A_203 = arith.select %eq3A_198, %broadcast_in_dim3A_201, %broadcast_in_dim3A_202 : vector<1x128xi1>, vector<1x128xf32>
    %broadcast_in_dim3A_204 = vector.shape_cast %slice3A_188 : vector<1x1xf32> to vector<1x1xf32>
    %broadcast_in_dim3A_205 = vector.broadcast %broadcast_in_dim3A_204 : vector<1x1xf32> to vector<1x128xf32>
    %select_n3A_206 = arith.select %eq3A_195, %broadcast_in_dim3A_205, %select_n3A_203 : vector<1x128xi1>, vector<1x128xf32>
    %broadcast_in_dim3A_207 = vector.broadcast %reduce_min3A_167 : f32 to vector<1x128xf32>
    %select_n3A_208 = arith.select %eq3A_192, %broadcast_in_dim3A_207, %select_n3A_206 : vector<1x128xi1>, vector<1x128xf32>
    %swap3A_209 = arith.index_cast %get3A_23 : i32 to index
    %swap3A_210 = arith.constant 0 : index
    %swap3A_211 = vector.load %arg47[%swap3A_209, %swap3A_210] : memref<1280x128xf32, #tpu.memory_space<vmem>>, vector<1x128xf32>
    tpu.vector_store %arg47[%swap3A_209, %swap3A_210], %select_n3A_208 {strides = array<i32>} : memref<1280x128xf32, #tpu.memory_space<vmem>>, vector<1x128xf32>,
    %add3A_212 = arith.constant 160 : i32
    %add3A_213 = arith.addi %add3A_212, %arg0 : i32
    %get3A_214 = arith.index_cast %add3A_213 : i32 to index
    %get3A_215 = memref.load %arg2[%get3A_214] : memref<1280xi32, #tpu.memory_space<smem>>
    %get3A_216 = arith.index_cast %add3A_213 : i32 to index
    %get3A_217 = memref.load %arg3[%get3A_216] : memref<1280xi32, #tpu.memory_space<smem>>
    %get3A_218 = arith.index_cast %add3A_213 : i32 to index
    %get3A_219 = memref.load %arg4[%get3A_218] : memref<1280xi32, #tpu.memory_space<smem>>
    %get3A_220 = arith.index_cast %get3A_217 : i32 to index
    %get3A_221 = arith.constant 0 : index
    %get3A_222 = vector.load %arg5[%get3A_220, %get3A_221] : memref<256x768xf32, #tpu.memory_space<vmem>>, vector<1x768xf32>
    %get3A_223 = arith.constant 0 : index
    %get3A_224 = arith.constant 0 : index
    %get3A_225 = arith.constant 0 : index
    %get3A_226 = vector.load %arg11[%get3A_223, %get3A_224, %get3A_225] : memref<1x128x768xf32, #tpu.memory_space<vmem>>, vector<1x128x768xf32>
    %get3A_227 = vector.shape_cast %get3A_226 : vector<1x128x768xf32> to vector<128x768xf32>
    %sub3A_228 = vector.broadcast %get3A_222 : vector<1x768xf32> to vector<128x768xf32>
    %sub3A_229 = arith.subf %get3A_227, %sub3A_228 : vector<128x768xf32>
    %mul3A_230 = arith.mulf %sub3A_229, %sub3A_229 : vector<128x768xf32>
    %reduce_sum3A_231 = arith.constant dense<0.000000e+00> : vector<128xf32>
    %reduce_sum3A_232 = vector.multi_reduction <add>, %mul3A_230, %reduce_sum3A_231 [1] : vector<128x768xf32> to vector<128xf32>
    %broadcast_in_dim3A_233 = vector.shape_cast %reduce_sum3A_232 : vector<128xf32> to vector<128x1xf32>
    %get3A_234 = arith.index_cast %get3A_219 : i32 to index
    %get3A_235 = arith.constant 0 : index
    %get3A_236 = vector.load %arg46[%get3A_234, %get3A_235] : memref<2000x128xf32, #tpu.memory_space<vmem>>, vector<2x128xf32>
    %reduce_min3A_237 = vector.shape_cast %broadcast_in_dim3A_66 : vector<128x1xf32> to vector<1x128x1xf32>
    %reduce_min3A_238 = arith.constant dense<0x7F800000> : vector<1xf32>
    %reduce_min3A_239 = vector.multi_reduction <minimumf>, %reduce_min3A_237, %reduce_min3A_238 [1, 2] : vector<1x128x1xf32> to vector<1xf32>
    %reduce_min3A_240 = vector.shape_cast %reduce_min3A_239 : vector<1xf32> to vector<1x1x1xf32>
    %reduce_min3A_241 = vector.extract %reduce_min3A_240[0, 0, 0] : f32 from vector<1x1x1xf32>
    %eq3A_242 = vector.broadcast %reduce_min3A_241 : f32 to vector<128x1xf32>
    %eq3A_243 = arith.cmpf oeq, %broadcast_in_dim3A_66, %eq3A_242 : vector<128x1xf32>
    %jit3A_244 = arith.constant 128 : i32
    %broadcast_in_dim3A_245 = vector.broadcast %jit3A_244 : i32 to vector<128x1xi32>
    %select_n3A_246 = arith.select %eq3A_243, %iota3A, %broadcast_in_dim3A_245 : vector<128x1xi1>, vector<128x1xi32>
    %reduce_min3A_247 = vector.shape_cast %select_n3A_246 : vector<128x1xi32> to vector<1x128x1xi32>
    %reduce_min3A_248 = arith.constant dense<2147483647> : vector<1xi32>
    %reduce_min3A_249 = vector.multi_reduction <minsi>, %reduce_min3A_247, %reduce_min3A_248 [1, 2] : vector<1x128x1xi32> to vector<1xi32>
    %reduce_min3A_250 = vector.shape_cast %reduce_min3A_249 : vector<1xi32> to vector<1x1x1xi32>
    %reduce_min3A_251 = vector.extract %reduce_min3A_250[0, 0, 0] : i32 from vector<1x1x1xi32>
    %eq3A_252 = vector.broadcast %reduce_min3A_251 : i32 to vector<1x128xi32>
    %eq3A_253 = arith.cmpi eq, %iota3A_0, %eq3A_252 : vector<1x128xi32>
    %jit3A_254 = arith.constant 0.000000e+00 : f32
    %broadcast_in_dim3A_255 = vector.shape_cast %eq3A_253 : vector<1x128xi1> to vector<1x128xi1>
    %broadcast_in_dim3A_256 = vector.broadcast %broadcast_in_dim3A_255 : vector<1x128xi1> to vector<2x128xi1>
    %broadcast_in_dim3A_257 = vector.broadcast %jit3A_254 : f32 to vector<2x128xf32>
    %select_n3A_258 = arith.select %broadcast_in_dim3A_256, %get3A_69, %broadcast_in_dim3A_257 : vector<2x128xi1>, vector<2x128xf32>
    %reduce_sum3A_259 = arith.constant dense<0.000000e+00> : vector<2xf32>
    %reduce_sum3A_260 = vector.multi_reduction <add>, %select_n3A_258, %reduce_sum3A_259 [1] : vector<2x128xf32> to vector<2xf32>
    %broadcast_in_dim3A_261 = vector.shape_cast %reduce_sum3A_260 : vector<2xf32> to vector<2x1xf32>
    %slice3A_262 = vector.extract_strided_slice %broadcast_in_dim3A_261 {offsets = [0, 0], sizes = [1, 1], strides = [1, 1]} : vector<2x1xf32> to vector<1x1xf32>
    %slice3A_263 = vector.extract_strided_slice %broadcast_in_dim3A_261 {offsets = [1, 0], sizes = [1, 1], strides = [1, 1]} : vector<2x1xf32> to vector<1x1xf32>
    %eq3A_264 = arith.constant 0 : i32
    %eq3A_265 = vector.broadcast %eq3A_264 : i32 to vector<1x128xi32>
    %eq3A_266 = arith.cmpi eq, %iota3A_0, %eq3A_265 : vector<1x128xi32>
    %eq3A_267 = arith.constant 1 : i32
    %eq3A_268 = vector.broadcast %eq3A_267 : i32 to vector<1x128xi32>
    %eq3A_269 = arith.cmpi eq, %iota3A_0, %eq3A_268 : vector<1x128xi32>
    %eq3A_270 = arith.constant 2 : i32
    %eq3A_271 = vector.broadcast %eq3A_270 : i32 to vector<1x128xi32>
    %eq3A_272 = arith.cmpi eq, %iota3A_0, %eq3A_271 : vector<1x128xi32>
    %jit3A_273 = arith.constant 0.000000e+00 : f32
    %broadcast_in_dim3A_274 = vector.shape_cast %slice3A_263 : vector<1x1xf32> to vector<1x1xf32>
    %broadcast_in_dim3A_275 = vector.broadcast %broadcast_in_dim3A_274 : vector<1x1xf32> to vector<1x128xf32>
    %broadcast_in_dim3A_276 = vector.broadcast %jit3A_273 : f32 to vector<1x128xf32>
    %select_n3A_277 = arith.select %eq3A_272, %broadcast_in_dim3A_275, %broadcast_in_dim3A_276 : vector<1x128xi1>, vector<1x128xf32>
    %broadcast_in_dim3A_278 = vector.shape_cast %slice3A_262 : vector<1x1xf32> to vector<1x1xf32>
    %broadcast_in_dim3A_279 = vector.broadcast %broadcast_in_dim3A_278 : vector<1x1xf32> to vector<1x128xf32>
    %select_n3A_280 = arith.select %eq3A_269, %broadcast_in_dim3A_279, %select_n3A_277 : vector<1x128xi1>, vector<1x128xf32>
    %broadcast_in_dim3A_281 = vector.broadcast %reduce_min3A_241 : f32 to vector<1x128xf32>
    %select_n3A_282 = arith.select %eq3A_266, %broadcast_in_dim3A_281, %select_n3A_280 : vector<1x128xi1>, vector<1x128xf32>
    %swap3A_283 = arith.index_cast %get3A_48 : i32 to index
    %swap3A_284 = arith.constant 0 : index
    %swap3A_285 = vector.load %arg47[%swap3A_283, %swap3A_284] : memref<1280x128xf32, #tpu.memory_space<vmem>>, vector<1x128xf32>
    tpu.vector_store %arg47[%swap3A_283, %swap3A_284], %select_n3A_282 {strides = array<i32>} : memref<1280x128xf32, #tpu.memory_space<vmem>>, vector<1x128xf32>,
    %add3A_286 = arith.constant 192 : i32
    %add3A_287 = arith.addi %add3A_286, %arg0 : i32
    %get3A_288 = arith.index_cast %add3A_287 : i32 to index
    %get3A_289 = memref.load %arg2[%get3A_288] : memref<1280xi32, #tpu.memory_space<smem>>
    %get3A_290 = arith.index_cast %add3A_287 : i32 to index
    %get3A_291 = memref.load %arg3[%get3A_290] : memref<1280xi32, #tpu.memory_space<smem>>
    %get3A_292 = arith.index_cast %add3A_287 : i32 to index
    %get3A_293 = memref.load %arg4[%get3A_292] : memref<1280xi32, #tpu.memory_space<smem>>
    %get3A_294 = arith.index_cast %get3A_291 : i32 to index
    %get3A_295 = arith.constant 0 : index
    %get3A_296 = vector.load %arg5[%get3A_294, %get3A_295] : memref<256x768xf32, #tpu.memory_space<vmem>>, vector<1x768xf32>
    %get3A_297 = arith.constant 0 : index
    %get3A_298 = arith.constant 0 : index
    %get3A_299 = arith.constant 0 : index
    %get3A_300 = vector.load %arg12[%get3A_297, %get3A_298, %get3A_299] : memref<1x128x768xf32, #tpu.memory_space<vmem>>, vector<1x128x768xf32>
    %get3A_301 = vector.shape_cast %get3A_300 : vector<1x128x768xf32> to vector<128x768xf32>
    %sub3A_302 = vector.broadcast %get3A_296 : vector<1x768xf32> to vector<128x768xf32>
    %sub3A_303 = arith.subf %get3A_301, %sub3A_302 : vector<128x768xf32>
    %mul3A_304 = arith.mulf %sub3A_303, %sub3A_303 : vector<128x768xf32>
    %reduce_sum3A_305 = arith.constant dense<0.000000e+00> : vector<128xf32>
    %reduce_sum3A_306 = vector.multi_reduction <add>, %mul3A_304, %reduce_sum3A_305 [1] : vector<128x768xf32> to vector<128xf32>
    %broadcast_in_dim3A_307 = vector.shape_cast %reduce_sum3A_306 : vector<128xf32> to vector<128x1xf32>
    %get3A_308 = arith.index_cast %get3A_293 : i32 to index
    %get3A_309 = arith.constant 0 : index
    %get3A_310 = vector.load %arg46[%get3A_308, %get3A_309] : memref<2000x128xf32, #tpu.memory_space<vmem>>, vector<2x128xf32>
    %reduce_min3A_311 = vector.shape_cast %broadcast_in_dim3A_91 : vector<128x1xf32> to vector<1x128x1xf32>
    %reduce_min3A_312 = arith.constant dense<0x7F800000> : vector<1xf32>
    %reduce_min3A_313 = vector.multi_reduction <minimumf>, %reduce_min3A_311, %reduce_min3A_312 [1, 2] : vector<1x128x1xf32> to vector<1xf32>
    %reduce_min3A_314 = vector.shape_cast %reduce_min3A_313 : vector<1xf32> to vector<1x1x1xf32>
    %reduce_min3A_315 = vector.extract %reduce_min3A_314[0, 0, 0] : f32 from vector<1x1x1xf32>
    %eq3A_316 = vector.broadcast %reduce_min3A_315 : f32 to vector<128x1xf32>
    %eq3A_317 = arith.cmpf oeq, %broadcast_in_dim3A_91, %eq3A_316 : vector<128x1xf32>
    %jit3A_318 = arith.constant 128 : i32
    %broadcast_in_dim3A_319 = vector.broadcast %jit3A_318 : i32 to vector<128x1xi32>
    %select_n3A_320 = arith.select %eq3A_317, %iota3A, %broadcast_in_dim3A_319 : vector<128x1xi1>, vector<128x1xi32>
    %reduce_min3A_321 = vector.shape_cast %select_n3A_320 : vector<128x1xi32> to vector<1x128x1xi32>
    %reduce_min3A_322 = arith.constant dense<2147483647> : vector<1xi32>
    %reduce_min3A_323 = vector.multi_reduction <minsi>, %reduce_min3A_321, %reduce_min3A_322 [1, 2] : vector<1x128x1xi32> to vector<1xi32>
    %reduce_min3A_324 = vector.shape_cast %reduce_min3A_323 : vector<1xi32> to vector<1x1x1xi32>
    %reduce_min3A_325 = vector.extract %reduce_min3A_324[0, 0, 0] : i32 from vector<1x1x1xi32>
    %eq3A_326 = vector.broadcast %reduce_min3A_325 : i32 to vector<1x128xi32>
    %eq3A_327 = arith.cmpi eq, %iota3A_0, %eq3A_326 : vector<1x128xi32>
    %jit3A_328 = arith.constant 0.000000e+00 : f32
    %broadcast_in_dim3A_329 = vector.shape_cast %eq3A_327 : vector<1x128xi1> to vector<1x128xi1>
    %broadcast_in_dim3A_330 = vector.broadcast %broadcast_in_dim3A_329 : vector<1x128xi1> to vector<2x128xi1>
    %broadcast_in_dim3A_331 = vector.broadcast %jit3A_328 : f32 to vector<2x128xf32>
    %select_n3A_332 = arith.select %broadcast_in_dim3A_330, %get3A_94, %broadcast_in_dim3A_331 : vector<2x128xi1>, vector<2x128xf32>
    %reduce_sum3A_333 = arith.constant dense<0.000000e+00> : vector<2xf32>
    %reduce_sum3A_334 = vector.multi_reduction <add>, %select_n3A_332, %reduce_sum3A_333 [1] : vector<2x128xf32> to vector<2xf32>
    %broadcast_in_dim3A_335 = vector.shape_cast %reduce_sum3A_334 : vector<2xf32> to vector<2x1xf32>
    %slice3A_336 = vector.extract_strided_slice %broadcast_in_dim3A_335 {offsets = [0, 0], sizes = [1, 1], strides = [1, 1]} : vector<2x1xf32> to vector<1x1xf32>
    %slice3A_337 = vector.extract_strided_slice %broadcast_in_dim3A_335 {offsets = [1, 0], sizes = [1, 1], strides = [1, 1]} : vector<2x1xf32> to vector<1x1xf32>
    %eq3A_338 = arith.constant 0 : i32
    %eq3A_339 = vector.broadcast %eq3A_338 : i32 to vector<1x128xi32>
    %eq3A_340 = arith.cmpi eq, %iota3A_0, %eq3A_339 : vector<1x128xi32>
    %eq3A_341 = arith.constant 1 : i32
    %eq3A_342 = vector.broadcast %eq3A_341 : i32 to vector<1x128xi32>
    %eq3A_343 = arith.cmpi eq, %iota3A_0, %eq3A_342 : vector<1x128xi32>
    %eq3A_344 = arith.constant 2 : i32
    %eq3A_345 = vector.broadcast %eq3A_344 : i32 to vector<1x128xi32>
    %eq3A_346 = arith.cmpi eq, %iota3A_0, %eq3A_345 : vector<1x128xi32>
    %jit3A_347 = arith.constant 0.000000e+00 : f32
    %broadcast_in_dim3A_348 = vector.shape_cast %slice3A_337 : vector<1x1xf32> to vector<1x1xf32>
    %broadcast_in_dim3A_349 = vector.broadcast %broadcast_in_dim3A_348 : vector<1x1xf32> to vector<1x128xf32>
    %broadcast_in_dim3A_350 = vector.broadcast %jit3A_347 : f32 to vector<1x128xf32>
    %select_n3A_351 = arith.select %eq3A_346, %broadcast_in_dim3A_349, %broadcast_in_dim3A_350 : vector<1x128xi1>, vector<1x128xf32>
    %broadcast_in_dim3A_352 = vector.shape_cast %slice3A_336 : vector<1x1xf32> to vector<1x1xf32>
    %broadcast_in_dim3A_353 = vector.broadcast %broadcast_in_dim3A_352 : vector<1x1xf32> to vector<1x128xf32>
    %select_n3A_354 = arith.select %eq3A_343, %broadcast_in_dim3A_353, %select_n3A_351 : vector<1x128xi1>, vector<1x128xf32>
    %broadcast_in_dim3A_355 = vector.broadcast %reduce_min3A_315 : f32 to vector<1x128xf32>
    %select_n3A_356 = arith.select %eq3A_340, %broadcast_in_dim3A_355, %select_n3A_354 : vector<1x128xi1>, vector<1x128xf32>
    %swap3A_357 = arith.index_cast %get3A_73 : i32 to index
    %swap3A_358 = arith.constant 0 : index
    %swap3A_359 = vector.load %arg47[%swap3A_357, %swap3A_358] : memref<1280x128xf32, #tpu.memory_space<vmem>>, vector<1x128xf32>
    tpu.vector_store %arg47[%swap3A_357, %swap3A_358], %select_n3A_356 {strides = array<i32>} : memref<1280x128xf32, #tpu.memory_space<vmem>>, vector<1x128xf32>,
    %add3A_360 = arith.constant 224 : i32
    %add3A_361 = arith.addi %add3A_360, %arg0 : i32
    %get3A_362 = arith.index_cast %add3A_361 : i32 to index
    %get3A_363 = memref.load %arg2[%get3A_362] : memref<1280xi32, #tpu.memory_space<smem>>
    %get3A_364 = arith.index_cast %add3A_361 : i32 to index
    %get3A_365 = memref.load %arg3[%get3A_364] : memref<1280xi32, #tpu.memory_space<smem>>
    %get3A_366 = arith.index_cast %add3A_361 : i32 to index
    %get3A_367 = memref.load %arg4[%get3A_366] : memref<1280xi32, #tpu.memory_space<smem>>
    %get3A_368 = arith.index_cast %get3A_365 : i32 to index
    %get3A_369 = arith.constant 0 : index
    %get3A_370 = vector.load %arg5[%get3A_368, %get3A_369] : memref<256x768xf32, #tpu.memory_space<vmem>>, vector<1x768xf32>
    %get3A_371 = arith.constant 0 : index
    %get3A_372 = arith.constant 0 : index
    %get3A_373 = arith.constant 0 : index
    %get3A_374 = vector.load %arg13[%get3A_371, %get3A_372, %get3A_373] : memref<1x128x768xf32, #tpu.memory_space<vmem>>, vector<1x128x768xf32>
    %get3A_375 = vector.shape_cast %get3A_374 : vector<1x128x768xf32> to vector<128x768xf32>
    %sub3A_376 = vector.broadcast %get3A_370 : vector<1x768xf32> to vector<128x768xf32>
    %sub3A_377 = arith.subf %get3A_375, %sub3A_376 : vector<128x768xf32>
    %mul3A_378 = arith.mulf %sub3A_377, %sub3A_377 : vector<128x768xf32>
    %reduce_sum3A_379 = arith.constant dense<0.000000e+00> : vector<128xf32>
    %reduce_sum3A_380 = vector.multi_reduction <add>, %mul3A_378, %reduce_sum3A_379 [1] : vector<128x768xf32> to vector<128xf32>
    %broadcast_in_dim3A_381 = vector.shape_cast %reduce_sum3A_380 : vector<128xf32> to vector<128x1xf32>
    %get3A_382 = arith.index_cast %get3A_367 : i32 to index
    %get3A_383 = arith.constant 0 : index
    %get3A_384 = vector.load %arg46[%get3A_382, %get3A_383] : memref<2000x128xf32, #tpu.memory_space<vmem>>, vector<2x128xf32>
    %reduce_min3A_385 = vector.shape_cast %broadcast_in_dim3A_159 : vector<128x1xf32> to vector<1x128x1xf32>
    %reduce_min3A_386 = arith.constant dense<0x7F800000> : vector<1xf32>
    %reduce_min3A_387 = vector.multi_reduction <minimumf>, %reduce_min3A_385, %reduce_min3A_386 [1, 2] : vector<1x128x1xf32> to vector<1xf32>
    %reduce_min3A_388 = vector.shape_cast %reduce_min3A_387 : vector<1xf32> to vector<1x1x1xf32>
    %reduce_min3A_389 = vector.extract %reduce_min3A_388[0, 0, 0] : f32 from vector<1x1x1xf32>
    %eq3A_390 = vector.broadcast %reduce_min3A_389 : f32 to vector<128x1xf32>
    %eq3A_391 = arith.cmpf oeq, %broadcast_in_dim3A_159, %eq3A_390 : vector<128x1xf32>
    %jit3A_392 = arith.constant 128 : i32
    %broadcast_in_dim3A_393 = vector.broadcast %jit3A_392 : i32 to vector<128x1xi32>
    %select_n3A_394 = arith.select %eq3A_391, %iota3A, %broadcast_in_dim3A_393 : vector<128x1xi1>, vector<128x1xi32>
    %reduce_min3A_395 = vector.shape_cast %select_n3A_394 : vector<128x1xi32> to vector<1x128x1xi32>
    %reduce_min3A_396 = arith.constant dense<2147483647> : vector<1xi32>
    %reduce_min3A_397 = vector.multi_reduction <minsi>, %reduce_min3A_395, %reduce_min3A_396 [1, 2] : vector<1x128x1xi32> to vector<1xi32>
    %reduce_min3A_398 = vector.shape_cast %reduce_min3A_397 : vector<1xi32> to vector<1x1x1xi32>
    %reduce_min3A_399 = vector.extract %reduce_min3A_398[0, 0, 0] : i32 from vector<1x1x1xi32>
    %eq3A_400 = vector.broadcast %reduce_min3A_399 : i32 to vector<1x128xi32>
    %eq3A_401 = arith.cmpi eq, %iota3A_0, %eq3A_400 : vector<1x128xi32>
    %jit3A_402 = arith.constant 0.000000e+00 : f32
    %broadcast_in_dim3A_403 = vector.shape_cast %eq3A_401 : vector<1x128xi1> to vector<1x128xi1>
    %broadcast_in_dim3A_404 = vector.broadcast %broadcast_in_dim3A_403 : vector<1x128xi1> to vector<2x128xi1>
    %broadcast_in_dim3A_405 = vector.broadcast %jit3A_402 : f32 to vector<2x128xf32>
    %select_n3A_406 = arith.select %broadcast_in_dim3A_404, %get3A_162, %broadcast_in_dim3A_405 : vector<2x128xi1>, vector<2x128xf32>
    %reduce_sum3A_407 = arith.constant dense<0.000000e+00> : vector<2xf32>
    %reduce_sum3A_408 = vector.multi_reduction <add>, %select_n3A_406, %reduce_sum3A_407 [1] : vector<2x128xf32> to vector<2xf32>
    %broadcast_in_dim3A_409 = vector.shape_cast %reduce_sum3A_408 : vector<2xf32> to vector<2x1xf32>
    %slice3A_410 = vector.extract_strided_slice %broadcast_in_dim3A_409 {offsets = [0, 0], sizes = [1, 1], strides = [1, 1]} : vector<2x1xf32> to vector<1x1xf32>
    %slice3A_411 = vector.extract_strided_slice %broadcast_in_dim3A_409 {offsets = [1, 0], sizes = [1, 1], strides = [1, 1]} : vector<2x1xf32> to vector<1x1xf32>
    %eq3A_412 = arith.constant 0 : i32
    %eq3A_413 = vector.broadcast %eq3A_412 : i32 to vector<1x128xi32>
    %eq3A_414 = arith.cmpi eq, %iota3A_0, %eq3A_413 : vector<1x128xi32>
    %eq3A_415 = arith.constant 1 : i32
    %eq3A_416 = vector.broadcast %eq3A_415 : i32 to vector<1x128xi32>
    %eq3A_417 = arith.cmpi eq, %iota3A_0, %eq3A_416 : vector<1x128xi32>
    %eq3A_418 = arith.constant 2 : i32
    %eq3A_419 = vector.broadcast %eq3A_418 : i32 to vector<1x128xi32>
    %eq3A_420 = arith.cmpi eq, %iota3A_0, %eq3A_419 : vector<1x128xi32>
    %jit3A_421 = arith.constant 0.000000e+00 : f32
    %broadcast_in_dim3A_422 = vector.shape_cast %slice3A_411 : vector<1x1xf32> to vector<1x1xf32>
    %broadcast_in_dim3A_423 = vector.broadcast %broadcast_in_dim3A_422 : vector<1x1xf32> to vector<1x128xf32>
    %broadcast_in_dim3A_424 = vector.broadcast %jit3A_421 : f32 to vector<1x128xf32>
    %select_n3A_425 = arith.select %eq3A_420, %broadcast_in_dim3A_423, %broadcast_in_dim3A_424 : vector<1x128xi1>, vector<1x128xf32>
    %broadcast_in_dim3A_426 = vector.shape_cast %slice3A_410 : vector<1x1xf32> to vector<1x1xf32>
    %broadcast_in_dim3A_427 = vector.broadcast %broadcast_in_dim3A_426 : vector<1x1xf32> to vector<1x128xf32>
    %select_n3A_428 = arith.select %eq3A_417, %broadcast_in_dim3A_427, %select_n3A_425 : vector<1x128xi1>, vector<1x128xf32>
    %broadcast_in_dim3A_429 = vector.broadcast %reduce_min3A_389 : f32 to vector<1x128xf32>
    %select_n3A_430 = arith.select %eq3A_414, %broadcast_in_dim3A_429, %select_n3A_428 : vector<1x128xi1>, vector<1x128xf32>
    %swap3A_431 = arith.index_cast %get3A_141 : i32 to index
    %swap3A_432 = arith.constant 0 : index
    %swap3A_433 = vector.load %arg47[%swap3A_431, %swap3A_432] : memref<1280x128xf32, #tpu.memory_space<vmem>>, vector<1x128xf32>
    tpu.vector_store %arg47[%swap3A_431, %swap3A_432], %select_n3A_430 {strides = array<i32>} : memref<1280x128xf32, #tpu.memory_space<vmem>>, vector<1x128xf32>,
    %add3A_434 = arith.constant 256 : i32
    %add3A_435 = arith.addi %add3A_434, %arg0 : i32
    %get3A_436 = arith.index_cast %add3A_435 : i32 to index
    %get3A_437 = memref.load %arg2[%get3A_436] : memref<1280xi32, #tpu.memory_space<smem>>
    %get3A_438 = arith.index_cast %add3A_435 : i32 to index
    %get3A_439 = memref.load %arg3[%get3A_438] : memref<1280xi32, #tpu.memory_space<smem>>
    %get3A_440 = arith.index_cast %add3A_435 : i32 to index
    %get3A_441 = memref.load %arg4[%get3A_440] : memref<1280xi32, #tpu.memory_space<smem>>
    %get3A_442 = arith.index_cast %get3A_439 : i32 to index
    %get3A_443 = arith.constant 0 : index
    %get3A_444 = vector.load %arg5[%get3A_442, %get3A_443] : memref<256x768xf32, #tpu.memory_space<vmem>>, vector<1x768xf32>
    %get3A_445 = arith.constant 0 : index
    %get3A_446 = arith.constant 0 : index
    %get3A_447 = arith.constant 0 : index
    %get3A_448 = vector.load %arg14[%get3A_445, %get3A_446, %get3A_447] : memref<1x128x768xf32, #tpu.memory_space<vmem>>, vector<1x128x768xf32>
    %get3A_449 = vector.shape_cast %get3A_448 : vector<1x128x768xf32> to vector<128x768xf32>
    %sub3A_450 = vector.broadcast %get3A_444 : vector<1x768xf32> to vector<128x768xf32>
    %sub3A_451 = arith.subf %get3A_449, %sub3A_450 : vector<128x768xf32>
    %mul3A_452 = arith.mulf %sub3A_451, %sub3A_451 : vector<128x768xf32>
    %reduce_sum3A_453 = arith.constant dense<0.000000e+00> : vector<128xf32>
    %reduce_sum3A_454 = vector.multi_reduction <add>, %mul3A_452, %reduce_sum3A_453 [1] : vector<128x768xf32> to vector<128xf32>
    %broadcast_in_dim3A_455 = vector.shape_cast %reduce_sum3A_454 : vector<128xf32> to vector<128x1xf32>
    %get3A_456 = arith.index_cast %get3A_441 : i32 to index
    %get3A_457 = arith.constant 0 : index
    %get3A_458 = vector.load %arg46[%get3A_456, %get3A_457] : memref<2000x128xf32, #tpu.memory_space<vmem>>, vector<2x128xf32>
    %reduce_min3A_459 = vector.shape_cast %broadcast_in_dim3A_233 : vector<128x1xf32> to vector<1x128x1xf32>
    %reduce_min3A_460 = arith.constant dense<0x7F800000> : vector<1xf32>
    %reduce_min3A_461 = vector.multi_reduction <minimumf>, %reduce_min3A_459, %reduce_min3A_460 [1, 2] : vector<1x128x1xf32> to vector<1xf32>
    %reduce_min3A_462 = vector.shape_cast %reduce_min3A_461 : vector<1xf32> to vector<1x1x1xf32>
    %reduce_min3A_463 = vector.extract %reduce_min3A_462[0, 0, 0] : f32 from vector<1x1x1xf32>
    %eq3A_464 = vector.broadcast %reduce_min3A_463 : f32 to vector<128x1xf32>
    %eq3A_465 = arith.cmpf oeq, %broadcast_in_dim3A_233, %eq3A_464 : vector<128x1xf32>
    %jit3A_466 = arith.constant 128 : i32
    %broadcast_in_dim3A_467 = vector.broadcast %jit3A_466 : i32 to vector<128x1xi32>
    %select_n3A_468 = arith.select %eq3A_465, %iota3A, %broadcast_in_dim3A_467 : vector<128x1xi1>, vector<128x1xi32>
    %reduce_min3A_469 = vector.shape_cast %select_n3A_468 : vector<128x1xi32> to vector<1x128x1xi32>
    %reduce_min3A_470 = arith.constant dense<2147483647> : vector<1xi32>
    %reduce_min3A_471 = vector.multi_reduction <minsi>, %reduce_min3A_469, %reduce_min3A_470 [1, 2] : vector<1x128x1xi32> to vector<1xi32>
    %reduce_min3A_472 = vector.shape_cast %reduce_min3A_471 : vector<1xi32> to vector<1x1x1xi32>
    %reduce_min3A_473 = vector.extract %reduce_min3A_472[0, 0, 0] : i32 from vector<1x1x1xi32>
    %eq3A_474 = vector.broadcast %reduce_min3A_473 : i32 to vector<1x128xi32>
    %eq3A_475 = arith.cmpi eq, %iota3A_0, %eq3A_474 : vector<1x128xi32>
    %jit3A_476 = arith.constant 0.000000e+00 : f32
    %broadcast_in_dim3A_477 = vector.shape_cast %eq3A_475 : vector<1x128xi1> to vector<1x128xi1>
    %broadcast_in_dim3A_478 = vector.broadcast %broadcast_in_dim3A_477 : vector<1x128xi1> to vector<2x128xi1>
    %broadcast_in_dim3A_479 = vector.broadcast %jit3A_476 : f32 to vector<2x128xf32>
    %select_n3A_480 = arith.select %broadcast_in_dim3A_478, %get3A_236, %broadcast_in_dim3A_479 : vector<2x128xi1>, vector<2x128xf32>
    %reduce_sum3A_481 = arith.constant dense<0.000000e+00> : vector<2xf32>
    %reduce_sum3A_482 = vector.multi_reduction <add>, %select_n3A_480, %reduce_sum3A_481 [1] : vector<2x128xf32> to vector<2xf32>
    %broadcast_in_dim3A_483 = vector.shape_cast %reduce_sum3A_482 : vector<2xf32> to vector<2x1xf32>
    %slice3A_484 = vector.extract_strided_slice %broadcast_in_dim3A_483 {offsets = [0, 0], sizes = [1, 1], strides = [1, 1]} : vector<2x1xf32> to vector<1x1xf32>
    %slice3A_485 = vector.extract_strided_slice %broadcast_in_dim3A_483 {offsets = [1, 0], sizes = [1, 1], strides = [1, 1]} : vector<2x1xf32> to vector<1x1xf32>
    %eq3A_486 = arith.constant 0 : i32
    %eq3A_487 = vector.broadcast %eq3A_486 : i32 to vector<1x128xi32>
    %eq3A_488 = arith.cmpi eq, %iota3A_0, %eq3A_487 : vector<1x128xi32>
    %eq3A_489 = arith.constant 1 : i32
    %eq3A_490 = vector.broadcast %eq3A_489 : i32 to vector<1x128xi32>
    %eq3A_491 = arith.cmpi eq, %iota3A_0, %eq3A_490 : vector<1x128xi32>
    %eq3A_492 = arith.constant 2 : i32
    %eq3A_493 = vector.broadcast %eq3A_492 : i32 to vector<1x128xi32>
    %eq3A_494 = arith.cmpi eq, %iota3A_0, %eq3A_493 : vector<1x128xi32>
    %jit3A_495 = arith.constant 0.000000e+00 : f32
    %broadcast_in_dim3A_496 = vector.shape_cast %slice3A_485 : vector<1x1xf32> to vector<1x1xf32>
    %broadcast_in_dim3A_497 = vector.broadcast %broadcast_in_dim3A_496 : vector<1x1xf32> to vector<1x128xf32>
    %broadcast_in_dim3A_498 = vector.broadcast %jit3A_495 : f32 to vector<1x128xf32>
    %select_n3A_499 = arith.select %eq3A_494, %broadcast_in_dim3A_497, %broadcast_in_dim3A_498 : vector<1x128xi1>, vector<1x128xf32>
    %broadcast_in_dim3A_500 = vector.shape_cast %slice3A_484 : vector<1x1xf32> to vector<1x1xf32>
    %broadcast_in_dim3A_501 = vector.broadcast %broadcast_in_dim3A_500 : vector<1x1xf32> to vector<1x128xf32>
    %select_n3A_502 = arith.select %eq3A_491, %broadcast_in_dim3A_501, %select_n3A_499 : vector<1x128xi1>, vector<1x128xf32>
    %broadcast_in_dim3A_503 = vector.broadcast %reduce_min3A_463 : f32 to vector<1x128xf32>
    %select_n3A_504 = arith.select %eq3A_488, %broadcast_in_dim3A_503, %select_n3A_502 : vector<1x128xi1>, vector<1x128xf32>
    %swap3A_505 = arith.index_cast %get3A_215 : i32 to index
    %swap3A_506 = arith.constant 0 : index
    %swap3A_507 = vector.load %arg47[%swap3A_505, %swap3A_506] : memref<1280x128xf32, #tpu.memory_space<vmem>>, vector<1x128xf32>
    tpu.vector_store %arg47[%swap3A_505, %swap3A_506], %select_n3A_504 {strides = array<i32>} : memref<1280x128xf32, #tpu.memory_space<vmem>>, vector<1x128xf32>,
    %add3A_508 = arith.constant 288 : i32
    %add3A_509 = arith.addi %add3A_508, %arg0 : i32
    %get3A_510 = arith.index_cast %add3A_509 : i32 to index
    %get3A_511 = memref.load %arg2[%get3A_510] : memref<1280xi32, #tpu.memory_space<smem>>
    %get3A_512 = arith.index_cast %add3A_509 : i32 to index
    %get3A_513 = memref.load %arg3[%get3A_512] : memref<1280xi32, #tpu.memory_space<smem>>
    %get3A_514 = arith.index_cast %add3A_509 : i32 to index
    %get3A_515 = memref.load %arg4[%get3A_514] : memref<1280xi32, #tpu.memory_space<smem>>
    %get3A_516 = arith.index_cast %get3A_513 : i32 to index
    %get3A_517 = arith.constant 0 : index
    %get3A_518 = vector.load %arg5[%get3A_516, %get3A_517] : memref<256x768xf32, #tpu.memory_space<vmem>>, vector<1x768xf32>
    %get3A_519 = arith.constant 0 : index
    %get3A_520 = arith.constant 0 : index
    %get3A_521 = arith.constant 0 : index
    %get3A_522 = vector.load %arg15[%get3A_519, %get3A_520, %get3A_521] : memref<1x128x768xf32, #tpu.memory_space<vmem>>, vector<1x128x768xf32>
    %get3A_523 = vector.shape_cast %get3A_522 : vector<1x128x768xf32> to vector<128x768xf32>
    %sub3A_524 = vector.broadcast %get3A_518 : vector<1x768xf32> to vector<128x768xf32>
    %sub3A_525 = arith.subf %get3A_523, %sub3A_524 : vector<128x768xf32>
    %mul3A_526 = arith.mulf %sub3A_525, %sub3A_525 : vector<128x768xf32>
    %reduce_sum3A_527 = arith.constant dense<0.000000e+00> : vector<128xf32>
    %reduce_sum3A_528 = vector.multi_reduction <add>, %mul3A_526, %reduce_sum3A_527 [1] : vector<128x768xf32> to vector<128xf32>
    %broadcast_in_dim3A_529 = vector.shape_cast %reduce_sum3A_528 : vector<128xf32> to vector<128x1xf32>
    %get3A_530 = arith.index_cast %get3A_515 : i32 to index
    %get3A_531 = arith.constant 0 : index
    %get3A_532 = vector.load %arg46[%get3A_530, %get3A_531] : memref<2000x128xf32, #tpu.memory_space<vmem>>, vector<2x128xf32>
    %reduce_min3A_533 = vector.shape_cast %broadcast_in_dim3A_307 : vector<128x1xf32> to vector<1x128x1xf32>
    %reduce_min3A_534 = arith.constant dense<0x7F800000> : vector<1xf32>
    %reduce_min3A_535 = vector.multi_reduction <minimumf>, %reduce_min3A_533, %reduce_min3A_534 [1, 2] : vector<1x128x1xf32> to vector<1xf32>
    %reduce_min3A_536 = vector.shape_cast %reduce_min3A_535 : vector<1xf32> to vector<1x1x1xf32>
    %reduce_min3A_537 = vector.extract %reduce_min3A_536[0, 0, 0] : f32 from vector<1x1x1xf32>
    %eq3A_538 = vector.broadcast %reduce_min3A_537 : f32 to vector<128x1xf32>
    %eq3A_539 = arith.cmpf oeq, %broadcast_in_dim3A_307, %eq3A_538 : vector<128x1xf32>
    %jit3A_540 = arith.constant 128 : i32
    %broadcast_in_dim3A_541 = vector.broadcast %jit3A_540 : i32 to vector<128x1xi32>
    %select_n3A_542 = arith.select %eq3A_539, %iota3A, %broadcast_in_dim3A_541 : vector<128x1xi1>, vector<128x1xi32>
    %reduce_min3A_543 = vector.shape_cast %select_n3A_542 : vector<128x1xi32> to vector<1x128x1xi32>
    %reduce_min3A_544 = arith.constant dense<2147483647> : vector<1xi32>
    %reduce_min3A_545 = vector.multi_reduction <minsi>, %reduce_min3A_543, %reduce_min3A_544 [1, 2] : vector<1x128x1xi32> to vector<1xi32>
    %reduce_min3A_546 = vector.shape_cast %reduce_min3A_545 : vector<1xi32> to vector<1x1x1xi32>
    %reduce_min3A_547 = vector.extract %reduce_min3A_546[0, 0, 0] : i32 from vector<1x1x1xi32>
    %eq3A_548 = vector.broadcast %reduce_min3A_547 : i32 to vector<1x128xi32>
    %eq3A_549 = arith.cmpi eq, %iota3A_0, %eq3A_548 : vector<1x128xi32>
    %jit3A_550 = arith.constant 0.000000e+00 : f32
    %broadcast_in_dim3A_551 = vector.shape_cast %eq3A_549 : vector<1x128xi1> to vector<1x128xi1>
    %broadcast_in_dim3A_552 = vector.broadcast %broadcast_in_dim3A_551 : vector<1x128xi1> to vector<2x128xi1>
    %broadcast_in_dim3A_553 = vector.broadcast %jit3A_550 : f32 to vector<2x128xf32>
    %select_n3A_554 = arith.select %broadcast_in_dim3A_552, %get3A_310, %broadcast_in_dim3A_553 : vector<2x128xi1>, vector<2x128xf32>
    %reduce_sum3A_555 = arith.constant dense<0.000000e+00> : vector<2xf32>
    %reduce_sum3A_556 = vector.multi_reduction <add>, %select_n3A_554, %reduce_sum3A_555 [1] : vector<2x128xf32> to vector<2xf32>
    %broadcast_in_dim3A_557 = vector.shape_cast %reduce_sum3A_556 : vector<2xf32> to vector<2x1xf32>
    %slice3A_558 = vector.extract_strided_slice %broadcast_in_dim3A_557 {offsets = [0, 0], sizes = [1, 1], strides = [1, 1]} : vector<2x1xf32> to vector<1x1xf32>
    %slice3A_559 = vector.extract_strided_slice %broadcast_in_dim3A_557 {offsets = [1, 0], sizes = [1, 1], strides = [1, 1]} : vector<2x1xf32> to vector<1x1xf32>
    %eq3A_560 = arith.constant 0 : i32
    %eq3A_561 = vector.broadcast %eq3A_560 : i32 to vector<1x128xi32>
    %eq3A_562 = arith.cmpi eq, %iota3A_0, %eq3A_561 : vector<1x128xi32>
    %eq3A_563 = arith.constant 1 : i32
    %eq3A_564 = vector.broadcast %eq3A_563 : i32 to vector<1x128xi32>
    %eq3A_565 = arith.cmpi eq, %iota3A_0, %eq3A_564 : vector<1x128xi32>
    %eq3A_566 = arith.constant 2 : i32
    %eq3A_567 = vector.broadcast %eq3A_566 : i32 to vector<1x128xi32>
    %eq3A_568 = arith.cmpi eq, %iota3A_0, %eq3A_567 : vector<1x128xi32>
    %jit3A_569 = arith.constant 0.000000e+00 : f32
    %broadcast_in_dim3A_570 = vector.shape_cast %slice3A_559 : vector<1x1xf32> to vector<1x1xf32>
    %broadcast_in_dim3A_571 = vector.broadcast %broadcast_in_dim3A_570 : vector<1x1xf32> to vector<1x128xf32>
    %broadcast_in_dim3A_572 = vector.broadcast %jit3A_569 : f32 to vector<1x128xf32>
    %select_n3A_573 = arith.select %eq3A_568, %broadcast_in_dim3A_571, %broadcast_in_dim3A_572 : vector<1x128xi1>, vector<1x128xf32>
    %broadcast_in_dim3A_574 = vector.shape_cast %slice3A_558 : vector<1x1xf32> to vector<1x1xf32>
    %broadcast_in_dim3A_575 = vector.broadcast %broadcast_in_dim3A_574 : vector<1x1xf32> to vector<1x128xf32>
    %select_n3A_576 = arith.select %eq3A_565, %broadcast_in_dim3A_575, %select_n3A_573 : vector<1x128xi1>, vector<1x128xf32>
    %broadcast_in_dim3A_577 = vector.broadcast %reduce_min3A_537 : f32 to vector<1x128xf32>
    %select_n3A_578 = arith.select %eq3A_562, %broadcast_in_dim3A_577, %select_n3A_576 : vector<1x128xi1>, vector<1x128xf32>
    %swap3A_579 = arith.index_cast %get3A_289 : i32 to index
    %swap3A_580 = arith.constant 0 : index
    %swap3A_581 = vector.load %arg47[%swap3A_579, %swap3A_580] : memref<1280x128xf32, #tpu.memory_space<vmem>>, vector<1x128xf32>
    tpu.vector_store %arg47[%swap3A_579, %swap3A_580], %select_n3A_578 {strides = array<i32>} : memref<1280x128xf32, #tpu.memory_space<vmem>>, vector<1x128xf32>,
    %add3A_582 = arith.constant 320 : i32
    %add3A_583 = arith.addi %add3A_582, %arg0 : i32
    %get3A_584 = arith.index_cast %add3A_583 : i32 to index
    %get3A_585 = memref.load %arg2[%get3A_584] : memref<1280xi32, #tpu.memory_space<smem>>
    %get3A_586 = arith.index_cast %add3A_583 : i32 to index
    %get3A_587 = memref.load %arg3[%get3A_586] : memref<1280xi32, #tpu.memory_space<smem>>
    %get3A_588 = arith.index_cast %add3A_583 : i32 to index
    %get3A_589 = memref.load %arg4[%get3A_588] : memref<1280xi32, #tpu.memory_space<smem>>
    %get3A_590 = arith.index_cast %get3A_587 : i32 to index
    %get3A_591 = arith.constant 0 : index
    %get3A_592 = vector.load %arg5[%get3A_590, %get3A_591] : memref<256x768xf32, #tpu.memory_space<vmem>>, vector<1x768xf32>
    %get3A_593 = arith.constant 0 : index
    %get3A_594 = arith.constant 0 : index
    %get3A_595 = arith.constant 0 : index
    %get3A_596 = vector.load %arg16[%get3A_593, %get3A_594, %get3A_595] : memref<1x128x768xf32, #tpu.memory_space<vmem>>, vector<1x128x768xf32>
    %get3A_597 = vector.shape_cast %get3A_596 : vector<1x128x768xf32> to vector<128x768xf32>
    %sub3A_598 = vector.broadcast %get3A_592 : vector<1x768xf32> to vector<128x768xf32>
    %sub3A_599 = arith.subf %get3A_597, %sub3A_598 : vector<128x768xf32>
    %mul3A_600 = arith.mulf %sub3A_599, %sub3A_599 : vector<128x768xf32>
    %reduce_sum3A_601 = arith.constant dense<0.000000e+00> : vector<128xf32>
    %reduce_sum3A_602 = vector.multi_reduction <add>, %mul3A_600, %reduce_sum3A_601 [1] : vector<128x768xf32> to vector<128xf32>
    %broadcast_in_dim3A_603 = vector.shape_cast %reduce_sum3A_602 : vector<128xf32> to vector<128x1xf32>
    %get3A_604 = arith.index_cast %get3A_589 : i32 to index
    %get3A_605 = arith.constant 0 : index
    %get3A_606 = vector.load %arg46[%get3A_604, %get3A_605] : memref<2000x128xf32, #tpu.memory_space<vmem>>, vector<2x128xf32>
    %reduce_min3A_607 = vector.shape_cast %broadcast_in_dim3A_381 : vector<128x1xf32> to vector<1x128x1xf32>
    %reduce_min3A_608 = arith.constant dense<0x7F800000> : vector<1xf32>
    %reduce_min3A_609 = vector.multi_reduction <minimumf>, %reduce_min3A_607, %reduce_min3A_608 [1, 2] : vector<1x128x1xf32> to vector<1xf32>
    %reduce_min3A_610 = vector.shape_cast %reduce_min3A_609 : vector<1xf32> to vector<1x1x1xf32>
    %reduce_min3A_611 = vector.extract %reduce_min3A_610[0, 0, 0] : f32 from vector<1x1x1xf32>
    %eq3A_612 = vector.broadcast %reduce_min3A_611 : f32 to vector<128x1xf32>
    %eq3A_613 = arith.cmpf oeq, %broadcast_in_dim3A_381, %eq3A_612 : vector<128x1xf32>
    %jit3A_614 = arith.constant 128 : i32
    %broadcast_in_dim3A_615 = vector.broadcast %jit3A_614 : i32 to vector<128x1xi32>
    %select_n3A_616 = arith.select %eq3A_613, %iota3A, %broadcast_in_dim3A_615 : vector<128x1xi1>, vector<128x1xi32>
    %reduce_min3A_617 = vector.shape_cast %select_n3A_616 : vector<128x1xi32> to vector<1x128x1xi32>
    %reduce_min3A_618 = arith.constant dense<2147483647> : vector<1xi32>
    %reduce_min3A_619 = vector.multi_reduction <minsi>, %reduce_min3A_617, %reduce_min3A_618 [1, 2] : vector<1x128x1xi32> to vector<1xi32>
    %reduce_min3A_620 = vector.shape_cast %reduce_min3A_619 : vector<1xi32> to vector<1x1x1xi32>
    %reduce_min3A_621 = vector.extract %reduce_min3A_620[0, 0, 0] : i32 from vector<1x1x1xi32>
    %eq3A_622 = vector.broadcast %reduce_min3A_621 : i32 to vector<1x128xi32>
    %eq3A_623 = arith.cmpi eq, %iota3A_0, %eq3A_622 : vector<1x128xi32>
    %jit3A_624 = arith.constant 0.000000e+00 : f32
    %broadcast_in_dim3A_625 = vector.shape_cast %eq3A_623 : vector<1x128xi1> to vector<1x128xi1>
    %broadcast_in_dim3A_626 = vector.broadcast %broadcast_in_dim3A_625 : vector<1x128xi1> to vector<2x128xi1>
    %broadcast_in_dim3A_627 = vector.broadcast %jit3A_624 : f32 to vector<2x128xf32>
    %select_n3A_628 = arith.select %broadcast_in_dim3A_626, %get3A_384, %broadcast_in_dim3A_627 : vector<2x128xi1>, vector<2x128xf32>
    %reduce_sum3A_629 = arith.constant dense<0.000000e+00> : vector<2xf32>
    %reduce_sum3A_630 = vector.multi_reduction <add>, %select_n3A_628, %reduce_sum3A_629 [1] : vector<2x128xf32> to vector<2xf32>
    %broadcast_in_dim3A_631 = vector.shape_cast %reduce_sum3A_630 : vector<2xf32> to vector<2x1xf32>
    %slice3A_632 = vector.extract_strided_slice %broadcast_in_dim3A_631 {offsets = [0, 0], sizes = [1, 1], strides = [1, 1]} : vector<2x1xf32> to vector<1x1xf32>
    %slice3A_633 = vector.extract_strided_slice %broadcast_in_dim3A_631 {offsets = [1, 0], sizes = [1, 1], strides = [1, 1]} : vector<2x1xf32> to vector<1x1xf32>
    %eq3A_634 = arith.constant 0 : i32
    %eq3A_635 = vector.broadcast %eq3A_634 : i32 to vector<1x128xi32>
    %eq3A_636 = arith.cmpi eq, %iota3A_0, %eq3A_635 : vector<1x128xi32>
    %eq3A_637 = arith.constant 1 : i32
    %eq3A_638 = vector.broadcast %eq3A_637 : i32 to vector<1x128xi32>
    %eq3A_639 = arith.cmpi eq, %iota3A_0, %eq3A_638 : vector<1x128xi32>
    %eq3A_640 = arith.constant 2 : i32
    %eq3A_641 = vector.broadcast %eq3A_640 : i32 to vector<1x128xi32>
    %eq3A_642 = arith.cmpi eq, %iota3A_0, %eq3A_641 : vector<1x128xi32>
    %jit3A_643 = arith.constant 0.000000e+00 : f32
    %broadcast_in_dim3A_644 = vector.shape_cast %slice3A_633 : vector<1x1xf32> to vector<1x1xf32>
    %broadcast_in_dim3A_645 = vector.broadcast %broadcast_in_dim3A_644 : vector<1x1xf32> to vector<1x128xf32>
    %broadcast_in_dim3A_646 = vector.broadcast %jit3A_643 : f32 to vector<1x128xf32>
    %select_n3A_647 = arith.select %eq3A_642, %broadcast_in_dim3A_645, %broadcast_in_dim3A_646 : vector<1x128xi1>, vector<1x128xf32>
    %broadcast_in_dim3A_648 = vector.shape_cast %slice3A_632 : vector<1x1xf32> to vector<1x1xf32>
    %broadcast_in_dim3A_649 = vector.broadcast %broadcast_in_dim3A_648 : vector<1x1xf32> to vector<1x128xf32>
    %select_n3A_650 = arith.select %eq3A_639, %broadcast_in_dim3A_649, %select_n3A_647 : vector<1x128xi1>, vector<1x128xf32>
    %broadcast_in_dim3A_651 = vector.broadcast %reduce_min3A_611 : f32 to vector<1x128xf32>
    %select_n3A_652 = arith.select %eq3A_636, %broadcast_in_dim3A_651, %select_n3A_650 : vector<1x128xi1>, vector<1x128xf32>
    %swap3A_653 = arith.index_cast %get3A_363 : i32 to index
    %swap3A_654 = arith.constant 0 : index
    %swap3A_655 = vector.load %arg47[%swap3A_653, %swap3A_654] : memref<1280x128xf32, #tpu.memory_space<vmem>>, vector<1x128xf32>
    tpu.vector_store %arg47[%swap3A_653, %swap3A_654], %select_n3A_652 {strides = array<i32>} : memref<1280x128xf32, #tpu.memory_space<vmem>>, vector<1x128xf32>,
    %add3A_656 = arith.constant 352 : i32
    %add3A_657 = arith.addi %add3A_656, %arg0 : i32
    %get3A_658 = arith.index_cast %add3A_657 : i32 to index
    %get3A_659 = memref.load %arg2[%get3A_658] : memref<1280xi32, #tpu.memory_space<smem>>
    %get3A_660 = arith.index_cast %add3A_657 : i32 to index
    %get3A_661 = memref.load %arg3[%get3A_660] : memref<1280xi32, #tpu.memory_space<smem>>
    %get3A_662 = arith.index_cast %add3A_657 : i32 to index
    %get3A_663 = memref.load %arg4[%get3A_662] : memref<1280xi32, #tpu.memory_space<smem>>
    %get3A_664 = arith.index_cast %get3A_661 : i32 to index
    %get3A_665 = arith.constant 0 : index
    %get3A_666 = vector.load %arg5[%get3A_664, %get3A_665] : memref<256x768xf32, #tpu.memory_space<vmem>>, vector<1x768xf32>
    %get3A_667 = arith.constant 0 : index
    %get3A_668 = arith.constant 0 : index
    %get3A_669 = arith.constant 0 : index
    %get3A_670 = vector.load %arg17[%get3A_667, %get3A_668, %get3A_669] : memref<1x128x768xf32, #tpu.memory_space<vmem>>, vector<1x128x768xf32>
    %get3A_671 = vector.shape_cast %get3A_670 : vector<1x128x768xf32> to vector<128x768xf32>
    %sub3A_672 = vector.broadcast %get3A_666 : vector<1x768xf32> to vector<128x768xf32>
    %sub3A_673 = arith.subf %get3A_671, %sub3A_672 : vector<128x768xf32>
    %mul3A_674 = arith.mulf %sub3A_673, %sub3A_673 : vector<128x768xf32>
    %reduce_sum3A_675 = arith.constant dense<0.000000e+00> : vector<128xf32>
    %reduce_sum3A_676 = vector.multi_reduction <add>, %mul3A_674, %reduce_sum3A_675 [1] : vector<128x768xf32> to vector<128xf32>
    %broadcast_in_dim3A_677 = vector.shape_cast %reduce_sum3A_676 : vector<128xf32> to vector<128x1xf32>
    %get3A_678 = arith.index_cast %get3A_663 : i32 to index
    %get3A_679 = arith.constant 0 : index
    %get3A_680 = vector.load %arg46[%get3A_678, %get3A_679] : memref<2000x128xf32, #tpu.memory_space<vmem>>, vector<2x128xf32>
    %reduce_min3A_681 = vector.shape_cast %broadcast_in_dim3A_455 : vector<128x1xf32> to vector<1x128x1xf32>
    %reduce_min3A_682 = arith.constant dense<0x7F800000> : vector<1xf32>
    %reduce_min3A_683 = vector.multi_reduction <minimumf>, %reduce_min3A_681, %reduce_min3A_682 [1, 2] : vector<1x128x1xf32> to vector<1xf32>
    %reduce_min3A_684 = vector.shape_cast %reduce_min3A_683 : vector<1xf32> to vector<1x1x1xf32>
    %reduce_min3A_685 = vector.extract %reduce_min3A_684[0, 0, 0] : f32 from vector<1x1x1xf32>
    %eq3A_686 = vector.broadcast %reduce_min3A_685 : f32 to vector<128x1xf32>
    %eq3A_687 = arith.cmpf oeq, %broadcast_in_dim3A_455, %eq3A_686 : vector<128x1xf32>
    %jit3A_688 = arith.constant 128 : i32
    %broadcast_in_dim3A_689 = vector.broadcast %jit3A_688 : i32 to vector<128x1xi32>
    %select_n3A_690 = arith.select %eq3A_687, %iota3A, %broadcast_in_dim3A_689 : vector<128x1xi1>, vector<128x1xi32>
    %reduce_min3A_691 = vector.shape_cast %select_n3A_690 : vector<128x1xi32> to vector<1x128x1xi32>
    %reduce_min3A_692 = arith.constant dense<2147483647> : vector<1xi32>
    %reduce_min3A_693 = vector.multi_reduction <minsi>, %reduce_min3A_691, %reduce_min3A_692 [1, 2] : vector<1x128x1xi32> to vector<1xi32>
    %reduce_min3A_694 = vector.shape_cast %reduce_min3A_693 : vector<1xi32> to vector<1x1x1xi32>
    %reduce_min3A_695 = vector.extract %reduce_min3A_694[0, 0, 0] : i32 from vector<1x1x1xi32>
    %eq3A_696 = vector.broadcast %reduce_min3A_695 : i32 to vector<1x128xi32>
    %eq3A_697 = arith.cmpi eq, %iota3A_0, %eq3A_696 : vector<1x128xi32>
    %jit3A_698 = arith.constant 0.000000e+00 : f32
    %broadcast_in_dim3A_699 = vector.shape_cast %eq3A_697 : vector<1x128xi1> to vector<1x128xi1>
    %broadcast_in_dim3A_700 = vector.broadcast %broadcast_in_dim3A_699 : vector<1x128xi1> to vector<2x128xi1>
    %broadcast_in_dim3A_701 = vector.broadcast %jit3A_698 : f32 to vector<2x128xf32>
    %select_n3A_702 = arith.select %broadcast_in_dim3A_700, %get3A_458, %broadcast_in_dim3A_701 : vector<2x128xi1>, vector<2x128xf32>
    %reduce_sum3A_703 = arith.constant dense<0.000000e+00> : vector<2xf32>
    %reduce_sum3A_704 = vector.multi_reduction <add>, %select_n3A_702, %reduce_sum3A_703 [1] : vector<2x128xf32> to vector<2xf32>
    %broadcast_in_dim3A_705 = vector.shape_cast %reduce_sum3A_704 : vector<2xf32> to vector<2x1xf32>
    %slice3A_706 = vector.extract_strided_slice %broadcast_in_dim3A_705 {offsets = [0, 0], sizes = [1, 1], strides = [1, 1]} : vector<2x1xf32> to vector<1x1xf32>
    %slice3A_707 = vector.extract_strided_slice %broadcast_in_dim3A_705 {offsets = [1, 0], sizes = [1, 1], strides = [1, 1]} : vector<2x1xf32> to vector<1x1xf32>
    %eq3A_708 = arith.constant 0 : i32
    %eq3A_709 = vector.broadcast %eq3A_708 : i32 to vector<1x128xi32>
    %eq3A_710 = arith.cmpi eq, %iota3A_0, %eq3A_709 : vector<1x128xi32>
    %eq3A_711 = arith.constant 1 : i32
    %eq3A_712 = vector.broadcast %eq3A_711 : i32 to vector<1x128xi32>
    %eq3A_713 = arith.cmpi eq, %iota3A_0, %eq3A_712 : vector<1x128xi32>
    %eq3A_714 = arith.constant 2 : i32
    %eq3A_715 = vector.broadcast %eq3A_714 : i32 to vector<1x128xi32>
    %eq3A_716 = arith.cmpi eq, %iota3A_0, %eq3A_715 : vector<1x128xi32>
    %jit3A_717 = arith.constant 0.000000e+00 : f32
    %broadcast_in_dim3A_718 = vector.shape_cast %slice3A_707 : vector<1x1xf32> to vector<1x1xf32>
    %broadcast_in_dim3A_719 = vector.broadcast %broadcast_in_dim3A_718 : vector<1x1xf32> to vector<1x128xf32>
    %broadcast_in_dim3A_720 = vector.broadcast %jit3A_717 : f32 to vector<1x128xf32>
    %select_n3A_721 = arith.select %eq3A_716, %broadcast_in_dim3A_719, %broadcast_in_dim3A_720 : vector<1x128xi1>, vector<1x128xf32>
    %broadcast_in_dim3A_722 = vector.shape_cast %slice3A_706 : vector<1x1xf32> to vector<1x1xf32>
    %broadcast_in_dim3A_723 = vector.broadcast %broadcast_in_dim3A_722 : vector<1x1xf32> to vector<1x128xf32>
    %select_n3A_724 = arith.select %eq3A_713, %broadcast_in_dim3A_723, %select_n3A_721 : vector<1x128xi1>, vector<1x128xf32>
    %broadcast_in_dim3A_725 = vector.broadcast %reduce_min3A_685 : f32 to vector<1x128xf32>
    %select_n3A_726 = arith.select %eq3A_710, %broadcast_in_dim3A_725, %select_n3A_724 : vector<1x128xi1>, vector<1x128xf32>
    %swap3A_727 = arith.index_cast %get3A_437 : i32 to index
    %swap3A_728 = arith.constant 0 : index
    %swap3A_729 = vector.load %arg47[%swap3A_727, %swap3A_728] : memref<1280x128xf32, #tpu.memory_space<vmem>>, vector<1x128xf32>
    tpu.vector_store %arg47[%swap3A_727, %swap3A_728], %select_n3A_726 {strides = array<i32>} : memref<1280x128xf32, #tpu.memory_space<vmem>>, vector<1x128xf32>,
    %add3A_730 = arith.constant 384 : i32
    %add3A_731 = arith.addi %add3A_730, %arg0 : i32
    %get3A_732 = arith.index_cast %add3A_731 : i32 to index
    %get3A_733 = memref.load %arg2[%get3A_732] : memref<1280xi32, #tpu.memory_space<smem>>
    %get3A_734 = arith.index_cast %add3A_731 : i32 to index
    %get3A_735 = memref.load %arg3[%get3A_734] : memref<1280xi32, #tpu.memory_space<smem>>
    %get3A_736 = arith.index_cast %add3A_731 : i32 to index
    %get3A_737 = memref.load %arg4[%get3A_736] : memref<1280xi32, #tpu.memory_space<smem>>
    %get3A_738 = arith.index_cast %get3A_735 : i32 to index
    %get3A_739 = arith.constant 0 : index
    %get3A_740 = vector.load %arg5[%get3A_738, %get3A_739] : memref<256x768xf32, #tpu.memory_space<vmem>>, vector<1x768xf32>
    %get3A_741 = arith.constant 0 : index
    %get3A_742 = arith.constant 0 : index
    %get3A_743 = arith.constant 0 : index
    %get3A_744 = vector.load %arg18[%get3A_741, %get3A_742, %get3A_743] : memref<1x128x768xf32, #tpu.memory_space<vmem>>, vector<1x128x768xf32>
    %get3A_745 = vector.shape_cast %get3A_744 : vector<1x128x768xf32> to vector<128x768xf32>
    %sub3A_746 = vector.broadcast %get3A_740 : vector<1x768xf32> to vector<128x768xf32>
    %sub3A_747 = arith.subf %get3A_745, %sub3A_746 : vector<128x768xf32>
    %mul3A_748 = arith.mulf %sub3A_747, %sub3A_747 : vector<128x768xf32>
    %reduce_sum3A_749 = arith.constant dense<0.000000e+00> : vector<128xf32>
    %reduce_sum3A_750 = vector.multi_reduction <add>, %mul3A_748, %reduce_sum3A_749 [1] : vector<128x768xf32> to vector<128xf32>
    %broadcast_in_dim3A_751 = vector.shape_cast %reduce_sum3A_750 : vector<128xf32> to vector<128x1xf32>
    %get3A_752 = arith.index_cast %get3A_737 : i32 to index
    %get3A_753 = arith.constant 0 : index
    %get3A_754 = vector.load %arg46[%get3A_752, %get3A_753] : memref<2000x128xf32, #tpu.memory_space<vmem>>, vector<2x128xf32>
    %reduce_min3A_755 = vector.shape_cast %broadcast_in_dim3A_529 : vector<128x1xf32> to vector<1x128x1xf32>
    %reduce_min3A_756 = arith.constant dense<0x7F800000> : vector<1xf32>
    %reduce_min3A_757 = vector.multi_reduction <minimumf>, %reduce_min3A_755, %reduce_min3A_756 [1, 2] : vector<1x128x1xf32> to vector<1xf32>
    %reduce_min3A_758 = vector.shape_cast %reduce_min3A_757 : vector<1xf32> to vector<1x1x1xf32>
    %reduce_min3A_759 = vector.extract %reduce_min3A_758[0, 0, 0] : f32 from vector<1x1x1xf32>
    %eq3A_760 = vector.broadcast %reduce_min3A_759 : f32 to vector<128x1xf32>
    %eq3A_761 = arith.cmpf oeq, %broadcast_in_dim3A_529, %eq3A_760 : vector<128x1xf32>
    %jit3A_762 = arith.constant 128 : i32
    %broadcast_in_dim3A_763 = vector.broadcast %jit3A_762 : i32 to vector<128x1xi32>
    %select_n3A_764 = arith.select %eq3A_761, %iota3A, %broadcast_in_dim3A_763 : vector<128x1xi1>, vector<128x1xi32>
    %reduce_min3A_765 = vector.shape_cast %select_n3A_764 : vector<128x1xi32> to vector<1x128x1xi32>
    %reduce_min3A_766 = arith.constant dense<2147483647> : vector<1xi32>
    %reduce_min3A_767 = vector.multi_reduction <minsi>, %reduce_min3A_765, %reduce_min3A_766 [1, 2] : vector<1x128x1xi32> to vector<1xi32>
    %reduce_min3A_768 = vector.shape_cast %reduce_min3A_767 : vector<1xi32> to vector<1x1x1xi32>
    %reduce_min3A_769 = vector.extract %reduce_min3A_768[0, 0, 0] : i32 from vector<1x1x1xi32>
    %eq3A_770 = vector.broadcast %reduce_min3A_769 : i32 to vector<1x128xi32>
    %eq3A_771 = arith.cmpi eq, %iota3A_0, %eq3A_770 : vector<1x128xi32>
    %jit3A_772 = arith.constant 0.000000e+00 : f32
    %broadcast_in_dim3A_773 = vector.shape_cast %eq3A_771 : vector<1x128xi1> to vector<1x128xi1>
    %broadcast_in_dim3A_774 = vector.broadcast %broadcast_in_dim3A_773 : vector<1x128xi1> to vector<2x128xi1>
    %broadcast_in_dim3A_775 = vector.broadcast %jit3A_772 : f32 to vector<2x128xf32>
    %select_n3A_776 = arith.select %broadcast_in_dim3A_774, %get3A_532, %broadcast_in_dim3A_775 : vector<2x128xi1>, vector<2x128xf32>
    %reduce_sum3A_777 = arith.constant dense<0.000000e+00> : vector<2xf32>
    %reduce_sum3A_778 = vector.multi_reduction <add>, %select_n3A_776, %reduce_sum3A_777 [1] : vector<2x128xf32> to vector<2xf32>
    %broadcast_in_dim3A_779 = vector.shape_cast %reduce_sum3A_778 : vector<2xf32> to vector<2x1xf32>
    %slice3A_780 = vector.extract_strided_slice %broadcast_in_dim3A_779 {offsets = [0, 0], sizes = [1, 1], strides = [1, 1]} : vector<2x1xf32> to vector<1x1xf32>
    %slice3A_781 = vector.extract_strided_slice %broadcast_in_dim3A_779 {offsets = [1, 0], sizes = [1, 1], strides = [1, 1]} : vector<2x1xf32> to vector<1x1xf32>
    %eq3A_782 = arith.constant 0 : i32
    %eq3A_783 = vector.broadcast %eq3A_782 : i32 to vector<1x128xi32>
    %eq3A_784 = arith.cmpi eq, %iota3A_0, %eq3A_783 : vector<1x128xi32>
    %eq3A_785 = arith.constant 1 : i32
    %eq3A_786 = vector.broadcast %eq3A_785 : i32 to vector<1x128xi32>
    %eq3A_787 = arith.cmpi eq, %iota3A_0, %eq3A_786 : vector<1x128xi32>
    %eq3A_788 = arith.constant 2 : i32
    %eq3A_789 = vector.broadcast %eq3A_788 : i32 to vector<1x128xi32>
    %eq3A_790 = arith.cmpi eq, %iota3A_0, %eq3A_789 : vector<1x128xi32>
    %jit3A_791 = arith.constant 0.000000e+00 : f32
    %broadcast_in_dim3A_792 = vector.shape_cast %slice3A_781 : vector<1x1xf32> to vector<1x1xf32>
    %broadcast_in_dim3A_793 = vector.broadcast %broadcast_in_dim3A_792 : vector<1x1xf32> to vector<1x128xf32>
    %broadcast_in_dim3A_794 = vector.broadcast %jit3A_791 : f32 to vector<1x128xf32>
    %select_n3A_795 = arith.select %eq3A_790, %broadcast_in_dim3A_793, %broadcast_in_dim3A_794 : vector<1x128xi1>, vector<1x128xf32>
    %broadcast_in_dim3A_796 = vector.shape_cast %slice3A_780 : vector<1x1xf32> to vector<1x1xf32>
    %broadcast_in_dim3A_797 = vector.broadcast %broadcast_in_dim3A_796 : vector<1x1xf32> to vector<1x128xf32>
    %select_n3A_798 = arith.select %eq3A_787, %broadcast_in_dim3A_797, %select_n3A_795 : vector<1x128xi1>, vector<1x128xf32>
    %broadcast_in_dim3A_799 = vector.broadcast %reduce_min3A_759 : f32 to vector<1x128xf32>
    %select_n3A_800 = arith.select %eq3A_784, %broadcast_in_dim3A_799, %select_n3A_798 : vector<1x128xi1>, vector<1x128xf32>
    %swap3A_801 = arith.index_cast %get3A_511 : i32 to index
    %swap3A_802 = arith.constant 0 : index
    %swap3A_803 = vector.load %arg47[%swap3A_801, %swap3A_802] : memref<1280x128xf32, #tpu.memory_space<vmem>>, vector<1x128xf32>
    tpu.vector_store %arg47[%swap3A_801, %swap3A_802], %select_n3A_800 {strides = array<i32>} : memref<1280x128xf32, #tpu.memory_space<vmem>>, vector<1x128xf32>,
    %add3A_804 = arith.constant 416 : i32
    %add3A_805 = arith.addi %add3A_804, %arg0 : i32
    %get3A_806 = arith.index_cast %add3A_805 : i32 to index
    %get3A_807 = memref.load %arg2[%get3A_806] : memref<1280xi32, #tpu.memory_space<smem>>
    %get3A_808 = arith.index_cast %add3A_805 : i32 to index
    %get3A_809 = memref.load %arg3[%get3A_808] : memref<1280xi32, #tpu.memory_space<smem>>
    %get3A_810 = arith.index_cast %add3A_805 : i32 to index
    %get3A_811 = memref.load %arg4[%get3A_810] : memref<1280xi32, #tpu.memory_space<smem>>
    %get3A_812 = arith.index_cast %get3A_809 : i32 to index
    %get3A_813 = arith.constant 0 : index
    %get3A_814 = vector.load %arg5[%get3A_812, %get3A_813] : memref<256x768xf32, #tpu.memory_space<vmem>>, vector<1x768xf32>
    %get3A_815 = arith.constant 0 : index
    %get3A_816 = arith.constant 0 : index
    %get3A_817 = arith.constant 0 : index
    %get3A_818 = vector.load %arg19[%get3A_815, %get3A_816, %get3A_817] : memref<1x128x768xf32, #tpu.memory_space<vmem>>, vector<1x128x768xf32>
    %get3A_819 = vector.shape_cast %get3A_818 : vector<1x128x768xf32> to vector<128x768xf32>
    %sub3A_820 = vector.broadcast %get3A_814 : vector<1x768xf32> to vector<128x768xf32>
    %sub3A_821 = arith.subf %get3A_819, %sub3A_820 : vector<128x768xf32>
    %mul3A_822 = arith.mulf %sub3A_821, %sub3A_821 : vector<128x768xf32>
    %reduce_sum3A_823 = arith.constant dense<0.000000e+00> : vector<128xf32>
    %reduce_sum3A_824 = vector.multi_reduction <add>, %mul3A_822, %reduce_sum3A_823 [1] : vector<128x768xf32> to vector<128xf32>
    %broadcast_in_dim3A_825 = vector.shape_cast %reduce_sum3A_824 : vector<128xf32> to vector<128x1xf32>
    %get3A_826 = arith.index_cast %get3A_811 : i32 to index
    %get3A_827 = arith.constant 0 : index
    %get3A_828 = vector.load %arg46[%get3A_826, %get3A_827] : memref<2000x128xf32, #tpu.memory_space<vmem>>, vector<2x128xf32>
    %reduce_min3A_829 = vector.shape_cast %broadcast_in_dim3A_603 : vector<128x1xf32> to vector<1x128x1xf32>
    %reduce_min3A_830 = arith.constant dense<0x7F800000> : vector<1xf32>
    %reduce_min3A_831 = vector.multi_reduction <minimumf>, %reduce_min3A_829, %reduce_min3A_830 [1, 2] : vector<1x128x1xf32> to vector<1xf32>
    %reduce_min3A_832 = vector.shape_cast %reduce_min3A_831 : vector<1xf32> to vector<1x1x1xf32>
    %reduce_min3A_833 = vector.extract %reduce_min3A_832[0, 0, 0] : f32 from vector<1x1x1xf32>
    %eq3A_834 = vector.broadcast %reduce_min3A_833 : f32 to vector<128x1xf32>
    %eq3A_835 = arith.cmpf oeq, %broadcast_in_dim3A_603, %eq3A_834 : vector<128x1xf32>
    %jit3A_836 = arith.constant 128 : i32
    %broadcast_in_dim3A_837 = vector.broadcast %jit3A_836 : i32 to vector<128x1xi32>
    %select_n3A_838 = arith.select %eq3A_835, %iota3A, %broadcast_in_dim3A_837 : vector<128x1xi1>, vector<128x1xi32>
    %reduce_min3A_839 = vector.shape_cast %select_n3A_838 : vector<128x1xi32> to vector<1x128x1xi32>
    %reduce_min3A_840 = arith.constant dense<2147483647> : vector<1xi32>
    %reduce_min3A_841 = vector.multi_reduction <minsi>, %reduce_min3A_839, %reduce_min3A_840 [1, 2] : vector<1x128x1xi32> to vector<1xi32>
    %reduce_min3A_842 = vector.shape_cast %reduce_min3A_841 : vector<1xi32> to vector<1x1x1xi32>
    %reduce_min3A_843 = vector.extract %reduce_min3A_842[0, 0, 0] : i32 from vector<1x1x1xi32>
    %eq3A_844 = vector.broadcast %reduce_min3A_843 : i32 to vector<1x128xi32>
    %eq3A_845 = arith.cmpi eq, %iota3A_0, %eq3A_844 : vector<1x128xi32>
    %jit3A_846 = arith.constant 0.000000e+00 : f32
    %broadcast_in_dim3A_847 = vector.shape_cast %eq3A_845 : vector<1x128xi1> to vector<1x128xi1>
    %broadcast_in_dim3A_848 = vector.broadcast %broadcast_in_dim3A_847 : vector<1x128xi1> to vector<2x128xi1>
    %broadcast_in_dim3A_849 = vector.broadcast %jit3A_846 : f32 to vector<2x128xf32>
    %select_n3A_850 = arith.select %broadcast_in_dim3A_848, %get3A_606, %broadcast_in_dim3A_849 : vector<2x128xi1>, vector<2x128xf32>
    %reduce_sum3A_851 = arith.constant dense<0.000000e+00> : vector<2xf32>
    %reduce_sum3A_852 = vector.multi_reduction <add>, %select_n3A_850, %reduce_sum3A_851 [1] : vector<2x128xf32> to vector<2xf32>
    %broadcast_in_dim3A_853 = vector.shape_cast %reduce_sum3A_852 : vector<2xf32> to vector<2x1xf32>
    %slice3A_854 = vector.extract_strided_slice %broadcast_in_dim3A_853 {offsets = [0, 0], sizes = [1, 1], strides = [1, 1]} : vector<2x1xf32> to vector<1x1xf32>
    %slice3A_855 = vector.extract_strided_slice %broadcast_in_dim3A_853 {offsets = [1, 0], sizes = [1, 1], strides = [1, 1]} : vector<2x1xf32> to vector<1x1xf32>
    %eq3A_856 = arith.constant 0 : i32
    %eq3A_857 = vector.broadcast %eq3A_856 : i32 to vector<1x128xi32>
    %eq3A_858 = arith.cmpi eq, %iota3A_0, %eq3A_857 : vector<1x128xi32>
    %eq3A_859 = arith.constant 1 : i32
    %eq3A_860 = vector.broadcast %eq3A_859 : i32 to vector<1x128xi32>
    %eq3A_861 = arith.cmpi eq, %iota3A_0, %eq3A_860 : vector<1x128xi32>
    %eq3A_862 = arith.constant 2 : i32
    %eq3A_863 = vector.broadcast %eq3A_862 : i32 to vector<1x128xi32>
    %eq3A_864 = arith.cmpi eq, %iota3A_0, %eq3A_863 : vector<1x128xi32>
    %jit3A_865 = arith.constant 0.000000e+00 : f32
    %broadcast_in_dim3A_866 = vector.shape_cast %slice3A_855 : vector<1x1xf32> to vector<1x1xf32>
    %broadcast_in_dim3A_867 = vector.broadcast %broadcast_in_dim3A_866 : vector<1x1xf32> to vector<1x128xf32>
    %broadcast_in_dim3A_868 = vector.broadcast %jit3A_865 : f32 to vector<1x128xf32>
    %select_n3A_869 = arith.select %eq3A_864, %broadcast_in_dim3A_867, %broadcast_in_dim3A_868 : vector<1x128xi1>, vector<1x128xf32>
    %broadcast_in_dim3A_870 = vector.shape_cast %slice3A_854 : vector<1x1xf32> to vector<1x1xf32>
    %broadcast_in_dim3A_871 = vector.broadcast %broadcast_in_dim3A_870 : vector<1x1xf32> to vector<1x128xf32>
    %select_n3A_872 = arith.select %eq3A_861, %broadcast_in_dim3A_871, %select_n3A_869 : vector<1x128xi1>, vector<1x128xf32>
    %broadcast_in_dim3A_873 = vector.broadcast %reduce_min3A_833 : f32 to vector<1x128xf32>
    %select_n3A_874 = arith.select %eq3A_858, %broadcast_in_dim3A_873, %select_n3A_872 : vector<1x128xi1>, vector<1x128xf32>
    %swap3A_875 = arith.index_cast %get3A_585 : i32 to index
    %swap3A_876 = arith.constant 0 : index
    %swap3A_877 = vector.load %arg47[%swap3A_875, %swap3A_876] : memref<1280x128xf32, #tpu.memory_space<vmem>>, vector<1x128xf32>
    tpu.vector_store %arg47[%swap3A_875, %swap3A_876], %select_n3A_874 {strides = array<i32>} : memref<1280x128xf32, #tpu.memory_space<vmem>>, vector<1x128xf32>,
    %add3A_878 = arith.constant 448 : i32
    %add3A_879 = arith.addi %add3A_878, %arg0 : i32
    %get3A_880 = arith.index_cast %add3A_879 : i32 to index
    %get3A_881 = memref.load %arg2[%get3A_880] : memref<1280xi32, #tpu.memory_space<smem>>
    %get3A_882 = arith.index_cast %add3A_879 : i32 to index
    %get3A_883 = memref.load %arg3[%get3A_882] : memref<1280xi32, #tpu.memory_space<smem>>
    %get3A_884 = arith.index_cast %add3A_879 : i32 to index
    %get3A_885 = memref.load %arg4[%get3A_884] : memref<1280xi32, #tpu.memory_space<smem>>
    %get3A_886 = arith.index_cast %get3A_883 : i32 to index
    %get3A_887 = arith.constant 0 : index
    %get3A_888 = vector.load %arg5[%get3A_886, %get3A_887] : memref<256x768xf32, #tpu.memory_space<vmem>>, vector<1x768xf32>
    %get3A_889 = arith.constant 0 : index
    %get3A_890 = arith.constant 0 : index
    %get3A_891 = arith.constant 0 : index
    %get3A_892 = vector.load %arg20[%get3A_889, %get3A_890, %get3A_891] : memref<1x128x768xf32, #tpu.memory_space<vmem>>, vector<1x128x768xf32>
    %get3A_893 = vector.shape_cast %get3A_892 : vector<1x128x768xf32> to vector<128x768xf32>
    %sub3A_894 = vector.broadcast %get3A_888 : vector<1x768xf32> to vector<128x768xf32>
    %sub3A_895 = arith.subf %get3A_893, %sub3A_894 : vector<128x768xf32>
    %mul3A_896 = arith.mulf %sub3A_895, %sub3A_895 : vector<128x768xf32>
    %reduce_sum3A_897 = arith.constant dense<0.000000e+00> : vector<128xf32>
    %reduce_sum3A_898 = vector.multi_reduction <add>, %mul3A_896, %reduce_sum3A_897 [1] : vector<128x768xf32> to vector<128xf32>
    %broadcast_in_dim3A_899 = vector.shape_cast %reduce_sum3A_898 : vector<128xf32> to vector<128x1xf32>
    %get3A_900 = arith.index_cast %get3A_885 : i32 to index
    %get3A_901 = arith.constant 0 : index
    %get3A_902 = vector.load %arg46[%get3A_900, %get3A_901] : memref<2000x128xf32, #tpu.memory_space<vmem>>, vector<2x128xf32>
    %reduce_min3A_903 = vector.shape_cast %broadcast_in_dim3A_677 : vector<128x1xf32> to vector<1x128x1xf32>
    %reduce_min3A_904 = arith.constant dense<0x7F800000> : vector<1xf32>
    %reduce_min3A_905 = vector.multi_reduction <minimumf>, %reduce_min3A_903, %reduce_min3A_904 [1, 2] : vector<1x128x1xf32> to vector<1xf32>
    %reduce_min3A_906 = vector.shape_cast %reduce_min3A_905 : vector<1xf32> to vector<1x1x1xf32>
    %reduce_min3A_907 = vector.extract %reduce_min3A_906[0, 0, 0] : f32 from vector<1x1x1xf32>
    %eq3A_908 = vector.broadcast %reduce_min3A_907 : f32 to vector<128x1xf32>
    %eq3A_909 = arith.cmpf oeq, %broadcast_in_dim3A_677, %eq3A_908 : vector<128x1xf32>
    %jit3A_910 = arith.constant 128 : i32
    %broadcast_in_dim3A_911 = vector.broadcast %jit3A_910 : i32 to vector<128x1xi32>
    %select_n3A_912 = arith.select %eq3A_909, %iota3A, %broadcast_in_dim3A_911 : vector<128x1xi1>, vector<128x1xi32>
    %reduce_min3A_913 = vector.shape_cast %select_n3A_912 : vector<128x1xi32> to vector<1x128x1xi32>
    %reduce_min3A_914 = arith.constant dense<2147483647> : vector<1xi32>
    %reduce_min3A_915 = vector.multi_reduction <minsi>, %reduce_min3A_913, %reduce_min3A_914 [1, 2] : vector<1x128x1xi32> to vector<1xi32>
    %reduce_min3A_916 = vector.shape_cast %reduce_min3A_915 : vector<1xi32> to vector<1x1x1xi32>
    %reduce_min3A_917 = vector.extract %reduce_min3A_916[0, 0, 0] : i32 from vector<1x1x1xi32>
    %eq3A_918 = vector.broadcast %reduce_min3A_917 : i32 to vector<1x128xi32>
    %eq3A_919 = arith.cmpi eq, %iota3A_0, %eq3A_918 : vector<1x128xi32>
    %jit3A_920 = arith.constant 0.000000e+00 : f32
    %broadcast_in_dim3A_921 = vector.shape_cast %eq3A_919 : vector<1x128xi1> to vector<1x128xi1>
    %broadcast_in_dim3A_922 = vector.broadcast %broadcast_in_dim3A_921 : vector<1x128xi1> to vector<2x128xi1>
    %broadcast_in_dim3A_923 = vector.broadcast %jit3A_920 : f32 to vector<2x128xf32>
    %select_n3A_924 = arith.select %broadcast_in_dim3A_922, %get3A_680, %broadcast_in_dim3A_923 : vector<2x128xi1>, vector<2x128xf32>
    %reduce_sum3A_925 = arith.constant dense<0.000000e+00> : vector<2xf32>
    %reduce_sum3A_926 = vector.multi_reduction <add>, %select_n3A_924, %reduce_sum3A_925 [1] : vector<2x128xf32> to vector<2xf32>
    %broadcast_in_dim3A_927 = vector.shape_cast %reduce_sum3A_926 : vector<2xf32> to vector<2x1xf32>
    %slice3A_928 = vector.extract_strided_slice %broadcast_in_dim3A_927 {offsets = [0, 0], sizes = [1, 1], strides = [1, 1]} : vector<2x1xf32> to vector<1x1xf32>
    %slice3A_929 = vector.extract_strided_slice %broadcast_in_dim3A_927 {offsets = [1, 0], sizes = [1, 1], strides = [1, 1]} : vector<2x1xf32> to vector<1x1xf32>
    %eq3A_930 = arith.constant 0 : i32
    %eq3A_931 = vector.broadcast %eq3A_930 : i32 to vector<1x128xi32>
    %eq3A_932 = arith.cmpi eq, %iota3A_0, %eq3A_931 : vector<1x128xi32>
    %eq3A_933 = arith.constant 1 : i32
    %eq3A_934 = vector.broadcast %eq3A_933 : i32 to vector<1x128xi32>
    %eq3A_935 = arith.cmpi eq, %iota3A_0, %eq3A_934 : vector<1x128xi32>
    %eq3A_936 = arith.constant 2 : i32
    %eq3A_937 = vector.broadcast %eq3A_936 : i32 to vector<1x128xi32>
    %eq3A_938 = arith.cmpi eq, %iota3A_0, %eq3A_937 : vector<1x128xi32>
    %jit3A_939 = arith.constant 0.000000e+00 : f32
    %broadcast_in_dim3A_940 = vector.shape_cast %slice3A_929 : vector<1x1xf32> to vector<1x1xf32>
    %broadcast_in_dim3A_941 = vector.broadcast %broadcast_in_dim3A_940 : vector<1x1xf32> to vector<1x128xf32>
    %broadcast_in_dim3A_942 = vector.broadcast %jit3A_939 : f32 to vector<1x128xf32>
    %select_n3A_943 = arith.select %eq3A_938, %broadcast_in_dim3A_941, %broadcast_in_dim3A_942 : vector<1x128xi1>, vector<1x128xf32>
    %broadcast_in_dim3A_944 = vector.shape_cast %slice3A_928 : vector<1x1xf32> to vector<1x1xf32>
    %broadcast_in_dim3A_945 = vector.broadcast %broadcast_in_dim3A_944 : vector<1x1xf32> to vector<1x128xf32>
    %select_n3A_946 = arith.select %eq3A_935, %broadcast_in_dim3A_945, %select_n3A_943 : vector<1x128xi1>, vector<1x128xf32>
    %broadcast_in_dim3A_947 = vector.broadcast %reduce_min3A_907 : f32 to vector<1x128xf32>
    %select_n3A_948 = arith.select %eq3A_932, %broadcast_in_dim3A_947, %select_n3A_946 : vector<1x128xi1>, vector<1x128xf32>
    %swap3A_949 = arith.index_cast %get3A_659 : i32 to index
    %swap3A_950 = arith.constant 0 : index
    %swap3A_951 = vector.load %arg47[%swap3A_949, %swap3A_950] : memref<1280x128xf32, #tpu.memory_space<vmem>>, vector<1x128xf32>
    tpu.vector_store %arg47[%swap3A_949, %swap3A_950], %select_n3A_948 {strides = array<i32>} : memref<1280x128xf32, #tpu.memory_space<vmem>>, vector<1x128xf32>,
    %add3A_952 = arith.constant 480 : i32
    %add3A_953 = arith.addi %add3A_952, %arg0 : i32
    %get3A_954 = arith.index_cast %add3A_953 : i32 to index
    %get3A_955 = memref.load %arg2[%get3A_954] : memref<1280xi32, #tpu.memory_space<smem>>
    %get3A_956 = arith.index_cast %add3A_953 : i32 to index
    %get3A_957 = memref.load %arg3[%get3A_956] : memref<1280xi32, #tpu.memory_space<smem>>
    %get3A_958 = arith.index_cast %add3A_953 : i32 to index
    %get3A_959 = memref.load %arg4[%get3A_958] : memref<1280xi32, #tpu.memory_space<smem>>
    %get3A_960 = arith.index_cast %get3A_957 : i32 to index
    %get3A_961 = arith.constant 0 : index
    %get3A_962 = vector.load %arg5[%get3A_960, %get3A_961] : memref<256x768xf32, #tpu.memory_space<vmem>>, vector<1x768xf32>
    %get3A_963 = arith.constant 0 : index
    %get3A_964 = arith.constant 0 : index
    %get3A_965 = arith.constant 0 : index
    %get3A_966 = vector.load %arg21[%get3A_963, %get3A_964, %get3A_965] : memref<1x128x768xf32, #tpu.memory_space<vmem>>, vector<1x128x768xf32>
    %get3A_967 = vector.shape_cast %get3A_966 : vector<1x128x768xf32> to vector<128x768xf32>
    %sub3A_968 = vector.broadcast %get3A_962 : vector<1x768xf32> to vector<128x768xf32>
    %sub3A_969 = arith.subf %get3A_967, %sub3A_968 : vector<128x768xf32>
    %mul3A_970 = arith.mulf %sub3A_969, %sub3A_969 : vector<128x768xf32>
    %reduce_sum3A_971 = arith.constant dense<0.000000e+00> : vector<128xf32>
    %reduce_sum3A_972 = vector.multi_reduction <add>, %mul3A_970, %reduce_sum3A_971 [1] : vector<128x768xf32> to vector<128xf32>
    %broadcast_in_dim3A_973 = vector.shape_cast %reduce_sum3A_972 : vector<128xf32> to vector<128x1xf32>
    %get3A_974 = arith.index_cast %get3A_959 : i32 to index
    %get3A_975 = arith.constant 0 : index
    %get3A_976 = vector.load %arg46[%get3A_974, %get3A_975] : memref<2000x128xf32, #tpu.memory_space<vmem>>, vector<2x128xf32>
    %reduce_min3A_977 = vector.shape_cast %broadcast_in_dim3A_751 : vector<128x1xf32> to vector<1x128x1xf32>
    %reduce_min3A_978 = arith.constant dense<0x7F800000> : vector<1xf32>
    %reduce_min3A_979 = vector.multi_reduction <minimumf>, %reduce_min3A_977, %reduce_min3A_978 [1, 2] : vector<1x128x1xf32> to vector<1xf32>
    %reduce_min3A_980 = vector.shape_cast %reduce_min3A_979 : vector<1xf32> to vector<1x1x1xf32>
    %reduce_min3A_981 = vector.extract %reduce_min3A_980[0, 0, 0] : f32 from vector<1x1x1xf32>
    %eq3A_982 = vector.broadcast %reduce_min3A_981 : f32 to vector<128x1xf32>
    %eq3A_983 = arith.cmpf oeq, %broadcast_in_dim3A_751, %eq3A_982 : vector<128x1xf32>
    %jit3A_984 = arith.constant 128 : i32
    %broadcast_in_dim3A_985 = vector.broadcast %jit3A_984 : i32 to vector<128x1xi32>
    %select_n3A_986 = arith.select %eq3A_983, %iota3A, %broadcast_in_dim3A_985 : vector<128x1xi1>, vector<128x1xi32>
    %reduce_min3A_987 = vector.shape_cast %select_n3A_986 : vector<128x1xi32> to vector<1x128x1xi32>
    %reduce_min3A_988 = arith.constant dense<2147483647> : vector<1xi32>
    %reduce_min3A_989 = vector.multi_reduction <minsi>, %reduce_min3A_987, %reduce_min3A_988 [1, 2] : vector<1x128x1xi32> to vector<1xi32>
    %reduce_min3A_990 = vector.shape_cast %reduce_min3A_989 : vector<1xi32> to vector<1x1x1xi32>
    %reduce_min3A_991 = vector.extract %reduce_min3A_990[0, 0, 0] : i32 from vector<1x1x1xi32>
    %eq3A_992 = vector.broadcast %reduce_min3A_991 : i32 to vector<1x128xi32>
    %eq3A_993 = arith.cmpi eq, %iota3A_0, %eq3A_992 : vector<1x128xi32>
    %jit3A_994 = arith.constant 0.000000e+00 : f32
    %broadcast_in_dim3A_995 = vector.shape_cast %eq3A_993 : vector<1x128xi1> to vector<1x128xi1>
    %broadcast_in_dim3A_996 = vector.broadcast %broadcast_in_dim3A_995 : vector<1x128xi1> to vector<2x128xi1>
    %broadcast_in_dim3A_997 = vector.broadcast %jit3A_994 : f32 to vector<2x128xf32>
    %select_n3A_998 = arith.select %broadcast_in_dim3A_996, %get3A_754, %broadcast_in_dim3A_997 : vector<2x128xi1>, vector<2x128xf32>
    %reduce_sum3A_999 = arith.constant dense<0.000000e+00> : vector<2xf32>
    %reduce_sum3A_1000 = vector.multi_reduction <add>, %select_n3A_998, %reduce_sum3A_999 [1] : vector<2x128xf32> to vector<2xf32>
    %broadcast_in_dim3A_1001 = vector.shape_cast %reduce_sum3A_1000 : vector<2xf32> to vector<2x1xf32>
    %slice3A_1002 = vector.extract_strided_slice %broadcast_in_dim3A_1001 {offsets = [0, 0], sizes = [1, 1], strides = [1, 1]} : vector<2x1xf32> to vector<1x1xf32>
    %slice3A_1003 = vector.extract_strided_slice %broadcast_in_dim3A_1001 {offsets = [1, 0], sizes = [1, 1], strides = [1, 1]} : vector<2x1xf32> to vector<1x1xf32>
    %eq3A_1004 = arith.constant 0 : i32
    %eq3A_1005 = vector.broadcast %eq3A_1004 : i32 to vector<1x128xi32>
    %eq3A_1006 = arith.cmpi eq, %iota3A_0, %eq3A_1005 : vector<1x128xi32>
    %eq3A_1007 = arith.constant 1 : i32
    %eq3A_1008 = vector.broadcast %eq3A_1007 : i32 to vector<1x128xi32>
    %eq3A_1009 = arith.cmpi eq, %iota3A_0, %eq3A_1008 : vector<1x128xi32>
    %eq3A_1010 = arith.constant 2 : i32
    %eq3A_1011 = vector.broadcast %eq3A_1010 : i32 to vector<1x128xi32>
    %eq3A_1012 = arith.cmpi eq, %iota3A_0, %eq3A_1011 : vector<1x128xi32>
    %jit3A_1013 = arith.constant 0.000000e+00 : f32
    %broadcast_in_dim3A_1014 = vector.shape_cast %slice3A_1003 : vector<1x1xf32> to vector<1x1xf32>
    %broadcast_in_dim3A_1015 = vector.broadcast %broadcast_in_dim3A_1014 : vector<1x1xf32> to vector<1x128xf32>
    %broadcast_in_dim3A_1016 = vector.broadcast %jit3A_1013 : f32 to vector<1x128xf32>
    %select_n3A_1017 = arith.select %eq3A_1012, %broadcast_in_dim3A_1015, %broadcast_in_dim3A_1016 : vector<1x128xi1>, vector<1x128xf32>
    %broadcast_in_dim3A_1018 = vector.shape_cast %slice3A_1002 : vector<1x1xf32> to vector<1x1xf32>
    %broadcast_in_dim3A_1019 = vector.broadcast %broadcast_in_dim3A_1018 : vector<1x1xf32> to vector<1x128xf32>
    %select_n3A_1020 = arith.select %eq3A_1009, %broadcast_in_dim3A_1019, %select_n3A_1017 : vector<1x128xi1>, vector<1x128xf32>
    %broadcast_in_dim3A_1021 = vector.broadcast %reduce_min3A_981 : f32 to vector<1x128xf32>
    %select_n3A_1022 = arith.select %eq3A_1006, %broadcast_in_dim3A_1021, %select_n3A_1020 : vector<1x128xi1>, vector<1x128xf32>
    %swap3A_1023 = arith.index_cast %get3A_733 : i32 to index
    %swap3A_1024 = arith.constant 0 : index
    %swap3A_1025 = vector.load %arg47[%swap3A_1023, %swap3A_1024] : memref<1280x128xf32, #tpu.memory_space<vmem>>, vector<1x128xf32>
    tpu.vector_store %arg47[%swap3A_1023, %swap3A_1024], %select_n3A_1022 {strides = array<i32>} : memref<1280x128xf32, #tpu.memory_space<vmem>>, vector<1x128xf32>,
    %add3A_1026 = arith.constant 512 : i32
    %add3A_1027 = arith.addi %add3A_1026, %arg0 : i32
    %get3A_1028 = arith.index_cast %add3A_1027 : i32 to index
    %get3A_1029 = memref.load %arg2[%get3A_1028] : memref<1280xi32, #tpu.memory_space<smem>>
    %get3A_1030 = arith.index_cast %add3A_1027 : i32 to index
    %get3A_1031 = memref.load %arg3[%get3A_1030] : memref<1280xi32, #tpu.memory_space<smem>>
    %get3A_1032 = arith.index_cast %add3A_1027 : i32 to index
    %get3A_1033 = memref.load %arg4[%get3A_1032] : memref<1280xi32, #tpu.memory_space<smem>>
    %get3A_1034 = arith.index_cast %get3A_1031 : i32 to index
    %get3A_1035 = arith.constant 0 : index
    %get3A_1036 = vector.load %arg5[%get3A_1034, %get3A_1035] : memref<256x768xf32, #tpu.memory_space<vmem>>, vector<1x768xf32>
    %get3A_1037 = arith.constant 0 : index
    %get3A_1038 = arith.constant 0 : index
    %get3A_1039 = arith.constant 0 : index
    %get3A_1040 = vector.load %arg22[%get3A_1037, %get3A_1038, %get3A_1039] : memref<1x128x768xf32, #tpu.memory_space<vmem>>, vector<1x128x768xf32>
    %get3A_1041 = vector.shape_cast %get3A_1040 : vector<1x128x768xf32> to vector<128x768xf32>
    %sub3A_1042 = vector.broadcast %get3A_1036 : vector<1x768xf32> to vector<128x768xf32>
    %sub3A_1043 = arith.subf %get3A_1041, %sub3A_1042 : vector<128x768xf32>
    %mul3A_1044 = arith.mulf %sub3A_1043, %sub3A_1043 : vector<128x768xf32>
    %reduce_sum3A_1045 = arith.constant dense<0.000000e+00> : vector<128xf32>
    %reduce_sum3A_1046 = vector.multi_reduction <add>, %mul3A_1044, %reduce_sum3A_1045 [1] : vector<128x768xf32> to vector<128xf32>
    %broadcast_in_dim3A_1047 = vector.shape_cast %reduce_sum3A_1046 : vector<128xf32> to vector<128x1xf32>
    %get3A_1048 = arith.index_cast %get3A_1033 : i32 to index
    %get3A_1049 = arith.constant 0 : index
    %get3A_1050 = vector.load %arg46[%get3A_1048, %get3A_1049] : memref<2000x128xf32, #tpu.memory_space<vmem>>, vector<2x128xf32>
    %reduce_min3A_1051 = vector.shape_cast %broadcast_in_dim3A_825 : vector<128x1xf32> to vector<1x128x1xf32>
    %reduce_min3A_1052 = arith.constant dense<0x7F800000> : vector<1xf32>
    %reduce_min3A_1053 = vector.multi_reduction <minimumf>, %reduce_min3A_1051, %reduce_min3A_1052 [1, 2] : vector<1x128x1xf32> to vector<1xf32>
    %reduce_min3A_1054 = vector.shape_cast %reduce_min3A_1053 : vector<1xf32> to vector<1x1x1xf32>
    %reduce_min3A_1055 = vector.extract %reduce_min3A_1054[0, 0, 0] : f32 from vector<1x1x1xf32>
    %eq3A_1056 = vector.broadcast %reduce_min3A_1055 : f32 to vector<128x1xf32>
    %eq3A_1057 = arith.cmpf oeq, %broadcast_in_dim3A_825, %eq3A_1056 : vector<128x1xf32>
    %jit3A_1058 = arith.constant 128 : i32
    %broadcast_in_dim3A_1059 = vector.broadcast %jit3A_1058 : i32 to vector<128x1xi32>
    %select_n3A_1060 = arith.select %eq3A_1057, %iota3A, %broadcast_in_dim3A_1059 : vector<128x1xi1>, vector<128x1xi32>
    %reduce_min3A_1061 = vector.shape_cast %select_n3A_1060 : vector<128x1xi32> to vector<1x128x1xi32>
    %reduce_min3A_1062 = arith.constant dense<2147483647> : vector<1xi32>
    %reduce_min3A_1063 = vector.multi_reduction <minsi>, %reduce_min3A_1061, %reduce_min3A_1062 [1, 2] : vector<1x128x1xi32> to vector<1xi32>
    %reduce_min3A_1064 = vector.shape_cast %reduce_min3A_1063 : vector<1xi32> to vector<1x1x1xi32>
    %reduce_min3A_1065 = vector.extract %reduce_min3A_1064[0, 0, 0] : i32 from vector<1x1x1xi32>
    %eq3A_1066 = vector.broadcast %reduce_min3A_1065 : i32 to vector<1x128xi32>
    %eq3A_1067 = arith.cmpi eq, %iota3A_0, %eq3A_1066 : vector<1x128xi32>
    %jit3A_1068 = arith.constant 0.000000e+00 : f32
    %broadcast_in_dim3A_1069 = vector.shape_cast %eq3A_1067 : vector<1x128xi1> to vector<1x128xi1>
    %broadcast_in_dim3A_1070 = vector.broadcast %broadcast_in_dim3A_1069 : vector<1x128xi1> to vector<2x128xi1>
    %broadcast_in_dim3A_1071 = vector.broadcast %jit3A_1068 : f32 to vector<2x128xf32>
    %select_n3A_1072 = arith.select %broadcast_in_dim3A_1070, %get3A_828, %broadcast_in_dim3A_1071 : vector<2x128xi1>, vector<2x128xf32>
    %reduce_sum3A_1073 = arith.constant dense<0.000000e+00> : vector<2xf32>
    %reduce_sum3A_1074 = vector.multi_reduction <add>, %select_n3A_1072, %reduce_sum3A_1073 [1] : vector<2x128xf32> to vector<2xf32>
    %broadcast_in_dim3A_1075 = vector.shape_cast %reduce_sum3A_1074 : vector<2xf32> to vector<2x1xf32>
    %slice3A_1076 = vector.extract_strided_slice %broadcast_in_dim3A_1075 {offsets = [0, 0], sizes = [1, 1], strides = [1, 1]} : vector<2x1xf32> to vector<1x1xf32>
    %slice3A_1077 = vector.extract_strided_slice %broadcast_in_dim3A_1075 {offsets = [1, 0], sizes = [1, 1], strides = [1, 1]} : vector<2x1xf32> to vector<1x1xf32>
    %eq3A_1078 = arith.constant 0 : i32
    %eq3A_1079 = vector.broadcast %eq3A_1078 : i32 to vector<1x128xi32>
    %eq3A_1080 = arith.cmpi eq, %iota3A_0, %eq3A_1079 : vector<1x128xi32>
    %eq3A_1081 = arith.constant 1 : i32
    %eq3A_1082 = vector.broadcast %eq3A_1081 : i32 to vector<1x128xi32>
    %eq3A_1083 = arith.cmpi eq, %iota3A_0, %eq3A_1082 : vector<1x128xi32>
    %eq3A_1084 = arith.constant 2 : i32
    %eq3A_1085 = vector.broadcast %eq3A_1084 : i32 to vector<1x128xi32>
    %eq3A_1086 = arith.cmpi eq, %iota3A_0, %eq3A_1085 : vector<1x128xi32>
    %jit3A_1087 = arith.constant 0.000000e+00 : f32
    %broadcast_in_dim3A_1088 = vector.shape_cast %slice3A_1077 : vector<1x1xf32> to vector<1x1xf32>
    %broadcast_in_dim3A_1089 = vector.broadcast %broadcast_in_dim3A_1088 : vector<1x1xf32> to vector<1x128xf32>
    %broadcast_in_dim3A_1090 = vector.broadcast %jit3A_1087 : f32 to vector<1x128xf32>
    %select_n3A_1091 = arith.select %eq3A_1086, %broadcast_in_dim3A_1089, %broadcast_in_dim3A_1090 : vector<1x128xi1>, vector<1x128xf32>
    %broadcast_in_dim3A_1092 = vector.shape_cast %slice3A_1076 : vector<1x1xf32> to vector<1x1xf32>
    %broadcast_in_dim3A_1093 = vector.broadcast %broadcast_in_dim3A_1092 : vector<1x1xf32> to vector<1x128xf32>
    %select_n3A_1094 = arith.select %eq3A_1083, %broadcast_in_dim3A_1093, %select_n3A_1091 : vector<1x128xi1>, vector<1x128xf32>
    %broadcast_in_dim3A_1095 = vector.broadcast %reduce_min3A_1055 : f32 to vector<1x128xf32>
    %select_n3A_1096 = arith.select %eq3A_1080, %broadcast_in_dim3A_1095, %select_n3A_1094 : vector<1x128xi1>, vector<1x128xf32>
    %swap3A_1097 = arith.index_cast %get3A_807 : i32 to index
    %swap3A_1098 = arith.constant 0 : index
    %swap3A_1099 = vector.load %arg47[%swap3A_1097, %swap3A_1098] : memref<1280x128xf32, #tpu.memory_space<vmem>>, vector<1x128xf32>
    tpu.vector_store %arg47[%swap3A_1097, %swap3A_1098], %select_n3A_1096 {strides = array<i32>} : memref<1280x128xf32, #tpu.memory_space<vmem>>, vector<1x128xf32>,
    %add3A_1100 = arith.constant 544 : i32
    %add3A_1101 = arith.addi %add3A_1100, %arg0 : i32
    %get3A_1102 = arith.index_cast %add3A_1101 : i32 to index
    %get3A_1103 = memref.load %arg2[%get3A_1102] : memref<1280xi32, #tpu.memory_space<smem>>
    %get3A_1104 = arith.index_cast %add3A_1101 : i32 to index
    %get3A_1105 = memref.load %arg3[%get3A_1104] : memref<1280xi32, #tpu.memory_space<smem>>
    %get3A_1106 = arith.index_cast %add3A_1101 : i32 to index
    %get3A_1107 = memref.load %arg4[%get3A_1106] : memref<1280xi32, #tpu.memory_space<smem>>
    %get3A_1108 = arith.index_cast %get3A_1105 : i32 to index
    %get3A_1109 = arith.constant 0 : index
    %get3A_1110 = vector.load %arg5[%get3A_1108, %get3A_1109] : memref<256x768xf32, #tpu.memory_space<vmem>>, vector<1x768xf32>
    %get3A_1111 = arith.constant 0 : index
    %get3A_1112 = arith.constant 0 : index
    %get3A_1113 = arith.constant 0 : index
    %get3A_1114 = vector.load %arg23[%get3A_1111, %get3A_1112, %get3A_1113] : memref<1x128x768xf32, #tpu.memory_space<vmem>>, vector<1x128x768xf32>
    %get3A_1115 = vector.shape_cast %get3A_1114 : vector<1x128x768xf32> to vector<128x768xf32>
    %sub3A_1116 = vector.broadcast %get3A_1110 : vector<1x768xf32> to vector<128x768xf32>
    %sub3A_1117 = arith.subf %get3A_1115, %sub3A_1116 : vector<128x768xf32>
    %mul3A_1118 = arith.mulf %sub3A_1117, %sub3A_1117 : vector<128x768xf32>
    %reduce_sum3A_1119 = arith.constant dense<0.000000e+00> : vector<128xf32>
    %reduce_sum3A_1120 = vector.multi_reduction <add>, %mul3A_1118, %reduce_sum3A_1119 [1] : vector<128x768xf32> to vector<128xf32>
    %broadcast_in_dim3A_1121 = vector.shape_cast %reduce_sum3A_1120 : vector<128xf32> to vector<128x1xf32>
    %get3A_1122 = arith.index_cast %get3A_1107 : i32 to index
    %get3A_1123 = arith.constant 0 : index
    %get3A_1124 = vector.load %arg46[%get3A_1122, %get3A_1123] : memref<2000x128xf32, #tpu.memory_space<vmem>>, vector<2x128xf32>
    %reduce_min3A_1125 = vector.shape_cast %broadcast_in_dim3A_899 : vector<128x1xf32> to vector<1x128x1xf32>
    %reduce_min3A_1126 = arith.constant dense<0x7F800000> : vector<1xf32>
    %reduce_min3A_1127 = vector.multi_reduction <minimumf>, %reduce_min3A_1125, %reduce_min3A_1126 [1, 2] : vector<1x128x1xf32> to vector<1xf32>
    %reduce_min3A_1128 = vector.shape_cast %reduce_min3A_1127 : vector<1xf32> to vector<1x1x1xf32>
    %reduce_min3A_1129 = vector.extract %reduce_min3A_1128[0, 0, 0] : f32 from vector<1x1x1xf32>
    %eq3A_1130 = vector.broadcast %reduce_min3A_1129 : f32 to vector<128x1xf32>
    %eq3A_1131 = arith.cmpf oeq, %broadcast_in_dim3A_899, %eq3A_1130 : vector<128x1xf32>
    %jit3A_1132 = arith.constant 128 : i32
    %broadcast_in_dim3A_1133 = vector.broadcast %jit3A_1132 : i32 to vector<128x1xi32>
    %select_n3A_1134 = arith.select %eq3A_1131, %iota3A, %broadcast_in_dim3A_1133 : vector<128x1xi1>, vector<128x1xi32>
    %reduce_min3A_1135 = vector.shape_cast %select_n3A_1134 : vector<128x1xi32> to vector<1x128x1xi32>
    %reduce_min3A_1136 = arith.constant dense<2147483647> : vector<1xi32>
    %reduce_min3A_1137 = vector.multi_reduction <minsi>, %reduce_min3A_1135, %reduce_min3A_1136 [1, 2] : vector<1x128x1xi32> to vector<1xi32>
    %reduce_min3A_1138 = vector.shape_cast %reduce_min3A_1137 : vector<1xi32> to vector<1x1x1xi32>
    %reduce_min3A_1139 = vector.extract %reduce_min3A_1138[0, 0, 0] : i32 from vector<1x1x1xi32>
    %eq3A_1140 = vector.broadcast %reduce_min3A_1139 : i32 to vector<1x128xi32>
    %eq3A_1141 = arith.cmpi eq, %iota3A_0, %eq3A_1140 : vector<1x128xi32>
    %jit3A_1142 = arith.constant 0.000000e+00 : f32
    %broadcast_in_dim3A_1143 = vector.shape_cast %eq3A_1141 : vector<1x128xi1> to vector<1x128xi1>
    %broadcast_in_dim3A_1144 = vector.broadcast %broadcast_in_dim3A_1143 : vector<1x128xi1> to vector<2x128xi1>
    %broadcast_in_dim3A_1145 = vector.broadcast %jit3A_1142 : f32 to vector<2x128xf32>
    %select_n3A_1146 = arith.select %broadcast_in_dim3A_1144, %get3A_902, %broadcast_in_dim3A_1145 : vector<2x128xi1>, vector<2x128xf32>
    %reduce_sum3A_1147 = arith.constant dense<0.000000e+00> : vector<2xf32>
    %reduce_sum3A_1148 = vector.multi_reduction <add>, %select_n3A_1146, %reduce_sum3A_1147 [1] : vector<2x128xf32> to vector<2xf32>
    %broadcast_in_dim3A_1149 = vector.shape_cast %reduce_sum3A_1148 : vector<2xf32> to vector<2x1xf32>
    %slice3A_1150 = vector.extract_strided_slice %broadcast_in_dim3A_1149 {offsets = [0, 0], sizes = [1, 1], strides = [1, 1]} : vector<2x1xf32> to vector<1x1xf32>
    %slice3A_1151 = vector.extract_strided_slice %broadcast_in_dim3A_1149 {offsets = [1, 0], sizes = [1, 1], strides = [1, 1]} : vector<2x1xf32> to vector<1x1xf32>
    %eq3A_1152 = arith.constant 0 : i32
    %eq3A_1153 = vector.broadcast %eq3A_1152 : i32 to vector<1x128xi32>
    %eq3A_1154 = arith.cmpi eq, %iota3A_0, %eq3A_1153 : vector<1x128xi32>
    %eq3A_1155 = arith.constant 1 : i32
    %eq3A_1156 = vector.broadcast %eq3A_1155 : i32 to vector<1x128xi32>
    %eq3A_1157 = arith.cmpi eq, %iota3A_0, %eq3A_1156 : vector<1x128xi32>
    %eq3A_1158 = arith.constant 2 : i32
    %eq3A_1159 = vector.broadcast %eq3A_1158 : i32 to vector<1x128xi32>
    %eq3A_1160 = arith.cmpi eq, %iota3A_0, %eq3A_1159 : vector<1x128xi32>
    %jit3A_1161 = arith.constant 0.000000e+00 : f32
    %broadcast_in_dim3A_1162 = vector.shape_cast %slice3A_1151 : vector<1x1xf32> to vector<1x1xf32>
    %broadcast_in_dim3A_1163 = vector.broadcast %broadcast_in_dim3A_1162 : vector<1x1xf32> to vector<1x128xf32>
    %broadcast_in_dim3A_1164 = vector.broadcast %jit3A_1161 : f32 to vector<1x128xf32>
    %select_n3A_1165 = arith.select %eq3A_1160, %broadcast_in_dim3A_1163, %broadcast_in_dim3A_1164 : vector<1x128xi1>, vector<1x128xf32>
    %broadcast_in_dim3A_1166 = vector.shape_cast %slice3A_1150 : vector<1x1xf32> to vector<1x1xf32>
    %broadcast_in_dim3A_1167 = vector.broadcast %broadcast_in_dim3A_1166 : vector<1x1xf32> to vector<1x128xf32>
    %select_n3A_1168 = arith.select %eq3A_1157, %broadcast_in_dim3A_1167, %select_n3A_1165 : vector<1x128xi1>, vector<1x128xf32>
    %broadcast_in_dim3A_1169 = vector.broadcast %reduce_min3A_1129 : f32 to vector<1x128xf32>
    %select_n3A_1170 = arith.select %eq3A_1154, %broadcast_in_dim3A_1169, %select_n3A_1168 : vector<1x128xi1>, vector<1x128xf32>
    %swap3A_1171 = arith.index_cast %get3A_881 : i32 to index
    %swap3A_1172 = arith.constant 0 : index
    %swap3A_1173 = vector.load %arg47[%swap3A_1171, %swap3A_1172] : memref<1280x128xf32, #tpu.memory_space<vmem>>, vector<1x128xf32>
    tpu.vector_store %arg47[%swap3A_1171, %swap3A_1172], %select_n3A_1170 {strides = array<i32>} : memref<1280x128xf32, #tpu.memory_space<vmem>>, vector<1x128xf32>,
    %add3A_1174 = arith.constant 576 : i32
    %add3A_1175 = arith.addi %add3A_1174, %arg0 : i32
    %get3A_1176 = arith.index_cast %add3A_1175 : i32 to index
    %get3A_1177 = memref.load %arg2[%get3A_1176] : memref<1280xi32, #tpu.memory_space<smem>>
    %get3A_1178 = arith.index_cast %add3A_1175 : i32 to index
    %get3A_1179 = memref.load %arg3[%get3A_1178] : memref<1280xi32, #tpu.memory_space<smem>>
    %get3A_1180 = arith.index_cast %add3A_1175 : i32 to index
    %get3A_1181 = memref.load %arg4[%get3A_1180] : memref<1280xi32, #tpu.memory_space<smem>>
    %get3A_1182 = arith.index_cast %get3A_1179 : i32 to index
    %get3A_1183 = arith.constant 0 : index
    %get3A_1184 = vector.load %arg5[%get3A_1182, %get3A_1183] : memref<256x768xf32, #tpu.memory_space<vmem>>, vector<1x768xf32>
    %get3A_1185 = arith.constant 0 : index
    %get3A_1186 = arith.constant 0 : index
    %get3A_1187 = arith.constant 0 : index
    %get3A_1188 = vector.load %arg24[%get3A_1185, %get3A_1186, %get3A_1187] : memref<1x128x768xf32, #tpu.memory_space<vmem>>, vector<1x128x768xf32>
    %get3A_1189 = vector.shape_cast %get3A_1188 : vector<1x128x768xf32> to vector<128x768xf32>
    %sub3A_1190 = vector.broadcast %get3A_1184 : vector<1x768xf32> to vector<128x768xf32>
    %sub3A_1191 = arith.subf %get3A_1189, %sub3A_1190 : vector<128x768xf32>
    %mul3A_1192 = arith.mulf %sub3A_1191, %sub3A_1191 : vector<128x768xf32>
    %reduce_sum3A_1193 = arith.constant dense<0.000000e+00> : vector<128xf32>
    %reduce_sum3A_1194 = vector.multi_reduction <add>, %mul3A_1192, %reduce_sum3A_1193 [1] : vector<128x768xf32> to vector<128xf32>
    %broadcast_in_dim3A_1195 = vector.shape_cast %reduce_sum3A_1194 : vector<128xf32> to vector<128x1xf32>
    %get3A_1196 = arith.index_cast %get3A_1181 : i32 to index
    %get3A_1197 = arith.constant 0 : index
    %get3A_1198 = vector.load %arg46[%get3A_1196, %get3A_1197] : memref<2000x128xf32, #tpu.memory_space<vmem>>, vector<2x128xf32>
    %reduce_min3A_1199 = vector.shape_cast %broadcast_in_dim3A_973 : vector<128x1xf32> to vector<1x128x1xf32>
    %reduce_min3A_1200 = arith.constant dense<0x7F800000> : vector<1xf32>
    %reduce_min3A_1201 = vector.multi_reduction <minimumf>, %reduce_min3A_1199, %reduce_min3A_1200 [1, 2] : vector<1x128x1xf32> to vector<1xf32>
    %reduce_min3A_1202 = vector.shape_cast %reduce_min3A_1201 : vector<1xf32> to vector<1x1x1xf32>
    %reduce_min3A_1203 = vector.extract %reduce_min3A_1202[0, 0, 0] : f32 from vector<1x1x1xf32>
    %eq3A_1204 = vector.broadcast %reduce_min3A_1203 : f32 to vector<128x1xf32>
    %eq3A_1205 = arith.cmpf oeq, %broadcast_in_dim3A_973, %eq3A_1204 : vector<128x1xf32>
    %jit3A_1206 = arith.constant 128 : i32
    %broadcast_in_dim3A_1207 = vector.broadcast %jit3A_1206 : i32 to vector<128x1xi32>
    %select_n3A_1208 = arith.select %eq3A_1205, %iota3A, %broadcast_in_dim3A_1207 : vector<128x1xi1>, vector<128x1xi32>
    %reduce_min3A_1209 = vector.shape_cast %select_n3A_1208 : vector<128x1xi32> to vector<1x128x1xi32>
    %reduce_min3A_1210 = arith.constant dense<2147483647> : vector<1xi32>
    %reduce_min3A_1211 = vector.multi_reduction <minsi>, %reduce_min3A_1209, %reduce_min3A_1210 [1, 2] : vector<1x128x1xi32> to vector<1xi32>
    %reduce_min3A_1212 = vector.shape_cast %reduce_min3A_1211 : vector<1xi32> to vector<1x1x1xi32>
    %reduce_min3A_1213 = vector.extract %reduce_min3A_1212[0, 0, 0] : i32 from vector<1x1x1xi32>
    %eq3A_1214 = vector.broadcast %reduce_min3A_1213 : i32 to vector<1x128xi32>
    %eq3A_1215 = arith.cmpi eq, %iota3A_0, %eq3A_1214 : vector<1x128xi32>
    %jit3A_1216 = arith.constant 0.000000e+00 : f32
    %broadcast_in_dim3A_1217 = vector.shape_cast %eq3A_1215 : vector<1x128xi1> to vector<1x128xi1>
    %broadcast_in_dim3A_1218 = vector.broadcast %broadcast_in_dim3A_1217 : vector<1x128xi1> to vector<2x128xi1>
    %broadcast_in_dim3A_1219 = vector.broadcast %jit3A_1216 : f32 to vector<2x128xf32>
    %select_n3A_1220 = arith.select %broadcast_in_dim3A_1218, %get3A_976, %broadcast_in_dim3A_1219 : vector<2x128xi1>, vector<2x128xf32>
    %reduce_sum3A_1221 = arith.constant dense<0.000000e+00> : vector<2xf32>
    %reduce_sum3A_1222 = vector.multi_reduction <add>, %select_n3A_1220, %reduce_sum3A_1221 [1] : vector<2x128xf32> to vector<2xf32>
    %broadcast_in_dim3A_1223 = vector.shape_cast %reduce_sum3A_1222 : vector<2xf32> to vector<2x1xf32>
    %slice3A_1224 = vector.extract_strided_slice %broadcast_in_dim3A_1223 {offsets = [0, 0], sizes = [1, 1], strides = [1, 1]} : vector<2x1xf32> to vector<1x1xf32>
    %slice3A_1225 = vector.extract_strided_slice %broadcast_in_dim3A_1223 {offsets = [1, 0], sizes = [1, 1], strides = [1, 1]} : vector<2x1xf32> to vector<1x1xf32>
    %eq3A_1226 = arith.constant 0 : i32
    %eq3A_1227 = vector.broadcast %eq3A_1226 : i32 to vector<1x128xi32>
    %eq3A_1228 = arith.cmpi eq, %iota3A_0, %eq3A_1227 : vector<1x128xi32>
    %eq3A_1229 = arith.constant 1 : i32
    %eq3A_1230 = vector.broadcast %eq3A_1229 : i32 to vector<1x128xi32>
    %eq3A_1231 = arith.cmpi eq, %iota3A_0, %eq3A_1230 : vector<1x128xi32>
    %eq3A_1232 = arith.constant 2 : i32
    %eq3A_1233 = vector.broadcast %eq3A_1232 : i32 to vector<1x128xi32>
    %eq3A_1234 = arith.cmpi eq, %iota3A_0, %eq3A_1233 : vector<1x128xi32>
    %jit3A_1235 = arith.constant 0.000000e+00 : f32
    %broadcast_in_dim3A_1236 = vector.shape_cast %slice3A_1225 : vector<1x1xf32> to vector<1x1xf32>
    %broadcast_in_dim3A_1237 = vector.broadcast %broadcast_in_dim3A_1236 : vector<1x1xf32> to vector<1x128xf32>
    %broadcast_in_dim3A_1238 = vector.broadcast %jit3A_1235 : f32 to vector<1x128xf32>
    %select_n3A_1239 = arith.select %eq3A_1234, %broadcast_in_dim3A_1237, %broadcast_in_dim3A_1238 : vector<1x128xi1>, vector<1x128xf32>
    %broadcast_in_dim3A_1240 = vector.shape_cast %slice3A_1224 : vector<1x1xf32> to vector<1x1xf32>
    %broadcast_in_dim3A_1241 = vector.broadcast %broadcast_in_dim3A_1240 : vector<1x1xf32> to vector<1x128xf32>
    %select_n3A_1242 = arith.select %eq3A_1231, %broadcast_in_dim3A_1241, %select_n3A_1239 : vector<1x128xi1>, vector<1x128xf32>
    %broadcast_in_dim3A_1243 = vector.broadcast %reduce_min3A_1203 : f32 to vector<1x128xf32>
    %select_n3A_1244 = arith.select %eq3A_1228, %broadcast_in_dim3A_1243, %select_n3A_1242 : vector<1x128xi1>, vector<1x128xf32>
    %swap3A_1245 = arith.index_cast %get3A_955 : i32 to index
    %swap3A_1246 = arith.constant 0 : index
    %swap3A_1247 = vector.load %arg47[%swap3A_1245, %swap3A_1246] : memref<1280x128xf32, #tpu.memory_space<vmem>>, vector<1x128xf32>
    tpu.vector_store %arg47[%swap3A_1245, %swap3A_1246], %select_n3A_1244 {strides = array<i32>} : memref<1280x128xf32, #tpu.memory_space<vmem>>, vector<1x128xf32>,
    %add3A_1248 = arith.constant 608 : i32
    %add3A_1249 = arith.addi %add3A_1248, %arg0 : i32
    %get3A_1250 = arith.index_cast %add3A_1249 : i32 to index
    %get3A_1251 = memref.load %arg2[%get3A_1250] : memref<1280xi32, #tpu.memory_space<smem>>
    %get3A_1252 = arith.index_cast %add3A_1249 : i32 to index
    %get3A_1253 = memref.load %arg3[%get3A_1252] : memref<1280xi32, #tpu.memory_space<smem>>
    %get3A_1254 = arith.index_cast %add3A_1249 : i32 to index
    %get3A_1255 = memref.load %arg4[%get3A_1254] : memref<1280xi32, #tpu.memory_space<smem>>
    %get3A_1256 = arith.index_cast %get3A_1253 : i32 to index
    %get3A_1257 = arith.constant 0 : index
    %get3A_1258 = vector.load %arg5[%get3A_1256, %get3A_1257] : memref<256x768xf32, #tpu.memory_space<vmem>>, vector<1x768xf32>
    %get3A_1259 = arith.constant 0 : index
    %get3A_1260 = arith.constant 0 : index
    %get3A_1261 = arith.constant 0 : index
    %get3A_1262 = vector.load %arg25[%get3A_1259, %get3A_1260, %get3A_1261] : memref<1x128x768xf32, #tpu.memory_space<vmem>>, vector<1x128x768xf32>
    %get3A_1263 = vector.shape_cast %get3A_1262 : vector<1x128x768xf32> to vector<128x768xf32>
    %sub3A_1264 = vector.broadcast %get3A_1258 : vector<1x768xf32> to vector<128x768xf32>
    %sub3A_1265 = arith.subf %get3A_1263, %sub3A_1264 : vector<128x768xf32>
    %mul3A_1266 = arith.mulf %sub3A_1265, %sub3A_1265 : vector<128x768xf32>
    %reduce_sum3A_1267 = arith.constant dense<0.000000e+00> : vector<128xf32>
    %reduce_sum3A_1268 = vector.multi_reduction <add>, %mul3A_1266, %reduce_sum3A_1267 [1] : vector<128x768xf32> to vector<128xf32>
    %broadcast_in_dim3A_1269 = vector.shape_cast %reduce_sum3A_1268 : vector<128xf32> to vector<128x1xf32>
    %get3A_1270 = arith.index_cast %get3A_1255 : i32 to index
    %get3A_1271 = arith.constant 0 : index
    %get3A_1272 = vector.load %arg46[%get3A_1270, %get3A_1271] : memref<2000x128xf32, #tpu.memory_space<vmem>>, vector<2x128xf32>
    %reduce_min3A_1273 = vector.shape_cast %broadcast_in_dim3A_1047 : vector<128x1xf32> to vector<1x128x1xf32>
    %reduce_min3A_1274 = arith.constant dense<0x7F800000> : vector<1xf32>
    %reduce_min3A_1275 = vector.multi_reduction <minimumf>, %reduce_min3A_1273, %reduce_min3A_1274 [1, 2] : vector<1x128x1xf32> to vector<1xf32>
    %reduce_min3A_1276 = vector.shape_cast %reduce_min3A_1275 : vector<1xf32> to vector<1x1x1xf32>
    %reduce_min3A_1277 = vector.extract %reduce_min3A_1276[0, 0, 0] : f32 from vector<1x1x1xf32>
    %eq3A_1278 = vector.broadcast %reduce_min3A_1277 : f32 to vector<128x1xf32>
    %eq3A_1279 = arith.cmpf oeq, %broadcast_in_dim3A_1047, %eq3A_1278 : vector<128x1xf32>
    %jit3A_1280 = arith.constant 128 : i32
    %broadcast_in_dim3A_1281 = vector.broadcast %jit3A_1280 : i32 to vector<128x1xi32>
    %select_n3A_1282 = arith.select %eq3A_1279, %iota3A, %broadcast_in_dim3A_1281 : vector<128x1xi1>, vector<128x1xi32>
    %reduce_min3A_1283 = vector.shape_cast %select_n3A_1282 : vector<128x1xi32> to vector<1x128x1xi32>
    %reduce_min3A_1284 = arith.constant dense<2147483647> : vector<1xi32>
    %reduce_min3A_1285 = vector.multi_reduction <minsi>, %reduce_min3A_1283, %reduce_min3A_1284 [1, 2] : vector<1x128x1xi32> to vector<1xi32>
    %reduce_min3A_1286 = vector.shape_cast %reduce_min3A_1285 : vector<1xi32> to vector<1x1x1xi32>
    %reduce_min3A_1287 = vector.extract %reduce_min3A_1286[0, 0, 0] : i32 from vector<1x1x1xi32>
    %eq3A_1288 = vector.broadcast %reduce_min3A_1287 : i32 to vector<1x128xi32>
    %eq3A_1289 = arith.cmpi eq, %iota3A_0, %eq3A_1288 : vector<1x128xi32>
    %jit3A_1290 = arith.constant 0.000000e+00 : f32
    %broadcast_in_dim3A_1291 = vector.shape_cast %eq3A_1289 : vector<1x128xi1> to vector<1x128xi1>
    %broadcast_in_dim3A_1292 = vector.broadcast %broadcast_in_dim3A_1291 : vector<1x128xi1> to vector<2x128xi1>
    %broadcast_in_dim3A_1293 = vector.broadcast %jit3A_1290 : f32 to vector<2x128xf32>
    %select_n3A_1294 = arith.select %broadcast_in_dim3A_1292, %get3A_1050, %broadcast_in_dim3A_1293 : vector<2x128xi1>, vector<2x128xf32>
    %reduce_sum3A_1295 = arith.constant dense<0.000000e+00> : vector<2xf32>
    %reduce_sum3A_1296 = vector.multi_reduction <add>, %select_n3A_1294, %reduce_sum3A_1295 [1] : vector<2x128xf32> to vector<2xf32>
    %broadcast_in_dim3A_1297 = vector.shape_cast %reduce_sum3A_1296 : vector<2xf32> to vector<2x1xf32>
    %slice3A_1298 = vector.extract_strided_slice %broadcast_in_dim3A_1297 {offsets = [0, 0], sizes = [1, 1], strides = [1, 1]} : vector<2x1xf32> to vector<1x1xf32>
    %slice3A_1299 = vector.extract_strided_slice %broadcast_in_dim3A_1297 {offsets = [1, 0], sizes = [1, 1], strides = [1, 1]} : vector<2x1xf32> to vector<1x1xf32>
    %eq3A_1300 = arith.constant 0 : i32
    %eq3A_1301 = vector.broadcast %eq3A_1300 : i32 to vector<1x128xi32>
    %eq3A_1302 = arith.cmpi eq, %iota3A_0, %eq3A_1301 : vector<1x128xi32>
    %eq3A_1303 = arith.constant 1 : i32
    %eq3A_1304 = vector.broadcast %eq3A_1303 : i32 to vector<1x128xi32>
    %eq3A_1305 = arith.cmpi eq, %iota3A_0, %eq3A_1304 : vector<1x128xi32>
    %eq3A_1306 = arith.constant 2 : i32
    %eq3A_1307 = vector.broadcast %eq3A_1306 : i32 to vector<1x128xi32>
    %eq3A_1308 = arith.cmpi eq, %iota3A_0, %eq3A_1307 : vector<1x128xi32>
    %jit3A_1309 = arith.constant 0.000000e+00 : f32
    %broadcast_in_dim3A_1310 = vector.shape_cast %slice3A_1299 : vector<1x1xf32> to vector<1x1xf32>
    %broadcast_in_dim3A_1311 = vector.broadcast %broadcast_in_dim3A_1310 : vector<1x1xf32> to vector<1x128xf32>
    %broadcast_in_dim3A_1312 = vector.broadcast %jit3A_1309 : f32 to vector<1x128xf32>
    %select_n3A_1313 = arith.select %eq3A_1308, %broadcast_in_dim3A_1311, %broadcast_in_dim3A_1312 : vector<1x128xi1>, vector<1x128xf32>
    %broadcast_in_dim3A_1314 = vector.shape_cast %slice3A_1298 : vector<1x1xf32> to vector<1x1xf32>
    %broadcast_in_dim3A_1315 = vector.broadcast %broadcast_in_dim3A_1314 : vector<1x1xf32> to vector<1x128xf32>
    %select_n3A_1316 = arith.select %eq3A_1305, %broadcast_in_dim3A_1315, %select_n3A_1313 : vector<1x128xi1>, vector<1x128xf32>
    %broadcast_in_dim3A_1317 = vector.broadcast %reduce_min3A_1277 : f32 to vector<1x128xf32>
    %select_n3A_1318 = arith.select %eq3A_1302, %broadcast_in_dim3A_1317, %select_n3A_1316 : vector<1x128xi1>, vector<1x128xf32>
    %swap3A_1319 = arith.index_cast %get3A_1029 : i32 to index
    %swap3A_1320 = arith.constant 0 : index
    %swap3A_1321 = vector.load %arg47[%swap3A_1319, %swap3A_1320] : memref<1280x128xf32, #tpu.memory_space<vmem>>, vector<1x128xf32>
    tpu.vector_store %arg47[%swap3A_1319, %swap3A_1320], %select_n3A_1318 {strides = array<i32>} : memref<1280x128xf32, #tpu.memory_space<vmem>>, vector<1x128xf32>,
    %add3A_1322 = arith.constant 640 : i32
    %add3A_1323 = arith.addi %add3A_1322, %arg0 : i32
    %get3A_1324 = arith.index_cast %add3A_1323 : i32 to index
    %get3A_1325 = memref.load %arg2[%get3A_1324] : memref<1280xi32, #tpu.memory_space<smem>>
    %get3A_1326 = arith.index_cast %add3A_1323 : i32 to index
    %get3A_1327 = memref.load %arg3[%get3A_1326] : memref<1280xi32, #tpu.memory_space<smem>>
    %get3A_1328 = arith.index_cast %add3A_1323 : i32 to index
    %get3A_1329 = memref.load %arg4[%get3A_1328] : memref<1280xi32, #tpu.memory_space<smem>>
    %get3A_1330 = arith.index_cast %get3A_1327 : i32 to index
    %get3A_1331 = arith.constant 0 : index
    %get3A_1332 = vector.load %arg5[%get3A_1330, %get3A_1331] : memref<256x768xf32, #tpu.memory_space<vmem>>, vector<1x768xf32>
    %get3A_1333 = arith.constant 0 : index
    %get3A_1334 = arith.constant 0 : index
    %get3A_1335 = arith.constant 0 : index
    %get3A_1336 = vector.load %arg26[%get3A_1333, %get3A_1334, %get3A_1335] : memref<1x128x768xf32, #tpu.memory_space<vmem>>, vector<1x128x768xf32>
    %get3A_1337 = vector.shape_cast %get3A_1336 : vector<1x128x768xf32> to vector<128x768xf32>
    %sub3A_1338 = vector.broadcast %get3A_1332 : vector<1x768xf32> to vector<128x768xf32>
    %sub3A_1339 = arith.subf %get3A_1337, %sub3A_1338 : vector<128x768xf32>
    %mul3A_1340 = arith.mulf %sub3A_1339, %sub3A_1339 : vector<128x768xf32>
    %reduce_sum3A_1341 = arith.constant dense<0.000000e+00> : vector<128xf32>
    %reduce_sum3A_1342 = vector.multi_reduction <add>, %mul3A_1340, %reduce_sum3A_1341 [1] : vector<128x768xf32> to vector<128xf32>
    %broadcast_in_dim3A_1343 = vector.shape_cast %reduce_sum3A_1342 : vector<128xf32> to vector<128x1xf32>
    %get3A_1344 = arith.index_cast %get3A_1329 : i32 to index
    %get3A_1345 = arith.constant 0 : index
    %get3A_1346 = vector.load %arg46[%get3A_1344, %get3A_1345] : memref<2000x128xf32, #tpu.memory_space<vmem>>, vector<2x128xf32>
    %reduce_min3A_1347 = vector.shape_cast %broadcast_in_dim3A_1121 : vector<128x1xf32> to vector<1x128x1xf32>
    %reduce_min3A_1348 = arith.constant dense<0x7F800000> : vector<1xf32>
    %reduce_min3A_1349 = vector.multi_reduction <minimumf>, %reduce_min3A_1347, %reduce_min3A_1348 [1, 2] : vector<1x128x1xf32> to vector<1xf32>
    %reduce_min3A_1350 = vector.shape_cast %reduce_min3A_1349 : vector<1xf32> to vector<1x1x1xf32>
    %reduce_min3A_1351 = vector.extract %reduce_min3A_1350[0, 0, 0] : f32 from vector<1x1x1xf32>
    %eq3A_1352 = vector.broadcast %reduce_min3A_1351 : f32 to vector<128x1xf32>
    %eq3A_1353 = arith.cmpf oeq, %broadcast_in_dim3A_1121, %eq3A_1352 : vector<128x1xf32>
    %jit3A_1354 = arith.constant 128 : i32
    %broadcast_in_dim3A_1355 = vector.broadcast %jit3A_1354 : i32 to vector<128x1xi32>
    %select_n3A_1356 = arith.select %eq3A_1353, %iota3A, %broadcast_in_dim3A_1355 : vector<128x1xi1>, vector<128x1xi32>
    %reduce_min3A_1357 = vector.shape_cast %select_n3A_1356 : vector<128x1xi32> to vector<1x128x1xi32>
    %reduce_min3A_1358 = arith.constant dense<2147483647> : vector<1xi32>
    %reduce_min3A_1359 = vector.multi_reduction <minsi>, %reduce_min3A_1357, %reduce_min3A_1358 [1, 2] : vector<1x128x1xi32> to vector<1xi32>
    %reduce_min3A_1360 = vector.shape_cast %reduce_min3A_1359 : vector<1xi32> to vector<1x1x1xi32>
    %reduce_min3A_1361 = vector.extract %reduce_min3A_1360[0, 0, 0] : i32 from vector<1x1x1xi32>
    %eq3A_1362 = vector.broadcast %reduce_min3A_1361 : i32 to vector<1x128xi32>
    %eq3A_1363 = arith.cmpi eq, %iota3A_0, %eq3A_1362 : vector<1x128xi32>
    %jit3A_1364 = arith.constant 0.000000e+00 : f32
    %broadcast_in_dim3A_1365 = vector.shape_cast %eq3A_1363 : vector<1x128xi1> to vector<1x128xi1>
    %broadcast_in_dim3A_1366 = vector.broadcast %broadcast_in_dim3A_1365 : vector<1x128xi1> to vector<2x128xi1>
    %broadcast_in_dim3A_1367 = vector.broadcast %jit3A_1364 : f32 to vector<2x128xf32>
    %select_n3A_1368 = arith.select %broadcast_in_dim3A_1366, %get3A_1124, %broadcast_in_dim3A_1367 : vector<2x128xi1>, vector<2x128xf32>
    %reduce_sum3A_1369 = arith.constant dense<0.000000e+00> : vector<2xf32>
    %reduce_sum3A_1370 = vector.multi_reduction <add>, %select_n3A_1368, %reduce_sum3A_1369 [1] : vector<2x128xf32> to vector<2xf32>
    %broadcast_in_dim3A_1371 = vector.shape_cast %reduce_sum3A_1370 : vector<2xf32> to vector<2x1xf32>
    %slice3A_1372 = vector.extract_strided_slice %broadcast_in_dim3A_1371 {offsets = [0, 0], sizes = [1, 1], strides = [1, 1]} : vector<2x1xf32> to vector<1x1xf32>
    %slice3A_1373 = vector.extract_strided_slice %broadcast_in_dim3A_1371 {offsets = [1, 0], sizes = [1, 1], strides = [1, 1]} : vector<2x1xf32> to vector<1x1xf32>
    %eq3A_1374 = arith.constant 0 : i32
    %eq3A_1375 = vector.broadcast %eq3A_1374 : i32 to vector<1x128xi32>
    %eq3A_1376 = arith.cmpi eq, %iota3A_0, %eq3A_1375 : vector<1x128xi32>
    %eq3A_1377 = arith.constant 1 : i32
    %eq3A_1378 = vector.broadcast %eq3A_1377 : i32 to vector<1x128xi32>
    %eq3A_1379 = arith.cmpi eq, %iota3A_0, %eq3A_1378 : vector<1x128xi32>
    %eq3A_1380 = arith.constant 2 : i32
    %eq3A_1381 = vector.broadcast %eq3A_1380 : i32 to vector<1x128xi32>
    %eq3A_1382 = arith.cmpi eq, %iota3A_0, %eq3A_1381 : vector<1x128xi32>
    %jit3A_1383 = arith.constant 0.000000e+00 : f32
    %broadcast_in_dim3A_1384 = vector.shape_cast %slice3A_1373 : vector<1x1xf32> to vector<1x1xf32>
    %broadcast_in_dim3A_1385 = vector.broadcast %broadcast_in_dim3A_1384 : vector<1x1xf32> to vector<1x128xf32>
    %broadcast_in_dim3A_1386 = vector.broadcast %jit3A_1383 : f32 to vector<1x128xf32>
    %select_n3A_1387 = arith.select %eq3A_1382, %broadcast_in_dim3A_1385, %broadcast_in_dim3A_1386 : vector<1x128xi1>, vector<1x128xf32>
    %broadcast_in_dim3A_1388 = vector.shape_cast %slice3A_1372 : vector<1x1xf32> to vector<1x1xf32>
    %broadcast_in_dim3A_1389 = vector.broadcast %broadcast_in_dim3A_1388 : vector<1x1xf32> to vector<1x128xf32>
    %select_n3A_1390 = arith.select %eq3A_1379, %broadcast_in_dim3A_1389, %select_n3A_1387 : vector<1x128xi1>, vector<1x128xf32>
    %broadcast_in_dim3A_1391 = vector.broadcast %reduce_min3A_1351 : f32 to vector<1x128xf32>
    %select_n3A_1392 = arith.select %eq3A_1376, %broadcast_in_dim3A_1391, %select_n3A_1390 : vector<1x128xi1>, vector<1x128xf32>
    %swap3A_1393 = arith.index_cast %get3A_1103 : i32 to index
    %swap3A_1394 = arith.constant 0 : index
    %swap3A_1395 = vector.load %arg47[%swap3A_1393, %swap3A_1394] : memref<1280x128xf32, #tpu.memory_space<vmem>>, vector<1x128xf32>
    tpu.vector_store %arg47[%swap3A_1393, %swap3A_1394], %select_n3A_1392 {strides = array<i32>} : memref<1280x128xf32, #tpu.memory_space<vmem>>, vector<1x128xf32>,
    %add3A_1396 = arith.constant 672 : i32
    %add3A_1397 = arith.addi %add3A_1396, %arg0 : i32
    %get3A_1398 = arith.index_cast %add3A_1397 : i32 to index
    %get3A_1399 = memref.load %arg2[%get3A_1398] : memref<1280xi32, #tpu.memory_space<smem>>
    %get3A_1400 = arith.index_cast %add3A_1397 : i32 to index
    %get3A_1401 = memref.load %arg3[%get3A_1400] : memref<1280xi32, #tpu.memory_space<smem>>
    %get3A_1402 = arith.index_cast %add3A_1397 : i32 to index
    %get3A_1403 = memref.load %arg4[%get3A_1402] : memref<1280xi32, #tpu.memory_space<smem>>
    %get3A_1404 = arith.index_cast %get3A_1401 : i32 to index
    %get3A_1405 = arith.constant 0 : index
    %get3A_1406 = vector.load %arg5[%get3A_1404, %get3A_1405] : memref<256x768xf32, #tpu.memory_space<vmem>>, vector<1x768xf32>
    %get3A_1407 = arith.constant 0 : index
    %get3A_1408 = arith.constant 0 : index
    %get3A_1409 = arith.constant 0 : index
    %get3A_1410 = vector.load %arg27[%get3A_1407, %get3A_1408, %get3A_1409] : memref<1x128x768xf32, #tpu.memory_space<vmem>>, vector<1x128x768xf32>
    %get3A_1411 = vector.shape_cast %get3A_1410 : vector<1x128x768xf32> to vector<128x768xf32>
    %sub3A_1412 = vector.broadcast %get3A_1406 : vector<1x768xf32> to vector<128x768xf32>
    %sub3A_1413 = arith.subf %get3A_1411, %sub3A_1412 : vector<128x768xf32>
    %mul3A_1414 = arith.mulf %sub3A_1413, %sub3A_1413 : vector<128x768xf32>
    %reduce_sum3A_1415 = arith.constant dense<0.000000e+00> : vector<128xf32>
    %reduce_sum3A_1416 = vector.multi_reduction <add>, %mul3A_1414, %reduce_sum3A_1415 [1] : vector<128x768xf32> to vector<128xf32>
    %broadcast_in_dim3A_1417 = vector.shape_cast %reduce_sum3A_1416 : vector<128xf32> to vector<128x1xf32>
    %get3A_1418 = arith.index_cast %get3A_1403 : i32 to index
    %get3A_1419 = arith.constant 0 : index
    %get3A_1420 = vector.load %arg46[%get3A_1418, %get3A_1419] : memref<2000x128xf32, #tpu.memory_space<vmem>>, vector<2x128xf32>
    %reduce_min3A_1421 = vector.shape_cast %broadcast_in_dim3A_1195 : vector<128x1xf32> to vector<1x128x1xf32>
    %reduce_min3A_1422 = arith.constant dense<0x7F800000> : vector<1xf32>
    %reduce_min3A_1423 = vector.multi_reduction <minimumf>, %reduce_min3A_1421, %reduce_min3A_1422 [1, 2] : vector<1x128x1xf32> to vector<1xf32>
    %reduce_min3A_1424 = vector.shape_cast %reduce_min3A_1423 : vector<1xf32> to vector<1x1x1xf32>
    %reduce_min3A_1425 = vector.extract %reduce_min3A_1424[0, 0, 0] : f32 from vector<1x1x1xf32>
    %eq3A_1426 = vector.broadcast %reduce_min3A_1425 : f32 to vector<128x1xf32>
    %eq3A_1427 = arith.cmpf oeq, %broadcast_in_dim3A_1195, %eq3A_1426 : vector<128x1xf32>
    %jit3A_1428 = arith.constant 128 : i32
    %broadcast_in_dim3A_1429 = vector.broadcast %jit3A_1428 : i32 to vector<128x1xi32>
    %select_n3A_1430 = arith.select %eq3A_1427, %iota3A, %broadcast_in_dim3A_1429 : vector<128x1xi1>, vector<128x1xi32>
    %reduce_min3A_1431 = vector.shape_cast %select_n3A_1430 : vector<128x1xi32> to vector<1x128x1xi32>
    %reduce_min3A_1432 = arith.constant dense<2147483647> : vector<1xi32>
    %reduce_min3A_1433 = vector.multi_reduction <minsi>, %reduce_min3A_1431, %reduce_min3A_1432 [1, 2] : vector<1x128x1xi32> to vector<1xi32>
    %reduce_min3A_1434 = vector.shape_cast %reduce_min3A_1433 : vector<1xi32> to vector<1x1x1xi32>
    %reduce_min3A_1435 = vector.extract %reduce_min3A_1434[0, 0, 0] : i32 from vector<1x1x1xi32>
    %eq3A_1436 = vector.broadcast %reduce_min3A_1435 : i32 to vector<1x128xi32>
    %eq3A_1437 = arith.cmpi eq, %iota3A_0, %eq3A_1436 : vector<1x128xi32>
    %jit3A_1438 = arith.constant 0.000000e+00 : f32
    %broadcast_in_dim3A_1439 = vector.shape_cast %eq3A_1437 : vector<1x128xi1> to vector<1x128xi1>
    %broadcast_in_dim3A_1440 = vector.broadcast %broadcast_in_dim3A_1439 : vector<1x128xi1> to vector<2x128xi1>
    %broadcast_in_dim3A_1441 = vector.broadcast %jit3A_1438 : f32 to vector<2x128xf32>
    %select_n3A_1442 = arith.select %broadcast_in_dim3A_1440, %get3A_1198, %broadcast_in_dim3A_1441 : vector<2x128xi1>, vector<2x128xf32>
    %reduce_sum3A_1443 = arith.constant dense<0.000000e+00> : vector<2xf32>
    %reduce_sum3A_1444 = vector.multi_reduction <add>, %select_n3A_1442, %reduce_sum3A_1443 [1] : vector<2x128xf32> to vector<2xf32>
    %broadcast_in_dim3A_1445 = vector.shape_cast %reduce_sum3A_1444 : vector<2xf32> to vector<2x1xf32>
    %slice3A_1446 = vector.extract_strided_slice %broadcast_in_dim3A_1445 {offsets = [0, 0], sizes = [1, 1], strides = [1, 1]} : vector<2x1xf32> to vector<1x1xf32>
    %slice3A_1447 = vector.extract_strided_slice %broadcast_in_dim3A_1445 {offsets = [1, 0], sizes = [1, 1], strides = [1, 1]} : vector<2x1xf32> to vector<1x1xf32>
    %eq3A_1448 = arith.constant 0 : i32
    %eq3A_1449 = vector.broadcast %eq3A_1448 : i32 to vector<1x128xi32>
    %eq3A_1450 = arith.cmpi eq, %iota3A_0, %eq3A_1449 : vector<1x128xi32>
    %eq3A_1451 = arith.constant 1 : i32
    %eq3A_1452 = vector.broadcast %eq3A_1451 : i32 to vector<1x128xi32>
    %eq3A_1453 = arith.cmpi eq, %iota3A_0, %eq3A_1452 : vector<1x128xi32>
    %eq3A_1454 = arith.constant 2 : i32
    %eq3A_1455 = vector.broadcast %eq3A_1454 : i32 to vector<1x128xi32>
    %eq3A_1456 = arith.cmpi eq, %iota3A_0, %eq3A_1455 : vector<1x128xi32>
    %jit3A_1457 = arith.constant 0.000000e+00 : f32
    %broadcast_in_dim3A_1458 = vector.shape_cast %slice3A_1447 : vector<1x1xf32> to vector<1x1xf32>
    %broadcast_in_dim3A_1459 = vector.broadcast %broadcast_in_dim3A_1458 : vector<1x1xf32> to vector<1x128xf32>
    %broadcast_in_dim3A_1460 = vector.broadcast %jit3A_1457 : f32 to vector<1x128xf32>
    %select_n3A_1461 = arith.select %eq3A_1456, %broadcast_in_dim3A_1459, %broadcast_in_dim3A_1460 : vector<1x128xi1>, vector<1x128xf32>
    %broadcast_in_dim3A_1462 = vector.shape_cast %slice3A_1446 : vector<1x1xf32> to vector<1x1xf32>
    %broadcast_in_dim3A_1463 = vector.broadcast %broadcast_in_dim3A_1462 : vector<1x1xf32> to vector<1x128xf32>
    %select_n3A_1464 = arith.select %eq3A_1453, %broadcast_in_dim3A_1463, %select_n3A_1461 : vector<1x128xi1>, vector<1x128xf32>
    %broadcast_in_dim3A_1465 = vector.broadcast %reduce_min3A_1425 : f32 to vector<1x128xf32>
    %select_n3A_1466 = arith.select %eq3A_1450, %broadcast_in_dim3A_1465, %select_n3A_1464 : vector<1x128xi1>, vector<1x128xf32>
    %swap3A_1467 = arith.index_cast %get3A_1177 : i32 to index
    %swap3A_1468 = arith.constant 0 : index
    %swap3A_1469 = vector.load %arg47[%swap3A_1467, %swap3A_1468] : memref<1280x128xf32, #tpu.memory_space<vmem>>, vector<1x128xf32>
    tpu.vector_store %arg47[%swap3A_1467, %swap3A_1468], %select_n3A_1466 {strides = array<i32>} : memref<1280x128xf32, #tpu.memory_space<vmem>>, vector<1x128xf32>,
    %add3A_1470 = arith.constant 704 : i32
    %add3A_1471 = arith.addi %add3A_1470, %arg0 : i32
    %get3A_1472 = arith.index_cast %add3A_1471 : i32 to index
    %get3A_1473 = memref.load %arg2[%get3A_1472] : memref<1280xi32, #tpu.memory_space<smem>>
    %get3A_1474 = arith.index_cast %add3A_1471 : i32 to index
    %get3A_1475 = memref.load %arg3[%get3A_1474] : memref<1280xi32, #tpu.memory_space<smem>>
    %get3A_1476 = arith.index_cast %add3A_1471 : i32 to index
    %get3A_1477 = memref.load %arg4[%get3A_1476] : memref<1280xi32, #tpu.memory_space<smem>>
    %get3A_1478 = arith.index_cast %get3A_1475 : i32 to index
    %get3A_1479 = arith.constant 0 : index
    %get3A_1480 = vector.load %arg5[%get3A_1478, %get3A_1479] : memref<256x768xf32, #tpu.memory_space<vmem>>, vector<1x768xf32>
    %get3A_1481 = arith.constant 0 : index
    %get3A_1482 = arith.constant 0 : index
    %get3A_1483 = arith.constant 0 : index
    %get3A_1484 = vector.load %arg28[%get3A_1481, %get3A_1482, %get3A_1483] : memref<1x128x768xf32, #tpu.memory_space<vmem>>, vector<1x128x768xf32>
    %get3A_1485 = vector.shape_cast %get3A_1484 : vector<1x128x768xf32> to vector<128x768xf32>
    %sub3A_1486 = vector.broadcast %get3A_1480 : vector<1x768xf32> to vector<128x768xf32>
    %sub3A_1487 = arith.subf %get3A_1485, %sub3A_1486 : vector<128x768xf32>
    %mul3A_1488 = arith.mulf %sub3A_1487, %sub3A_1487 : vector<128x768xf32>
    %reduce_sum3A_1489 = arith.constant dense<0.000000e+00> : vector<128xf32>
    %reduce_sum3A_1490 = vector.multi_reduction <add>, %mul3A_1488, %reduce_sum3A_1489 [1] : vector<128x768xf32> to vector<128xf32>
    %broadcast_in_dim3A_1491 = vector.shape_cast %reduce_sum3A_1490 : vector<128xf32> to vector<128x1xf32>
    %get3A_1492 = arith.index_cast %get3A_1477 : i32 to index
    %get3A_1493 = arith.constant 0 : index
    %get3A_1494 = vector.load %arg46[%get3A_1492, %get3A_1493] : memref<2000x128xf32, #tpu.memory_space<vmem>>, vector<2x128xf32>
    %reduce_min3A_1495 = vector.shape_cast %broadcast_in_dim3A_1269 : vector<128x1xf32> to vector<1x128x1xf32>
    %reduce_min3A_1496 = arith.constant dense<0x7F800000> : vector<1xf32>
    %reduce_min3A_1497 = vector.multi_reduction <minimumf>, %reduce_min3A_1495, %reduce_min3A_1496 [1, 2] : vector<1x128x1xf32> to vector<1xf32>
    %reduce_min3A_1498 = vector.shape_cast %reduce_min3A_1497 : vector<1xf32> to vector<1x1x1xf32>
    %reduce_min3A_1499 = vector.extract %reduce_min3A_1498[0, 0, 0] : f32 from vector<1x1x1xf32>
    %eq3A_1500 = vector.broadcast %reduce_min3A_1499 : f32 to vector<128x1xf32>
    %eq3A_1501 = arith.cmpf oeq, %broadcast_in_dim3A_1269, %eq3A_1500 : vector<128x1xf32>
    %jit3A_1502 = arith.constant 128 : i32
    %broadcast_in_dim3A_1503 = vector.broadcast %jit3A_1502 : i32 to vector<128x1xi32>
    %select_n3A_1504 = arith.select %eq3A_1501, %iota3A, %broadcast_in_dim3A_1503 : vector<128x1xi1>, vector<128x1xi32>
    %reduce_min3A_1505 = vector.shape_cast %select_n3A_1504 : vector<128x1xi32> to vector<1x128x1xi32>
    %reduce_min3A_1506 = arith.constant dense<2147483647> : vector<1xi32>
    %reduce_min3A_1507 = vector.multi_reduction <minsi>, %reduce_min3A_1505, %reduce_min3A_1506 [1, 2] : vector<1x128x1xi32> to vector<1xi32>
    %reduce_min3A_1508 = vector.shape_cast %reduce_min3A_1507 : vector<1xi32> to vector<1x1x1xi32>
    %reduce_min3A_1509 = vector.extract %reduce_min3A_1508[0, 0, 0] : i32 from vector<1x1x1xi32>
    %eq3A_1510 = vector.broadcast %reduce_min3A_1509 : i32 to vector<1x128xi32>
    %eq3A_1511 = arith.cmpi eq, %iota3A_0, %eq3A_1510 : vector<1x128xi32>
    %jit3A_1512 = arith.constant 0.000000e+00 : f32
    %broadcast_in_dim3A_1513 = vector.shape_cast %eq3A_1511 : vector<1x128xi1> to vector<1x128xi1>
    %broadcast_in_dim3A_1514 = vector.broadcast %broadcast_in_dim3A_1513 : vector<1x128xi1> to vector<2x128xi1>
    %broadcast_in_dim3A_1515 = vector.broadcast %jit3A_1512 : f32 to vector<2x128xf32>
    %select_n3A_1516 = arith.select %broadcast_in_dim3A_1514, %get3A_1272, %broadcast_in_dim3A_1515 : vector<2x128xi1>, vector<2x128xf32>
    %reduce_sum3A_1517 = arith.constant dense<0.000000e+00> : vector<2xf32>
    %reduce_sum3A_1518 = vector.multi_reduction <add>, %select_n3A_1516, %reduce_sum3A_1517 [1] : vector<2x128xf32> to vector<2xf32>
    %broadcast_in_dim3A_1519 = vector.shape_cast %reduce_sum3A_1518 : vector<2xf32> to vector<2x1xf32>
    %slice3A_1520 = vector.extract_strided_slice %broadcast_in_dim3A_1519 {offsets = [0, 0], sizes = [1, 1], strides = [1, 1]} : vector<2x1xf32> to vector<1x1xf32>
    %slice3A_1521 = vector.extract_strided_slice %broadcast_in_dim3A_1519 {offsets = [1, 0], sizes = [1, 1], strides = [1, 1]} : vector<2x1xf32> to vector<1x1xf32>
    %eq3A_1522 = arith.constant 0 : i32
    %eq3A_1523 = vector.broadcast %eq3A_1522 : i32 to vector<1x128xi32>
    %eq3A_1524 = arith.cmpi eq, %iota3A_0, %eq3A_1523 : vector<1x128xi32>
    %eq3A_1525 = arith.constant 1 : i32
    %eq3A_1526 = vector.broadcast %eq3A_1525 : i32 to vector<1x128xi32>
    %eq3A_1527 = arith.cmpi eq, %iota3A_0, %eq3A_1526 : vector<1x128xi32>
    %eq3A_1528 = arith.constant 2 : i32
    %eq3A_1529 = vector.broadcast %eq3A_1528 : i32 to vector<1x128xi32>
    %eq3A_1530 = arith.cmpi eq, %iota3A_0, %eq3A_1529 : vector<1x128xi32>
    %jit3A_1531 = arith.constant 0.000000e+00 : f32
    %broadcast_in_dim3A_1532 = vector.shape_cast %slice3A_1521 : vector<1x1xf32> to vector<1x1xf32>
    %broadcast_in_dim3A_1533 = vector.broadcast %broadcast_in_dim3A_1532 : vector<1x1xf32> to vector<1x128xf32>
    %broadcast_in_dim3A_1534 = vector.broadcast %jit3A_1531 : f32 to vector<1x128xf32>
    %select_n3A_1535 = arith.select %eq3A_1530, %broadcast_in_dim3A_1533, %broadcast_in_dim3A_1534 : vector<1x128xi1>, vector<1x128xf32>
    %broadcast_in_dim3A_1536 = vector.shape_cast %slice3A_1520 : vector<1x1xf32> to vector<1x1xf32>
    %broadcast_in_dim3A_1537 = vector.broadcast %broadcast_in_dim3A_1536 : vector<1x1xf32> to vector<1x128xf32>
    %select_n3A_1538 = arith.select %eq3A_1527, %broadcast_in_dim3A_1537, %select_n3A_1535 : vector<1x128xi1>, vector<1x128xf32>
    %broadcast_in_dim3A_1539 = vector.broadcast %reduce_min3A_1499 : f32 to vector<1x128xf32>
    %select_n3A_1540 = arith.select %eq3A_1524, %broadcast_in_dim3A_1539, %select_n3A_1538 : vector<1x128xi1>, vector<1x128xf32>
    %swap3A_1541 = arith.index_cast %get3A_1251 : i32 to index
    %swap3A_1542 = arith.constant 0 : index
    %swap3A_1543 = vector.load %arg47[%swap3A_1541, %swap3A_1542] : memref<1280x128xf32, #tpu.memory_space<vmem>>, vector<1x128xf32>
    tpu.vector_store %arg47[%swap3A_1541, %swap3A_1542], %select_n3A_1540 {strides = array<i32>} : memref<1280x128xf32, #tpu.memory_space<vmem>>, vector<1x128xf32>,
    %add3A_1544 = arith.constant 736 : i32
    %add3A_1545 = arith.addi %add3A_1544, %arg0 : i32
    %get3A_1546 = arith.index_cast %add3A_1545 : i32 to index
    %get3A_1547 = memref.load %arg2[%get3A_1546] : memref<1280xi32, #tpu.memory_space<smem>>
    %get3A_1548 = arith.index_cast %add3A_1545 : i32 to index
    %get3A_1549 = memref.load %arg3[%get3A_1548] : memref<1280xi32, #tpu.memory_space<smem>>
    %get3A_1550 = arith.index_cast %add3A_1545 : i32 to index
    %get3A_1551 = memref.load %arg4[%get3A_1550] : memref<1280xi32, #tpu.memory_space<smem>>
    %get3A_1552 = arith.index_cast %get3A_1549 : i32 to index
    %get3A_1553 = arith.constant 0 : index
    %get3A_1554 = vector.load %arg5[%get3A_1552, %get3A_1553] : memref<256x768xf32, #tpu.memory_space<vmem>>, vector<1x768xf32>
    %get3A_1555 = arith.constant 0 : index
    %get3A_1556 = arith.constant 0 : index
    %get3A_1557 = arith.constant 0 : index
    %get3A_1558 = vector.load %arg29[%get3A_1555, %get3A_1556, %get3A_1557] : memref<1x128x768xf32, #tpu.memory_space<vmem>>, vector<1x128x768xf32>
    %get3A_1559 = vector.shape_cast %get3A_1558 : vector<1x128x768xf32> to vector<128x768xf32>
    %sub3A_1560 = vector.broadcast %get3A_1554 : vector<1x768xf32> to vector<128x768xf32>
    %sub3A_1561 = arith.subf %get3A_1559, %sub3A_1560 : vector<128x768xf32>
    %mul3A_1562 = arith.mulf %sub3A_1561, %sub3A_1561 : vector<128x768xf32>
    %reduce_sum3A_1563 = arith.constant dense<0.000000e+00> : vector<128xf32>
    %reduce_sum3A_1564 = vector.multi_reduction <add>, %mul3A_1562, %reduce_sum3A_1563 [1] : vector<128x768xf32> to vector<128xf32>
    %broadcast_in_dim3A_1565 = vector.shape_cast %reduce_sum3A_1564 : vector<128xf32> to vector<128x1xf32>
    %get3A_1566 = arith.index_cast %get3A_1551 : i32 to index
    %get3A_1567 = arith.constant 0 : index
    %get3A_1568 = vector.load %arg46[%get3A_1566, %get3A_1567] : memref<2000x128xf32, #tpu.memory_space<vmem>>, vector<2x128xf32>
    %reduce_min3A_1569 = vector.shape_cast %broadcast_in_dim3A_1343 : vector<128x1xf32> to vector<1x128x1xf32>
    %reduce_min3A_1570 = arith.constant dense<0x7F800000> : vector<1xf32>
    %reduce_min3A_1571 = vector.multi_reduction <minimumf>, %reduce_min3A_1569, %reduce_min3A_1570 [1, 2] : vector<1x128x1xf32> to vector<1xf32>
    %reduce_min3A_1572 = vector.shape_cast %reduce_min3A_1571 : vector<1xf32> to vector<1x1x1xf32>
    %reduce_min3A_1573 = vector.extract %reduce_min3A_1572[0, 0, 0] : f32 from vector<1x1x1xf32>
    %eq3A_1574 = vector.broadcast %reduce_min3A_1573 : f32 to vector<128x1xf32>
    %eq3A_1575 = arith.cmpf oeq, %broadcast_in_dim3A_1343, %eq3A_1574 : vector<128x1xf32>
    %jit3A_1576 = arith.constant 128 : i32
    %broadcast_in_dim3A_1577 = vector.broadcast %jit3A_1576 : i32 to vector<128x1xi32>
    %select_n3A_1578 = arith.select %eq3A_1575, %iota3A, %broadcast_in_dim3A_1577 : vector<128x1xi1>, vector<128x1xi32>
    %reduce_min3A_1579 = vector.shape_cast %select_n3A_1578 : vector<128x1xi32> to vector<1x128x1xi32>
    %reduce_min3A_1580 = arith.constant dense<2147483647> : vector<1xi32>
    %reduce_min3A_1581 = vector.multi_reduction <minsi>, %reduce_min3A_1579, %reduce_min3A_1580 [1, 2] : vector<1x128x1xi32> to vector<1xi32>
    %reduce_min3A_1582 = vector.shape_cast %reduce_min3A_1581 : vector<1xi32> to vector<1x1x1xi32>
    %reduce_min3A_1583 = vector.extract %reduce_min3A_1582[0, 0, 0] : i32 from vector<1x1x1xi32>
    %eq3A_1584 = vector.broadcast %reduce_min3A_1583 : i32 to vector<1x128xi32>
    %eq3A_1585 = arith.cmpi eq, %iota3A_0, %eq3A_1584 : vector<1x128xi32>
    %jit3A_1586 = arith.constant 0.000000e+00 : f32
    %broadcast_in_dim3A_1587 = vector.shape_cast %eq3A_1585 : vector<1x128xi1> to vector<1x128xi1>
    %broadcast_in_dim3A_1588 = vector.broadcast %broadcast_in_dim3A_1587 : vector<1x128xi1> to vector<2x128xi1>
    %broadcast_in_dim3A_1589 = vector.broadcast %jit3A_1586 : f32 to vector<2x128xf32>
    %select_n3A_1590 = arith.select %broadcast_in_dim3A_1588, %get3A_1346, %broadcast_in_dim3A_1589 : vector<2x128xi1>, vector<2x128xf32>
    %reduce_sum3A_1591 = arith.constant dense<0.000000e+00> : vector<2xf32>
    %reduce_sum3A_1592 = vector.multi_reduction <add>, %select_n3A_1590, %reduce_sum3A_1591 [1] : vector<2x128xf32> to vector<2xf32>
    %broadcast_in_dim3A_1593 = vector.shape_cast %reduce_sum3A_1592 : vector<2xf32> to vector<2x1xf32>
    %slice3A_1594 = vector.extract_strided_slice %broadcast_in_dim3A_1593 {offsets = [0, 0], sizes = [1, 1], strides = [1, 1]} : vector<2x1xf32> to vector<1x1xf32>
    %slice3A_1595 = vector.extract_strided_slice %broadcast_in_dim3A_1593 {offsets = [1, 0], sizes = [1, 1], strides = [1, 1]} : vector<2x1xf32> to vector<1x1xf32>
    %eq3A_1596 = arith.constant 0 : i32
    %eq3A_1597 = vector.broadcast %eq3A_1596 : i32 to vector<1x128xi32>
    %eq3A_1598 = arith.cmpi eq, %iota3A_0, %eq3A_1597 : vector<1x128xi32>
    %eq3A_1599 = arith.constant 1 : i32
    %eq3A_1600 = vector.broadcast %eq3A_1599 : i32 to vector<1x128xi32>
    %eq3A_1601 = arith.cmpi eq, %iota3A_0, %eq3A_1600 : vector<1x128xi32>
    %eq3A_1602 = arith.constant 2 : i32
    %eq3A_1603 = vector.broadcast %eq3A_1602 : i32 to vector<1x128xi32>
    %eq3A_1604 = arith.cmpi eq, %iota3A_0, %eq3A_1603 : vector<1x128xi32>
    %jit3A_1605 = arith.constant 0.000000e+00 : f32
    %broadcast_in_dim3A_1606 = vector.shape_cast %slice3A_1595 : vector<1x1xf32> to vector<1x1xf32>
    %broadcast_in_dim3A_1607 = vector.broadcast %broadcast_in_dim3A_1606 : vector<1x1xf32> to vector<1x128xf32>
    %broadcast_in_dim3A_1608 = vector.broadcast %jit3A_1605 : f32 to vector<1x128xf32>
    %select_n3A_1609 = arith.select %eq3A_1604, %broadcast_in_dim3A_1607, %broadcast_in_dim3A_1608 : vector<1x128xi1>, vector<1x128xf32>
    %broadcast_in_dim3A_1610 = vector.shape_cast %slice3A_1594 : vector<1x1xf32> to vector<1x1xf32>
    %broadcast_in_dim3A_1611 = vector.broadcast %broadcast_in_dim3A_1610 : vector<1x1xf32> to vector<1x128xf32>
    %select_n3A_1612 = arith.select %eq3A_1601, %broadcast_in_dim3A_1611, %select_n3A_1609 : vector<1x128xi1>, vector<1x128xf32>
    %broadcast_in_dim3A_1613 = vector.broadcast %reduce_min3A_1573 : f32 to vector<1x128xf32>
    %select_n3A_1614 = arith.select %eq3A_1598, %broadcast_in_dim3A_1613, %select_n3A_1612 : vector<1x128xi1>, vector<1x128xf32>
    %swap3A_1615 = arith.index_cast %get3A_1325 : i32 to index
    %swap3A_1616 = arith.constant 0 : index
    %swap3A_1617 = vector.load %arg47[%swap3A_1615, %swap3A_1616] : memref<1280x128xf32, #tpu.memory_space<vmem>>, vector<1x128xf32>
    tpu.vector_store %arg47[%swap3A_1615, %swap3A_1616], %select_n3A_1614 {strides = array<i32>} : memref<1280x128xf32, #tpu.memory_space<vmem>>, vector<1x128xf32>,
    %add3A_1618 = arith.constant 768 : i32
    %add3A_1619 = arith.addi %add3A_1618, %arg0 : i32
    %get3A_1620 = arith.index_cast %add3A_1619 : i32 to index
    %get3A_1621 = memref.load %arg2[%get3A_1620] : memref<1280xi32, #tpu.memory_space<smem>>
    %get3A_1622 = arith.index_cast %add3A_1619 : i32 to index
    %get3A_1623 = memref.load %arg3[%get3A_1622] : memref<1280xi32, #tpu.memory_space<smem>>
    %get3A_1624 = arith.index_cast %add3A_1619 : i32 to index
    %get3A_1625 = memref.load %arg4[%get3A_1624] : memref<1280xi32, #tpu.memory_space<smem>>
    %get3A_1626 = arith.index_cast %get3A_1623 : i32 to index
    %get3A_1627 = arith.constant 0 : index
    %get3A_1628 = vector.load %arg5[%get3A_1626, %get3A_1627] : memref<256x768xf32, #tpu.memory_space<vmem>>, vector<1x768xf32>
    %get3A_1629 = arith.constant 0 : index
    %get3A_1630 = arith.constant 0 : index
    %get3A_1631 = arith.constant 0 : index
    %get3A_1632 = vector.load %arg30[%get3A_1629, %get3A_1630, %get3A_1631] : memref<1x128x768xf32, #tpu.memory_space<vmem>>, vector<1x128x768xf32>
    %get3A_1633 = vector.shape_cast %get3A_1632 : vector<1x128x768xf32> to vector<128x768xf32>
    %sub3A_1634 = vector.broadcast %get3A_1628 : vector<1x768xf32> to vector<128x768xf32>
    %sub3A_1635 = arith.subf %get3A_1633, %sub3A_1634 : vector<128x768xf32>
    %mul3A_1636 = arith.mulf %sub3A_1635, %sub3A_1635 : vector<128x768xf32>
    %reduce_sum3A_1637 = arith.constant dense<0.000000e+00> : vector<128xf32>
    %reduce_sum3A_1638 = vector.multi_reduction <add>, %mul3A_1636, %reduce_sum3A_1637 [1] : vector<128x768xf32> to vector<128xf32>
    %broadcast_in_dim3A_1639 = vector.shape_cast %reduce_sum3A_1638 : vector<128xf32> to vector<128x1xf32>
    %get3A_1640 = arith.index_cast %get3A_1625 : i32 to index
    %get3A_1641 = arith.constant 0 : index
    %get3A_1642 = vector.load %arg46[%get3A_1640, %get3A_1641] : memref<2000x128xf32, #tpu.memory_space<vmem>>, vector<2x128xf32>
    %reduce_min3A_1643 = vector.shape_cast %broadcast_in_dim3A_1417 : vector<128x1xf32> to vector<1x128x1xf32>
    %reduce_min3A_1644 = arith.constant dense<0x7F800000> : vector<1xf32>
    %reduce_min3A_1645 = vector.multi_reduction <minimumf>, %reduce_min3A_1643, %reduce_min3A_1644 [1, 2] : vector<1x128x1xf32> to vector<1xf32>
    %reduce_min3A_1646 = vector.shape_cast %reduce_min3A_1645 : vector<1xf32> to vector<1x1x1xf32>
    %reduce_min3A_1647 = vector.extract %reduce_min3A_1646[0, 0, 0] : f32 from vector<1x1x1xf32>
    %eq3A_1648 = vector.broadcast %reduce_min3A_1647 : f32 to vector<128x1xf32>
    %eq3A_1649 = arith.cmpf oeq, %broadcast_in_dim3A_1417, %eq3A_1648 : vector<128x1xf32>
    %jit3A_1650 = arith.constant 128 : i32
    %broadcast_in_dim3A_1651 = vector.broadcast %jit3A_1650 : i32 to vector<128x1xi32>
    %select_n3A_1652 = arith.select %eq3A_1649, %iota3A, %broadcast_in_dim3A_1651 : vector<128x1xi1>, vector<128x1xi32>
    %reduce_min3A_1653 = vector.shape_cast %select_n3A_1652 : vector<128x1xi32> to vector<1x128x1xi32>
    %reduce_min3A_1654 = arith.constant dense<2147483647> : vector<1xi32>
    %reduce_min3A_1655 = vector.multi_reduction <minsi>, %reduce_min3A_1653, %reduce_min3A_1654 [1, 2] : vector<1x128x1xi32> to vector<1xi32>
    %reduce_min3A_1656 = vector.shape_cast %reduce_min3A_1655 : vector<1xi32> to vector<1x1x1xi32>
    %reduce_min3A_1657 = vector.extract %reduce_min3A_1656[0, 0, 0] : i32 from vector<1x1x1xi32>
    %eq3A_1658 = vector.broadcast %reduce_min3A_1657 : i32 to vector<1x128xi32>
    %eq3A_1659 = arith.cmpi eq, %iota3A_0, %eq3A_1658 : vector<1x128xi32>
    %jit3A_1660 = arith.constant 0.000000e+00 : f32
    %broadcast_in_dim3A_1661 = vector.shape_cast %eq3A_1659 : vector<1x128xi1> to vector<1x128xi1>
    %broadcast_in_dim3A_1662 = vector.broadcast %broadcast_in_dim3A_1661 : vector<1x128xi1> to vector<2x128xi1>
    %broadcast_in_dim3A_1663 = vector.broadcast %jit3A_1660 : f32 to vector<2x128xf32>
    %select_n3A_1664 = arith.select %broadcast_in_dim3A_1662, %get3A_1420, %broadcast_in_dim3A_1663 : vector<2x128xi1>, vector<2x128xf32>
    %reduce_sum3A_1665 = arith.constant dense<0.000000e+00> : vector<2xf32>
    %reduce_sum3A_1666 = vector.multi_reduction <add>, %select_n3A_1664, %reduce_sum3A_1665 [1] : vector<2x128xf32> to vector<2xf32>
    %broadcast_in_dim3A_1667 = vector.shape_cast %reduce_sum3A_1666 : vector<2xf32> to vector<2x1xf32>
    %slice3A_1668 = vector.extract_strided_slice %broadcast_in_dim3A_1667 {offsets = [0, 0], sizes = [1, 1], strides = [1, 1]} : vector<2x1xf32> to vector<1x1xf32>
    %slice3A_1669 = vector.extract_strided_slice %broadcast_in_dim3A_1667 {offsets = [1, 0], sizes = [1, 1], strides = [1, 1]} : vector<2x1xf32> to vector<1x1xf32>
    %eq3A_1670 = arith.constant 0 : i32
    %eq3A_1671 = vector.broadcast %eq3A_1670 : i32 to vector<1x128xi32>
    %eq3A_1672 = arith.cmpi eq, %iota3A_0, %eq3A_1671 : vector<1x128xi32>
    %eq3A_1673 = arith.constant 1 : i32
    %eq3A_1674 = vector.broadcast %eq3A_1673 : i32 to vector<1x128xi32>
    %eq3A_1675 = arith.cmpi eq, %iota3A_0, %eq3A_1674 : vector<1x128xi32>
    %eq3A_1676 = arith.constant 2 : i32
    %eq3A_1677 = vector.broadcast %eq3A_1676 : i32 to vector<1x128xi32>
    %eq3A_1678 = arith.cmpi eq, %iota3A_0, %eq3A_1677 : vector<1x128xi32>
    %jit3A_1679 = arith.constant 0.000000e+00 : f32
    %broadcast_in_dim3A_1680 = vector.shape_cast %slice3A_1669 : vector<1x1xf32> to vector<1x1xf32>
    %broadcast_in_dim3A_1681 = vector.broadcast %broadcast_in_dim3A_1680 : vector<1x1xf32> to vector<1x128xf32>
    %broadcast_in_dim3A_1682 = vector.broadcast %jit3A_1679 : f32 to vector<1x128xf32>
    %select_n3A_1683 = arith.select %eq3A_1678, %broadcast_in_dim3A_1681, %broadcast_in_dim3A_1682 : vector<1x128xi1>, vector<1x128xf32>
    %broadcast_in_dim3A_1684 = vector.shape_cast %slice3A_1668 : vector<1x1xf32> to vector<1x1xf32>
    %broadcast_in_dim3A_1685 = vector.broadcast %broadcast_in_dim3A_1684 : vector<1x1xf32> to vector<1x128xf32>
    %select_n3A_1686 = arith.select %eq3A_1675, %broadcast_in_dim3A_1685, %select_n3A_1683 : vector<1x128xi1>, vector<1x128xf32>
    %broadcast_in_dim3A_1687 = vector.broadcast %reduce_min3A_1647 : f32 to vector<1x128xf32>
    %select_n3A_1688 = arith.select %eq3A_1672, %broadcast_in_dim3A_1687, %select_n3A_1686 : vector<1x128xi1>, vector<1x128xf32>
    %swap3A_1689 = arith.index_cast %get3A_1399 : i32 to index
    %swap3A_1690 = arith.constant 0 : index
    %swap3A_1691 = vector.load %arg47[%swap3A_1689, %swap3A_1690] : memref<1280x128xf32, #tpu.memory_space<vmem>>, vector<1x128xf32>
    tpu.vector_store %arg47[%swap3A_1689, %swap3A_1690], %select_n3A_1688 {strides = array<i32>} : memref<1280x128xf32, #tpu.memory_space<vmem>>, vector<1x128xf32>,
    %add3A_1692 = arith.constant 800 : i32
    %add3A_1693 = arith.addi %add3A_1692, %arg0 : i32
    %get3A_1694 = arith.index_cast %add3A_1693 : i32 to index
    %get3A_1695 = memref.load %arg2[%get3A_1694] : memref<1280xi32, #tpu.memory_space<smem>>
    %get3A_1696 = arith.index_cast %add3A_1693 : i32 to index
    %get3A_1697 = memref.load %arg3[%get3A_1696] : memref<1280xi32, #tpu.memory_space<smem>>
    %get3A_1698 = arith.index_cast %add3A_1693 : i32 to index
    %get3A_1699 = memref.load %arg4[%get3A_1698] : memref<1280xi32, #tpu.memory_space<smem>>
    %get3A_1700 = arith.index_cast %get3A_1697 : i32 to index
    %get3A_1701 = arith.constant 0 : index
    %get3A_1702 = vector.load %arg5[%get3A_1700, %get3A_1701] : memref<256x768xf32, #tpu.memory_space<vmem>>, vector<1x768xf32>
    %get3A_1703 = arith.constant 0 : index
    %get3A_1704 = arith.constant 0 : index
    %get3A_1705 = arith.constant 0 : index
    %get3A_1706 = vector.load %arg31[%get3A_1703, %get3A_1704, %get3A_1705] : memref<1x128x768xf32, #tpu.memory_space<vmem>>, vector<1x128x768xf32>
    %get3A_1707 = vector.shape_cast %get3A_1706 : vector<1x128x768xf32> to vector<128x768xf32>
    %sub3A_1708 = vector.broadcast %get3A_1702 : vector<1x768xf32> to vector<128x768xf32>
    %sub3A_1709 = arith.subf %get3A_1707, %sub3A_1708 : vector<128x768xf32>
    %mul3A_1710 = arith.mulf %sub3A_1709, %sub3A_1709 : vector<128x768xf32>
    %reduce_sum3A_1711 = arith.constant dense<0.000000e+00> : vector<128xf32>
    %reduce_sum3A_1712 = vector.multi_reduction <add>, %mul3A_1710, %reduce_sum3A_1711 [1] : vector<128x768xf32> to vector<128xf32>
    %broadcast_in_dim3A_1713 = vector.shape_cast %reduce_sum3A_1712 : vector<128xf32> to vector<128x1xf32>
    %get3A_1714 = arith.index_cast %get3A_1699 : i32 to index
    %get3A_1715 = arith.constant 0 : index
    %get3A_1716 = vector.load %arg46[%get3A_1714, %get3A_1715] : memref<2000x128xf32, #tpu.memory_space<vmem>>, vector<2x128xf32>
    %reduce_min3A_1717 = vector.shape_cast %broadcast_in_dim3A_1491 : vector<128x1xf32> to vector<1x128x1xf32>
    %reduce_min3A_1718 = arith.constant dense<0x7F800000> : vector<1xf32>
    %reduce_min3A_1719 = vector.multi_reduction <minimumf>, %reduce_min3A_1717, %reduce_min3A_1718 [1, 2] : vector<1x128x1xf32> to vector<1xf32>
    %reduce_min3A_1720 = vector.shape_cast %reduce_min3A_1719 : vector<1xf32> to vector<1x1x1xf32>
    %reduce_min3A_1721 = vector.extract %reduce_min3A_1720[0, 0, 0] : f32 from vector<1x1x1xf32>
    %eq3A_1722 = vector.broadcast %reduce_min3A_1721 : f32 to vector<128x1xf32>
    %eq3A_1723 = arith.cmpf oeq, %broadcast_in_dim3A_1491, %eq3A_1722 : vector<128x1xf32>
    %jit3A_1724 = arith.constant 128 : i32
    %broadcast_in_dim3A_1725 = vector.broadcast %jit3A_1724 : i32 to vector<128x1xi32>
    %select_n3A_1726 = arith.select %eq3A_1723, %iota3A, %broadcast_in_dim3A_1725 : vector<128x1xi1>, vector<128x1xi32>
    %reduce_min3A_1727 = vector.shape_cast %select_n3A_1726 : vector<128x1xi32> to vector<1x128x1xi32>
    %reduce_min3A_1728 = arith.constant dense<2147483647> : vector<1xi32>
    %reduce_min3A_1729 = vector.multi_reduction <minsi>, %reduce_min3A_1727, %reduce_min3A_1728 [1, 2] : vector<1x128x1xi32> to vector<1xi32>
    %reduce_min3A_1730 = vector.shape_cast %reduce_min3A_1729 : vector<1xi32> to vector<1x1x1xi32>
    %reduce_min3A_1731 = vector.extract %reduce_min3A_1730[0, 0, 0] : i32 from vector<1x1x1xi32>
    %eq3A_1732 = vector.broadcast %reduce_min3A_1731 : i32 to vector<1x128xi32>
    %eq3A_1733 = arith.cmpi eq, %iota3A_0, %eq3A_1732 : vector<1x128xi32>
    %jit3A_1734 = arith.constant 0.000000e+00 : f32
    %broadcast_in_dim3A_1735 = vector.shape_cast %eq3A_1733 : vector<1x128xi1> to vector<1x128xi1>
    %broadcast_in_dim3A_1736 = vector.broadcast %broadcast_in_dim3A_1735 : vector<1x128xi1> to vector<2x128xi1>
    %broadcast_in_dim3A_1737 = vector.broadcast %jit3A_1734 : f32 to vector<2x128xf32>
    %select_n3A_1738 = arith.select %broadcast_in_dim3A_1736, %get3A_1494, %broadcast_in_dim3A_1737 : vector<2x128xi1>, vector<2x128xf32>
    %reduce_sum3A_1739 = arith.constant dense<0.000000e+00> : vector<2xf32>
    %reduce_sum3A_1740 = vector.multi_reduction <add>, %select_n3A_1738, %reduce_sum3A_1739 [1] : vector<2x128xf32> to vector<2xf32>
    %broadcast_in_dim3A_1741 = vector.shape_cast %reduce_sum3A_1740 : vector<2xf32> to vector<2x1xf32>
    %slice3A_1742 = vector.extract_strided_slice %broadcast_in_dim3A_1741 {offsets = [0, 0], sizes = [1, 1], strides = [1, 1]} : vector<2x1xf32> to vector<1x1xf32>
    %slice3A_1743 = vector.extract_strided_slice %broadcast_in_dim3A_1741 {offsets = [1, 0], sizes = [1, 1], strides = [1, 1]} : vector<2x1xf32> to vector<1x1xf32>
    %eq3A_1744 = arith.constant 0 : i32
    %eq3A_1745 = vector.broadcast %eq3A_1744 : i32 to vector<1x128xi32>
    %eq3A_1746 = arith.cmpi eq, %iota3A_0, %eq3A_1745 : vector<1x128xi32>
    %eq3A_1747 = arith.constant 1 : i32
    %eq3A_1748 = vector.broadcast %eq3A_1747 : i32 to vector<1x128xi32>
    %eq3A_1749 = arith.cmpi eq, %iota3A_0, %eq3A_1748 : vector<1x128xi32>
    %eq3A_1750 = arith.constant 2 : i32
    %eq3A_1751 = vector.broadcast %eq3A_1750 : i32 to vector<1x128xi32>
    %eq3A_1752 = arith.cmpi eq, %iota3A_0, %eq3A_1751 : vector<1x128xi32>
    %jit3A_1753 = arith.constant 0.000000e+00 : f32
    %broadcast_in_dim3A_1754 = vector.shape_cast %slice3A_1743 : vector<1x1xf32> to vector<1x1xf32>
    %broadcast_in_dim3A_1755 = vector.broadcast %broadcast_in_dim3A_1754 : vector<1x1xf32> to vector<1x128xf32>
    %broadcast_in_dim3A_1756 = vector.broadcast %jit3A_1753 : f32 to vector<1x128xf32>
    %select_n3A_1757 = arith.select %eq3A_1752, %broadcast_in_dim3A_1755, %broadcast_in_dim3A_1756 : vector<1x128xi1>, vector<1x128xf32>
    %broadcast_in_dim3A_1758 = vector.shape_cast %slice3A_1742 : vector<1x1xf32> to vector<1x1xf32>
    %broadcast_in_dim3A_1759 = vector.broadcast %broadcast_in_dim3A_1758 : vector<1x1xf32> to vector<1x128xf32>
    %select_n3A_1760 = arith.select %eq3A_1749, %broadcast_in_dim3A_1759, %select_n3A_1757 : vector<1x128xi1>, vector<1x128xf32>
    %broadcast_in_dim3A_1761 = vector.broadcast %reduce_min3A_1721 : f32 to vector<1x128xf32>
    %select_n3A_1762 = arith.select %eq3A_1746, %broadcast_in_dim3A_1761, %select_n3A_1760 : vector<1x128xi1>, vector<1x128xf32>
    %swap3A_1763 = arith.index_cast %get3A_1473 : i32 to index
    %swap3A_1764 = arith.constant 0 : index
    %swap3A_1765 = vector.load %arg47[%swap3A_1763, %swap3A_1764] : memref<1280x128xf32, #tpu.memory_space<vmem>>, vector<1x128xf32>
    tpu.vector_store %arg47[%swap3A_1763, %swap3A_1764], %select_n3A_1762 {strides = array<i32>} : memref<1280x128xf32, #tpu.memory_space<vmem>>, vector<1x128xf32>,
    %add3A_1766 = arith.constant 832 : i32
    %add3A_1767 = arith.addi %add3A_1766, %arg0 : i32
    %get3A_1768 = arith.index_cast %add3A_1767 : i32 to index
    %get3A_1769 = memref.load %arg2[%get3A_1768] : memref<1280xi32, #tpu.memory_space<smem>>
    %get3A_1770 = arith.index_cast %add3A_1767 : i32 to index
    %get3A_1771 = memref.load %arg3[%get3A_1770] : memref<1280xi32, #tpu.memory_space<smem>>
    %get3A_1772 = arith.index_cast %add3A_1767 : i32 to index
    %get3A_1773 = memref.load %arg4[%get3A_1772] : memref<1280xi32, #tpu.memory_space<smem>>
    %get3A_1774 = arith.index_cast %get3A_1771 : i32 to index
    %get3A_1775 = arith.constant 0 : index
    %get3A_1776 = vector.load %arg5[%get3A_1774, %get3A_1775] : memref<256x768xf32, #tpu.memory_space<vmem>>, vector<1x768xf32>
    %get3A_1777 = arith.constant 0 : index
    %get3A_1778 = arith.constant 0 : index
    %get3A_1779 = arith.constant 0 : index
    %get3A_1780 = vector.load %arg32[%get3A_1777, %get3A_1778, %get3A_1779] : memref<1x128x768xf32, #tpu.memory_space<vmem>>, vector<1x128x768xf32>
    %get3A_1781 = vector.shape_cast %get3A_1780 : vector<1x128x768xf32> to vector<128x768xf32>
    %sub3A_1782 = vector.broadcast %get3A_1776 : vector<1x768xf32> to vector<128x768xf32>
    %sub3A_1783 = arith.subf %get3A_1781, %sub3A_1782 : vector<128x768xf32>
    %mul3A_1784 = arith.mulf %sub3A_1783, %sub3A_1783 : vector<128x768xf32>
    %reduce_sum3A_1785 = arith.constant dense<0.000000e+00> : vector<128xf32>
    %reduce_sum3A_1786 = vector.multi_reduction <add>, %mul3A_1784, %reduce_sum3A_1785 [1] : vector<128x768xf32> to vector<128xf32>
    %broadcast_in_dim3A_1787 = vector.shape_cast %reduce_sum3A_1786 : vector<128xf32> to vector<128x1xf32>
    %get3A_1788 = arith.index_cast %get3A_1773 : i32 to index
    %get3A_1789 = arith.constant 0 : index
    %get3A_1790 = vector.load %arg46[%get3A_1788, %get3A_1789] : memref<2000x128xf32, #tpu.memory_space<vmem>>, vector<2x128xf32>
    %reduce_min3A_1791 = vector.shape_cast %broadcast_in_dim3A_1565 : vector<128x1xf32> to vector<1x128x1xf32>
    %reduce_min3A_1792 = arith.constant dense<0x7F800000> : vector<1xf32>
    %reduce_min3A_1793 = vector.multi_reduction <minimumf>, %reduce_min3A_1791, %reduce_min3A_1792 [1, 2] : vector<1x128x1xf32> to vector<1xf32>
    %reduce_min3A_1794 = vector.shape_cast %reduce_min3A_1793 : vector<1xf32> to vector<1x1x1xf32>
    %reduce_min3A_1795 = vector.extract %reduce_min3A_1794[0, 0, 0] : f32 from vector<1x1x1xf32>
    %eq3A_1796 = vector.broadcast %reduce_min3A_1795 : f32 to vector<128x1xf32>
    %eq3A_1797 = arith.cmpf oeq, %broadcast_in_dim3A_1565, %eq3A_1796 : vector<128x1xf32>
    %jit3A_1798 = arith.constant 128 : i32
    %broadcast_in_dim3A_1799 = vector.broadcast %jit3A_1798 : i32 to vector<128x1xi32>
    %select_n3A_1800 = arith.select %eq3A_1797, %iota3A, %broadcast_in_dim3A_1799 : vector<128x1xi1>, vector<128x1xi32>
    %reduce_min3A_1801 = vector.shape_cast %select_n3A_1800 : vector<128x1xi32> to vector<1x128x1xi32>
    %reduce_min3A_1802 = arith.constant dense<2147483647> : vector<1xi32>
    %reduce_min3A_1803 = vector.multi_reduction <minsi>, %reduce_min3A_1801, %reduce_min3A_1802 [1, 2] : vector<1x128x1xi32> to vector<1xi32>
    %reduce_min3A_1804 = vector.shape_cast %reduce_min3A_1803 : vector<1xi32> to vector<1x1x1xi32>
    %reduce_min3A_1805 = vector.extract %reduce_min3A_1804[0, 0, 0] : i32 from vector<1x1x1xi32>
    %eq3A_1806 = vector.broadcast %reduce_min3A_1805 : i32 to vector<1x128xi32>
    %eq3A_1807 = arith.cmpi eq, %iota3A_0, %eq3A_1806 : vector<1x128xi32>
    %jit3A_1808 = arith.constant 0.000000e+00 : f32
    %broadcast_in_dim3A_1809 = vector.shape_cast %eq3A_1807 : vector<1x128xi1> to vector<1x128xi1>
    %broadcast_in_dim3A_1810 = vector.broadcast %broadcast_in_dim3A_1809 : vector<1x128xi1> to vector<2x128xi1>
    %broadcast_in_dim3A_1811 = vector.broadcast %jit3A_1808 : f32 to vector<2x128xf32>
    %select_n3A_1812 = arith.select %broadcast_in_dim3A_1810, %get3A_1568, %broadcast_in_dim3A_1811 : vector<2x128xi1>, vector<2x128xf32>
    %reduce_sum3A_1813 = arith.constant dense<0.000000e+00> : vector<2xf32>
    %reduce_sum3A_1814 = vector.multi_reduction <add>, %select_n3A_1812, %reduce_sum3A_1813 [1] : vector<2x128xf32> to vector<2xf32>
    %broadcast_in_dim3A_1815 = vector.shape_cast %reduce_sum3A_1814 : vector<2xf32> to vector<2x1xf32>
    %slice3A_1816 = vector.extract_strided_slice %broadcast_in_dim3A_1815 {offsets = [0, 0], sizes = [1, 1], strides = [1, 1]} : vector<2x1xf32> to vector<1x1xf32>
    %slice3A_1817 = vector.extract_strided_slice %broadcast_in_dim3A_1815 {offsets = [1, 0], sizes = [1, 1], strides = [1, 1]} : vector<2x1xf32> to vector<1x1xf32>
    %eq3A_1818 = arith.constant 0 : i32
    %eq3A_1819 = vector.broadcast %eq3A_1818 : i32 to vector<1x128xi32>
    %eq3A_1820 = arith.cmpi eq, %iota3A_0, %eq3A_1819 : vector<1x128xi32>
    %eq3A_1821 = arith.constant 1 : i32
    %eq3A_1822 = vector.broadcast %eq3A_1821 : i32 to vector<1x128xi32>
    %eq3A_1823 = arith.cmpi eq, %iota3A_0, %eq3A_1822 : vector<1x128xi32>
    %eq3A_1824 = arith.constant 2 : i32
    %eq3A_1825 = vector.broadcast %eq3A_1824 : i32 to vector<1x128xi32>
    %eq3A_1826 = arith.cmpi eq, %iota3A_0, %eq3A_1825 : vector<1x128xi32>
    %jit3A_1827 = arith.constant 0.000000e+00 : f32
    %broadcast_in_dim3A_1828 = vector.shape_cast %slice3A_1817 : vector<1x1xf32> to vector<1x1xf32>
    %broadcast_in_dim3A_1829 = vector.broadcast %broadcast_in_dim3A_1828 : vector<1x1xf32> to vector<1x128xf32>
    %broadcast_in_dim3A_1830 = vector.broadcast %jit3A_1827 : f32 to vector<1x128xf32>
    %select_n3A_1831 = arith.select %eq3A_1826, %broadcast_in_dim3A_1829, %broadcast_in_dim3A_1830 : vector<1x128xi1>, vector<1x128xf32>
    %broadcast_in_dim3A_1832 = vector.shape_cast %slice3A_1816 : vector<1x1xf32> to vector<1x1xf32>
    %broadcast_in_dim3A_1833 = vector.broadcast %broadcast_in_dim3A_1832 : vector<1x1xf32> to vector<1x128xf32>
    %select_n3A_1834 = arith.select %eq3A_1823, %broadcast_in_dim3A_1833, %select_n3A_1831 : vector<1x128xi1>, vector<1x128xf32>
    %broadcast_in_dim3A_1835 = vector.broadcast %reduce_min3A_1795 : f32 to vector<1x128xf32>
    %select_n3A_1836 = arith.select %eq3A_1820, %broadcast_in_dim3A_1835, %select_n3A_1834 : vector<1x128xi1>, vector<1x128xf32>
    %swap3A_1837 = arith.index_cast %get3A_1547 : i32 to index
    %swap3A_1838 = arith.constant 0 : index
    %swap3A_1839 = vector.load %arg47[%swap3A_1837, %swap3A_1838] : memref<1280x128xf32, #tpu.memory_space<vmem>>, vector<1x128xf32>
    tpu.vector_store %arg47[%swap3A_1837, %swap3A_1838], %select_n3A_1836 {strides = array<i32>} : memref<1280x128xf32, #tpu.memory_space<vmem>>, vector<1x128xf32>,
    %add3A_1840 = arith.constant 864 : i32
    %add3A_1841 = arith.addi %add3A_1840, %arg0 : i32
    %get3A_1842 = arith.index_cast %add3A_1841 : i32 to index
    %get3A_1843 = memref.load %arg2[%get3A_1842] : memref<1280xi32, #tpu.memory_space<smem>>
    %get3A_1844 = arith.index_cast %add3A_1841 : i32 to index
    %get3A_1845 = memref.load %arg3[%get3A_1844] : memref<1280xi32, #tpu.memory_space<smem>>
    %get3A_1846 = arith.index_cast %add3A_1841 : i32 to index
    %get3A_1847 = memref.load %arg4[%get3A_1846] : memref<1280xi32, #tpu.memory_space<smem>>
    %get3A_1848 = arith.index_cast %get3A_1845 : i32 to index
    %get3A_1849 = arith.constant 0 : index
    %get3A_1850 = vector.load %arg5[%get3A_1848, %get3A_1849] : memref<256x768xf32, #tpu.memory_space<vmem>>, vector<1x768xf32>
    %get3A_1851 = arith.constant 0 : index
    %get3A_1852 = arith.constant 0 : index
    %get3A_1853 = arith.constant 0 : index
    %get3A_1854 = vector.load %arg33[%get3A_1851, %get3A_1852, %get3A_1853] : memref<1x128x768xf32, #tpu.memory_space<vmem>>, vector<1x128x768xf32>
    %get3A_1855 = vector.shape_cast %get3A_1854 : vector<1x128x768xf32> to vector<128x768xf32>
    %sub3A_1856 = vector.broadcast %get3A_1850 : vector<1x768xf32> to vector<128x768xf32>
    %sub3A_1857 = arith.subf %get3A_1855, %sub3A_1856 : vector<128x768xf32>
    %mul3A_1858 = arith.mulf %sub3A_1857, %sub3A_1857 : vector<128x768xf32>
    %reduce_sum3A_1859 = arith.constant dense<0.000000e+00> : vector<128xf32>
    %reduce_sum3A_1860 = vector.multi_reduction <add>, %mul3A_1858, %reduce_sum3A_1859 [1] : vector<128x768xf32> to vector<128xf32>
    %broadcast_in_dim3A_1861 = vector.shape_cast %reduce_sum3A_1860 : vector<128xf32> to vector<128x1xf32>
    %get3A_1862 = arith.index_cast %get3A_1847 : i32 to index
    %get3A_1863 = arith.constant 0 : index
    %get3A_1864 = vector.load %arg46[%get3A_1862, %get3A_1863] : memref<2000x128xf32, #tpu.memory_space<vmem>>, vector<2x128xf32>
    %reduce_min3A_1865 = vector.shape_cast %broadcast_in_dim3A_1639 : vector<128x1xf32> to vector<1x128x1xf32>
    %reduce_min3A_1866 = arith.constant dense<0x7F800000> : vector<1xf32>
    %reduce_min3A_1867 = vector.multi_reduction <minimumf>, %reduce_min3A_1865, %reduce_min3A_1866 [1, 2] : vector<1x128x1xf32> to vector<1xf32>
    %reduce_min3A_1868 = vector.shape_cast %reduce_min3A_1867 : vector<1xf32> to vector<1x1x1xf32>
    %reduce_min3A_1869 = vector.extract %reduce_min3A_1868[0, 0, 0] : f32 from vector<1x1x1xf32>
    %eq3A_1870 = vector.broadcast %reduce_min3A_1869 : f32 to vector<128x1xf32>
    %eq3A_1871 = arith.cmpf oeq, %broadcast_in_dim3A_1639, %eq3A_1870 : vector<128x1xf32>
    %jit3A_1872 = arith.constant 128 : i32
    %broadcast_in_dim3A_1873 = vector.broadcast %jit3A_1872 : i32 to vector<128x1xi32>
    %select_n3A_1874 = arith.select %eq3A_1871, %iota3A, %broadcast_in_dim3A_1873 : vector<128x1xi1>, vector<128x1xi32>
    %reduce_min3A_1875 = vector.shape_cast %select_n3A_1874 : vector<128x1xi32> to vector<1x128x1xi32>
    %reduce_min3A_1876 = arith.constant dense<2147483647> : vector<1xi32>
    %reduce_min3A_1877 = vector.multi_reduction <minsi>, %reduce_min3A_1875, %reduce_min3A_1876 [1, 2] : vector<1x128x1xi32> to vector<1xi32>
    %reduce_min3A_1878 = vector.shape_cast %reduce_min3A_1877 : vector<1xi32> to vector<1x1x1xi32>
    %reduce_min3A_1879 = vector.extract %reduce_min3A_1878[0, 0, 0] : i32 from vector<1x1x1xi32>
    %eq3A_1880 = vector.broadcast %reduce_min3A_1879 : i32 to vector<1x128xi32>
    %eq3A_1881 = arith.cmpi eq, %iota3A_0, %eq3A_1880 : vector<1x128xi32>
    %jit3A_1882 = arith.constant 0.000000e+00 : f32
    %broadcast_in_dim3A_1883 = vector.shape_cast %eq3A_1881 : vector<1x128xi1> to vector<1x128xi1>
    %broadcast_in_dim3A_1884 = vector.broadcast %broadcast_in_dim3A_1883 : vector<1x128xi1> to vector<2x128xi1>
    %broadcast_in_dim3A_1885 = vector.broadcast %jit3A_1882 : f32 to vector<2x128xf32>
    %select_n3A_1886 = arith.select %broadcast_in_dim3A_1884, %get3A_1642, %broadcast_in_dim3A_1885 : vector<2x128xi1>, vector<2x128xf32>
    %reduce_sum3A_1887 = arith.constant dense<0.000000e+00> : vector<2xf32>
    %reduce_sum3A_1888 = vector.multi_reduction <add>, %select_n3A_1886, %reduce_sum3A_1887 [1] : vector<2x128xf32> to vector<2xf32>
    %broadcast_in_dim3A_1889 = vector.shape_cast %reduce_sum3A_1888 : vector<2xf32> to vector<2x1xf32>
    %slice3A_1890 = vector.extract_strided_slice %broadcast_in_dim3A_1889 {offsets = [0, 0], sizes = [1, 1], strides = [1, 1]} : vector<2x1xf32> to vector<1x1xf32>
    %slice3A_1891 = vector.extract_strided_slice %broadcast_in_dim3A_1889 {offsets = [1, 0], sizes = [1, 1], strides = [1, 1]} : vector<2x1xf32> to vector<1x1xf32>
    %eq3A_1892 = arith.constant 0 : i32
    %eq3A_1893 = vector.broadcast %eq3A_1892 : i32 to vector<1x128xi32>
    %eq3A_1894 = arith.cmpi eq, %iota3A_0, %eq3A_1893 : vector<1x128xi32>
    %eq3A_1895 = arith.constant 1 : i32
    %eq3A_1896 = vector.broadcast %eq3A_1895 : i32 to vector<1x128xi32>
    %eq3A_1897 = arith.cmpi eq, %iota3A_0, %eq3A_1896 : vector<1x128xi32>
    %eq3A_1898 = arith.constant 2 : i32
    %eq3A_1899 = vector.broadcast %eq3A_1898 : i32 to vector<1x128xi32>
    %eq3A_1900 = arith.cmpi eq, %iota3A_0, %eq3A_1899 : vector<1x128xi32>
    %jit3A_1901 = arith.constant 0.000000e+00 : f32
    %broadcast_in_dim3A_1902 = vector.shape_cast %slice3A_1891 : vector<1x1xf32> to vector<1x1xf32>
    %broadcast_in_dim3A_1903 = vector.broadcast %broadcast_in_dim3A_1902 : vector<1x1xf32> to vector<1x128xf32>
    %broadcast_in_dim3A_1904 = vector.broadcast %jit3A_1901 : f32 to vector<1x128xf32>
    %select_n3A_1905 = arith.select %eq3A_1900, %broadcast_in_dim3A_1903, %broadcast_in_dim3A_1904 : vector<1x128xi1>, vector<1x128xf32>
    %broadcast_in_dim3A_1906 = vector.shape_cast %slice3A_1890 : vector<1x1xf32> to vector<1x1xf32>
    %broadcast_in_dim3A_1907 = vector.broadcast %broadcast_in_dim3A_1906 : vector<1x1xf32> to vector<1x128xf32>
    %select_n3A_1908 = arith.select %eq3A_1897, %broadcast_in_dim3A_1907, %select_n3A_1905 : vector<1x128xi1>, vector<1x128xf32>
    %broadcast_in_dim3A_1909 = vector.broadcast %reduce_min3A_1869 : f32 to vector<1x128xf32>
    %select_n3A_1910 = arith.select %eq3A_1894, %broadcast_in_dim3A_1909, %select_n3A_1908 : vector<1x128xi1>, vector<1x128xf32>
    %swap3A_1911 = arith.index_cast %get3A_1621 : i32 to index
    %swap3A_1912 = arith.constant 0 : index
    %swap3A_1913 = vector.load %arg47[%swap3A_1911, %swap3A_1912] : memref<1280x128xf32, #tpu.memory_space<vmem>>, vector<1x128xf32>
    tpu.vector_store %arg47[%swap3A_1911, %swap3A_1912], %select_n3A_1910 {strides = array<i32>} : memref<1280x128xf32, #tpu.memory_space<vmem>>, vector<1x128xf32>,
    %add3A_1914 = arith.constant 896 : i32
    %add3A_1915 = arith.addi %add3A_1914, %arg0 : i32
    %get3A_1916 = arith.index_cast %add3A_1915 : i32 to index
    %get3A_1917 = memref.load %arg2[%get3A_1916] : memref<1280xi32, #tpu.memory_space<smem>>
    %get3A_1918 = arith.index_cast %add3A_1915 : i32 to index
    %get3A_1919 = memref.load %arg3[%get3A_1918] : memref<1280xi32, #tpu.memory_space<smem>>
    %get3A_1920 = arith.index_cast %add3A_1915 : i32 to index
    %get3A_1921 = memref.load %arg4[%get3A_1920] : memref<1280xi32, #tpu.memory_space<smem>>
    %get3A_1922 = arith.index_cast %get3A_1919 : i32 to index
    %get3A_1923 = arith.constant 0 : index
    %get3A_1924 = vector.load %arg5[%get3A_1922, %get3A_1923] : memref<256x768xf32, #tpu.memory_space<vmem>>, vector<1x768xf32>
    %get3A_1925 = arith.constant 0 : index
    %get3A_1926 = arith.constant 0 : index
    %get3A_1927 = arith.constant 0 : index
    %get3A_1928 = vector.load %arg34[%get3A_1925, %get3A_1926, %get3A_1927] : memref<1x128x768xf32, #tpu.memory_space<vmem>>, vector<1x128x768xf32>
    %get3A_1929 = vector.shape_cast %get3A_1928 : vector<1x128x768xf32> to vector<128x768xf32>
    %sub3A_1930 = vector.broadcast %get3A_1924 : vector<1x768xf32> to vector<128x768xf32>
    %sub3A_1931 = arith.subf %get3A_1929, %sub3A_1930 : vector<128x768xf32>
    %mul3A_1932 = arith.mulf %sub3A_1931, %sub3A_1931 : vector<128x768xf32>
    %reduce_sum3A_1933 = arith.constant dense<0.000000e+00> : vector<128xf32>
    %reduce_sum3A_1934 = vector.multi_reduction <add>, %mul3A_1932, %reduce_sum3A_1933 [1] : vector<128x768xf32> to vector<128xf32>
    %broadcast_in_dim3A_1935 = vector.shape_cast %reduce_sum3A_1934 : vector<128xf32> to vector<128x1xf32>
    %get3A_1936 = arith.index_cast %get3A_1921 : i32 to index
    %get3A_1937 = arith.constant 0 : index
    %get3A_1938 = vector.load %arg46[%get3A_1936, %get3A_1937] : memref<2000x128xf32, #tpu.memory_space<vmem>>, vector<2x128xf32>
    %reduce_min3A_1939 = vector.shape_cast %broadcast_in_dim3A_1713 : vector<128x1xf32> to vector<1x128x1xf32>
    %reduce_min3A_1940 = arith.constant dense<0x7F800000> : vector<1xf32>
    %reduce_min3A_1941 = vector.multi_reduction <minimumf>, %reduce_min3A_1939, %reduce_min3A_1940 [1, 2] : vector<1x128x1xf32> to vector<1xf32>
    %reduce_min3A_1942 = vector.shape_cast %reduce_min3A_1941 : vector<1xf32> to vector<1x1x1xf32>
    %reduce_min3A_1943 = vector.extract %reduce_min3A_1942[0, 0, 0] : f32 from vector<1x1x1xf32>
    %eq3A_1944 = vector.broadcast %reduce_min3A_1943 : f32 to vector<128x1xf32>
    %eq3A_1945 = arith.cmpf oeq, %broadcast_in_dim3A_1713, %eq3A_1944 : vector<128x1xf32>
    %jit3A_1946 = arith.constant 128 : i32
    %broadcast_in_dim3A_1947 = vector.broadcast %jit3A_1946 : i32 to vector<128x1xi32>
    %select_n3A_1948 = arith.select %eq3A_1945, %iota3A, %broadcast_in_dim3A_1947 : vector<128x1xi1>, vector<128x1xi32>
    %reduce_min3A_1949 = vector.shape_cast %select_n3A_1948 : vector<128x1xi32> to vector<1x128x1xi32>
    %reduce_min3A_1950 = arith.constant dense<2147483647> : vector<1xi32>
    %reduce_min3A_1951 = vector.multi_reduction <minsi>, %reduce_min3A_1949, %reduce_min3A_1950 [1, 2] : vector<1x128x1xi32> to vector<1xi32>
    %reduce_min3A_1952 = vector.shape_cast %reduce_min3A_1951 : vector<1xi32> to vector<1x1x1xi32>
    %reduce_min3A_1953 = vector.extract %reduce_min3A_1952[0, 0, 0] : i32 from vector<1x1x1xi32>
    %eq3A_1954 = vector.broadcast %reduce_min3A_1953 : i32 to vector<1x128xi32>
    %eq3A_1955 = arith.cmpi eq, %iota3A_0, %eq3A_1954 : vector<1x128xi32>
    %jit3A_1956 = arith.constant 0.000000e+00 : f32
    %broadcast_in_dim3A_1957 = vector.shape_cast %eq3A_1955 : vector<1x128xi1> to vector<1x128xi1>
    %broadcast_in_dim3A_1958 = vector.broadcast %broadcast_in_dim3A_1957 : vector<1x128xi1> to vector<2x128xi1>
    %broadcast_in_dim3A_1959 = vector.broadcast %jit3A_1956 : f32 to vector<2x128xf32>
    %select_n3A_1960 = arith.select %broadcast_in_dim3A_1958, %get3A_1716, %broadcast_in_dim3A_1959 : vector<2x128xi1>, vector<2x128xf32>
    %reduce_sum3A_1961 = arith.constant dense<0.000000e+00> : vector<2xf32>
    %reduce_sum3A_1962 = vector.multi_reduction <add>, %select_n3A_1960, %reduce_sum3A_1961 [1] : vector<2x128xf32> to vector<2xf32>
    %broadcast_in_dim3A_1963 = vector.shape_cast %reduce_sum3A_1962 : vector<2xf32> to vector<2x1xf32>
    %slice3A_1964 = vector.extract_strided_slice %broadcast_in_dim3A_1963 {offsets = [0, 0], sizes = [1, 1], strides = [1, 1]} : vector<2x1xf32> to vector<1x1xf32>
    %slice3A_1965 = vector.extract_strided_slice %broadcast_in_dim3A_1963 {offsets = [1, 0], sizes = [1, 1], strides = [1, 1]} : vector<2x1xf32> to vector<1x1xf32>
    %eq3A_1966 = arith.constant 0 : i32
    %eq3A_1967 = vector.broadcast %eq3A_1966 : i32 to vector<1x128xi32>
    %eq3A_1968 = arith.cmpi eq, %iota3A_0, %eq3A_1967 : vector<1x128xi32>
    %eq3A_1969 = arith.constant 1 : i32
    %eq3A_1970 = vector.broadcast %eq3A_1969 : i32 to vector<1x128xi32>
    %eq3A_1971 = arith.cmpi eq, %iota3A_0, %eq3A_1970 : vector<1x128xi32>
    %eq3A_1972 = arith.constant 2 : i32
    %eq3A_1973 = vector.broadcast %eq3A_1972 : i32 to vector<1x128xi32>
    %eq3A_1974 = arith.cmpi eq, %iota3A_0, %eq3A_1973 : vector<1x128xi32>
    %jit3A_1975 = arith.constant 0.000000e+00 : f32
    %broadcast_in_dim3A_1976 = vector.shape_cast %slice3A_1965 : vector<1x1xf32> to vector<1x1xf32>
    %broadcast_in_dim3A_1977 = vector.broadcast %broadcast_in_dim3A_1976 : vector<1x1xf32> to vector<1x128xf32>
    %broadcast_in_dim3A_1978 = vector.broadcast %jit3A_1975 : f32 to vector<1x128xf32>
    %select_n3A_1979 = arith.select %eq3A_1974, %broadcast_in_dim3A_1977, %broadcast_in_dim3A_1978 : vector<1x128xi1>, vector<1x128xf32>
    %broadcast_in_dim3A_1980 = vector.shape_cast %slice3A_1964 : vector<1x1xf32> to vector<1x1xf32>
    %broadcast_in_dim3A_1981 = vector.broadcast %broadcast_in_dim3A_1980 : vector<1x1xf32> to vector<1x128xf32>
    %select_n3A_1982 = arith.select %eq3A_1971, %broadcast_in_dim3A_1981, %select_n3A_1979 : vector<1x128xi1>, vector<1x128xf32>
    %broadcast_in_dim3A_1983 = vector.broadcast %reduce_min3A_1943 : f32 to vector<1x128xf32>
    %select_n3A_1984 = arith.select %eq3A_1968, %broadcast_in_dim3A_1983, %select_n3A_1982 : vector<1x128xi1>, vector<1x128xf32>
    %swap3A_1985 = arith.index_cast %get3A_1695 : i32 to index
    %swap3A_1986 = arith.constant 0 : index
    %swap3A_1987 = vector.load %arg47[%swap3A_1985, %swap3A_1986] : memref<1280x128xf32, #tpu.memory_space<vmem>>, vector<1x128xf32>
    tpu.vector_store %arg47[%swap3A_1985, %swap3A_1986], %select_n3A_1984 {strides = array<i32>} : memref<1280x128xf32, #tpu.memory_space<vmem>>, vector<1x128xf32>,
    %add3A_1988 = arith.constant 928 : i32
    %add3A_1989 = arith.addi %add3A_1988, %arg0 : i32
    %get3A_1990 = arith.index_cast %add3A_1989 : i32 to index
    %get3A_1991 = memref.load %arg2[%get3A_1990] : memref<1280xi32, #tpu.memory_space<smem>>
    %get3A_1992 = arith.index_cast %add3A_1989 : i32 to index
    %get3A_1993 = memref.load %arg3[%get3A_1992] : memref<1280xi32, #tpu.memory_space<smem>>
    %get3A_1994 = arith.index_cast %add3A_1989 : i32 to index
    %get3A_1995 = memref.load %arg4[%get3A_1994] : memref<1280xi32, #tpu.memory_space<smem>>
    %get3A_1996 = arith.index_cast %get3A_1993 : i32 to index
    %get3A_1997 = arith.constant 0 : index
    %get3A_1998 = vector.load %arg5[%get3A_1996, %get3A_1997] : memref<256x768xf32, #tpu.memory_space<vmem>>, vector<1x768xf32>
    %get3A_1999 = arith.constant 0 : index
    %get3A_2000 = arith.constant 0 : index
    %get3A_2001 = arith.constant 0 : index
    %get3A_2002 = vector.load %arg35[%get3A_1999, %get3A_2000, %get3A_2001] : memref<1x128x768xf32, #tpu.memory_space<vmem>>, vector<1x128x768xf32>
    %get3A_2003 = vector.shape_cast %get3A_2002 : vector<1x128x768xf32> to vector<128x768xf32>
    %sub3A_2004 = vector.broadcast %get3A_1998 : vector<1x768xf32> to vector<128x768xf32>
    %sub3A_2005 = arith.subf %get3A_2003, %sub3A_2004 : vector<128x768xf32>
    %mul3A_2006 = arith.mulf %sub3A_2005, %sub3A_2005 : vector<128x768xf32>
    %reduce_sum3A_2007 = arith.constant dense<0.000000e+00> : vector<128xf32>
    %reduce_sum3A_2008 = vector.multi_reduction <add>, %mul3A_2006, %reduce_sum3A_2007 [1] : vector<128x768xf32> to vector<128xf32>
    %broadcast_in_dim3A_2009 = vector.shape_cast %reduce_sum3A_2008 : vector<128xf32> to vector<128x1xf32>
    %get3A_2010 = arith.index_cast %get3A_1995 : i32 to index
    %get3A_2011 = arith.constant 0 : index
    %get3A_2012 = vector.load %arg46[%get3A_2010, %get3A_2011] : memref<2000x128xf32, #tpu.memory_space<vmem>>, vector<2x128xf32>
    %reduce_min3A_2013 = vector.shape_cast %broadcast_in_dim3A_1787 : vector<128x1xf32> to vector<1x128x1xf32>
    %reduce_min3A_2014 = arith.constant dense<0x7F800000> : vector<1xf32>
    %reduce_min3A_2015 = vector.multi_reduction <minimumf>, %reduce_min3A_2013, %reduce_min3A_2014 [1, 2] : vector<1x128x1xf32> to vector<1xf32>
    %reduce_min3A_2016 = vector.shape_cast %reduce_min3A_2015 : vector<1xf32> to vector<1x1x1xf32>
    %reduce_min3A_2017 = vector.extract %reduce_min3A_2016[0, 0, 0] : f32 from vector<1x1x1xf32>
    %eq3A_2018 = vector.broadcast %reduce_min3A_2017 : f32 to vector<128x1xf32>
    %eq3A_2019 = arith.cmpf oeq, %broadcast_in_dim3A_1787, %eq3A_2018 : vector<128x1xf32>
    %jit3A_2020 = arith.constant 128 : i32
    %broadcast_in_dim3A_2021 = vector.broadcast %jit3A_2020 : i32 to vector<128x1xi32>
    %select_n3A_2022 = arith.select %eq3A_2019, %iota3A, %broadcast_in_dim3A_2021 : vector<128x1xi1>, vector<128x1xi32>
    %reduce_min3A_2023 = vector.shape_cast %select_n3A_2022 : vector<128x1xi32> to vector<1x128x1xi32>
    %reduce_min3A_2024 = arith.constant dense<2147483647> : vector<1xi32>
    %reduce_min3A_2025 = vector.multi_reduction <minsi>, %reduce_min3A_2023, %reduce_min3A_2024 [1, 2] : vector<1x128x1xi32> to vector<1xi32>
    %reduce_min3A_2026 = vector.shape_cast %reduce_min3A_2025 : vector<1xi32> to vector<1x1x1xi32>
    %reduce_min3A_2027 = vector.extract %reduce_min3A_2026[0, 0, 0] : i32 from vector<1x1x1xi32>
    %eq3A_2028 = vector.broadcast %reduce_min3A_2027 : i32 to vector<1x128xi32>
    %eq3A_2029 = arith.cmpi eq, %iota3A_0, %eq3A_2028 : vector<1x128xi32>
    %jit3A_2030 = arith.constant 0.000000e+00 : f32
    %broadcast_in_dim3A_2031 = vector.shape_cast %eq3A_2029 : vector<1x128xi1> to vector<1x128xi1>
    %broadcast_in_dim3A_2032 = vector.broadcast %broadcast_in_dim3A_2031 : vector<1x128xi1> to vector<2x128xi1>
    %broadcast_in_dim3A_2033 = vector.broadcast %jit3A_2030 : f32 to vector<2x128xf32>
    %select_n3A_2034 = arith.select %broadcast_in_dim3A_2032, %get3A_1790, %broadcast_in_dim3A_2033 : vector<2x128xi1>, vector<2x128xf32>
    %reduce_sum3A_2035 = arith.constant dense<0.000000e+00> : vector<2xf32>
    %reduce_sum3A_2036 = vector.multi_reduction <add>, %select_n3A_2034, %reduce_sum3A_2035 [1] : vector<2x128xf32> to vector<2xf32>
    %broadcast_in_dim3A_2037 = vector.shape_cast %reduce_sum3A_2036 : vector<2xf32> to vector<2x1xf32>
    %slice3A_2038 = vector.extract_strided_slice %broadcast_in_dim3A_2037 {offsets = [0, 0], sizes = [1, 1], strides = [1, 1]} : vector<2x1xf32> to vector<1x1xf32>
    %slice3A_2039 = vector.extract_strided_slice %broadcast_in_dim3A_2037 {offsets = [1, 0], sizes = [1, 1], strides = [1, 1]} : vector<2x1xf32> to vector<1x1xf32>
    %eq3A_2040 = arith.constant 0 : i32
    %eq3A_2041 = vector.broadcast %eq3A_2040 : i32 to vector<1x128xi32>
    %eq3A_2042 = arith.cmpi eq, %iota3A_0, %eq3A_2041 : vector<1x128xi32>
    %eq3A_2043 = arith.constant 1 : i32
    %eq3A_2044 = vector.broadcast %eq3A_2043 : i32 to vector<1x128xi32>
    %eq3A_2045 = arith.cmpi eq, %iota3A_0, %eq3A_2044 : vector<1x128xi32>
    %eq3A_2046 = arith.constant 2 : i32
    %eq3A_2047 = vector.broadcast %eq3A_2046 : i32 to vector<1x128xi32>
    %eq3A_2048 = arith.cmpi eq, %iota3A_0, %eq3A_2047 : vector<1x128xi32>
    %jit3A_2049 = arith.constant 0.000000e+00 : f32
    %broadcast_in_dim3A_2050 = vector.shape_cast %slice3A_2039 : vector<1x1xf32> to vector<1x1xf32>
    %broadcast_in_dim3A_2051 = vector.broadcast %broadcast_in_dim3A_2050 : vector<1x1xf32> to vector<1x128xf32>
    %broadcast_in_dim3A_2052 = vector.broadcast %jit3A_2049 : f32 to vector<1x128xf32>
    %select_n3A_2053 = arith.select %eq3A_2048, %broadcast_in_dim3A_2051, %broadcast_in_dim3A_2052 : vector<1x128xi1>, vector<1x128xf32>
    %broadcast_in_dim3A_2054 = vector.shape_cast %slice3A_2038 : vector<1x1xf32> to vector<1x1xf32>
    %broadcast_in_dim3A_2055 = vector.broadcast %broadcast_in_dim3A_2054 : vector<1x1xf32> to vector<1x128xf32>
    %select_n3A_2056 = arith.select %eq3A_2045, %broadcast_in_dim3A_2055, %select_n3A_2053 : vector<1x128xi1>, vector<1x128xf32>
    %broadcast_in_dim3A_2057 = vector.broadcast %reduce_min3A_2017 : f32 to vector<1x128xf32>
    %select_n3A_2058 = arith.select %eq3A_2042, %broadcast_in_dim3A_2057, %select_n3A_2056 : vector<1x128xi1>, vector<1x128xf32>
    %swap3A_2059 = arith.index_cast %get3A_1769 : i32 to index
    %swap3A_2060 = arith.constant 0 : index
    %swap3A_2061 = vector.load %arg47[%swap3A_2059, %swap3A_2060] : memref<1280x128xf32, #tpu.memory_space<vmem>>, vector<1x128xf32>
    tpu.vector_store %arg47[%swap3A_2059, %swap3A_2060], %select_n3A_2058 {strides = array<i32>} : memref<1280x128xf32, #tpu.memory_space<vmem>>, vector<1x128xf32>,
    %add3A_2062 = arith.constant 960 : i32
    %add3A_2063 = arith.addi %add3A_2062, %arg0 : i32
    %get3A_2064 = arith.index_cast %add3A_2063 : i32 to index
    %get3A_2065 = memref.load %arg2[%get3A_2064] : memref<1280xi32, #tpu.memory_space<smem>>
    %get3A_2066 = arith.index_cast %add3A_2063 : i32 to index
    %get3A_2067 = memref.load %arg3[%get3A_2066] : memref<1280xi32, #tpu.memory_space<smem>>
    %get3A_2068 = arith.index_cast %add3A_2063 : i32 to index
    %get3A_2069 = memref.load %arg4[%get3A_2068] : memref<1280xi32, #tpu.memory_space<smem>>
    %get3A_2070 = arith.index_cast %get3A_2067 : i32 to index
    %get3A_2071 = arith.constant 0 : index
    %get3A_2072 = vector.load %arg5[%get3A_2070, %get3A_2071] : memref<256x768xf32, #tpu.memory_space<vmem>>, vector<1x768xf32>
    %get3A_2073 = arith.constant 0 : index
    %get3A_2074 = arith.constant 0 : index
    %get3A_2075 = arith.constant 0 : index
    %get3A_2076 = vector.load %arg36[%get3A_2073, %get3A_2074, %get3A_2075] : memref<1x128x768xf32, #tpu.memory_space<vmem>>, vector<1x128x768xf32>
    %get3A_2077 = vector.shape_cast %get3A_2076 : vector<1x128x768xf32> to vector<128x768xf32>
    %sub3A_2078 = vector.broadcast %get3A_2072 : vector<1x768xf32> to vector<128x768xf32>
    %sub3A_2079 = arith.subf %get3A_2077, %sub3A_2078 : vector<128x768xf32>
    %mul3A_2080 = arith.mulf %sub3A_2079, %sub3A_2079 : vector<128x768xf32>
    %reduce_sum3A_2081 = arith.constant dense<0.000000e+00> : vector<128xf32>
    %reduce_sum3A_2082 = vector.multi_reduction <add>, %mul3A_2080, %reduce_sum3A_2081 [1] : vector<128x768xf32> to vector<128xf32>
    %broadcast_in_dim3A_2083 = vector.shape_cast %reduce_sum3A_2082 : vector<128xf32> to vector<128x1xf32>
    %get3A_2084 = arith.index_cast %get3A_2069 : i32 to index
    %get3A_2085 = arith.constant 0 : index
    %get3A_2086 = vector.load %arg46[%get3A_2084, %get3A_2085] : memref<2000x128xf32, #tpu.memory_space<vmem>>, vector<2x128xf32>
    %reduce_min3A_2087 = vector.shape_cast %broadcast_in_dim3A_1861 : vector<128x1xf32> to vector<1x128x1xf32>
    %reduce_min3A_2088 = arith.constant dense<0x7F800000> : vector<1xf32>
    %reduce_min3A_2089 = vector.multi_reduction <minimumf>, %reduce_min3A_2087, %reduce_min3A_2088 [1, 2] : vector<1x128x1xf32> to vector<1xf32>
    %reduce_min3A_2090 = vector.shape_cast %reduce_min3A_2089 : vector<1xf32> to vector<1x1x1xf32>
    %reduce_min3A_2091 = vector.extract %reduce_min3A_2090[0, 0, 0] : f32 from vector<1x1x1xf32>
    %eq3A_2092 = vector.broadcast %reduce_min3A_2091 : f32 to vector<128x1xf32>
    %eq3A_2093 = arith.cmpf oeq, %broadcast_in_dim3A_1861, %eq3A_2092 : vector<128x1xf32>
    %jit3A_2094 = arith.constant 128 : i32
    %broadcast_in_dim3A_2095 = vector.broadcast %jit3A_2094 : i32 to vector<128x1xi32>
    %select_n3A_2096 = arith.select %eq3A_2093, %iota3A, %broadcast_in_dim3A_2095 : vector<128x1xi1>, vector<128x1xi32>
    %reduce_min3A_2097 = vector.shape_cast %select_n3A_2096 : vector<128x1xi32> to vector<1x128x1xi32>
    %reduce_min3A_2098 = arith.constant dense<2147483647> : vector<1xi32>
    %reduce_min3A_2099 = vector.multi_reduction <minsi>, %reduce_min3A_2097, %reduce_min3A_2098 [1, 2] : vector<1x128x1xi32> to vector<1xi32>
    %reduce_min3A_2100 = vector.shape_cast %reduce_min3A_2099 : vector<1xi32> to vector<1x1x1xi32>
    %reduce_min3A_2101 = vector.extract %reduce_min3A_2100[0, 0, 0] : i32 from vector<1x1x1xi32>
    %eq3A_2102 = vector.broadcast %reduce_min3A_2101 : i32 to vector<1x128xi32>
    %eq3A_2103 = arith.cmpi eq, %iota3A_0, %eq3A_2102 : vector<1x128xi32>
    %jit3A_2104 = arith.constant 0.000000e+00 : f32
    %broadcast_in_dim3A_2105 = vector.shape_cast %eq3A_2103 : vector<1x128xi1> to vector<1x128xi1>
    %broadcast_in_dim3A_2106 = vector.broadcast %broadcast_in_dim3A_2105 : vector<1x128xi1> to vector<2x128xi1>
    %broadcast_in_dim3A_2107 = vector.broadcast %jit3A_2104 : f32 to vector<2x128xf32>
    %select_n3A_2108 = arith.select %broadcast_in_dim3A_2106, %get3A_1864, %broadcast_in_dim3A_2107 : vector<2x128xi1>, vector<2x128xf32>
    %reduce_sum3A_2109 = arith.constant dense<0.000000e+00> : vector<2xf32>
    %reduce_sum3A_2110 = vector.multi_reduction <add>, %select_n3A_2108, %reduce_sum3A_2109 [1] : vector<2x128xf32> to vector<2xf32>
    %broadcast_in_dim3A_2111 = vector.shape_cast %reduce_sum3A_2110 : vector<2xf32> to vector<2x1xf32>
    %slice3A_2112 = vector.extract_strided_slice %broadcast_in_dim3A_2111 {offsets = [0, 0], sizes = [1, 1], strides = [1, 1]} : vector<2x1xf32> to vector<1x1xf32>
    %slice3A_2113 = vector.extract_strided_slice %broadcast_in_dim3A_2111 {offsets = [1, 0], sizes = [1, 1], strides = [1, 1]} : vector<2x1xf32> to vector<1x1xf32>
    %eq3A_2114 = arith.constant 0 : i32
    %eq3A_2115 = vector.broadcast %eq3A_2114 : i32 to vector<1x128xi32>
    %eq3A_2116 = arith.cmpi eq, %iota3A_0, %eq3A_2115 : vector<1x128xi32>
    %eq3A_2117 = arith.constant 1 : i32
    %eq3A_2118 = vector.broadcast %eq3A_2117 : i32 to vector<1x128xi32>
    %eq3A_2119 = arith.cmpi eq, %iota3A_0, %eq3A_2118 : vector<1x128xi32>
    %eq3A_2120 = arith.constant 2 : i32
    %eq3A_2121 = vector.broadcast %eq3A_2120 : i32 to vector<1x128xi32>
    %eq3A_2122 = arith.cmpi eq, %iota3A_0, %eq3A_2121 : vector<1x128xi32>
    %jit3A_2123 = arith.constant 0.000000e+00 : f32
    %broadcast_in_dim3A_2124 = vector.shape_cast %slice3A_2113 : vector<1x1xf32> to vector<1x1xf32>
    %broadcast_in_dim3A_2125 = vector.broadcast %broadcast_in_dim3A_2124 : vector<1x1xf32> to vector<1x128xf32>
    %broadcast_in_dim3A_2126 = vector.broadcast %jit3A_2123 : f32 to vector<1x128xf32>
    %select_n3A_2127 = arith.select %eq3A_2122, %broadcast_in_dim3A_2125, %broadcast_in_dim3A_2126 : vector<1x128xi1>, vector<1x128xf32>
    %broadcast_in_dim3A_2128 = vector.shape_cast %slice3A_2112 : vector<1x1xf32> to vector<1x1xf32>
    %broadcast_in_dim3A_2129 = vector.broadcast %broadcast_in_dim3A_2128 : vector<1x1xf32> to vector<1x128xf32>
    %select_n3A_2130 = arith.select %eq3A_2119, %broadcast_in_dim3A_2129, %select_n3A_2127 : vector<1x128xi1>, vector<1x128xf32>
    %broadcast_in_dim3A_2131 = vector.broadcast %reduce_min3A_2091 : f32 to vector<1x128xf32>
    %select_n3A_2132 = arith.select %eq3A_2116, %broadcast_in_dim3A_2131, %select_n3A_2130 : vector<1x128xi1>, vector<1x128xf32>
    %swap3A_2133 = arith.index_cast %get3A_1843 : i32 to index
    %swap3A_2134 = arith.constant 0 : index
    %swap3A_2135 = vector.load %arg47[%swap3A_2133, %swap3A_2134] : memref<1280x128xf32, #tpu.memory_space<vmem>>, vector<1x128xf32>
    tpu.vector_store %arg47[%swap3A_2133, %swap3A_2134], %select_n3A_2132 {strides = array<i32>} : memref<1280x128xf32, #tpu.memory_space<vmem>>, vector<1x128xf32>,
    %add3A_2136 = arith.constant 992 : i32
    %add3A_2137 = arith.addi %add3A_2136, %arg0 : i32
    %get3A_2138 = arith.index_cast %add3A_2137 : i32 to index
    %get3A_2139 = memref.load %arg2[%get3A_2138] : memref<1280xi32, #tpu.memory_space<smem>>
    %get3A_2140 = arith.index_cast %add3A_2137 : i32 to index
    %get3A_2141 = memref.load %arg3[%get3A_2140] : memref<1280xi32, #tpu.memory_space<smem>>
    %get3A_2142 = arith.index_cast %add3A_2137 : i32 to index
    %get3A_2143 = memref.load %arg4[%get3A_2142] : memref<1280xi32, #tpu.memory_space<smem>>
    %get3A_2144 = arith.index_cast %get3A_2141 : i32 to index
    %get3A_2145 = arith.constant 0 : index
    %get3A_2146 = vector.load %arg5[%get3A_2144, %get3A_2145] : memref<256x768xf32, #tpu.memory_space<vmem>>, vector<1x768xf32>
    %get3A_2147 = arith.constant 0 : index
    %get3A_2148 = arith.constant 0 : index
    %get3A_2149 = arith.constant 0 : index
    %get3A_2150 = vector.load %arg37[%get3A_2147, %get3A_2148, %get3A_2149] : memref<1x128x768xf32, #tpu.memory_space<vmem>>, vector<1x128x768xf32>
    %get3A_2151 = vector.shape_cast %get3A_2150 : vector<1x128x768xf32> to vector<128x768xf32>
    %sub3A_2152 = vector.broadcast %get3A_2146 : vector<1x768xf32> to vector<128x768xf32>
    %sub3A_2153 = arith.subf %get3A_2151, %sub3A_2152 : vector<128x768xf32>
    %mul3A_2154 = arith.mulf %sub3A_2153, %sub3A_2153 : vector<128x768xf32>
    %reduce_sum3A_2155 = arith.constant dense<0.000000e+00> : vector<128xf32>
    %reduce_sum3A_2156 = vector.multi_reduction <add>, %mul3A_2154, %reduce_sum3A_2155 [1] : vector<128x768xf32> to vector<128xf32>
    %broadcast_in_dim3A_2157 = vector.shape_cast %reduce_sum3A_2156 : vector<128xf32> to vector<128x1xf32>
    %get3A_2158 = arith.index_cast %get3A_2143 : i32 to index
    %get3A_2159 = arith.constant 0 : index
    %get3A_2160 = vector.load %arg46[%get3A_2158, %get3A_2159] : memref<2000x128xf32, #tpu.memory_space<vmem>>, vector<2x128xf32>
    %reduce_min3A_2161 = vector.shape_cast %broadcast_in_dim3A_1935 : vector<128x1xf32> to vector<1x128x1xf32>
    %reduce_min3A_2162 = arith.constant dense<0x7F800000> : vector<1xf32>
    %reduce_min3A_2163 = vector.multi_reduction <minimumf>, %reduce_min3A_2161, %reduce_min3A_2162 [1, 2] : vector<1x128x1xf32> to vector<1xf32>
    %reduce_min3A_2164 = vector.shape_cast %reduce_min3A_2163 : vector<1xf32> to vector<1x1x1xf32>
    %reduce_min3A_2165 = vector.extract %reduce_min3A_2164[0, 0, 0] : f32 from vector<1x1x1xf32>
    %eq3A_2166 = vector.broadcast %reduce_min3A_2165 : f32 to vector<128x1xf32>
    %eq3A_2167 = arith.cmpf oeq, %broadcast_in_dim3A_1935, %eq3A_2166 : vector<128x1xf32>
    %jit3A_2168 = arith.constant 128 : i32
    %broadcast_in_dim3A_2169 = vector.broadcast %jit3A_2168 : i32 to vector<128x1xi32>
    %select_n3A_2170 = arith.select %eq3A_2167, %iota3A, %broadcast_in_dim3A_2169 : vector<128x1xi1>, vector<128x1xi32>
    %reduce_min3A_2171 = vector.shape_cast %select_n3A_2170 : vector<128x1xi32> to vector<1x128x1xi32>
    %reduce_min3A_2172 = arith.constant dense<2147483647> : vector<1xi32>
    %reduce_min3A_2173 = vector.multi_reduction <minsi>, %reduce_min3A_2171, %reduce_min3A_2172 [1, 2] : vector<1x128x1xi32> to vector<1xi32>
    %reduce_min3A_2174 = vector.shape_cast %reduce_min3A_2173 : vector<1xi32> to vector<1x1x1xi32>
    %reduce_min3A_2175 = vector.extract %reduce_min3A_2174[0, 0, 0] : i32 from vector<1x1x1xi32>
    %eq3A_2176 = vector.broadcast %reduce_min3A_2175 : i32 to vector<1x128xi32>
    %eq3A_2177 = arith.cmpi eq, %iota3A_0, %eq3A_2176 : vector<1x128xi32>
    %jit3A_2178 = arith.constant 0.000000e+00 : f32
    %broadcast_in_dim3A_2179 = vector.shape_cast %eq3A_2177 : vector<1x128xi1> to vector<1x128xi1>
    %broadcast_in_dim3A_2180 = vector.broadcast %broadcast_in_dim3A_2179 : vector<1x128xi1> to vector<2x128xi1>
    %broadcast_in_dim3A_2181 = vector.broadcast %jit3A_2178 : f32 to vector<2x128xf32>
    %select_n3A_2182 = arith.select %broadcast_in_dim3A_2180, %get3A_1938, %broadcast_in_dim3A_2181 : vector<2x128xi1>, vector<2x128xf32>
    %reduce_sum3A_2183 = arith.constant dense<0.000000e+00> : vector<2xf32>
    %reduce_sum3A_2184 = vector.multi_reduction <add>, %select_n3A_2182, %reduce_sum3A_2183 [1] : vector<2x128xf32> to vector<2xf32>
    %broadcast_in_dim3A_2185 = vector.shape_cast %reduce_sum3A_2184 : vector<2xf32> to vector<2x1xf32>
    %slice3A_2186 = vector.extract_strided_slice %broadcast_in_dim3A_2185 {offsets = [0, 0], sizes = [1, 1], strides = [1, 1]} : vector<2x1xf32> to vector<1x1xf32>
    %slice3A_2187 = vector.extract_strided_slice %broadcast_in_dim3A_2185 {offsets = [1, 0], sizes = [1, 1], strides = [1, 1]} : vector<2x1xf32> to vector<1x1xf32>
    %eq3A_2188 = arith.constant 0 : i32
    %eq3A_2189 = vector.broadcast %eq3A_2188 : i32 to vector<1x128xi32>
    %eq3A_2190 = arith.cmpi eq, %iota3A_0, %eq3A_2189 : vector<1x128xi32>
    %eq3A_2191 = arith.constant 1 : i32
    %eq3A_2192 = vector.broadcast %eq3A_2191 : i32 to vector<1x128xi32>
    %eq3A_2193 = arith.cmpi eq, %iota3A_0, %eq3A_2192 : vector<1x128xi32>
    %eq3A_2194 = arith.constant 2 : i32
    %eq3A_2195 = vector.broadcast %eq3A_2194 : i32 to vector<1x128xi32>
    %eq3A_2196 = arith.cmpi eq, %iota3A_0, %eq3A_2195 : vector<1x128xi32>
    %jit3A_2197 = arith.constant 0.000000e+00 : f32
    %broadcast_in_dim3A_2198 = vector.shape_cast %slice3A_2187 : vector<1x1xf32> to vector<1x1xf32>
    %broadcast_in_dim3A_2199 = vector.broadcast %broadcast_in_dim3A_2198 : vector<1x1xf32> to vector<1x128xf32>
    %broadcast_in_dim3A_2200 = vector.broadcast %jit3A_2197 : f32 to vector<1x128xf32>
    %select_n3A_2201 = arith.select %eq3A_2196, %broadcast_in_dim3A_2199, %broadcast_in_dim3A_2200 : vector<1x128xi1>, vector<1x128xf32>
    %broadcast_in_dim3A_2202 = vector.shape_cast %slice3A_2186 : vector<1x1xf32> to vector<1x1xf32>
    %broadcast_in_dim3A_2203 = vector.broadcast %broadcast_in_dim3A_2202 : vector<1x1xf32> to vector<1x128xf32>
    %select_n3A_2204 = arith.select %eq3A_2193, %broadcast_in_dim3A_2203, %select_n3A_2201 : vector<1x128xi1>, vector<1x128xf32>
    %broadcast_in_dim3A_2205 = vector.broadcast %reduce_min3A_2165 : f32 to vector<1x128xf32>
    %select_n3A_2206 = arith.select %eq3A_2190, %broadcast_in_dim3A_2205, %select_n3A_2204 : vector<1x128xi1>, vector<1x128xf32>
    %swap3A_2207 = arith.index_cast %get3A_1917 : i32 to index
    %swap3A_2208 = arith.constant 0 : index
    %swap3A_2209 = vector.load %arg47[%swap3A_2207, %swap3A_2208] : memref<1280x128xf32, #tpu.memory_space<vmem>>, vector<1x128xf32>
    tpu.vector_store %arg47[%swap3A_2207, %swap3A_2208], %select_n3A_2206 {strides = array<i32>} : memref<1280x128xf32, #tpu.memory_space<vmem>>, vector<1x128xf32>,
    %add3A_2210 = arith.constant 1024 : i32
    %add3A_2211 = arith.addi %add3A_2210, %arg0 : i32
    %get3A_2212 = arith.index_cast %add3A_2211 : i32 to index
    %get3A_2213 = memref.load %arg2[%get3A_2212] : memref<1280xi32, #tpu.memory_space<smem>>
    %get3A_2214 = arith.index_cast %add3A_2211 : i32 to index
    %get3A_2215 = memref.load %arg3[%get3A_2214] : memref<1280xi32, #tpu.memory_space<smem>>
    %get3A_2216 = arith.index_cast %add3A_2211 : i32 to index
    %get3A_2217 = memref.load %arg4[%get3A_2216] : memref<1280xi32, #tpu.memory_space<smem>>
    %get3A_2218 = arith.index_cast %get3A_2215 : i32 to index
    %get3A_2219 = arith.constant 0 : index
    %get3A_2220 = vector.load %arg5[%get3A_2218, %get3A_2219] : memref<256x768xf32, #tpu.memory_space<vmem>>, vector<1x768xf32>
    %get3A_2221 = arith.constant 0 : index
    %get3A_2222 = arith.constant 0 : index
    %get3A_2223 = arith.constant 0 : index
    %get3A_2224 = vector.load %arg38[%get3A_2221, %get3A_2222, %get3A_2223] : memref<1x128x768xf32, #tpu.memory_space<vmem>>, vector<1x128x768xf32>
    %get3A_2225 = vector.shape_cast %get3A_2224 : vector<1x128x768xf32> to vector<128x768xf32>
    %sub3A_2226 = vector.broadcast %get3A_2220 : vector<1x768xf32> to vector<128x768xf32>
    %sub3A_2227 = arith.subf %get3A_2225, %sub3A_2226 : vector<128x768xf32>
    %mul3A_2228 = arith.mulf %sub3A_2227, %sub3A_2227 : vector<128x768xf32>
    %reduce_sum3A_2229 = arith.constant dense<0.000000e+00> : vector<128xf32>
    %reduce_sum3A_2230 = vector.multi_reduction <add>, %mul3A_2228, %reduce_sum3A_2229 [1] : vector<128x768xf32> to vector<128xf32>
    %broadcast_in_dim3A_2231 = vector.shape_cast %reduce_sum3A_2230 : vector<128xf32> to vector<128x1xf32>
    %get3A_2232 = arith.index_cast %get3A_2217 : i32 to index
    %get3A_2233 = arith.constant 0 : index
    %get3A_2234 = vector.load %arg46[%get3A_2232, %get3A_2233] : memref<2000x128xf32, #tpu.memory_space<vmem>>, vector<2x128xf32>
    %reduce_min3A_2235 = vector.shape_cast %broadcast_in_dim3A_2009 : vector<128x1xf32> to vector<1x128x1xf32>
    %reduce_min3A_2236 = arith.constant dense<0x7F800000> : vector<1xf32>
    %reduce_min3A_2237 = vector.multi_reduction <minimumf>, %reduce_min3A_2235, %reduce_min3A_2236 [1, 2] : vector<1x128x1xf32> to vector<1xf32>
    %reduce_min3A_2238 = vector.shape_cast %reduce_min3A_2237 : vector<1xf32> to vector<1x1x1xf32>
    %reduce_min3A_2239 = vector.extract %reduce_min3A_2238[0, 0, 0] : f32 from vector<1x1x1xf32>
    %eq3A_2240 = vector.broadcast %reduce_min3A_2239 : f32 to vector<128x1xf32>
    %eq3A_2241 = arith.cmpf oeq, %broadcast_in_dim3A_2009, %eq3A_2240 : vector<128x1xf32>
    %jit3A_2242 = arith.constant 128 : i32
    %broadcast_in_dim3A_2243 = vector.broadcast %jit3A_2242 : i32 to vector<128x1xi32>
    %select_n3A_2244 = arith.select %eq3A_2241, %iota3A, %broadcast_in_dim3A_2243 : vector<128x1xi1>, vector<128x1xi32>
    %reduce_min3A_2245 = vector.shape_cast %select_n3A_2244 : vector<128x1xi32> to vector<1x128x1xi32>
    %reduce_min3A_2246 = arith.constant dense<2147483647> : vector<1xi32>
    %reduce_min3A_2247 = vector.multi_reduction <minsi>, %reduce_min3A_2245, %reduce_min3A_2246 [1, 2] : vector<1x128x1xi32> to vector<1xi32>
    %reduce_min3A_2248 = vector.shape_cast %reduce_min3A_2247 : vector<1xi32> to vector<1x1x1xi32>
    %reduce_min3A_2249 = vector.extract %reduce_min3A_2248[0, 0, 0] : i32 from vector<1x1x1xi32>
    %eq3A_2250 = vector.broadcast %reduce_min3A_2249 : i32 to vector<1x128xi32>
    %eq3A_2251 = arith.cmpi eq, %iota3A_0, %eq3A_2250 : vector<1x128xi32>
    %jit3A_2252 = arith.constant 0.000000e+00 : f32
    %broadcast_in_dim3A_2253 = vector.shape_cast %eq3A_2251 : vector<1x128xi1> to vector<1x128xi1>
    %broadcast_in_dim3A_2254 = vector.broadcast %broadcast_in_dim3A_2253 : vector<1x128xi1> to vector<2x128xi1>
    %broadcast_in_dim3A_2255 = vector.broadcast %jit3A_2252 : f32 to vector<2x128xf32>
    %select_n3A_2256 = arith.select %broadcast_in_dim3A_2254, %get3A_2012, %broadcast_in_dim3A_2255 : vector<2x128xi1>, vector<2x128xf32>
    %reduce_sum3A_2257 = arith.constant dense<0.000000e+00> : vector<2xf32>
    %reduce_sum3A_2258 = vector.multi_reduction <add>, %select_n3A_2256, %reduce_sum3A_2257 [1] : vector<2x128xf32> to vector<2xf32>
    %broadcast_in_dim3A_2259 = vector.shape_cast %reduce_sum3A_2258 : vector<2xf32> to vector<2x1xf32>
    %slice3A_2260 = vector.extract_strided_slice %broadcast_in_dim3A_2259 {offsets = [0, 0], sizes = [1, 1], strides = [1, 1]} : vector<2x1xf32> to vector<1x1xf32>
    %slice3A_2261 = vector.extract_strided_slice %broadcast_in_dim3A_2259 {offsets = [1, 0], sizes = [1, 1], strides = [1, 1]} : vector<2x1xf32> to vector<1x1xf32>
    %eq3A_2262 = arith.constant 0 : i32
    %eq3A_2263 = vector.broadcast %eq3A_2262 : i32 to vector<1x128xi32>
    %eq3A_2264 = arith.cmpi eq, %iota3A_0, %eq3A_2263 : vector<1x128xi32>
    %eq3A_2265 = arith.constant 1 : i32
    %eq3A_2266 = vector.broadcast %eq3A_2265 : i32 to vector<1x128xi32>
    %eq3A_2267 = arith.cmpi eq, %iota3A_0, %eq3A_2266 : vector<1x128xi32>
    %eq3A_2268 = arith.constant 2 : i32
    %eq3A_2269 = vector.broadcast %eq3A_2268 : i32 to vector<1x128xi32>
    %eq3A_2270 = arith.cmpi eq, %iota3A_0, %eq3A_2269 : vector<1x128xi32>
    %jit3A_2271 = arith.constant 0.000000e+00 : f32
    %broadcast_in_dim3A_2272 = vector.shape_cast %slice3A_2261 : vector<1x1xf32> to vector<1x1xf32>
    %broadcast_in_dim3A_2273 = vector.broadcast %broadcast_in_dim3A_2272 : vector<1x1xf32> to vector<1x128xf32>
    %broadcast_in_dim3A_2274 = vector.broadcast %jit3A_2271 : f32 to vector<1x128xf32>
    %select_n3A_2275 = arith.select %eq3A_2270, %broadcast_in_dim3A_2273, %broadcast_in_dim3A_2274 : vector<1x128xi1>, vector<1x128xf32>
    %broadcast_in_dim3A_2276 = vector.shape_cast %slice3A_2260 : vector<1x1xf32> to vector<1x1xf32>
    %broadcast_in_dim3A_2277 = vector.broadcast %broadcast_in_dim3A_2276 : vector<1x1xf32> to vector<1x128xf32>
    %select_n3A_2278 = arith.select %eq3A_2267, %broadcast_in_dim3A_2277, %select_n3A_2275 : vector<1x128xi1>, vector<1x128xf32>
    %broadcast_in_dim3A_2279 = vector.broadcast %reduce_min3A_2239 : f32 to vector<1x128xf32>
    %select_n3A_2280 = arith.select %eq3A_2264, %broadcast_in_dim3A_2279, %select_n3A_2278 : vector<1x128xi1>, vector<1x128xf32>
    %swap3A_2281 = arith.index_cast %get3A_1991 : i32 to index
    %swap3A_2282 = arith.constant 0 : index
    %swap3A_2283 = vector.load %arg47[%swap3A_2281, %swap3A_2282] : memref<1280x128xf32, #tpu.memory_space<vmem>>, vector<1x128xf32>
    tpu.vector_store %arg47[%swap3A_2281, %swap3A_2282], %select_n3A_2280 {strides = array<i32>} : memref<1280x128xf32, #tpu.memory_space<vmem>>, vector<1x128xf32>,
    %add3A_2284 = arith.constant 1056 : i32
    %add3A_2285 = arith.addi %add3A_2284, %arg0 : i32
    %get3A_2286 = arith.index_cast %add3A_2285 : i32 to index
    %get3A_2287 = memref.load %arg2[%get3A_2286] : memref<1280xi32, #tpu.memory_space<smem>>
    %get3A_2288 = arith.index_cast %add3A_2285 : i32 to index
    %get3A_2289 = memref.load %arg3[%get3A_2288] : memref<1280xi32, #tpu.memory_space<smem>>
    %get3A_2290 = arith.index_cast %add3A_2285 : i32 to index
    %get3A_2291 = memref.load %arg4[%get3A_2290] : memref<1280xi32, #tpu.memory_space<smem>>
    %get3A_2292 = arith.index_cast %get3A_2289 : i32 to index
    %get3A_2293 = arith.constant 0 : index
    %get3A_2294 = vector.load %arg5[%get3A_2292, %get3A_2293] : memref<256x768xf32, #tpu.memory_space<vmem>>, vector<1x768xf32>
    %get3A_2295 = arith.constant 0 : index
    %get3A_2296 = arith.constant 0 : index
    %get3A_2297 = arith.constant 0 : index
    %get3A_2298 = vector.load %arg39[%get3A_2295, %get3A_2296, %get3A_2297] : memref<1x128x768xf32, #tpu.memory_space<vmem>>, vector<1x128x768xf32>
    %get3A_2299 = vector.shape_cast %get3A_2298 : vector<1x128x768xf32> to vector<128x768xf32>
    %sub3A_2300 = vector.broadcast %get3A_2294 : vector<1x768xf32> to vector<128x768xf32>
    %sub3A_2301 = arith.subf %get3A_2299, %sub3A_2300 : vector<128x768xf32>
    %mul3A_2302 = arith.mulf %sub3A_2301, %sub3A_2301 : vector<128x768xf32>
    %reduce_sum3A_2303 = arith.constant dense<0.000000e+00> : vector<128xf32>
    %reduce_sum3A_2304 = vector.multi_reduction <add>, %mul3A_2302, %reduce_sum3A_2303 [1] : vector<128x768xf32> to vector<128xf32>
    %broadcast_in_dim3A_2305 = vector.shape_cast %reduce_sum3A_2304 : vector<128xf32> to vector<128x1xf32>
    %get3A_2306 = arith.index_cast %get3A_2291 : i32 to index
    %get3A_2307 = arith.constant 0 : index
    %get3A_2308 = vector.load %arg46[%get3A_2306, %get3A_2307] : memref<2000x128xf32, #tpu.memory_space<vmem>>, vector<2x128xf32>
    %reduce_min3A_2309 = vector.shape_cast %broadcast_in_dim3A_2083 : vector<128x1xf32> to vector<1x128x1xf32>
    %reduce_min3A_2310 = arith.constant dense<0x7F800000> : vector<1xf32>
    %reduce_min3A_2311 = vector.multi_reduction <minimumf>, %reduce_min3A_2309, %reduce_min3A_2310 [1, 2] : vector<1x128x1xf32> to vector<1xf32>
    %reduce_min3A_2312 = vector.shape_cast %reduce_min3A_2311 : vector<1xf32> to vector<1x1x1xf32>
    %reduce_min3A_2313 = vector.extract %reduce_min3A_2312[0, 0, 0] : f32 from vector<1x1x1xf32>
    %eq3A_2314 = vector.broadcast %reduce_min3A_2313 : f32 to vector<128x1xf32>
    %eq3A_2315 = arith.cmpf oeq, %broadcast_in_dim3A_2083, %eq3A_2314 : vector<128x1xf32>
    %jit3A_2316 = arith.constant 128 : i32
    %broadcast_in_dim3A_2317 = vector.broadcast %jit3A_2316 : i32 to vector<128x1xi32>
    %select_n3A_2318 = arith.select %eq3A_2315, %iota3A, %broadcast_in_dim3A_2317 : vector<128x1xi1>, vector<128x1xi32>
    %reduce_min3A_2319 = vector.shape_cast %select_n3A_2318 : vector<128x1xi32> to vector<1x128x1xi32>
    %reduce_min3A_2320 = arith.constant dense<2147483647> : vector<1xi32>
    %reduce_min3A_2321 = vector.multi_reduction <minsi>, %reduce_min3A_2319, %reduce_min3A_2320 [1, 2] : vector<1x128x1xi32> to vector<1xi32>
    %reduce_min3A_2322 = vector.shape_cast %reduce_min3A_2321 : vector<1xi32> to vector<1x1x1xi32>
    %reduce_min3A_2323 = vector.extract %reduce_min3A_2322[0, 0, 0] : i32 from vector<1x1x1xi32>
    %eq3A_2324 = vector.broadcast %reduce_min3A_2323 : i32 to vector<1x128xi32>
    %eq3A_2325 = arith.cmpi eq, %iota3A_0, %eq3A_2324 : vector<1x128xi32>
    %jit3A_2326 = arith.constant 0.000000e+00 : f32
    %broadcast_in_dim3A_2327 = vector.shape_cast %eq3A_2325 : vector<1x128xi1> to vector<1x128xi1>
    %broadcast_in_dim3A_2328 = vector.broadcast %broadcast_in_dim3A_2327 : vector<1x128xi1> to vector<2x128xi1>
    %broadcast_in_dim3A_2329 = vector.broadcast %jit3A_2326 : f32 to vector<2x128xf32>
    %select_n3A_2330 = arith.select %broadcast_in_dim3A_2328, %get3A_2086, %broadcast_in_dim3A_2329 : vector<2x128xi1>, vector<2x128xf32>
    %reduce_sum3A_2331 = arith.constant dense<0.000000e+00> : vector<2xf32>
    %reduce_sum3A_2332 = vector.multi_reduction <add>, %select_n3A_2330, %reduce_sum3A_2331 [1] : vector<2x128xf32> to vector<2xf32>
    %broadcast_in_dim3A_2333 = vector.shape_cast %reduce_sum3A_2332 : vector<2xf32> to vector<2x1xf32>
    %slice3A_2334 = vector.extract_strided_slice %broadcast_in_dim3A_2333 {offsets = [0, 0], sizes = [1, 1], strides = [1, 1]} : vector<2x1xf32> to vector<1x1xf32>
    %slice3A_2335 = vector.extract_strided_slice %broadcast_in_dim3A_2333 {offsets = [1, 0], sizes = [1, 1], strides = [1, 1]} : vector<2x1xf32> to vector<1x1xf32>
    %eq3A_2336 = arith.constant 0 : i32
    %eq3A_2337 = vector.broadcast %eq3A_2336 : i32 to vector<1x128xi32>
    %eq3A_2338 = arith.cmpi eq, %iota3A_0, %eq3A_2337 : vector<1x128xi32>
    %eq3A_2339 = arith.constant 1 : i32
    %eq3A_2340 = vector.broadcast %eq3A_2339 : i32 to vector<1x128xi32>
    %eq3A_2341 = arith.cmpi eq, %iota3A_0, %eq3A_2340 : vector<1x128xi32>
    %eq3A_2342 = arith.constant 2 : i32
    %eq3A_2343 = vector.broadcast %eq3A_2342 : i32 to vector<1x128xi32>
    %eq3A_2344 = arith.cmpi eq, %iota3A_0, %eq3A_2343 : vector<1x128xi32>
    %jit3A_2345 = arith.constant 0.000000e+00 : f32
    %broadcast_in_dim3A_2346 = vector.shape_cast %slice3A_2335 : vector<1x1xf32> to vector<1x1xf32>
    %broadcast_in_dim3A_2347 = vector.broadcast %broadcast_in_dim3A_2346 : vector<1x1xf32> to vector<1x128xf32>
    %broadcast_in_dim3A_2348 = vector.broadcast %jit3A_2345 : f32 to vector<1x128xf32>
    %select_n3A_2349 = arith.select %eq3A_2344, %broadcast_in_dim3A_2347, %broadcast_in_dim3A_2348 : vector<1x128xi1>, vector<1x128xf32>
    %broadcast_in_dim3A_2350 = vector.shape_cast %slice3A_2334 : vector<1x1xf32> to vector<1x1xf32>
    %broadcast_in_dim3A_2351 = vector.broadcast %broadcast_in_dim3A_2350 : vector<1x1xf32> to vector<1x128xf32>
    %select_n3A_2352 = arith.select %eq3A_2341, %broadcast_in_dim3A_2351, %select_n3A_2349 : vector<1x128xi1>, vector<1x128xf32>
    %broadcast_in_dim3A_2353 = vector.broadcast %reduce_min3A_2313 : f32 to vector<1x128xf32>
    %select_n3A_2354 = arith.select %eq3A_2338, %broadcast_in_dim3A_2353, %select_n3A_2352 : vector<1x128xi1>, vector<1x128xf32>
    %swap3A_2355 = arith.index_cast %get3A_2065 : i32 to index
    %swap3A_2356 = arith.constant 0 : index
    %swap3A_2357 = vector.load %arg47[%swap3A_2355, %swap3A_2356] : memref<1280x128xf32, #tpu.memory_space<vmem>>, vector<1x128xf32>
    tpu.vector_store %arg47[%swap3A_2355, %swap3A_2356], %select_n3A_2354 {strides = array<i32>} : memref<1280x128xf32, #tpu.memory_space<vmem>>, vector<1x128xf32>,
    %add3A_2358 = arith.constant 1088 : i32
    %add3A_2359 = arith.addi %add3A_2358, %arg0 : i32
    %get3A_2360 = arith.index_cast %add3A_2359 : i32 to index
    %get3A_2361 = memref.load %arg2[%get3A_2360] : memref<1280xi32, #tpu.memory_space<smem>>
    %get3A_2362 = arith.index_cast %add3A_2359 : i32 to index
    %get3A_2363 = memref.load %arg3[%get3A_2362] : memref<1280xi32, #tpu.memory_space<smem>>
    %get3A_2364 = arith.index_cast %add3A_2359 : i32 to index
    %get3A_2365 = memref.load %arg4[%get3A_2364] : memref<1280xi32, #tpu.memory_space<smem>>
    %get3A_2366 = arith.index_cast %get3A_2363 : i32 to index
    %get3A_2367 = arith.constant 0 : index
    %get3A_2368 = vector.load %arg5[%get3A_2366, %get3A_2367] : memref<256x768xf32, #tpu.memory_space<vmem>>, vector<1x768xf32>
    %get3A_2369 = arith.constant 0 : index
    %get3A_2370 = arith.constant 0 : index
    %get3A_2371 = arith.constant 0 : index
    %get3A_2372 = vector.load %arg40[%get3A_2369, %get3A_2370, %get3A_2371] : memref<1x128x768xf32, #tpu.memory_space<vmem>>, vector<1x128x768xf32>
    %get3A_2373 = vector.shape_cast %get3A_2372 : vector<1x128x768xf32> to vector<128x768xf32>
    %sub3A_2374 = vector.broadcast %get3A_2368 : vector<1x768xf32> to vector<128x768xf32>
    %sub3A_2375 = arith.subf %get3A_2373, %sub3A_2374 : vector<128x768xf32>
    %mul3A_2376 = arith.mulf %sub3A_2375, %sub3A_2375 : vector<128x768xf32>
    %reduce_sum3A_2377 = arith.constant dense<0.000000e+00> : vector<128xf32>
    %reduce_sum3A_2378 = vector.multi_reduction <add>, %mul3A_2376, %reduce_sum3A_2377 [1] : vector<128x768xf32> to vector<128xf32>
    %broadcast_in_dim3A_2379 = vector.shape_cast %reduce_sum3A_2378 : vector<128xf32> to vector<128x1xf32>
    %get3A_2380 = arith.index_cast %get3A_2365 : i32 to index
    %get3A_2381 = arith.constant 0 : index
    %get3A_2382 = vector.load %arg46[%get3A_2380, %get3A_2381] : memref<2000x128xf32, #tpu.memory_space<vmem>>, vector<2x128xf32>
    %reduce_min3A_2383 = vector.shape_cast %broadcast_in_dim3A_2157 : vector<128x1xf32> to vector<1x128x1xf32>
    %reduce_min3A_2384 = arith.constant dense<0x7F800000> : vector<1xf32>
    %reduce_min3A_2385 = vector.multi_reduction <minimumf>, %reduce_min3A_2383, %reduce_min3A_2384 [1, 2] : vector<1x128x1xf32> to vector<1xf32>
    %reduce_min3A_2386 = vector.shape_cast %reduce_min3A_2385 : vector<1xf32> to vector<1x1x1xf32>
    %reduce_min3A_2387 = vector.extract %reduce_min3A_2386[0, 0, 0] : f32 from vector<1x1x1xf32>
    %eq3A_2388 = vector.broadcast %reduce_min3A_2387 : f32 to vector<128x1xf32>
    %eq3A_2389 = arith.cmpf oeq, %broadcast_in_dim3A_2157, %eq3A_2388 : vector<128x1xf32>
    %jit3A_2390 = arith.constant 128 : i32
    %broadcast_in_dim3A_2391 = vector.broadcast %jit3A_2390 : i32 to vector<128x1xi32>
    %select_n3A_2392 = arith.select %eq3A_2389, %iota3A, %broadcast_in_dim3A_2391 : vector<128x1xi1>, vector<128x1xi32>
    %reduce_min3A_2393 = vector.shape_cast %select_n3A_2392 : vector<128x1xi32> to vector<1x128x1xi32>
    %reduce_min3A_2394 = arith.constant dense<2147483647> : vector<1xi32>
    %reduce_min3A_2395 = vector.multi_reduction <minsi>, %reduce_min3A_2393, %reduce_min3A_2394 [1, 2] : vector<1x128x1xi32> to vector<1xi32>
    %reduce_min3A_2396 = vector.shape_cast %reduce_min3A_2395 : vector<1xi32> to vector<1x1x1xi32>
    %reduce_min3A_2397 = vector.extract %reduce_min3A_2396[0, 0, 0] : i32 from vector<1x1x1xi32>
    %eq3A_2398 = vector.broadcast %reduce_min3A_2397 : i32 to vector<1x128xi32>
    %eq3A_2399 = arith.cmpi eq, %iota3A_0, %eq3A_2398 : vector<1x128xi32>
    %jit3A_2400 = arith.constant 0.000000e+00 : f32
    %broadcast_in_dim3A_2401 = vector.shape_cast %eq3A_2399 : vector<1x128xi1> to vector<1x128xi1>
    %broadcast_in_dim3A_2402 = vector.broadcast %broadcast_in_dim3A_2401 : vector<1x128xi1> to vector<2x128xi1>
    %broadcast_in_dim3A_2403 = vector.broadcast %jit3A_2400 : f32 to vector<2x128xf32>
    %select_n3A_2404 = arith.select %broadcast_in_dim3A_2402, %get3A_2160, %broadcast_in_dim3A_2403 : vector<2x128xi1>, vector<2x128xf32>
    %reduce_sum3A_2405 = arith.constant dense<0.000000e+00> : vector<2xf32>
    %reduce_sum3A_2406 = vector.multi_reduction <add>, %select_n3A_2404, %reduce_sum3A_2405 [1] : vector<2x128xf32> to vector<2xf32>
    %broadcast_in_dim3A_2407 = vector.shape_cast %reduce_sum3A_2406 : vector<2xf32> to vector<2x1xf32>
    %slice3A_2408 = vector.extract_strided_slice %broadcast_in_dim3A_2407 {offsets = [0, 0], sizes = [1, 1], strides = [1, 1]} : vector<2x1xf32> to vector<1x1xf32>
    %slice3A_2409 = vector.extract_strided_slice %broadcast_in_dim3A_2407 {offsets = [1, 0], sizes = [1, 1], strides = [1, 1]} : vector<2x1xf32> to vector<1x1xf32>
    %eq3A_2410 = arith.constant 0 : i32
    %eq3A_2411 = vector.broadcast %eq3A_2410 : i32 to vector<1x128xi32>
    %eq3A_2412 = arith.cmpi eq, %iota3A_0, %eq3A_2411 : vector<1x128xi32>
    %eq3A_2413 = arith.constant 1 : i32
    %eq3A_2414 = vector.broadcast %eq3A_2413 : i32 to vector<1x128xi32>
    %eq3A_2415 = arith.cmpi eq, %iota3A_0, %eq3A_2414 : vector<1x128xi32>
    %eq3A_2416 = arith.constant 2 : i32
    %eq3A_2417 = vector.broadcast %eq3A_2416 : i32 to vector<1x128xi32>
    %eq3A_2418 = arith.cmpi eq, %iota3A_0, %eq3A_2417 : vector<1x128xi32>
    %jit3A_2419 = arith.constant 0.000000e+00 : f32
    %broadcast_in_dim3A_2420 = vector.shape_cast %slice3A_2409 : vector<1x1xf32> to vector<1x1xf32>
    %broadcast_in_dim3A_2421 = vector.broadcast %broadcast_in_dim3A_2420 : vector<1x1xf32> to vector<1x128xf32>
    %broadcast_in_dim3A_2422 = vector.broadcast %jit3A_2419 : f32 to vector<1x128xf32>
    %select_n3A_2423 = arith.select %eq3A_2418, %broadcast_in_dim3A_2421, %broadcast_in_dim3A_2422 : vector<1x128xi1>, vector<1x128xf32>
    %broadcast_in_dim3A_2424 = vector.shape_cast %slice3A_2408 : vector<1x1xf32> to vector<1x1xf32>
    %broadcast_in_dim3A_2425 = vector.broadcast %broadcast_in_dim3A_2424 : vector<1x1xf32> to vector<1x128xf32>
    %select_n3A_2426 = arith.select %eq3A_2415, %broadcast_in_dim3A_2425, %select_n3A_2423 : vector<1x128xi1>, vector<1x128xf32>
    %broadcast_in_dim3A_2427 = vector.broadcast %reduce_min3A_2387 : f32 to vector<1x128xf32>
    %select_n3A_2428 = arith.select %eq3A_2412, %broadcast_in_dim3A_2427, %select_n3A_2426 : vector<1x128xi1>, vector<1x128xf32>
    %swap3A_2429 = arith.index_cast %get3A_2139 : i32 to index
    %swap3A_2430 = arith.constant 0 : index
    %swap3A_2431 = vector.load %arg47[%swap3A_2429, %swap3A_2430] : memref<1280x128xf32, #tpu.memory_space<vmem>>, vector<1x128xf32>
    tpu.vector_store %arg47[%swap3A_2429, %swap3A_2430], %select_n3A_2428 {strides = array<i32>} : memref<1280x128xf32, #tpu.memory_space<vmem>>, vector<1x128xf32>,
    %add3A_2432 = arith.constant 1120 : i32
    %add3A_2433 = arith.addi %add3A_2432, %arg0 : i32
    %get3A_2434 = arith.index_cast %add3A_2433 : i32 to index
    %get3A_2435 = memref.load %arg2[%get3A_2434] : memref<1280xi32, #tpu.memory_space<smem>>
    %get3A_2436 = arith.index_cast %add3A_2433 : i32 to index
    %get3A_2437 = memref.load %arg3[%get3A_2436] : memref<1280xi32, #tpu.memory_space<smem>>
    %get3A_2438 = arith.index_cast %add3A_2433 : i32 to index
    %get3A_2439 = memref.load %arg4[%get3A_2438] : memref<1280xi32, #tpu.memory_space<smem>>
    %get3A_2440 = arith.index_cast %get3A_2437 : i32 to index
    %get3A_2441 = arith.constant 0 : index
    %get3A_2442 = vector.load %arg5[%get3A_2440, %get3A_2441] : memref<256x768xf32, #tpu.memory_space<vmem>>, vector<1x768xf32>
    %get3A_2443 = arith.constant 0 : index
    %get3A_2444 = arith.constant 0 : index
    %get3A_2445 = arith.constant 0 : index
    %get3A_2446 = vector.load %arg41[%get3A_2443, %get3A_2444, %get3A_2445] : memref<1x128x768xf32, #tpu.memory_space<vmem>>, vector<1x128x768xf32>
    %get3A_2447 = vector.shape_cast %get3A_2446 : vector<1x128x768xf32> to vector<128x768xf32>
    %sub3A_2448 = vector.broadcast %get3A_2442 : vector<1x768xf32> to vector<128x768xf32>
    %sub3A_2449 = arith.subf %get3A_2447, %sub3A_2448 : vector<128x768xf32>
    %mul3A_2450 = arith.mulf %sub3A_2449, %sub3A_2449 : vector<128x768xf32>
    %reduce_sum3A_2451 = arith.constant dense<0.000000e+00> : vector<128xf32>
    %reduce_sum3A_2452 = vector.multi_reduction <add>, %mul3A_2450, %reduce_sum3A_2451 [1] : vector<128x768xf32> to vector<128xf32>
    %broadcast_in_dim3A_2453 = vector.shape_cast %reduce_sum3A_2452 : vector<128xf32> to vector<128x1xf32>
    %get3A_2454 = arith.index_cast %get3A_2439 : i32 to index
    %get3A_2455 = arith.constant 0 : index
    %get3A_2456 = vector.load %arg46[%get3A_2454, %get3A_2455] : memref<2000x128xf32, #tpu.memory_space<vmem>>, vector<2x128xf32>
    %reduce_min3A_2457 = vector.shape_cast %broadcast_in_dim3A_2231 : vector<128x1xf32> to vector<1x128x1xf32>
    %reduce_min3A_2458 = arith.constant dense<0x7F800000> : vector<1xf32>
    %reduce_min3A_2459 = vector.multi_reduction <minimumf>, %reduce_min3A_2457, %reduce_min3A_2458 [1, 2] : vector<1x128x1xf32> to vector<1xf32>
    %reduce_min3A_2460 = vector.shape_cast %reduce_min3A_2459 : vector<1xf32> to vector<1x1x1xf32>
    %reduce_min3A_2461 = vector.extract %reduce_min3A_2460[0, 0, 0] : f32 from vector<1x1x1xf32>
    %eq3A_2462 = vector.broadcast %reduce_min3A_2461 : f32 to vector<128x1xf32>
    %eq3A_2463 = arith.cmpf oeq, %broadcast_in_dim3A_2231, %eq3A_2462 : vector<128x1xf32>
    %jit3A_2464 = arith.constant 128 : i32
    %broadcast_in_dim3A_2465 = vector.broadcast %jit3A_2464 : i32 to vector<128x1xi32>
    %select_n3A_2466 = arith.select %eq3A_2463, %iota3A, %broadcast_in_dim3A_2465 : vector<128x1xi1>, vector<128x1xi32>
    %reduce_min3A_2467 = vector.shape_cast %select_n3A_2466 : vector<128x1xi32> to vector<1x128x1xi32>
    %reduce_min3A_2468 = arith.constant dense<2147483647> : vector<1xi32>
    %reduce_min3A_2469 = vector.multi_reduction <minsi>, %reduce_min3A_2467, %reduce_min3A_2468 [1, 2] : vector<1x128x1xi32> to vector<1xi32>
    %reduce_min3A_2470 = vector.shape_cast %reduce_min3A_2469 : vector<1xi32> to vector<1x1x1xi32>
    %reduce_min3A_2471 = vector.extract %reduce_min3A_2470[0, 0, 0] : i32 from vector<1x1x1xi32>
    %eq3A_2472 = vector.broadcast %reduce_min3A_2471 : i32 to vector<1x128xi32>
    %eq3A_2473 = arith.cmpi eq, %iota3A_0, %eq3A_2472 : vector<1x128xi32>
    %jit3A_2474 = arith.constant 0.000000e+00 : f32
    %broadcast_in_dim3A_2475 = vector.shape_cast %eq3A_2473 : vector<1x128xi1> to vector<1x128xi1>
    %broadcast_in_dim3A_2476 = vector.broadcast %broadcast_in_dim3A_2475 : vector<1x128xi1> to vector<2x128xi1>
    %broadcast_in_dim3A_2477 = vector.broadcast %jit3A_2474 : f32 to vector<2x128xf32>
    %select_n3A_2478 = arith.select %broadcast_in_dim3A_2476, %get3A_2234, %broadcast_in_dim3A_2477 : vector<2x128xi1>, vector<2x128xf32>
    %reduce_sum3A_2479 = arith.constant dense<0.000000e+00> : vector<2xf32>
    %reduce_sum3A_2480 = vector.multi_reduction <add>, %select_n3A_2478, %reduce_sum3A_2479 [1] : vector<2x128xf32> to vector<2xf32>
    %broadcast_in_dim3A_2481 = vector.shape_cast %reduce_sum3A_2480 : vector<2xf32> to vector<2x1xf32>
    %slice3A_2482 = vector.extract_strided_slice %broadcast_in_dim3A_2481 {offsets = [0, 0], sizes = [1, 1], strides = [1, 1]} : vector<2x1xf32> to vector<1x1xf32>
    %slice3A_2483 = vector.extract_strided_slice %broadcast_in_dim3A_2481 {offsets = [1, 0], sizes = [1, 1], strides = [1, 1]} : vector<2x1xf32> to vector<1x1xf32>
    %eq3A_2484 = arith.constant 0 : i32
    %eq3A_2485 = vector.broadcast %eq3A_2484 : i32 to vector<1x128xi32>
    %eq3A_2486 = arith.cmpi eq, %iota3A_0, %eq3A_2485 : vector<1x128xi32>
    %eq3A_2487 = arith.constant 1 : i32
    %eq3A_2488 = vector.broadcast %eq3A_2487 : i32 to vector<1x128xi32>
    %eq3A_2489 = arith.cmpi eq, %iota3A_0, %eq3A_2488 : vector<1x128xi32>
    %eq3A_2490 = arith.constant 2 : i32
    %eq3A_2491 = vector.broadcast %eq3A_2490 : i32 to vector<1x128xi32>
    %eq3A_2492 = arith.cmpi eq, %iota3A_0, %eq3A_2491 : vector<1x128xi32>
    %jit3A_2493 = arith.constant 0.000000e+00 : f32
    %broadcast_in_dim3A_2494 = vector.shape_cast %slice3A_2483 : vector<1x1xf32> to vector<1x1xf32>
    %broadcast_in_dim3A_2495 = vector.broadcast %broadcast_in_dim3A_2494 : vector<1x1xf32> to vector<1x128xf32>
    %broadcast_in_dim3A_2496 = vector.broadcast %jit3A_2493 : f32 to vector<1x128xf32>
    %select_n3A_2497 = arith.select %eq3A_2492, %broadcast_in_dim3A_2495, %broadcast_in_dim3A_2496 : vector<1x128xi1>, vector<1x128xf32>
    %broadcast_in_dim3A_2498 = vector.shape_cast %slice3A_2482 : vector<1x1xf32> to vector<1x1xf32>
    %broadcast_in_dim3A_2499 = vector.broadcast %broadcast_in_dim3A_2498 : vector<1x1xf32> to vector<1x128xf32>
    %select_n3A_2500 = arith.select %eq3A_2489, %broadcast_in_dim3A_2499, %select_n3A_2497 : vector<1x128xi1>, vector<1x128xf32>
    %broadcast_in_dim3A_2501 = vector.broadcast %reduce_min3A_2461 : f32 to vector<1x128xf32>
    %select_n3A_2502 = arith.select %eq3A_2486, %broadcast_in_dim3A_2501, %select_n3A_2500 : vector<1x128xi1>, vector<1x128xf32>
    %swap3A_2503 = arith.index_cast %get3A_2213 : i32 to index
    %swap3A_2504 = arith.constant 0 : index
    %swap3A_2505 = vector.load %arg47[%swap3A_2503, %swap3A_2504] : memref<1280x128xf32, #tpu.memory_space<vmem>>, vector<1x128xf32>
    tpu.vector_store %arg47[%swap3A_2503, %swap3A_2504], %select_n3A_2502 {strides = array<i32>} : memref<1280x128xf32, #tpu.memory_space<vmem>>, vector<1x128xf32>,
    %add3A_2506 = arith.constant 1152 : i32
    %add3A_2507 = arith.addi %add3A_2506, %arg0 : i32
    %get3A_2508 = arith.index_cast %add3A_2507 : i32 to index
    %get3A_2509 = memref.load %arg2[%get3A_2508] : memref<1280xi32, #tpu.memory_space<smem>>
    %get3A_2510 = arith.index_cast %add3A_2507 : i32 to index
    %get3A_2511 = memref.load %arg3[%get3A_2510] : memref<1280xi32, #tpu.memory_space<smem>>
    %get3A_2512 = arith.index_cast %add3A_2507 : i32 to index
    %get3A_2513 = memref.load %arg4[%get3A_2512] : memref<1280xi32, #tpu.memory_space<smem>>
    %get3A_2514 = arith.index_cast %get3A_2511 : i32 to index
    %get3A_2515 = arith.constant 0 : index
    %get3A_2516 = vector.load %arg5[%get3A_2514, %get3A_2515] : memref<256x768xf32, #tpu.memory_space<vmem>>, vector<1x768xf32>
    %get3A_2517 = arith.constant 0 : index
    %get3A_2518 = arith.constant 0 : index
    %get3A_2519 = arith.constant 0 : index
    %get3A_2520 = vector.load %arg42[%get3A_2517, %get3A_2518, %get3A_2519] : memref<1x128x768xf32, #tpu.memory_space<vmem>>, vector<1x128x768xf32>
    %get3A_2521 = vector.shape_cast %get3A_2520 : vector<1x128x768xf32> to vector<128x768xf32>
    %sub3A_2522 = vector.broadcast %get3A_2516 : vector<1x768xf32> to vector<128x768xf32>
    %sub3A_2523 = arith.subf %get3A_2521, %sub3A_2522 : vector<128x768xf32>
    %mul3A_2524 = arith.mulf %sub3A_2523, %sub3A_2523 : vector<128x768xf32>
    %reduce_sum3A_2525 = arith.constant dense<0.000000e+00> : vector<128xf32>
    %reduce_sum3A_2526 = vector.multi_reduction <add>, %mul3A_2524, %reduce_sum3A_2525 [1] : vector<128x768xf32> to vector<128xf32>
    %broadcast_in_dim3A_2527 = vector.shape_cast %reduce_sum3A_2526 : vector<128xf32> to vector<128x1xf32>
    %get3A_2528 = arith.index_cast %get3A_2513 : i32 to index
    %get3A_2529 = arith.constant 0 : index
    %get3A_2530 = vector.load %arg46[%get3A_2528, %get3A_2529] : memref<2000x128xf32, #tpu.memory_space<vmem>>, vector<2x128xf32>
    %reduce_min3A_2531 = vector.shape_cast %broadcast_in_dim3A_2305 : vector<128x1xf32> to vector<1x128x1xf32>
    %reduce_min3A_2532 = arith.constant dense<0x7F800000> : vector<1xf32>
    %reduce_min3A_2533 = vector.multi_reduction <minimumf>, %reduce_min3A_2531, %reduce_min3A_2532 [1, 2] : vector<1x128x1xf32> to vector<1xf32>
    %reduce_min3A_2534 = vector.shape_cast %reduce_min3A_2533 : vector<1xf32> to vector<1x1x1xf32>
    %reduce_min3A_2535 = vector.extract %reduce_min3A_2534[0, 0, 0] : f32 from vector<1x1x1xf32>
    %eq3A_2536 = vector.broadcast %reduce_min3A_2535 : f32 to vector<128x1xf32>
    %eq3A_2537 = arith.cmpf oeq, %broadcast_in_dim3A_2305, %eq3A_2536 : vector<128x1xf32>
    %jit3A_2538 = arith.constant 128 : i32
    %broadcast_in_dim3A_2539 = vector.broadcast %jit3A_2538 : i32 to vector<128x1xi32>
    %select_n3A_2540 = arith.select %eq3A_2537, %iota3A, %broadcast_in_dim3A_2539 : vector<128x1xi1>, vector<128x1xi32>
    %reduce_min3A_2541 = vector.shape_cast %select_n3A_2540 : vector<128x1xi32> to vector<1x128x1xi32>
    %reduce_min3A_2542 = arith.constant dense<2147483647> : vector<1xi32>
    %reduce_min3A_2543 = vector.multi_reduction <minsi>, %reduce_min3A_2541, %reduce_min3A_2542 [1, 2] : vector<1x128x1xi32> to vector<1xi32>
    %reduce_min3A_2544 = vector.shape_cast %reduce_min3A_2543 : vector<1xi32> to vector<1x1x1xi32>
    %reduce_min3A_2545 = vector.extract %reduce_min3A_2544[0, 0, 0] : i32 from vector<1x1x1xi32>
    %eq3A_2546 = vector.broadcast %reduce_min3A_2545 : i32 to vector<1x128xi32>
    %eq3A_2547 = arith.cmpi eq, %iota3A_0, %eq3A_2546 : vector<1x128xi32>
    %jit3A_2548 = arith.constant 0.000000e+00 : f32
    %broadcast_in_dim3A_2549 = vector.shape_cast %eq3A_2547 : vector<1x128xi1> to vector<1x128xi1>
    %broadcast_in_dim3A_2550 = vector.broadcast %broadcast_in_dim3A_2549 : vector<1x128xi1> to vector<2x128xi1>
    %broadcast_in_dim3A_2551 = vector.broadcast %jit3A_2548 : f32 to vector<2x128xf32>
    %select_n3A_2552 = arith.select %broadcast_in_dim3A_2550, %get3A_2308, %broadcast_in_dim3A_2551 : vector<2x128xi1>, vector<2x128xf32>
    %reduce_sum3A_2553 = arith.constant dense<0.000000e+00> : vector<2xf32>
    %reduce_sum3A_2554 = vector.multi_reduction <add>, %select_n3A_2552, %reduce_sum3A_2553 [1] : vector<2x128xf32> to vector<2xf32>
    %broadcast_in_dim3A_2555 = vector.shape_cast %reduce_sum3A_2554 : vector<2xf32> to vector<2x1xf32>
    %slice3A_2556 = vector.extract_strided_slice %broadcast_in_dim3A_2555 {offsets = [0, 0], sizes = [1, 1], strides = [1, 1]} : vector<2x1xf32> to vector<1x1xf32>
    %slice3A_2557 = vector.extract_strided_slice %broadcast_in_dim3A_2555 {offsets = [1, 0], sizes = [1, 1], strides = [1, 1]} : vector<2x1xf32> to vector<1x1xf32>
    %eq3A_2558 = arith.constant 0 : i32
    %eq3A_2559 = vector.broadcast %eq3A_2558 : i32 to vector<1x128xi32>
    %eq3A_2560 = arith.cmpi eq, %iota3A_0, %eq3A_2559 : vector<1x128xi32>
    %eq3A_2561 = arith.constant 1 : i32
    %eq3A_2562 = vector.broadcast %eq3A_2561 : i32 to vector<1x128xi32>
    %eq3A_2563 = arith.cmpi eq, %iota3A_0, %eq3A_2562 : vector<1x128xi32>
    %eq3A_2564 = arith.constant 2 : i32
    %eq3A_2565 = vector.broadcast %eq3A_2564 : i32 to vector<1x128xi32>
    %eq3A_2566 = arith.cmpi eq, %iota3A_0, %eq3A_2565 : vector<1x128xi32>
    %jit3A_2567 = arith.constant 0.000000e+00 : f32
    %broadcast_in_dim3A_2568 = vector.shape_cast %slice3A_2557 : vector<1x1xf32> to vector<1x1xf32>
    %broadcast_in_dim3A_2569 = vector.broadcast %broadcast_in_dim3A_2568 : vector<1x1xf32> to vector<1x128xf32>
    %broadcast_in_dim3A_2570 = vector.broadcast %jit3A_2567 : f32 to vector<1x128xf32>
    %select_n3A_2571 = arith.select %eq3A_2566, %broadcast_in_dim3A_2569, %broadcast_in_dim3A_2570 : vector<1x128xi1>, vector<1x128xf32>
    %broadcast_in_dim3A_2572 = vector.shape_cast %slice3A_2556 : vector<1x1xf32> to vector<1x1xf32>
    %broadcast_in_dim3A_2573 = vector.broadcast %broadcast_in_dim3A_2572 : vector<1x1xf32> to vector<1x128xf32>
    %select_n3A_2574 = arith.select %eq3A_2563, %broadcast_in_dim3A_2573, %select_n3A_2571 : vector<1x128xi1>, vector<1x128xf32>
    %broadcast_in_dim3A_2575 = vector.broadcast %reduce_min3A_2535 : f32 to vector<1x128xf32>
    %select_n3A_2576 = arith.select %eq3A_2560, %broadcast_in_dim3A_2575, %select_n3A_2574 : vector<1x128xi1>, vector<1x128xf32>
    %swap3A_2577 = arith.index_cast %get3A_2287 : i32 to index
    %swap3A_2578 = arith.constant 0 : index
    %swap3A_2579 = vector.load %arg47[%swap3A_2577, %swap3A_2578] : memref<1280x128xf32, #tpu.memory_space<vmem>>, vector<1x128xf32>
    tpu.vector_store %arg47[%swap3A_2577, %swap3A_2578], %select_n3A_2576 {strides = array<i32>} : memref<1280x128xf32, #tpu.memory_space<vmem>>, vector<1x128xf32>,
    %add3A_2580 = arith.constant 1184 : i32
    %add3A_2581 = arith.addi %add3A_2580, %arg0 : i32
    %get3A_2582 = arith.index_cast %add3A_2581 : i32 to index
    %get3A_2583 = memref.load %arg2[%get3A_2582] : memref<1280xi32, #tpu.memory_space<smem>>
    %get3A_2584 = arith.index_cast %add3A_2581 : i32 to index
    %get3A_2585 = memref.load %arg3[%get3A_2584] : memref<1280xi32, #tpu.memory_space<smem>>
    %get3A_2586 = arith.index_cast %add3A_2581 : i32 to index
    %get3A_2587 = memref.load %arg4[%get3A_2586] : memref<1280xi32, #tpu.memory_space<smem>>
    %get3A_2588 = arith.index_cast %get3A_2585 : i32 to index
    %get3A_2589 = arith.constant 0 : index
    %get3A_2590 = vector.load %arg5[%get3A_2588, %get3A_2589] : memref<256x768xf32, #tpu.memory_space<vmem>>, vector<1x768xf32>
    %get3A_2591 = arith.constant 0 : index
    %get3A_2592 = arith.constant 0 : index
    %get3A_2593 = arith.constant 0 : index
    %get3A_2594 = vector.load %arg43[%get3A_2591, %get3A_2592, %get3A_2593] : memref<1x128x768xf32, #tpu.memory_space<vmem>>, vector<1x128x768xf32>
    %get3A_2595 = vector.shape_cast %get3A_2594 : vector<1x128x768xf32> to vector<128x768xf32>
    %sub3A_2596 = vector.broadcast %get3A_2590 : vector<1x768xf32> to vector<128x768xf32>
    %sub3A_2597 = arith.subf %get3A_2595, %sub3A_2596 : vector<128x768xf32>
    %mul3A_2598 = arith.mulf %sub3A_2597, %sub3A_2597 : vector<128x768xf32>
    %reduce_sum3A_2599 = arith.constant dense<0.000000e+00> : vector<128xf32>
    %reduce_sum3A_2600 = vector.multi_reduction <add>, %mul3A_2598, %reduce_sum3A_2599 [1] : vector<128x768xf32> to vector<128xf32>
    %broadcast_in_dim3A_2601 = vector.shape_cast %reduce_sum3A_2600 : vector<128xf32> to vector<128x1xf32>
    %get3A_2602 = arith.index_cast %get3A_2587 : i32 to index
    %get3A_2603 = arith.constant 0 : index
    %get3A_2604 = vector.load %arg46[%get3A_2602, %get3A_2603] : memref<2000x128xf32, #tpu.memory_space<vmem>>, vector<2x128xf32>
    %reduce_min3A_2605 = vector.shape_cast %broadcast_in_dim3A_2379 : vector<128x1xf32> to vector<1x128x1xf32>
    %reduce_min3A_2606 = arith.constant dense<0x7F800000> : vector<1xf32>
    %reduce_min3A_2607 = vector.multi_reduction <minimumf>, %reduce_min3A_2605, %reduce_min3A_2606 [1, 2] : vector<1x128x1xf32> to vector<1xf32>
    %reduce_min3A_2608 = vector.shape_cast %reduce_min3A_2607 : vector<1xf32> to vector<1x1x1xf32>
    %reduce_min3A_2609 = vector.extract %reduce_min3A_2608[0, 0, 0] : f32 from vector<1x1x1xf32>
    %eq3A_2610 = vector.broadcast %reduce_min3A_2609 : f32 to vector<128x1xf32>
    %eq3A_2611 = arith.cmpf oeq, %broadcast_in_dim3A_2379, %eq3A_2610 : vector<128x1xf32>
    %jit3A_2612 = arith.constant 128 : i32
    %broadcast_in_dim3A_2613 = vector.broadcast %jit3A_2612 : i32 to vector<128x1xi32>
    %select_n3A_2614 = arith.select %eq3A_2611, %iota3A, %broadcast_in_dim3A_2613 : vector<128x1xi1>, vector<128x1xi32>
    %reduce_min3A_2615 = vector.shape_cast %select_n3A_2614 : vector<128x1xi32> to vector<1x128x1xi32>
    %reduce_min3A_2616 = arith.constant dense<2147483647> : vector<1xi32>
    %reduce_min3A_2617 = vector.multi_reduction <minsi>, %reduce_min3A_2615, %reduce_min3A_2616 [1, 2] : vector<1x128x1xi32> to vector<1xi32>
    %reduce_min3A_2618 = vector.shape_cast %reduce_min3A_2617 : vector<1xi32> to vector<1x1x1xi32>
    %reduce_min3A_2619 = vector.extract %reduce_min3A_2618[0, 0, 0] : i32 from vector<1x1x1xi32>
    %eq3A_2620 = vector.broadcast %reduce_min3A_2619 : i32 to vector<1x128xi32>
    %eq3A_2621 = arith.cmpi eq, %iota3A_0, %eq3A_2620 : vector<1x128xi32>
    %jit3A_2622 = arith.constant 0.000000e+00 : f32
    %broadcast_in_dim3A_2623 = vector.shape_cast %eq3A_2621 : vector<1x128xi1> to vector<1x128xi1>
    %broadcast_in_dim3A_2624 = vector.broadcast %broadcast_in_dim3A_2623 : vector<1x128xi1> to vector<2x128xi1>
    %broadcast_in_dim3A_2625 = vector.broadcast %jit3A_2622 : f32 to vector<2x128xf32>
    %select_n3A_2626 = arith.select %broadcast_in_dim3A_2624, %get3A_2382, %broadcast_in_dim3A_2625 : vector<2x128xi1>, vector<2x128xf32>
    %reduce_sum3A_2627 = arith.constant dense<0.000000e+00> : vector<2xf32>
    %reduce_sum3A_2628 = vector.multi_reduction <add>, %select_n3A_2626, %reduce_sum3A_2627 [1] : vector<2x128xf32> to vector<2xf32>
    %broadcast_in_dim3A_2629 = vector.shape_cast %reduce_sum3A_2628 : vector<2xf32> to vector<2x1xf32>
    %slice3A_2630 = vector.extract_strided_slice %broadcast_in_dim3A_2629 {offsets = [0, 0], sizes = [1, 1], strides = [1, 1]} : vector<2x1xf32> to vector<1x1xf32>
    %slice3A_2631 = vector.extract_strided_slice %broadcast_in_dim3A_2629 {offsets = [1, 0], sizes = [1, 1], strides = [1, 1]} : vector<2x1xf32> to vector<1x1xf32>
    %eq3A_2632 = arith.constant 0 : i32
    %eq3A_2633 = vector.broadcast %eq3A_2632 : i32 to vector<1x128xi32>
    %eq3A_2634 = arith.cmpi eq, %iota3A_0, %eq3A_2633 : vector<1x128xi32>
    %eq3A_2635 = arith.constant 1 : i32
    %eq3A_2636 = vector.broadcast %eq3A_2635 : i32 to vector<1x128xi32>
    %eq3A_2637 = arith.cmpi eq, %iota3A_0, %eq3A_2636 : vector<1x128xi32>
    %eq3A_2638 = arith.constant 2 : i32
    %eq3A_2639 = vector.broadcast %eq3A_2638 : i32 to vector<1x128xi32>
    %eq3A_2640 = arith.cmpi eq, %iota3A_0, %eq3A_2639 : vector<1x128xi32>
    %jit3A_2641 = arith.constant 0.000000e+00 : f32
    %broadcast_in_dim3A_2642 = vector.shape_cast %slice3A_2631 : vector<1x1xf32> to vector<1x1xf32>
    %broadcast_in_dim3A_2643 = vector.broadcast %broadcast_in_dim3A_2642 : vector<1x1xf32> to vector<1x128xf32>
    %broadcast_in_dim3A_2644 = vector.broadcast %jit3A_2641 : f32 to vector<1x128xf32>
    %select_n3A_2645 = arith.select %eq3A_2640, %broadcast_in_dim3A_2643, %broadcast_in_dim3A_2644 : vector<1x128xi1>, vector<1x128xf32>
    %broadcast_in_dim3A_2646 = vector.shape_cast %slice3A_2630 : vector<1x1xf32> to vector<1x1xf32>
    %broadcast_in_dim3A_2647 = vector.broadcast %broadcast_in_dim3A_2646 : vector<1x1xf32> to vector<1x128xf32>
    %select_n3A_2648 = arith.select %eq3A_2637, %broadcast_in_dim3A_2647, %select_n3A_2645 : vector<1x128xi1>, vector<1x128xf32>
    %broadcast_in_dim3A_2649 = vector.broadcast %reduce_min3A_2609 : f32 to vector<1x128xf32>
    %select_n3A_2650 = arith.select %eq3A_2634, %broadcast_in_dim3A_2649, %select_n3A_2648 : vector<1x128xi1>, vector<1x128xf32>
    %swap3A_2651 = arith.index_cast %get3A_2361 : i32 to index
    %swap3A_2652 = arith.constant 0 : index
    %swap3A_2653 = vector.load %arg47[%swap3A_2651, %swap3A_2652] : memref<1280x128xf32, #tpu.memory_space<vmem>>, vector<1x128xf32>
    tpu.vector_store %arg47[%swap3A_2651, %swap3A_2652], %select_n3A_2650 {strides = array<i32>} : memref<1280x128xf32, #tpu.memory_space<vmem>>, vector<1x128xf32>,
    %add3A_2654 = arith.constant 1216 : i32
    %add3A_2655 = arith.addi %add3A_2654, %arg0 : i32
    %get3A_2656 = arith.index_cast %add3A_2655 : i32 to index
    %get3A_2657 = memref.load %arg2[%get3A_2656] : memref<1280xi32, #tpu.memory_space<smem>>
    %get3A_2658 = arith.index_cast %add3A_2655 : i32 to index
    %get3A_2659 = memref.load %arg3[%get3A_2658] : memref<1280xi32, #tpu.memory_space<smem>>
    %get3A_2660 = arith.index_cast %add3A_2655 : i32 to index
    %get3A_2661 = memref.load %arg4[%get3A_2660] : memref<1280xi32, #tpu.memory_space<smem>>
    %get3A_2662 = arith.index_cast %get3A_2659 : i32 to index
    %get3A_2663 = arith.constant 0 : index
    %get3A_2664 = vector.load %arg5[%get3A_2662, %get3A_2663] : memref<256x768xf32, #tpu.memory_space<vmem>>, vector<1x768xf32>
    %get3A_2665 = arith.constant 0 : index
    %get3A_2666 = arith.constant 0 : index
    %get3A_2667 = arith.constant 0 : index
    %get3A_2668 = vector.load %arg44[%get3A_2665, %get3A_2666, %get3A_2667] : memref<1x128x768xf32, #tpu.memory_space<vmem>>, vector<1x128x768xf32>
    %get3A_2669 = vector.shape_cast %get3A_2668 : vector<1x128x768xf32> to vector<128x768xf32>
    %sub3A_2670 = vector.broadcast %get3A_2664 : vector<1x768xf32> to vector<128x768xf32>
    %sub3A_2671 = arith.subf %get3A_2669, %sub3A_2670 : vector<128x768xf32>
    %mul3A_2672 = arith.mulf %sub3A_2671, %sub3A_2671 : vector<128x768xf32>
    %reduce_sum3A_2673 = arith.constant dense<0.000000e+00> : vector<128xf32>
    %reduce_sum3A_2674 = vector.multi_reduction <add>, %mul3A_2672, %reduce_sum3A_2673 [1] : vector<128x768xf32> to vector<128xf32>
    %broadcast_in_dim3A_2675 = vector.shape_cast %reduce_sum3A_2674 : vector<128xf32> to vector<128x1xf32>
    %get3A_2676 = arith.index_cast %get3A_2661 : i32 to index
    %get3A_2677 = arith.constant 0 : index
    %get3A_2678 = vector.load %arg46[%get3A_2676, %get3A_2677] : memref<2000x128xf32, #tpu.memory_space<vmem>>, vector<2x128xf32>
    %reduce_min3A_2679 = vector.shape_cast %broadcast_in_dim3A_2453 : vector<128x1xf32> to vector<1x128x1xf32>
    %reduce_min3A_2680 = arith.constant dense<0x7F800000> : vector<1xf32>
    %reduce_min3A_2681 = vector.multi_reduction <minimumf>, %reduce_min3A_2679, %reduce_min3A_2680 [1, 2] : vector<1x128x1xf32> to vector<1xf32>
    %reduce_min3A_2682 = vector.shape_cast %reduce_min3A_2681 : vector<1xf32> to vector<1x1x1xf32>
    %reduce_min3A_2683 = vector.extract %reduce_min3A_2682[0, 0, 0] : f32 from vector<1x1x1xf32>
    %eq3A_2684 = vector.broadcast %reduce_min3A_2683 : f32 to vector<128x1xf32>
    %eq3A_2685 = arith.cmpf oeq, %broadcast_in_dim3A_2453, %eq3A_2684 : vector<128x1xf32>
    %jit3A_2686 = arith.constant 128 : i32
    %broadcast_in_dim3A_2687 = vector.broadcast %jit3A_2686 : i32 to vector<128x1xi32>
    %select_n3A_2688 = arith.select %eq3A_2685, %iota3A, %broadcast_in_dim3A_2687 : vector<128x1xi1>, vector<128x1xi32>
    %reduce_min3A_2689 = vector.shape_cast %select_n3A_2688 : vector<128x1xi32> to vector<1x128x1xi32>
    %reduce_min3A_2690 = arith.constant dense<2147483647> : vector<1xi32>
    %reduce_min3A_2691 = vector.multi_reduction <minsi>, %reduce_min3A_2689, %reduce_min3A_2690 [1, 2] : vector<1x128x1xi32> to vector<1xi32>
    %reduce_min3A_2692 = vector.shape_cast %reduce_min3A_2691 : vector<1xi32> to vector<1x1x1xi32>
    %reduce_min3A_2693 = vector.extract %reduce_min3A_2692[0, 0, 0] : i32 from vector<1x1x1xi32>
    %eq3A_2694 = vector.broadcast %reduce_min3A_2693 : i32 to vector<1x128xi32>
    %eq3A_2695 = arith.cmpi eq, %iota3A_0, %eq3A_2694 : vector<1x128xi32>
    %jit3A_2696 = arith.constant 0.000000e+00 : f32
    %broadcast_in_dim3A_2697 = vector.shape_cast %eq3A_2695 : vector<1x128xi1> to vector<1x128xi1>
    %broadcast_in_dim3A_2698 = vector.broadcast %broadcast_in_dim3A_2697 : vector<1x128xi1> to vector<2x128xi1>
    %broadcast_in_dim3A_2699 = vector.broadcast %jit3A_2696 : f32 to vector<2x128xf32>
    %select_n3A_2700 = arith.select %broadcast_in_dim3A_2698, %get3A_2456, %broadcast_in_dim3A_2699 : vector<2x128xi1>, vector<2x128xf32>
    %reduce_sum3A_2701 = arith.constant dense<0.000000e+00> : vector<2xf32>
    %reduce_sum3A_2702 = vector.multi_reduction <add>, %select_n3A_2700, %reduce_sum3A_2701 [1] : vector<2x128xf32> to vector<2xf32>
    %broadcast_in_dim3A_2703 = vector.shape_cast %reduce_sum3A_2702 : vector<2xf32> to vector<2x1xf32>
    %slice3A_2704 = vector.extract_strided_slice %broadcast_in_dim3A_2703 {offsets = [0, 0], sizes = [1, 1], strides = [1, 1]} : vector<2x1xf32> to vector<1x1xf32>
    %slice3A_2705 = vector.extract_strided_slice %broadcast_in_dim3A_2703 {offsets = [1, 0], sizes = [1, 1], strides = [1, 1]} : vector<2x1xf32> to vector<1x1xf32>
    %eq3A_2706 = arith.constant 0 : i32
    %eq3A_2707 = vector.broadcast %eq3A_2706 : i32 to vector<1x128xi32>
    %eq3A_2708 = arith.cmpi eq, %iota3A_0, %eq3A_2707 : vector<1x128xi32>
    %eq3A_2709 = arith.constant 1 : i32
    %eq3A_2710 = vector.broadcast %eq3A_2709 : i32 to vector<1x128xi32>
    %eq3A_2711 = arith.cmpi eq, %iota3A_0, %eq3A_2710 : vector<1x128xi32>
    %eq3A_2712 = arith.constant 2 : i32
    %eq3A_2713 = vector.broadcast %eq3A_2712 : i32 to vector<1x128xi32>
    %eq3A_2714 = arith.cmpi eq, %iota3A_0, %eq3A_2713 : vector<1x128xi32>
    %jit3A_2715 = arith.constant 0.000000e+00 : f32
    %broadcast_in_dim3A_2716 = vector.shape_cast %slice3A_2705 : vector<1x1xf32> to vector<1x1xf32>
    %broadcast_in_dim3A_2717 = vector.broadcast %broadcast_in_dim3A_2716 : vector<1x1xf32> to vector<1x128xf32>
    %broadcast_in_dim3A_2718 = vector.broadcast %jit3A_2715 : f32 to vector<1x128xf32>
    %select_n3A_2719 = arith.select %eq3A_2714, %broadcast_in_dim3A_2717, %broadcast_in_dim3A_2718 : vector<1x128xi1>, vector<1x128xf32>
    %broadcast_in_dim3A_2720 = vector.shape_cast %slice3A_2704 : vector<1x1xf32> to vector<1x1xf32>
    %broadcast_in_dim3A_2721 = vector.broadcast %broadcast_in_dim3A_2720 : vector<1x1xf32> to vector<1x128xf32>
    %select_n3A_2722 = arith.select %eq3A_2711, %broadcast_in_dim3A_2721, %select_n3A_2719 : vector<1x128xi1>, vector<1x128xf32>
    %broadcast_in_dim3A_2723 = vector.broadcast %reduce_min3A_2683 : f32 to vector<1x128xf32>
    %select_n3A_2724 = arith.select %eq3A_2708, %broadcast_in_dim3A_2723, %select_n3A_2722 : vector<1x128xi1>, vector<1x128xf32>
    %swap3A_2725 = arith.index_cast %get3A_2435 : i32 to index
    %swap3A_2726 = arith.constant 0 : index
    %swap3A_2727 = vector.load %arg47[%swap3A_2725, %swap3A_2726] : memref<1280x128xf32, #tpu.memory_space<vmem>>, vector<1x128xf32>
    tpu.vector_store %arg47[%swap3A_2725, %swap3A_2726], %select_n3A_2724 {strides = array<i32>} : memref<1280x128xf32, #tpu.memory_space<vmem>>, vector<1x128xf32>,
    %add3A_2728 = arith.constant 1248 : i32
    %add3A_2729 = arith.addi %add3A_2728, %arg0 : i32
    %get3A_2730 = arith.index_cast %add3A_2729 : i32 to index
    %get3A_2731 = memref.load %arg2[%get3A_2730] : memref<1280xi32, #tpu.memory_space<smem>>
    %get3A_2732 = arith.index_cast %add3A_2729 : i32 to index
    %get3A_2733 = memref.load %arg3[%get3A_2732] : memref<1280xi32, #tpu.memory_space<smem>>
    %get3A_2734 = arith.index_cast %add3A_2729 : i32 to index
    %get3A_2735 = memref.load %arg4[%get3A_2734] : memref<1280xi32, #tpu.memory_space<smem>>
    %get3A_2736 = arith.index_cast %get3A_2733 : i32 to index
    %get3A_2737 = arith.constant 0 : index
    %get3A_2738 = vector.load %arg5[%get3A_2736, %get3A_2737] : memref<256x768xf32, #tpu.memory_space<vmem>>, vector<1x768xf32>
    %get3A_2739 = arith.constant 0 : index
    %get3A_2740 = arith.constant 0 : index
    %get3A_2741 = arith.constant 0 : index
    %get3A_2742 = vector.load %arg45[%get3A_2739, %get3A_2740, %get3A_2741] : memref<1x128x768xf32, #tpu.memory_space<vmem>>, vector<1x128x768xf32>
    %get3A_2743 = vector.shape_cast %get3A_2742 : vector<1x128x768xf32> to vector<128x768xf32>
    %sub3A_2744 = vector.broadcast %get3A_2738 : vector<1x768xf32> to vector<128x768xf32>
    %sub3A_2745 = arith.subf %get3A_2743, %sub3A_2744 : vector<128x768xf32>
    %mul3A_2746 = arith.mulf %sub3A_2745, %sub3A_2745 : vector<128x768xf32>
    %reduce_sum3A_2747 = arith.constant dense<0.000000e+00> : vector<128xf32>
    %reduce_sum3A_2748 = vector.multi_reduction <add>, %mul3A_2746, %reduce_sum3A_2747 [1] : vector<128x768xf32> to vector<128xf32>
    %broadcast_in_dim3A_2749 = vector.shape_cast %reduce_sum3A_2748 : vector<128xf32> to vector<128x1xf32>
    %get3A_2750 = arith.index_cast %get3A_2735 : i32 to index
    %get3A_2751 = arith.constant 0 : index
    %get3A_2752 = vector.load %arg46[%get3A_2750, %get3A_2751] : memref<2000x128xf32, #tpu.memory_space<vmem>>, vector<2x128xf32>
    %reduce_min3A_2753 = vector.shape_cast %broadcast_in_dim3A_2527 : vector<128x1xf32> to vector<1x128x1xf32>
    %reduce_min3A_2754 = arith.constant dense<0x7F800000> : vector<1xf32>
    %reduce_min3A_2755 = vector.multi_reduction <minimumf>, %reduce_min3A_2753, %reduce_min3A_2754 [1, 2] : vector<1x128x1xf32> to vector<1xf32>
    %reduce_min3A_2756 = vector.shape_cast %reduce_min3A_2755 : vector<1xf32> to vector<1x1x1xf32>
    %reduce_min3A_2757 = vector.extract %reduce_min3A_2756[0, 0, 0] : f32 from vector<1x1x1xf32>
    %eq3A_2758 = vector.broadcast %reduce_min3A_2757 : f32 to vector<128x1xf32>
    %eq3A_2759 = arith.cmpf oeq, %broadcast_in_dim3A_2527, %eq3A_2758 : vector<128x1xf32>
    %jit3A_2760 = arith.constant 128 : i32
    %broadcast_in_dim3A_2761 = vector.broadcast %jit3A_2760 : i32 to vector<128x1xi32>
    %select_n3A_2762 = arith.select %eq3A_2759, %iota3A, %broadcast_in_dim3A_2761 : vector<128x1xi1>, vector<128x1xi32>
    %reduce_min3A_2763 = vector.shape_cast %select_n3A_2762 : vector<128x1xi32> to vector<1x128x1xi32>
    %reduce_min3A_2764 = arith.constant dense<2147483647> : vector<1xi32>
    %reduce_min3A_2765 = vector.multi_reduction <minsi>, %reduce_min3A_2763, %reduce_min3A_2764 [1, 2] : vector<1x128x1xi32> to vector<1xi32>
    %reduce_min3A_2766 = vector.shape_cast %reduce_min3A_2765 : vector<1xi32> to vector<1x1x1xi32>
    %reduce_min3A_2767 = vector.extract %reduce_min3A_2766[0, 0, 0] : i32 from vector<1x1x1xi32>
    %eq3A_2768 = vector.broadcast %reduce_min3A_2767 : i32 to vector<1x128xi32>
    %eq3A_2769 = arith.cmpi eq, %iota3A_0, %eq3A_2768 : vector<1x128xi32>
    %jit3A_2770 = arith.constant 0.000000e+00 : f32
    %broadcast_in_dim3A_2771 = vector.shape_cast %eq3A_2769 : vector<1x128xi1> to vector<1x128xi1>
    %broadcast_in_dim3A_2772 = vector.broadcast %broadcast_in_dim3A_2771 : vector<1x128xi1> to vector<2x128xi1>
    %broadcast_in_dim3A_2773 = vector.broadcast %jit3A_2770 : f32 to vector<2x128xf32>
    %select_n3A_2774 = arith.select %broadcast_in_dim3A_2772, %get3A_2530, %broadcast_in_dim3A_2773 : vector<2x128xi1>, vector<2x128xf32>
    %reduce_sum3A_2775 = arith.constant dense<0.000000e+00> : vector<2xf32>
    %reduce_sum3A_2776 = vector.multi_reduction <add>, %select_n3A_2774, %reduce_sum3A_2775 [1] : vector<2x128xf32> to vector<2xf32>
    %broadcast_in_dim3A_2777 = vector.shape_cast %reduce_sum3A_2776 : vector<2xf32> to vector<2x1xf32>
    %slice3A_2778 = vector.extract_strided_slice %broadcast_in_dim3A_2777 {offsets = [0, 0], sizes = [1, 1], strides = [1, 1]} : vector<2x1xf32> to vector<1x1xf32>
    %slice3A_2779 = vector.extract_strided_slice %broadcast_in_dim3A_2777 {offsets = [1, 0], sizes = [1, 1], strides = [1, 1]} : vector<2x1xf32> to vector<1x1xf32>
    %eq3A_2780 = arith.constant 0 : i32
    %eq3A_2781 = vector.broadcast %eq3A_2780 : i32 to vector<1x128xi32>
    %eq3A_2782 = arith.cmpi eq, %iota3A_0, %eq3A_2781 : vector<1x128xi32>
    %eq3A_2783 = arith.constant 1 : i32
    %eq3A_2784 = vector.broadcast %eq3A_2783 : i32 to vector<1x128xi32>
    %eq3A_2785 = arith.cmpi eq, %iota3A_0, %eq3A_2784 : vector<1x128xi32>
    %eq3A_2786 = arith.constant 2 : i32
    %eq3A_2787 = vector.broadcast %eq3A_2786 : i32 to vector<1x128xi32>
    %eq3A_2788 = arith.cmpi eq, %iota3A_0, %eq3A_2787 : vector<1x128xi32>
    %jit3A_2789 = arith.constant 0.000000e+00 : f32
    %broadcast_in_dim3A_2790 = vector.shape_cast %slice3A_2779 : vector<1x1xf32> to vector<1x1xf32>
    %broadcast_in_dim3A_2791 = vector.broadcast %broadcast_in_dim3A_2790 : vector<1x1xf32> to vector<1x128xf32>
    %broadcast_in_dim3A_2792 = vector.broadcast %jit3A_2789 : f32 to vector<1x128xf32>
    %select_n3A_2793 = arith.select %eq3A_2788, %broadcast_in_dim3A_2791, %broadcast_in_dim3A_2792 : vector<1x128xi1>, vector<1x128xf32>
    %broadcast_in_dim3A_2794 = vector.shape_cast %slice3A_2778 : vector<1x1xf32> to vector<1x1xf32>
    %broadcast_in_dim3A_2795 = vector.broadcast %broadcast_in_dim3A_2794 : vector<1x1xf32> to vector<1x128xf32>
    %select_n3A_2796 = arith.select %eq3A_2785, %broadcast_in_dim3A_2795, %select_n3A_2793 : vector<1x128xi1>, vector<1x128xf32>
    %broadcast_in_dim3A_2797 = vector.broadcast %reduce_min3A_2757 : f32 to vector<1x128xf32>
    %select_n3A_2798 = arith.select %eq3A_2782, %broadcast_in_dim3A_2797, %select_n3A_2796 : vector<1x128xi1>, vector<1x128xf32>
    %swap3A_2799 = arith.index_cast %get3A_2509 : i32 to index
    %swap3A_2800 = arith.constant 0 : index
    %swap3A_2801 = vector.load %arg47[%swap3A_2799, %swap3A_2800] : memref<1280x128xf32, #tpu.memory_space<vmem>>, vector<1x128xf32>
    tpu.vector_store %arg47[%swap3A_2799, %swap3A_2800], %select_n3A_2798 {strides = array<i32>} : memref<1280x128xf32, #tpu.memory_space<vmem>>, vector<1x128xf32>,
    %reduce_min3A_2802 = vector.shape_cast %broadcast_in_dim3A_2601 : vector<128x1xf32> to vector<1x128x1xf32>
    %reduce_min3A_2803 = arith.constant dense<0x7F800000> : vector<1xf32>
    %reduce_min3A_2804 = vector.multi_reduction <minimumf>, %reduce_min3A_2802, %reduce_min3A_2803 [1, 2] : vector<1x128x1xf32> to vector<1xf32>
    %reduce_min3A_2805 = vector.shape_cast %reduce_min3A_2804 : vector<1xf32> to vector<1x1x1xf32>
    %reduce_min3A_2806 = vector.extract %reduce_min3A_2805[0, 0, 0] : f32 from vector<1x1x1xf32>
    %eq3A_2807 = vector.broadcast %reduce_min3A_2806 : f32 to vector<128x1xf32>
    %eq3A_2808 = arith.cmpf oeq, %broadcast_in_dim3A_2601, %eq3A_2807 : vector<128x1xf32>
    %jit3A_2809 = arith.constant 128 : i32
    %broadcast_in_dim3A_2810 = vector.broadcast %jit3A_2809 : i32 to vector<128x1xi32>
    %select_n3A_2811 = arith.select %eq3A_2808, %iota3A, %broadcast_in_dim3A_2810 : vector<128x1xi1>, vector<128x1xi32>
    %reduce_min3A_2812 = vector.shape_cast %select_n3A_2811 : vector<128x1xi32> to vector<1x128x1xi32>
    %reduce_min3A_2813 = arith.constant dense<2147483647> : vector<1xi32>
    %reduce_min3A_2814 = vector.multi_reduction <minsi>, %reduce_min3A_2812, %reduce_min3A_2813 [1, 2] : vector<1x128x1xi32> to vector<1xi32>
    %reduce_min3A_2815 = vector.shape_cast %reduce_min3A_2814 : vector<1xi32> to vector<1x1x1xi32>
    %reduce_min3A_2816 = vector.extract %reduce_min3A_2815[0, 0, 0] : i32 from vector<1x1x1xi32>
    %eq3A_2817 = vector.broadcast %reduce_min3A_2816 : i32 to vector<1x128xi32>
    %eq3A_2818 = arith.cmpi eq, %iota3A_0, %eq3A_2817 : vector<1x128xi32>
    %jit3A_2819 = arith.constant 0.000000e+00 : f32
    %broadcast_in_dim3A_2820 = vector.shape_cast %eq3A_2818 : vector<1x128xi1> to vector<1x128xi1>
    %broadcast_in_dim3A_2821 = vector.broadcast %broadcast_in_dim3A_2820 : vector<1x128xi1> to vector<2x128xi1>
    %broadcast_in_dim3A_2822 = vector.broadcast %jit3A_2819 : f32 to vector<2x128xf32>
    %select_n3A_2823 = arith.select %broadcast_in_dim3A_2821, %get3A_2604, %broadcast_in_dim3A_2822 : vector<2x128xi1>, vector<2x128xf32>
    %reduce_sum3A_2824 = arith.constant dense<0.000000e+00> : vector<2xf32>
    %reduce_sum3A_2825 = vector.multi_reduction <add>, %select_n3A_2823, %reduce_sum3A_2824 [1] : vector<2x128xf32> to vector<2xf32>
    %broadcast_in_dim3A_2826 = vector.shape_cast %reduce_sum3A_2825 : vector<2xf32> to vector<2x1xf32>
    %slice3A_2827 = vector.extract_strided_slice %broadcast_in_dim3A_2826 {offsets = [0, 0], sizes = [1, 1], strides = [1, 1]} : vector<2x1xf32> to vector<1x1xf32>
    %slice3A_2828 = vector.extract_strided_slice %broadcast_in_dim3A_2826 {offsets = [1, 0], sizes = [1, 1], strides = [1, 1]} : vector<2x1xf32> to vector<1x1xf32>
    %eq3A_2829 = arith.constant 0 : i32
    %eq3A_2830 = vector.broadcast %eq3A_2829 : i32 to vector<1x128xi32>
    %eq3A_2831 = arith.cmpi eq, %iota3A_0, %eq3A_2830 : vector<1x128xi32>
    %eq3A_2832 = arith.constant 1 : i32
    %eq3A_2833 = vector.broadcast %eq3A_2832 : i32 to vector<1x128xi32>
    %eq3A_2834 = arith.cmpi eq, %iota3A_0, %eq3A_2833 : vector<1x128xi32>
    %eq3A_2835 = arith.constant 2 : i32
    %eq3A_2836 = vector.broadcast %eq3A_2835 : i32 to vector<1x128xi32>
    %eq3A_2837 = arith.cmpi eq, %iota3A_0, %eq3A_2836 : vector<1x128xi32>
    %jit3A_2838 = arith.constant 0.000000e+00 : f32
    %broadcast_in_dim3A_2839 = vector.shape_cast %slice3A_2828 : vector<1x1xf32> to vector<1x1xf32>
    %broadcast_in_dim3A_2840 = vector.broadcast %broadcast_in_dim3A_2839 : vector<1x1xf32> to vector<1x128xf32>
    %broadcast_in_dim3A_2841 = vector.broadcast %jit3A_2838 : f32 to vector<1x128xf32>
    %select_n3A_2842 = arith.select %eq3A_2837, %broadcast_in_dim3A_2840, %broadcast_in_dim3A_2841 : vector<1x128xi1>, vector<1x128xf32>
    %broadcast_in_dim3A_2843 = vector.shape_cast %slice3A_2827 : vector<1x1xf32> to vector<1x1xf32>
    %broadcast_in_dim3A_2844 = vector.broadcast %broadcast_in_dim3A_2843 : vector<1x1xf32> to vector<1x128xf32>
    %select_n3A_2845 = arith.select %eq3A_2834, %broadcast_in_dim3A_2844, %select_n3A_2842 : vector<1x128xi1>, vector<1x128xf32>
    %broadcast_in_dim3A_2846 = vector.broadcast %reduce_min3A_2806 : f32 to vector<1x128xf32>
    %select_n3A_2847 = arith.select %eq3A_2831, %broadcast_in_dim3A_2846, %select_n3A_2845 : vector<1x128xi1>, vector<1x128xf32>
    %swap3A_2848 = arith.index_cast %get3A_2583 : i32 to index
    %swap3A_2849 = arith.constant 0 : index
    %swap3A_2850 = vector.load %arg47[%swap3A_2848, %swap3A_2849] : memref<1280x128xf32, #tpu.memory_space<vmem>>, vector<1x128xf32>
    tpu.vector_store %arg47[%swap3A_2848, %swap3A_2849], %select_n3A_2847 {strides = array<i32>} : memref<1280x128xf32, #tpu.memory_space<vmem>>, vector<1x128xf32>,
    %reduce_min3A_2851 = vector.shape_cast %broadcast_in_dim3A_2675 : vector<128x1xf32> to vector<1x128x1xf32>
    %reduce_min3A_2852 = arith.constant dense<0x7F800000> : vector<1xf32>
    %reduce_min3A_2853 = vector.multi_reduction <minimumf>, %reduce_min3A_2851, %reduce_min3A_2852 [1, 2] : vector<1x128x1xf32> to vector<1xf32>
    %reduce_min3A_2854 = vector.shape_cast %reduce_min3A_2853 : vector<1xf32> to vector<1x1x1xf32>
    %reduce_min3A_2855 = vector.extract %reduce_min3A_2854[0, 0, 0] : f32 from vector<1x1x1xf32>
    %eq3A_2856 = vector.broadcast %reduce_min3A_2855 : f32 to vector<128x1xf32>
    %eq3A_2857 = arith.cmpf oeq, %broadcast_in_dim3A_2675, %eq3A_2856 : vector<128x1xf32>
    %jit3A_2858 = arith.constant 128 : i32
    %broadcast_in_dim3A_2859 = vector.broadcast %jit3A_2858 : i32 to vector<128x1xi32>
    %select_n3A_2860 = arith.select %eq3A_2857, %iota3A, %broadcast_in_dim3A_2859 : vector<128x1xi1>, vector<128x1xi32>
    %reduce_min3A_2861 = vector.shape_cast %select_n3A_2860 : vector<128x1xi32> to vector<1x128x1xi32>
    %reduce_min3A_2862 = arith.constant dense<2147483647> : vector<1xi32>
    %reduce_min3A_2863 = vector.multi_reduction <minsi>, %reduce_min3A_2861, %reduce_min3A_2862 [1, 2] : vector<1x128x1xi32> to vector<1xi32>
    %reduce_min3A_2864 = vector.shape_cast %reduce_min3A_2863 : vector<1xi32> to vector<1x1x1xi32>
    %reduce_min3A_2865 = vector.extract %reduce_min3A_2864[0, 0, 0] : i32 from vector<1x1x1xi32>
    %eq3A_2866 = vector.broadcast %reduce_min3A_2865 : i32 to vector<1x128xi32>
    %eq3A_2867 = arith.cmpi eq, %iota3A_0, %eq3A_2866 : vector<1x128xi32>
    %jit3A_2868 = arith.constant 0.000000e+00 : f32
    %broadcast_in_dim3A_2869 = vector.shape_cast %eq3A_2867 : vector<1x128xi1> to vector<1x128xi1>
    %broadcast_in_dim3A_2870 = vector.broadcast %broadcast_in_dim3A_2869 : vector<1x128xi1> to vector<2x128xi1>
    %broadcast_in_dim3A_2871 = vector.broadcast %jit3A_2868 : f32 to vector<2x128xf32>
    %select_n3A_2872 = arith.select %broadcast_in_dim3A_2870, %get3A_2678, %broadcast_in_dim3A_2871 : vector<2x128xi1>, vector<2x128xf32>
    %reduce_sum3A_2873 = arith.constant dense<0.000000e+00> : vector<2xf32>
    %reduce_sum3A_2874 = vector.multi_reduction <add>, %select_n3A_2872, %reduce_sum3A_2873 [1] : vector<2x128xf32> to vector<2xf32>
    %broadcast_in_dim3A_2875 = vector.shape_cast %reduce_sum3A_2874 : vector<2xf32> to vector<2x1xf32>
    %slice3A_2876 = vector.extract_strided_slice %broadcast_in_dim3A_2875 {offsets = [0, 0], sizes = [1, 1], strides = [1, 1]} : vector<2x1xf32> to vector<1x1xf32>
    %slice3A_2877 = vector.extract_strided_slice %broadcast_in_dim3A_2875 {offsets = [1, 0], sizes = [1, 1], strides = [1, 1]} : vector<2x1xf32> to vector<1x1xf32>
    %eq3A_2878 = arith.constant 0 : i32
    %eq3A_2879 = vector.broadcast %eq3A_2878 : i32 to vector<1x128xi32>
    %eq3A_2880 = arith.cmpi eq, %iota3A_0, %eq3A_2879 : vector<1x128xi32>
    %eq3A_2881 = arith.constant 1 : i32
    %eq3A_2882 = vector.broadcast %eq3A_2881 : i32 to vector<1x128xi32>
    %eq3A_2883 = arith.cmpi eq, %iota3A_0, %eq3A_2882 : vector<1x128xi32>
    %eq3A_2884 = arith.constant 2 : i32
    %eq3A_2885 = vector.broadcast %eq3A_2884 : i32 to vector<1x128xi32>
    %eq3A_2886 = arith.cmpi eq, %iota3A_0, %eq3A_2885 : vector<1x128xi32>
    %jit3A_2887 = arith.constant 0.000000e+00 : f32
    %broadcast_in_dim3A_2888 = vector.shape_cast %slice3A_2877 : vector<1x1xf32> to vector<1x1xf32>
    %broadcast_in_dim3A_2889 = vector.broadcast %broadcast_in_dim3A_2888 : vector<1x1xf32> to vector<1x128xf32>
    %broadcast_in_dim3A_2890 = vector.broadcast %jit3A_2887 : f32 to vector<1x128xf32>
    %select_n3A_2891 = arith.select %eq3A_2886, %broadcast_in_dim3A_2889, %broadcast_in_dim3A_2890 : vector<1x128xi1>, vector<1x128xf32>
    %broadcast_in_dim3A_2892 = vector.shape_cast %slice3A_2876 : vector<1x1xf32> to vector<1x1xf32>
    %broadcast_in_dim3A_2893 = vector.broadcast %broadcast_in_dim3A_2892 : vector<1x1xf32> to vector<1x128xf32>
    %select_n3A_2894 = arith.select %eq3A_2883, %broadcast_in_dim3A_2893, %select_n3A_2891 : vector<1x128xi1>, vector<1x128xf32>
    %broadcast_in_dim3A_2895 = vector.broadcast %reduce_min3A_2855 : f32 to vector<1x128xf32>
    %select_n3A_2896 = arith.select %eq3A_2880, %broadcast_in_dim3A_2895, %select_n3A_2894 : vector<1x128xi1>, vector<1x128xf32>
    %swap3A_2897 = arith.index_cast %get3A_2657 : i32 to index
    %swap3A_2898 = arith.constant 0 : index
    %swap3A_2899 = vector.load %arg47[%swap3A_2897, %swap3A_2898] : memref<1280x128xf32, #tpu.memory_space<vmem>>, vector<1x128xf32>
    tpu.vector_store %arg47[%swap3A_2897, %swap3A_2898], %select_n3A_2896 {strides = array<i32>} : memref<1280x128xf32, #tpu.memory_space<vmem>>, vector<1x128xf32>,
    %reduce_min3A_2900 = vector.shape_cast %broadcast_in_dim3A_2749 : vector<128x1xf32> to vector<1x128x1xf32>
    %reduce_min3A_2901 = arith.constant dense<0x7F800000> : vector<1xf32>
    %reduce_min3A_2902 = vector.multi_reduction <minimumf>, %reduce_min3A_2900, %reduce_min3A_2901 [1, 2] : vector<1x128x1xf32> to vector<1xf32>
    %reduce_min3A_2903 = vector.shape_cast %reduce_min3A_2902 : vector<1xf32> to vector<1x1x1xf32>
    %reduce_min3A_2904 = vector.extract %reduce_min3A_2903[0, 0, 0] : f32 from vector<1x1x1xf32>
    %eq3A_2905 = vector.broadcast %reduce_min3A_2904 : f32 to vector<128x1xf32>
    %eq3A_2906 = arith.cmpf oeq, %broadcast_in_dim3A_2749, %eq3A_2905 : vector<128x1xf32>
    %jit3A_2907 = arith.constant 128 : i32
    %broadcast_in_dim3A_2908 = vector.broadcast %jit3A_2907 : i32 to vector<128x1xi32>
    %select_n3A_2909 = arith.select %eq3A_2906, %iota3A, %broadcast_in_dim3A_2908 : vector<128x1xi1>, vector<128x1xi32>
    %reduce_min3A_2910 = vector.shape_cast %select_n3A_2909 : vector<128x1xi32> to vector<1x128x1xi32>
    %reduce_min3A_2911 = arith.constant dense<2147483647> : vector<1xi32>
    %reduce_min3A_2912 = vector.multi_reduction <minsi>, %reduce_min3A_2910, %reduce_min3A_2911 [1, 2] : vector<1x128x1xi32> to vector<1xi32>
    %reduce_min3A_2913 = vector.shape_cast %reduce_min3A_2912 : vector<1xi32> to vector<1x1x1xi32>
    %reduce_min3A_2914 = vector.extract %reduce_min3A_2913[0, 0, 0] : i32 from vector<1x1x1xi32>
    %eq3A_2915 = vector.broadcast %reduce_min3A_2914 : i32 to vector<1x128xi32>
    %eq3A_2916 = arith.cmpi eq, %iota3A_0, %eq3A_2915 : vector<1x128xi32>
    %jit3A_2917 = arith.constant 0.000000e+00 : f32
    %broadcast_in_dim3A_2918 = vector.shape_cast %eq3A_2916 : vector<1x128xi1> to vector<1x128xi1>
    %broadcast_in_dim3A_2919 = vector.broadcast %broadcast_in_dim3A_2918 : vector<1x128xi1> to vector<2x128xi1>
    %broadcast_in_dim3A_2920 = vector.broadcast %jit3A_2917 : f32 to vector<2x128xf32>
    %select_n3A_2921 = arith.select %broadcast_in_dim3A_2919, %get3A_2752, %broadcast_in_dim3A_2920 : vector<2x128xi1>, vector<2x128xf32>
    %reduce_sum3A_2922 = arith.constant dense<0.000000e+00> : vector<2xf32>
    %reduce_sum3A_2923 = vector.multi_reduction <add>, %select_n3A_2921, %reduce_sum3A_2922 [1] : vector<2x128xf32> to vector<2xf32>
    %broadcast_in_dim3A_2924 = vector.shape_cast %reduce_sum3A_2923 : vector<2xf32> to vector<2x1xf32>
    %slice3A_2925 = vector.extract_strided_slice %broadcast_in_dim3A_2924 {offsets = [0, 0], sizes = [1, 1], strides = [1, 1]} : vector<2x1xf32> to vector<1x1xf32>
    %slice3A_2926 = vector.extract_strided_slice %broadcast_in_dim3A_2924 {offsets = [1, 0], sizes = [1, 1], strides = [1, 1]} : vector<2x1xf32> to vector<1x1xf32>
    %eq3A_2927 = arith.constant 0 : i32
    %eq3A_2928 = vector.broadcast %eq3A_2927 : i32 to vector<1x128xi32>
    %eq3A_2929 = arith.cmpi eq, %iota3A_0, %eq3A_2928 : vector<1x128xi32>
    %eq3A_2930 = arith.constant 1 : i32
    %eq3A_2931 = vector.broadcast %eq3A_2930 : i32 to vector<1x128xi32>
    %eq3A_2932 = arith.cmpi eq, %iota3A_0, %eq3A_2931 : vector<1x128xi32>
    %eq3A_2933 = arith.constant 2 : i32
    %eq3A_2934 = vector.broadcast %eq3A_2933 : i32 to vector<1x128xi32>
    %eq3A_2935 = arith.cmpi eq, %iota3A_0, %eq3A_2934 : vector<1x128xi32>
    %jit3A_2936 = arith.constant 0.000000e+00 : f32
    %broadcast_in_dim3A_2937 = vector.shape_cast %slice3A_2926 : vector<1x1xf32> to vector<1x1xf32>
    %broadcast_in_dim3A_2938 = vector.broadcast %broadcast_in_dim3A_2937 : vector<1x1xf32> to vector<1x128xf32>
    %broadcast_in_dim3A_2939 = vector.broadcast %jit3A_2936 : f32 to vector<1x128xf32>
    %select_n3A_2940 = arith.select %eq3A_2935, %broadcast_in_dim3A_2938, %broadcast_in_dim3A_2939 : vector<1x128xi1>, vector<1x128xf32>
    %broadcast_in_dim3A_2941 = vector.shape_cast %slice3A_2925 : vector<1x1xf32> to vector<1x1xf32>
    %broadcast_in_dim3A_2942 = vector.broadcast %broadcast_in_dim3A_2941 : vector<1x1xf32> to vector<1x128xf32>
    %select_n3A_2943 = arith.select %eq3A_2932, %broadcast_in_dim3A_2942, %select_n3A_2940 : vector<1x128xi1>, vector<1x128xf32>
    %broadcast_in_dim3A_2944 = vector.broadcast %reduce_min3A_2904 : f32 to vector<1x128xf32>
    %select_n3A_2945 = arith.select %eq3A_2929, %broadcast_in_dim3A_2944, %select_n3A_2943 : vector<1x128xi1>, vector<1x128xf32>
    %swap3A_2946 = arith.index_cast %get3A_2731 : i32 to index
    %swap3A_2947 = arith.constant 0 : index
    %swap3A_2948 = vector.load %arg47[%swap3A_2946, %swap3A_2947] : memref<1280x128xf32, #tpu.memory_space<vmem>>, vector<1x128xf32>
    tpu.vector_store %arg47[%swap3A_2946, %swap3A_2947], %select_n3A_2945 {strides = array<i32>} : memref<1280x128xf32, #tpu.memory_space<vmem>>, vector<1x128xf32>,
    return
  }
  func.func @transform_0(%arg0: i32, %arg1: memref<1280xi32, #tpu.memory_space<smem>>, %arg2: memref<1280xi32, #tpu.memory_space<smem>>, %arg3: memref<1280xi32, #tpu.memory_space<smem>>, %arg4: memref<1280xi32, #tpu.memory_space<smem>>) -> (i32, i32) {
    %c0_i32 = arith.constant 0 : i32
    %c0_i32_0 = arith.constant 0 : i32
    %c0_i32_1 = arith.constant 0 : i32
    return %c0_i32, %c0_i32_0 : i32, i32
  }
  func.func @transform_1(%arg0: i32, %arg1: memref<1280xi32, #tpu.memory_space<smem>>, %arg2: memref<1280xi32, #tpu.memory_space<smem>>, %arg3: memref<1280xi32, #tpu.memory_space<smem>>, %arg4: memref<1280xi32, #tpu.memory_space<smem>>) -> (i32, i32, i32) {
    %add3A = arith.constant 0 : i32
    %add3A_0 = arith.addi %add3A, %arg0 : i32
    %get3A = arith.index_cast %add3A_0 : i32 to index
    %get3A_1 = memref.load %arg1[%get3A] : memref<1280xi32, #tpu.memory_space<smem>>
    %c0_i32 = arith.constant 0 : i32
    %c0_i32_2 = arith.constant 0 : i32
    %c0_i32_3 = arith.constant 0 : i32
    return %get3A_1, %c0_i32, %c0_i32_2 : i32, i32, i32
  }
  func.func @transform_2(%arg0: i32, %arg1: memref<1280xi32, #tpu.memory_space<smem>>, %arg2: memref<1280xi32, #tpu.memory_space<smem>>, %arg3: memref<1280xi32, #tpu.memory_space<smem>>, %arg4: memref<1280xi32, #tpu.memory_space<smem>>) -> (i32, i32, i32) {
    %add3A = arith.constant 32 : i32
    %add3A_0 = arith.addi %add3A, %arg0 : i32
    %get3A = arith.index_cast %add3A_0 : i32 to index
    %get3A_1 = memref.load %arg1[%get3A] : memref<1280xi32, #tpu.memory_space<smem>>
    %c0_i32 = arith.constant 0 : i32
    %c0_i32_2 = arith.constant 0 : i32
    %c0_i32_3 = arith.constant 0 : i32
    return %get3A_1, %c0_i32, %c0_i32_2 : i32, i32, i32
  }
  func.func @transform_3(%arg0: i32, %arg1: memref<1280xi32, #tpu.memory_space<smem>>, %arg2: memref<1280xi32, #tpu.memory_space<smem>>, %arg3: memref<1280xi32, #tpu.memory_space<smem>>, %arg4: memref<1280xi32, #tpu.memory_space<smem>>) -> (i32, i32, i32) {
    %add3A = arith.constant 64 : i32
    %add3A_0 = arith.addi %add3A, %arg0 : i32
    %get3A = arith.index_cast %add3A_0 : i32 to index
    %get3A_1 = memref.load %arg1[%get3A] : memref<1280xi32, #tpu.memory_space<smem>>
    %c0_i32 = arith.constant 0 : i32
    %c0_i32_2 = arith.constant 0 : i32
    %c0_i32_3 = arith.constant 0 : i32
    return %get3A_1, %c0_i32, %c0_i32_2 : i32, i32, i32
  }
  func.func @transform_4(%arg0: i32, %arg1: memref<1280xi32, #tpu.memory_space<smem>>, %arg2: memref<1280xi32, #tpu.memory_space<smem>>, %arg3: memref<1280xi32, #tpu.memory_space<smem>>, %arg4: memref<1280xi32, #tpu.memory_space<smem>>) -> (i32, i32, i32) {
    %add3A = arith.constant 96 : i32
    %add3A_0 = arith.addi %add3A, %arg0 : i32
    %get3A = arith.index_cast %add3A_0 : i32 to index
    %get3A_1 = memref.load %arg1[%get3A] : memref<1280xi32, #tpu.memory_space<smem>>
    %c0_i32 = arith.constant 0 : i32
    %c0_i32_2 = arith.constant 0 : i32
    %c0_i32_3 = arith.constant 0 : i32
    return %get3A_1, %c0_i32, %c0_i32_2 : i32, i32, i32
  }
  func.func @transform_5(%arg0: i32, %arg1: memref<1280xi32, #tpu.memory_space<smem>>, %arg2: memref<1280xi32, #tpu.memory_space<smem>>, %arg3: memref<1280xi32, #tpu.memory_space<smem>>, %arg4: memref<1280xi32, #tpu.memory_space<smem>>) -> (i32, i32, i32) {
    %add3A = arith.constant 128 : i32
    %add3A_0 = arith.addi %add3A, %arg0 : i32
    %get3A = arith.index_cast %add3A_0 : i32 to index
    %get3A_1 = memref.load %arg1[%get3A] : memref<1280xi32, #tpu.memory_space<smem>>
    %c0_i32 = arith.constant 0 : i32
    %c0_i32_2 = arith.constant 0 : i32
    %c0_i32_3 = arith.constant 0 : i32
    return %get3A_1, %c0_i32, %c0_i32_2 : i32, i32, i32
  }
  func.func @transform_6(%arg0: i32, %arg1: memref<1280xi32, #tpu.memory_space<smem>>, %arg2: memref<1280xi32, #tpu.memory_space<smem>>, %arg3: memref<1280xi32, #tpu.memory_space<smem>>, %arg4: memref<1280xi32, #tpu.memory_space<smem>>) -> (i32, i32, i32) {
    %add3A = arith.constant 160 : i32
    %add3A_0 = arith.addi %add3A, %arg0 : i32
    %get3A = arith.index_cast %add3A_0 : i32 to index
    %get3A_1 = memref.load %arg1[%get3A] : memref<1280xi32, #tpu.memory_space<smem>>
    %c0_i32 = arith.constant 0 : i32
    %c0_i32_2 = arith.constant 0 : i32
    %c0_i32_3 = arith.constant 0 : i32
    return %get3A_1, %c0_i32, %c0_i32_2 : i32, i32, i32
  }
  func.func @transform_7(%arg0: i32, %arg1: memref<1280xi32, #tpu.memory_space<smem>>, %arg2: memref<1280xi32, #tpu.memory_space<smem>>, %arg3: memref<1280xi32, #tpu.memory_space<smem>>, %arg4: memref<1280xi32, #tpu.memory_space<smem>>) -> (i32, i32, i32) {
    %add3A = arith.constant 192 : i32
    %add3A_0 = arith.addi %add3A, %arg0 : i32
    %get3A = arith.index_cast %add3A_0 : i32 to index
    %get3A_1 = memref.load %arg1[%get3A] : memref<1280xi32, #tpu.memory_space<smem>>
    %c0_i32 = arith.constant 0 : i32
    %c0_i32_2 = arith.constant 0 : i32
    %c0_i32_3 = arith.constant 0 : i32
    return %get3A_1, %c0_i32, %c0_i32_2 : i32, i32, i32
  }
  func.func @transform_8(%arg0: i32, %arg1: memref<1280xi32, #tpu.memory_space<smem>>, %arg2: memref<1280xi32, #tpu.memory_space<smem>>, %arg3: memref<1280xi32, #tpu.memory_space<smem>>, %arg4: memref<1280xi32, #tpu.memory_space<smem>>) -> (i32, i32, i32) {
    %add3A = arith.constant 224 : i32
    %add3A_0 = arith.addi %add3A, %arg0 : i32
    %get3A = arith.index_cast %add3A_0 : i32 to index
    %get3A_1 = memref.load %arg1[%get3A] : memref<1280xi32, #tpu.memory_space<smem>>
    %c0_i32 = arith.constant 0 : i32
    %c0_i32_2 = arith.constant 0 : i32
    %c0_i32_3 = arith.constant 0 : i32
    return %get3A_1, %c0_i32, %c0_i32_2 : i32, i32, i32
  }
  func.func @transform_9(%arg0: i32, %arg1: memref<1280xi32, #tpu.memory_space<smem>>, %arg2: memref<1280xi32, #tpu.memory_space<smem>>, %arg3: memref<1280xi32, #tpu.memory_space<smem>>, %arg4: memref<1280xi32, #tpu.memory_space<smem>>) -> (i32, i32, i32) {
    %add3A = arith.constant 256 : i32
    %add3A_0 = arith.addi %add3A, %arg0 : i32
    %get3A = arith.index_cast %add3A_0 : i32 to index
    %get3A_1 = memref.load %arg1[%get3A] : memref<1280xi32, #tpu.memory_space<smem>>
    %c0_i32 = arith.constant 0 : i32
    %c0_i32_2 = arith.constant 0 : i32
    %c0_i32_3 = arith.constant 0 : i32
    return %get3A_1, %c0_i32, %c0_i32_2 : i32, i32, i32
  }
  func.func @transform_10(%arg0: i32, %arg1: memref<1280xi32, #tpu.memory_space<smem>>, %arg2: memref<1280xi32, #tpu.memory_space<smem>>, %arg3: memref<1280xi32, #tpu.memory_space<smem>>, %arg4: memref<1280xi32, #tpu.memory_space<smem>>) -> (i32, i32, i32) {
    %add3A = arith.constant 288 : i32
    %add3A_0 = arith.addi %add3A, %arg0 : i32
    %get3A = arith.index_cast %add3A_0 : i32 to index
    %get3A_1 = memref.load %arg1[%get3A] : memref<1280xi32, #tpu.memory_space<smem>>
    %c0_i32 = arith.constant 0 : i32
    %c0_i32_2 = arith.constant 0 : i32
    %c0_i32_3 = arith.constant 0 : i32
    return %get3A_1, %c0_i32, %c0_i32_2 : i32, i32, i32
  }
  func.func @transform_11(%arg0: i32, %arg1: memref<1280xi32, #tpu.memory_space<smem>>, %arg2: memref<1280xi32, #tpu.memory_space<smem>>, %arg3: memref<1280xi32, #tpu.memory_space<smem>>, %arg4: memref<1280xi32, #tpu.memory_space<smem>>) -> (i32, i32, i32) {
    %add3A = arith.constant 320 : i32
    %add3A_0 = arith.addi %add3A, %arg0 : i32
    %get3A = arith.index_cast %add3A_0 : i32 to index
    %get3A_1 = memref.load %arg1[%get3A] : memref<1280xi32, #tpu.memory_space<smem>>
    %c0_i32 = arith.constant 0 : i32
    %c0_i32_2 = arith.constant 0 : i32
    %c0_i32_3 = arith.constant 0 : i32
    return %get3A_1, %c0_i32, %c0_i32_2 : i32, i32, i32
  }
  func.func @transform_12(%arg0: i32, %arg1: memref<1280xi32, #tpu.memory_space<smem>>, %arg2: memref<1280xi32, #tpu.memory_space<smem>>, %arg3: memref<1280xi32, #tpu.memory_space<smem>>, %arg4: memref<1280xi32, #tpu.memory_space<smem>>) -> (i32, i32, i32) {
    %add3A = arith.constant 352 : i32
    %add3A_0 = arith.addi %add3A, %arg0 : i32
    %get3A = arith.index_cast %add3A_0 : i32 to index
    %get3A_1 = memref.load %arg1[%get3A] : memref<1280xi32, #tpu.memory_space<smem>>
    %c0_i32 = arith.constant 0 : i32
    %c0_i32_2 = arith.constant 0 : i32
    %c0_i32_3 = arith.constant 0 : i32
    return %get3A_1, %c0_i32, %c0_i32_2 : i32, i32, i32
  }
  func.func @transform_13(%arg0: i32, %arg1: memref<1280xi32, #tpu.memory_space<smem>>, %arg2: memref<1280xi32, #tpu.memory_space<smem>>, %arg3: memref<1280xi32, #tpu.memory_space<smem>>, %arg4: memref<1280xi32, #tpu.memory_space<smem>>) -> (i32, i32, i32) {
    %add3A = arith.constant 384 : i32
    %add3A_0 = arith.addi %add3A, %arg0 : i32
    %get3A = arith.index_cast %add3A_0 : i32 to index
    %get3A_1 = memref.load %arg1[%get3A] : memref<1280xi32, #tpu.memory_space<smem>>
    %c0_i32 = arith.constant 0 : i32
    %c0_i32_2 = arith.constant 0 : i32
    %c0_i32_3 = arith.constant 0 : i32
    return %get3A_1, %c0_i32, %c0_i32_2 : i32, i32, i32
  }
  func.func @transform_14(%arg0: i32, %arg1: memref<1280xi32, #tpu.memory_space<smem>>, %arg2: memref<1280xi32, #tpu.memory_space<smem>>, %arg3: memref<1280xi32, #tpu.memory_space<smem>>, %arg4: memref<1280xi32, #tpu.memory_space<smem>>) -> (i32, i32, i32) {
    %add3A = arith.constant 416 : i32
    %add3A_0 = arith.addi %add3A, %arg0 : i32
    %get3A = arith.index_cast %add3A_0 : i32 to index
    %get3A_1 = memref.load %arg1[%get3A] : memref<1280xi32, #tpu.memory_space<smem>>
    %c0_i32 = arith.constant 0 : i32
    %c0_i32_2 = arith.constant 0 : i32
    %c0_i32_3 = arith.constant 0 : i32
    return %get3A_1, %c0_i32, %c0_i32_2 : i32, i32, i32
  }
  func.func @transform_15(%arg0: i32, %arg1: memref<1280xi32, #tpu.memory_space<smem>>, %arg2: memref<1280xi32, #tpu.memory_space<smem>>, %arg3: memref<1280xi32, #tpu.memory_space<smem>>, %arg4: memref<1280xi32, #tpu.memory_space<smem>>) -> (i32, i32, i32) {
    %add3A = arith.constant 448 : i32
    %add3A_0 = arith.addi %add3A, %arg0 : i32
    %get3A = arith.index_cast %add3A_0 : i32 to index
    %get3A_1 = memref.load %arg1[%get3A] : memref<1280xi32, #tpu.memory_space<smem>>
    %c0_i32 = arith.constant 0 : i32
    %c0_i32_2 = arith.constant 0 : i32
    %c0_i32_3 = arith.constant 0 : i32
    return %get3A_1, %c0_i32, %c0_i32_2 : i32, i32, i32
  }
  func.func @transform_16(%arg0: i32, %arg1: memref<1280xi32, #tpu.memory_space<smem>>, %arg2: memref<1280xi32, #tpu.memory_space<smem>>, %arg3: memref<1280xi32, #tpu.memory_space<smem>>, %arg4: memref<1280xi32, #tpu.memory_space<smem>>) -> (i32, i32, i32) {
    %add3A = arith.constant 480 : i32
    %add3A_0 = arith.addi %add3A, %arg0 : i32
    %get3A = arith.index_cast %add3A_0 : i32 to index
    %get3A_1 = memref.load %arg1[%get3A] : memref<1280xi32, #tpu.memory_space<smem>>
    %c0_i32 = arith.constant 0 : i32
    %c0_i32_2 = arith.constant 0 : i32
    %c0_i32_3 = arith.constant 0 : i32
    return %get3A_1, %c0_i32, %c0_i32_2 : i32, i32, i32
  }
  func.func @transform_17(%arg0: i32, %arg1: memref<1280xi32, #tpu.memory_space<smem>>, %arg2: memref<1280xi32, #tpu.memory_space<smem>>, %arg3: memref<1280xi32, #tpu.memory_space<smem>>, %arg4: memref<1280xi32, #tpu.memory_space<smem>>) -> (i32, i32, i32) {
    %add3A = arith.constant 512 : i32
    %add3A_0 = arith.addi %add3A, %arg0 : i32
    %get3A = arith.index_cast %add3A_0 : i32 to index
    %get3A_1 = memref.load %arg1[%get3A] : memref<1280xi32, #tpu.memory_space<smem>>
    %c0_i32 = arith.constant 0 : i32
    %c0_i32_2 = arith.constant 0 : i32
    %c0_i32_3 = arith.constant 0 : i32
    return %get3A_1, %c0_i32, %c0_i32_2 : i32, i32, i32
  }
  func.func @transform_18(%arg0: i32, %arg1: memref<1280xi32, #tpu.memory_space<smem>>, %arg2: memref<1280xi32, #tpu.memory_space<smem>>, %arg3: memref<1280xi32, #tpu.memory_space<smem>>, %arg4: memref<1280xi32, #tpu.memory_space<smem>>) -> (i32, i32, i32) {
    %add3A = arith.constant 544 : i32
    %add3A_0 = arith.addi %add3A, %arg0 : i32
    %get3A = arith.index_cast %add3A_0 : i32 to index
    %get3A_1 = memref.load %arg1[%get3A] : memref<1280xi32, #tpu.memory_space<smem>>
    %c0_i32 = arith.constant 0 : i32
    %c0_i32_2 = arith.constant 0 : i32
    %c0_i32_3 = arith.constant 0 : i32
    return %get3A_1, %c0_i32, %c0_i32_2 : i32, i32, i32
  }
  func.func @transform_19(%arg0: i32, %arg1: memref<1280xi32, #tpu.memory_space<smem>>, %arg2: memref<1280xi32, #tpu.memory_space<smem>>, %arg3: memref<1280xi32, #tpu.memory_space<smem>>, %arg4: memref<1280xi32, #tpu.memory_space<smem>>) -> (i32, i32, i32) {
    %add3A = arith.constant 576 : i32
    %add3A_0 = arith.addi %add3A, %arg0 : i32
    %get3A = arith.index_cast %add3A_0 : i32 to index
    %get3A_1 = memref.load %arg1[%get3A] : memref<1280xi32, #tpu.memory_space<smem>>
    %c0_i32 = arith.constant 0 : i32
    %c0_i32_2 = arith.constant 0 : i32
    %c0_i32_3 = arith.constant 0 : i32
    return %get3A_1, %c0_i32, %c0_i32_2 : i32, i32, i32
  }
  func.func @transform_20(%arg0: i32, %arg1: memref<1280xi32, #tpu.memory_space<smem>>, %arg2: memref<1280xi32, #tpu.memory_space<smem>>, %arg3: memref<1280xi32, #tpu.memory_space<smem>>, %arg4: memref<1280xi32, #tpu.memory_space<smem>>) -> (i32, i32, i32) {
    %add3A = arith.constant 608 : i32
    %add3A_0 = arith.addi %add3A, %arg0 : i32
    %get3A = arith.index_cast %add3A_0 : i32 to index
    %get3A_1 = memref.load %arg1[%get3A] : memref<1280xi32, #tpu.memory_space<smem>>
    %c0_i32 = arith.constant 0 : i32
    %c0_i32_2 = arith.constant 0 : i32
    %c0_i32_3 = arith.constant 0 : i32
    return %get3A_1, %c0_i32, %c0_i32_2 : i32, i32, i32
  }
  func.func @transform_21(%arg0: i32, %arg1: memref<1280xi32, #tpu.memory_space<smem>>, %arg2: memref<1280xi32, #tpu.memory_space<smem>>, %arg3: memref<1280xi32, #tpu.memory_space<smem>>, %arg4: memref<1280xi32, #tpu.memory_space<smem>>) -> (i32, i32, i32) {
    %add3A = arith.constant 640 : i32
    %add3A_0 = arith.addi %add3A, %arg0 : i32
    %get3A = arith.index_cast %add3A_0 : i32 to index
    %get3A_1 = memref.load %arg1[%get3A] : memref<1280xi32, #tpu.memory_space<smem>>
    %c0_i32 = arith.constant 0 : i32
    %c0_i32_2 = arith.constant 0 : i32
    %c0_i32_3 = arith.constant 0 : i32
    return %get3A_1, %c0_i32, %c0_i32_2 : i32, i32, i32
  }
  func.func @transform_22(%arg0: i32, %arg1: memref<1280xi32, #tpu.memory_space<smem>>, %arg2: memref<1280xi32, #tpu.memory_space<smem>>, %arg3: memref<1280xi32, #tpu.memory_space<smem>>, %arg4: memref<1280xi32, #tpu.memory_space<smem>>) -> (i32, i32, i32) {
    %add3A = arith.constant 672 : i32
    %add3A_0 = arith.addi %add3A, %arg0 : i32
    %get3A = arith.index_cast %add3A_0 : i32 to index
    %get3A_1 = memref.load %arg1[%get3A] : memref<1280xi32, #tpu.memory_space<smem>>
    %c0_i32 = arith.constant 0 : i32
    %c0_i32_2 = arith.constant 0 : i32
    %c0_i32_3 = arith.constant 0 : i32
    return %get3A_1, %c0_i32, %c0_i32_2 : i32, i32, i32
  }
  func.func @transform_23(%arg0: i32, %arg1: memref<1280xi32, #tpu.memory_space<smem>>, %arg2: memref<1280xi32, #tpu.memory_space<smem>>, %arg3: memref<1280xi32, #tpu.memory_space<smem>>, %arg4: memref<1280xi32, #tpu.memory_space<smem>>) -> (i32, i32, i32) {
    %add3A = arith.constant 704 : i32
    %add3A_0 = arith.addi %add3A, %arg0 : i32
    %get3A = arith.index_cast %add3A_0 : i32 to index
    %get3A_1 = memref.load %arg1[%get3A] : memref<1280xi32, #tpu.memory_space<smem>>
    %c0_i32 = arith.constant 0 : i32
    %c0_i32_2 = arith.constant 0 : i32
    %c0_i32_3 = arith.constant 0 : i32
    return %get3A_1, %c0_i32, %c0_i32_2 : i32, i32, i32
  }
  func.func @transform_24(%arg0: i32, %arg1: memref<1280xi32, #tpu.memory_space<smem>>, %arg2: memref<1280xi32, #tpu.memory_space<smem>>, %arg3: memref<1280xi32, #tpu.memory_space<smem>>, %arg4: memref<1280xi32, #tpu.memory_space<smem>>) -> (i32, i32, i32) {
    %add3A = arith.constant 736 : i32
    %add3A_0 = arith.addi %add3A, %arg0 : i32
    %get3A = arith.index_cast %add3A_0 : i32 to index
    %get3A_1 = memref.load %arg1[%get3A] : memref<1280xi32, #tpu.memory_space<smem>>
    %c0_i32 = arith.constant 0 : i32
    %c0_i32_2 = arith.constant 0 : i32
    %c0_i32_3 = arith.constant 0 : i32
    return %get3A_1, %c0_i32, %c0_i32_2 : i32, i32, i32
  }
  func.func @transform_25(%arg0: i32, %arg1: memref<1280xi32, #tpu.memory_space<smem>>, %arg2: memref<1280xi32, #tpu.memory_space<smem>>, %arg3: memref<1280xi32, #tpu.memory_space<smem>>, %arg4: memref<1280xi32, #tpu.memory_space<smem>>) -> (i32, i32, i32) {
    %add3A = arith.constant 768 : i32
    %add3A_0 = arith.addi %add3A, %arg0 : i32
    %get3A = arith.index_cast %add3A_0 : i32 to index
    %get3A_1 = memref.load %arg1[%get3A] : memref<1280xi32, #tpu.memory_space<smem>>
    %c0_i32 = arith.constant 0 : i32
    %c0_i32_2 = arith.constant 0 : i32
    %c0_i32_3 = arith.constant 0 : i32
    return %get3A_1, %c0_i32, %c0_i32_2 : i32, i32, i32
  }
  func.func @transform_26(%arg0: i32, %arg1: memref<1280xi32, #tpu.memory_space<smem>>, %arg2: memref<1280xi32, #tpu.memory_space<smem>>, %arg3: memref<1280xi32, #tpu.memory_space<smem>>, %arg4: memref<1280xi32, #tpu.memory_space<smem>>) -> (i32, i32, i32) {
    %add3A = arith.constant 800 : i32
    %add3A_0 = arith.addi %add3A, %arg0 : i32
    %get3A = arith.index_cast %add3A_0 : i32 to index
    %get3A_1 = memref.load %arg1[%get3A] : memref<1280xi32, #tpu.memory_space<smem>>
    %c0_i32 = arith.constant 0 : i32
    %c0_i32_2 = arith.constant 0 : i32
    %c0_i32_3 = arith.constant 0 : i32
    return %get3A_1, %c0_i32, %c0_i32_2 : i32, i32, i32
  }
  func.func @transform_27(%arg0: i32, %arg1: memref<1280xi32, #tpu.memory_space<smem>>, %arg2: memref<1280xi32, #tpu.memory_space<smem>>, %arg3: memref<1280xi32, #tpu.memory_space<smem>>, %arg4: memref<1280xi32, #tpu.memory_space<smem>>) -> (i32, i32, i32) {
    %add3A = arith.constant 832 : i32
    %add3A_0 = arith.addi %add3A, %arg0 : i32
    %get3A = arith.index_cast %add3A_0 : i32 to index
    %get3A_1 = memref.load %arg1[%get3A] : memref<1280xi32, #tpu.memory_space<smem>>
    %c0_i32 = arith.constant 0 : i32
    %c0_i32_2 = arith.constant 0 : i32
    %c0_i32_3 = arith.constant 0 : i32
    return %get3A_1, %c0_i32, %c0_i32_2 : i32, i32, i32
  }
  func.func @transform_28(%arg0: i32, %arg1: memref<1280xi32, #tpu.memory_space<smem>>, %arg2: memref<1280xi32, #tpu.memory_space<smem>>, %arg3: memref<1280xi32, #tpu.memory_space<smem>>, %arg4: memref<1280xi32, #tpu.memory_space<smem>>) -> (i32, i32, i32) {
    %add3A = arith.constant 864 : i32
    %add3A_0 = arith.addi %add3A, %arg0 : i32
    %get3A = arith.index_cast %add3A_0 : i32 to index
    %get3A_1 = memref.load %arg1[%get3A] : memref<1280xi32, #tpu.memory_space<smem>>
    %c0_i32 = arith.constant 0 : i32
    %c0_i32_2 = arith.constant 0 : i32
    %c0_i32_3 = arith.constant 0 : i32
    return %get3A_1, %c0_i32, %c0_i32_2 : i32, i32, i32
  }
  func.func @transform_29(%arg0: i32, %arg1: memref<1280xi32, #tpu.memory_space<smem>>, %arg2: memref<1280xi32, #tpu.memory_space<smem>>, %arg3: memref<1280xi32, #tpu.memory_space<smem>>, %arg4: memref<1280xi32, #tpu.memory_space<smem>>) -> (i32, i32, i32) {
    %add3A = arith.constant 896 : i32
    %add3A_0 = arith.addi %add3A, %arg0 : i32
    %get3A = arith.index_cast %add3A_0 : i32 to index
    %get3A_1 = memref.load %arg1[%get3A] : memref<1280xi32, #tpu.memory_space<smem>>
    %c0_i32 = arith.constant 0 : i32
    %c0_i32_2 = arith.constant 0 : i32
    %c0_i32_3 = arith.constant 0 : i32
    return %get3A_1, %c0_i32, %c0_i32_2 : i32, i32, i32
  }
  func.func @transform_30(%arg0: i32, %arg1: memref<1280xi32, #tpu.memory_space<smem>>, %arg2: memref<1280xi32, #tpu.memory_space<smem>>, %arg3: memref<1280xi32, #tpu.memory_space<smem>>, %arg4: memref<1280xi32, #tpu.memory_space<smem>>) -> (i32, i32, i32) {
    %add3A = arith.constant 928 : i32
    %add3A_0 = arith.addi %add3A, %arg0 : i32
    %get3A = arith.index_cast %add3A_0 : i32 to index
    %get3A_1 = memref.load %arg1[%get3A] : memref<1280xi32, #tpu.memory_space<smem>>
    %c0_i32 = arith.constant 0 : i32
    %c0_i32_2 = arith.constant 0 : i32
    %c0_i32_3 = arith.constant 0 : i32
    return %get3A_1, %c0_i32, %c0_i32_2 : i32, i32, i32
  }
  func.func @transform_31(%arg0: i32, %arg1: memref<1280xi32, #tpu.memory_space<smem>>, %arg2: memref<1280xi32, #tpu.memory_space<smem>>, %arg3: memref<1280xi32, #tpu.memory_space<smem>>, %arg4: memref<1280xi32, #tpu.memory_space<smem>>) -> (i32, i32, i32) {
    %add3A = arith.constant 960 : i32
    %add3A_0 = arith.addi %add3A, %arg0 : i32
    %get3A = arith.index_cast %add3A_0 : i32 to index
    %get3A_1 = memref.load %arg1[%get3A] : memref<1280xi32, #tpu.memory_space<smem>>
    %c0_i32 = arith.constant 0 : i32
    %c0_i32_2 = arith.constant 0 : i32
    %c0_i32_3 = arith.constant 0 : i32
    return %get3A_1, %c0_i32, %c0_i32_2 : i32, i32, i32
  }
  func.func @transform_32(%arg0: i32, %arg1: memref<1280xi32, #tpu.memory_space<smem>>, %arg2: memref<1280xi32, #tpu.memory_space<smem>>, %arg3: memref<1280xi32, #tpu.memory_space<smem>>, %arg4: memref<1280xi32, #tpu.memory_space<smem>>) -> (i32, i32, i32) {
    %add3A = arith.constant 992 : i32
    %add3A_0 = arith.addi %add3A, %arg0 : i32
    %get3A = arith.index_cast %add3A_0 : i32 to index
    %get3A_1 = memref.load %arg1[%get3A] : memref<1280xi32, #tpu.memory_space<smem>>
    %c0_i32 = arith.constant 0 : i32
    %c0_i32_2 = arith.constant 0 : i32
    %c0_i32_3 = arith.constant 0 : i32
    return %get3A_1, %c0_i32, %c0_i32_2 : i32, i32, i32
  }
  func.func @transform_33(%arg0: i32, %arg1: memref<1280xi32, #tpu.memory_space<smem>>, %arg2: memref<1280xi32, #tpu.memory_space<smem>>, %arg3: memref<1280xi32, #tpu.memory_space<smem>>, %arg4: memref<1280xi32, #tpu.memory_space<smem>>) -> (i32, i32, i32) {
    %add3A = arith.constant 1024 : i32
    %add3A_0 = arith.addi %add3A, %arg0 : i32
    %get3A = arith.index_cast %add3A_0 : i32 to index
    %get3A_1 = memref.load %arg1[%get3A] : memref<1280xi32, #tpu.memory_space<smem>>
    %c0_i32 = arith.constant 0 : i32
    %c0_i32_2 = arith.constant 0 : i32
    %c0_i32_3 = arith.constant 0 : i32
    return %get3A_1, %c0_i32, %c0_i32_2 : i32, i32, i32
  }
  func.func @transform_34(%arg0: i32, %arg1: memref<1280xi32, #tpu.memory_space<smem>>, %arg2: memref<1280xi32, #tpu.memory_space<smem>>, %arg3: memref<1280xi32, #tpu.memory_space<smem>>, %arg4: memref<1280xi32, #tpu.memory_space<smem>>) -> (i32, i32, i32) {
    %add3A = arith.constant 1056 : i32
    %add3A_0 = arith.addi %add3A, %arg0 : i32
    %get3A = arith.index_cast %add3A_0 : i32 to index
    %get3A_1 = memref.load %arg1[%get3A] : memref<1280xi32, #tpu.memory_space<smem>>
    %c0_i32 = arith.constant 0 : i32
    %c0_i32_2 = arith.constant 0 : i32
    %c0_i32_3 = arith.constant 0 : i32
    return %get3A_1, %c0_i32, %c0_i32_2 : i32, i32, i32
  }
  func.func @transform_35(%arg0: i32, %arg1: memref<1280xi32, #tpu.memory_space<smem>>, %arg2: memref<1280xi32, #tpu.memory_space<smem>>, %arg3: memref<1280xi32, #tpu.memory_space<smem>>, %arg4: memref<1280xi32, #tpu.memory_space<smem>>) -> (i32, i32, i32) {
    %add3A = arith.constant 1088 : i32
    %add3A_0 = arith.addi %add3A, %arg0 : i32
    %get3A = arith.index_cast %add3A_0 : i32 to index
    %get3A_1 = memref.load %arg1[%get3A] : memref<1280xi32, #tpu.memory_space<smem>>
    %c0_i32 = arith.constant 0 : i32
    %c0_i32_2 = arith.constant 0 : i32
    %c0_i32_3 = arith.constant 0 : i32
    return %get3A_1, %c0_i32, %c0_i32_2 : i32, i32, i32
  }
  func.func @transform_36(%arg0: i32, %arg1: memref<1280xi32, #tpu.memory_space<smem>>, %arg2: memref<1280xi32, #tpu.memory_space<smem>>, %arg3: memref<1280xi32, #tpu.memory_space<smem>>, %arg4: memref<1280xi32, #tpu.memory_space<smem>>) -> (i32, i32, i32) {
    %add3A = arith.constant 1120 : i32
    %add3A_0 = arith.addi %add3A, %arg0 : i32
    %get3A = arith.index_cast %add3A_0 : i32 to index
    %get3A_1 = memref.load %arg1[%get3A] : memref<1280xi32, #tpu.memory_space<smem>>
    %c0_i32 = arith.constant 0 : i32
    %c0_i32_2 = arith.constant 0 : i32
    %c0_i32_3 = arith.constant 0 : i32
    return %get3A_1, %c0_i32, %c0_i32_2 : i32, i32, i32
  }
  func.func @transform_37(%arg0: i32, %arg1: memref<1280xi32, #tpu.memory_space<smem>>, %arg2: memref<1280xi32, #tpu.memory_space<smem>>, %arg3: memref<1280xi32, #tpu.memory_space<smem>>, %arg4: memref<1280xi32, #tpu.memory_space<smem>>) -> (i32, i32, i32) {
    %add3A = arith.constant 1152 : i32
    %add3A_0 = arith.addi %add3A, %arg0 : i32
    %get3A = arith.index_cast %add3A_0 : i32 to index
    %get3A_1 = memref.load %arg1[%get3A] : memref<1280xi32, #tpu.memory_space<smem>>
    %c0_i32 = arith.constant 0 : i32
    %c0_i32_2 = arith.constant 0 : i32
    %c0_i32_3 = arith.constant 0 : i32
    return %get3A_1, %c0_i32, %c0_i32_2 : i32, i32, i32
  }
  func.func @transform_38(%arg0: i32, %arg1: memref<1280xi32, #tpu.memory_space<smem>>, %arg2: memref<1280xi32, #tpu.memory_space<smem>>, %arg3: memref<1280xi32, #tpu.memory_space<smem>>, %arg4: memref<1280xi32, #tpu.memory_space<smem>>) -> (i32, i32, i32) {
    %add3A = arith.constant 1184 : i32
    %add3A_0 = arith.addi %add3A, %arg0 : i32
    %get3A = arith.index_cast %add3A_0 : i32 to index
    %get3A_1 = memref.load %arg1[%get3A] : memref<1280xi32, #tpu.memory_space<smem>>
    %c0_i32 = arith.constant 0 : i32
    %c0_i32_2 = arith.constant 0 : i32
    %c0_i32_3 = arith.constant 0 : i32
    return %get3A_1, %c0_i32, %c0_i32_2 : i32, i32, i32
  }
  func.func @transform_39(%arg0: i32, %arg1: memref<1280xi32, #tpu.memory_space<smem>>, %arg2: memref<1280xi32, #tpu.memory_space<smem>>, %arg3: memref<1280xi32, #tpu.memory_space<smem>>, %arg4: memref<1280xi32, #tpu.memory_space<smem>>) -> (i32, i32, i32) {
    %add3A = arith.constant 1216 : i32
    %add3A_0 = arith.addi %add3A, %arg0 : i32
    %get3A = arith.index_cast %add3A_0 : i32 to index
    %get3A_1 = memref.load %arg1[%get3A] : memref<1280xi32, #tpu.memory_space<smem>>
    %c0_i32 = arith.constant 0 : i32
    %c0_i32_2 = arith.constant 0 : i32
    %c0_i32_3 = arith.constant 0 : i32
    return %get3A_1, %c0_i32, %c0_i32_2 : i32, i32, i32
  }
  func.func @transform_40(%arg0: i32, %arg1: memref<1280xi32, #tpu.memory_space<smem>>, %arg2: memref<1280xi32, #tpu.memory_space<smem>>, %arg3: memref<1280xi32, #tpu.memory_space<smem>>, %arg4: memref<1280xi32, #tpu.memory_space<smem>>) -> (i32, i32, i32) {
    %add3A = arith.constant 1248 : i32
    %add3A_0 = arith.addi %add3A, %arg0 : i32
    %get3A = arith.index_cast %add3A_0 : i32 to index
    %get3A_1 = memref.load %arg1[%get3A] : memref<1280xi32, #tpu.memory_space<smem>>
    %c0_i32 = arith.constant 0 : i32
    %c0_i32_2 = arith.constant 0 : i32
    %c0_i32_3 = arith.constant 0 : i32
    return %get3A_1, %c0_i32, %c0_i32_2 : i32, i32, i32
  }
  func.func @transform_41(%arg0: i32, %arg1: memref<1280xi32, #tpu.memory_space<smem>>, %arg2: memref<1280xi32, #tpu.memory_space<smem>>, %arg3: memref<1280xi32, #tpu.memory_space<smem>>, %arg4: memref<1280xi32, #tpu.memory_space<smem>>) -> (i32, i32) {
    %c0_i32 = arith.constant 0 : i32
    %c0_i32_0 = arith.constant 0 : i32
    %c0_i32_1 = arith.constant 0 : i32
    return %c0_i32, %c0_i32_0 : i32, i32
  }
  func.func @transform_42(%arg0: i32, %arg1: memref<1280xi32, #tpu.memory_space<smem>>, %arg2: memref<1280xi32, #tpu.memory_space<smem>>, %arg3: memref<1280xi32, #tpu.memory_space<smem>>, %arg4: memref<1280xi32, #tpu.memory_space<smem>>) -> (i32, i32) {
    %c0_i32 = arith.constant 0 : i32
    %c0_i32_0 = arith.constant 0 : i32
    %c0_i32_1 = arith.constant 0 : i32
    return %c0_i32, %c0_i32_0 : i32, i32
  }
}

module attributes {stable_mosaic.version = 14 : i64} {
  func.func @_epilogue_kernel(%arg0: memref<256x5xf32, #tpu.memory_space<vmem>>, %arg1: memref<256x5xf32, #tpu.memory_space<vmem>>, %arg2: memref<256x5xf32, #tpu.memory_space<vmem>>, %arg3: memref<256x5xf32, #tpu.memory_space<vmem>>, %arg4: memref<256x2xf32, #tpu.memory_space<vmem>>, %arg5: memref<256x2xf32, #tpu.memory_space<vmem>>, %arg6: memref<256x1xi32, #tpu.memory_space<vmem>>, %arg7: memref<256x5xf32, #tpu.memory_space<vmem>>) attributes {dimension_semantics = [], scalar_prefetch = 0 : i64, scratch_operands = 0 : i64, tpu.core_type = #tpu.core_type<tc>} {
    %get3A = arith.constant 0 : index
    %get3A_0 = arith.constant 0 : index
    %get3A_1 = vector.load %arg0[%get3A, %get3A_0] : memref<256x5xf32, #tpu.memory_space<vmem>>, vector<256x5xf32>
    %get3A_2 = arith.constant 0 : index
    %get3A_3 = arith.constant 0 : index
    %get3A_4 = vector.load %arg1[%get3A_2, %get3A_3] : memref<256x5xf32, #tpu.memory_space<vmem>>, vector<256x5xf32>
    %get3A_5 = arith.constant 0 : index
    %get3A_6 = arith.constant 0 : index
    %get3A_7 = vector.load %arg2[%get3A_5, %get3A_6] : memref<256x5xf32, #tpu.memory_space<vmem>>, vector<256x5xf32>
    %get3A_8 = arith.constant 0 : index
    %get3A_9 = arith.constant 0 : index
    %get3A_10 = vector.load %arg3[%get3A_8, %get3A_9] : memref<256x5xf32, #tpu.memory_space<vmem>>, vector<256x5xf32>
    %get3A_11 = arith.constant 0 : index
    %get3A_12 = arith.constant 0 : index
    %get3A_13 = vector.load %arg4[%get3A_11, %get3A_12] : memref<256x2xf32, #tpu.memory_space<vmem>>, vector<256x2xf32>
    %add3A = arith.constant 9.99999996E-13 : f32
    %add3A_14 = vector.broadcast %add3A : f32 to vector<256x5xf32>
    %add3A_15 = arith.addf %get3A_1, %add3A_14 : vector<256x5xf32>
    %sqrt3A = math.sqrt %add3A_15 : vector<256x5xf32>
    %neg3A = arith.constant 0.000000e+00 : f32
    %neg3A_16 = vector.broadcast %neg3A : f32 to vector<256x5xf32>
    %neg3A_17 = arith.subf %neg3A_16, %sqrt3A : vector<256x5xf32>
    %div3A = arith.constant 1.600000e+00 : f32
    %div3A_18 = vector.broadcast %div3A : f32 to vector<256x5xf32>
    %div3A_19 = arith.divf %neg3A_17, %div3A_18 : vector<256x5xf32>
    %reduce_max3A = arith.constant dense<0xFF800000> : vector<256xf32>
    %reduce_max3A_20 = vector.multi_reduction <maximumf>, %div3A_19, %reduce_max3A [1] : vector<256x5xf32> to vector<256xf32>
    %broadcast_in_dim3A = vector.shape_cast %reduce_max3A_20 : vector<256xf32> to vector<256x1xf32>
    %sub3A = vector.broadcast %broadcast_in_dim3A : vector<256x1xf32> to vector<256x5xf32>
    %sub3A_21 = arith.subf %div3A_19, %sub3A : vector<256x5xf32>
    %exp3A = math.exp %sub3A_21 : vector<256x5xf32>
    %reduce_sum3A = arith.constant dense<0.000000e+00> : vector<256xf32>
    %reduce_sum3A_22 = vector.multi_reduction <add>, %exp3A, %reduce_sum3A [1] : vector<256x5xf32> to vector<256xf32>
    %broadcast_in_dim3A_23 = vector.shape_cast %reduce_sum3A_22 : vector<256xf32> to vector<256x1xf32>
    %div3A_24 = vector.broadcast %broadcast_in_dim3A_23 : vector<256x1xf32> to vector<256x5xf32>
    %div3A_25 = arith.divf %exp3A, %div3A_24 : vector<256x5xf32>
    %mul3A = arith.mulf %get3A_10, %div3A_25 : vector<256x5xf32>
    %iota3A = tpu.iota {dimensions = array<i32: 1>} : vector<256x5xi32>
    %reduce_max3A_26 = arith.constant dense<0xFF800000> : vector<256xf32>
    %reduce_max3A_27 = vector.multi_reduction <maximumf>, %mul3A, %reduce_max3A_26 [1] : vector<256x5xf32> to vector<256xf32>
    %broadcast_in_dim3A_28 = vector.shape_cast %reduce_max3A_27 : vector<256xf32> to vector<256x1xf32>
    %eq3A = vector.broadcast %broadcast_in_dim3A_28 : vector<256x1xf32> to vector<256x5xf32>
    %eq3A_29 = arith.cmpf oeq, %mul3A, %eq3A : vector<256x5xf32>
    %jit3A = arith.constant 5 : i32
    %broadcast_in_dim3A_30 = vector.broadcast %jit3A : i32 to vector<256x5xi32>
    %select_n3A = arith.select %eq3A_29, %iota3A, %broadcast_in_dim3A_30 : vector<256x5xi1>, vector<256x5xi32>
    %reduce_min3A = arith.constant dense<2147483647> : vector<256xi32>
    %reduce_min3A_31 = vector.multi_reduction <minsi>, %select_n3A, %reduce_min3A [1] : vector<256x5xi32> to vector<256xi32>
    %broadcast_in_dim3A_32 = vector.shape_cast %reduce_min3A_31 : vector<256xi32> to vector<256x1xi32>
    %eq3A_33 = vector.broadcast %broadcast_in_dim3A_32 : vector<256x1xi32> to vector<256x5xi32>
    %eq3A_34 = arith.cmpi eq, %iota3A, %eq3A_33 : vector<256x5xi32>
    %jit3A_35 = arith.constant 0.000000e+00 : f32
    %broadcast_in_dim3A_36 = vector.broadcast %jit3A_35 : f32 to vector<256x5xf32>
    %select_n3A_37 = arith.select %eq3A_34, %get3A_4, %broadcast_in_dim3A_36 : vector<256x5xi1>, vector<256x5xf32>
    %reduce_sum3A_38 = arith.constant dense<0.000000e+00> : vector<256xf32>
    %reduce_sum3A_39 = vector.multi_reduction <add>, %select_n3A_37, %reduce_sum3A_38 [1] : vector<256x5xf32> to vector<256xf32>
    %broadcast_in_dim3A_40 = vector.shape_cast %reduce_sum3A_39 : vector<256xf32> to vector<256x1xf32>
    %jit3A_41 = arith.constant 0.000000e+00 : f32
    %broadcast_in_dim3A_42 = vector.broadcast %jit3A_41 : f32 to vector<256x5xf32>
    %select_n3A_43 = arith.select %eq3A_34, %get3A_7, %broadcast_in_dim3A_42 : vector<256x5xi1>, vector<256x5xf32>
    %reduce_sum3A_44 = arith.constant dense<0.000000e+00> : vector<256xf32>
    %reduce_sum3A_45 = vector.multi_reduction <add>, %select_n3A_43, %reduce_sum3A_44 [1] : vector<256x5xf32> to vector<256xf32>
    %broadcast_in_dim3A_46 = vector.shape_cast %reduce_sum3A_45 : vector<256xf32> to vector<256x1xf32>
    %slice3A = vector.extract_strided_slice %get3A_13 {offsets = [0, 0], sizes = [256, 1], strides = [1, 1]} : vector<256x2xf32> to vector<256x1xf32>
    %mul3A_47 = arith.constant 0.0174532924 : f32
    %mul3A_48 = vector.broadcast %mul3A_47 : f32 to vector<256x1xf32>
    %mul3A_49 = arith.mulf %slice3A, %mul3A_48 : vector<256x1xf32>
    %slice3A_50 = vector.extract_strided_slice %get3A_13 {offsets = [0, 1], sizes = [256, 1], strides = [1, 1]} : vector<256x2xf32> to vector<256x1xf32>
    %mul3A_51 = arith.constant 0.0174532924 : f32
    %mul3A_52 = vector.broadcast %mul3A_51 : f32 to vector<256x1xf32>
    %mul3A_53 = arith.mulf %slice3A_50, %mul3A_52 : vector<256x1xf32>
    %mul3A_54 = arith.constant 0.0174532924 : f32
    %mul3A_55 = vector.broadcast %mul3A_54 : f32 to vector<256x1xf32>
    %mul3A_56 = arith.mulf %broadcast_in_dim3A_40, %mul3A_55 : vector<256x1xf32>
    %mul3A_57 = arith.constant 0.0174532924 : f32
    %mul3A_58 = vector.broadcast %mul3A_57 : f32 to vector<256x1xf32>
    %mul3A_59 = arith.mulf %broadcast_in_dim3A_46, %mul3A_58 : vector<256x1xf32>
    %sub3A_60 = arith.subf %mul3A_59, %mul3A_53 : vector<256x1xf32>
    %mul3A_61 = arith.constant 5.000000e-01 : f32
    %mul3A_62 = vector.broadcast %mul3A_61 : f32 to vector<256x1xf32>
    %mul3A_63 = arith.mulf %sub3A_60, %mul3A_62 : vector<256x1xf32>
    %sin3A = math.sin %mul3A_63 : vector<256x1xf32>
    %integer_pow3A = arith.mulf %sin3A, %sin3A : vector<256x1xf32>
    %cos3A = math.cos %mul3A_53 : vector<256x1xf32>
    %cos3A_64 = math.cos %mul3A_59 : vector<256x1xf32>
    %mul3A_65 = arith.mulf %cos3A, %cos3A_64 : vector<256x1xf32>
    %sub3A_66 = arith.subf %mul3A_56, %mul3A_49 : vector<256x1xf32>
    %mul3A_67 = arith.constant 5.000000e-01 : f32
    %mul3A_68 = vector.broadcast %mul3A_67 : f32 to vector<256x1xf32>
    %mul3A_69 = arith.mulf %sub3A_66, %mul3A_68 : vector<256x1xf32>
    %sin3A_70 = math.sin %mul3A_69 : vector<256x1xf32>
    %integer_pow3A_71 = arith.mulf %sin3A_70, %sin3A_70 : vector<256x1xf32>
    %mul3A_72 = arith.mulf %mul3A_65, %integer_pow3A_71 : vector<256x1xf32>
    %add3A_73 = arith.addf %integer_pow3A, %mul3A_72 : vector<256x1xf32>
    %jit3A_74 = arith.constant 0.000000e+00 : f32
    %jit3A_75 = arith.constant 1.000000e+00 : f32
    %max3A = vector.broadcast %jit3A_74 : f32 to vector<256x1xf32>
    %max3A_76 = arith.maximumf %max3A, %add3A_73 : vector<256x1xf32>
    %min3A = vector.broadcast %jit3A_75 : f32 to vector<256x1xf32>
    %min3A_77 = arith.minimumf %min3A, %max3A_76 : vector<256x1xf32>
    %gt3A = arith.constant 0.00614657206 : f32
    %gt3A_78 = vector.broadcast %gt3A : f32 to vector<256x1xf32>
    %gt3A_79 = arith.cmpf ogt, %min3A_77, %gt3A_78 : vector<256x1xf32>
    %broadcast_in_dim3A_80 = vector.shape_cast %gt3A_79 : vector<256x1xi1> to vector<256x1xi1>
    %broadcast_in_dim3A_81 = vector.broadcast %broadcast_in_dim3A_80 : vector<256x1xi1> to vector<256x5xi1>
    %select_n3A_82 = arith.select %broadcast_in_dim3A_81, %get3A_10, %mul3A : vector<256x5xi1>, vector<256x5xf32>
    %reduce_max3A_83 = arith.constant dense<0xFF800000> : vector<256xf32>
    %reduce_max3A_84 = vector.multi_reduction <maximumf>, %select_n3A_82, %reduce_max3A_83 [1] : vector<256x5xf32> to vector<256xf32>
    %broadcast_in_dim3A_85 = vector.shape_cast %reduce_max3A_84 : vector<256xf32> to vector<256x1xf32>
    %eq3A_86 = vector.broadcast %broadcast_in_dim3A_85 : vector<256x1xf32> to vector<256x5xf32>
    %eq3A_87 = arith.cmpf oeq, %select_n3A_82, %eq3A_86 : vector<256x5xf32>
    %jit3A_88 = arith.constant 5 : i32
    %broadcast_in_dim3A_89 = vector.broadcast %jit3A_88 : i32 to vector<256x5xi32>
    %select_n3A_90 = arith.select %eq3A_87, %iota3A, %broadcast_in_dim3A_89 : vector<256x5xi1>, vector<256x5xi32>
    %reduce_min3A_91 = arith.constant dense<2147483647> : vector<256xi32>
    %reduce_min3A_92 = vector.multi_reduction <minsi>, %select_n3A_90, %reduce_min3A_91 [1] : vector<256x5xi32> to vector<256xi32>
    %broadcast_in_dim3A_93 = vector.shape_cast %reduce_min3A_92 : vector<256xi32> to vector<256x1xi32>
    %eq3A_94 = vector.broadcast %broadcast_in_dim3A_93 : vector<256x1xi32> to vector<256x5xi32>
    %eq3A_95 = arith.cmpi eq, %iota3A, %eq3A_94 : vector<256x5xi32>
    %jit3A_96 = arith.constant 0.000000e+00 : f32
    %broadcast_in_dim3A_97 = vector.broadcast %jit3A_96 : f32 to vector<256x5xf32>
    %select_n3A_98 = arith.select %eq3A_95, %get3A_4, %broadcast_in_dim3A_97 : vector<256x5xi1>, vector<256x5xf32>
    %reduce_sum3A_99 = arith.constant dense<0.000000e+00> : vector<256xf32>
    %reduce_sum3A_100 = vector.multi_reduction <add>, %select_n3A_98, %reduce_sum3A_99 [1] : vector<256x5xf32> to vector<256xf32>
    %broadcast_in_dim3A_101 = vector.shape_cast %reduce_sum3A_100 : vector<256xf32> to vector<256x1xf32>
    %jit3A_102 = arith.constant 0.000000e+00 : f32
    %broadcast_in_dim3A_103 = vector.broadcast %jit3A_102 : f32 to vector<256x5xf32>
    %select_n3A_104 = arith.select %eq3A_95, %get3A_7, %broadcast_in_dim3A_103 : vector<256x5xi1>, vector<256x5xf32>
    %reduce_sum3A_105 = arith.constant dense<0.000000e+00> : vector<256xf32>
    %reduce_sum3A_106 = vector.multi_reduction <add>, %select_n3A_104, %reduce_sum3A_105 [1] : vector<256x5xf32> to vector<256xf32>
    %broadcast_in_dim3A_107 = vector.shape_cast %reduce_sum3A_106 : vector<256xf32> to vector<256x1xf32>
    %swap3A = arith.constant 0 : index
    %swap3A_108 = arith.constant 0 : index
    %swap3A_109 = vector.load %arg5[%swap3A, %swap3A_108] : memref<256x2xf32, #tpu.memory_space<vmem>>, vector<256x1xf32>
    tpu.vector_store %arg5[%swap3A, %swap3A_108], %broadcast_in_dim3A_101 {strides = array<i32>} : memref<256x2xf32, #tpu.memory_space<vmem>>, vector<256x1xf32>,
    %swap3A_110 = arith.constant 0 : index
    %swap3A_111 = arith.constant 1 : index
    %swap3A_112 = vector.load %arg5[%swap3A_110, %swap3A_111] : memref<256x2xf32, #tpu.memory_space<vmem>>, vector<256x1xf32>
    tpu.vector_store %arg5[%swap3A_110, %swap3A_111], %broadcast_in_dim3A_107 {strides = array<i32>} : memref<256x2xf32, #tpu.memory_space<vmem>>, vector<256x1xf32>,
    %swap3A_113 = arith.constant 0 : index
    %swap3A_114 = arith.constant 0 : index
    %swap3A_115 = vector.load %arg6[%swap3A_113, %swap3A_114] : memref<256x1xi32, #tpu.memory_space<vmem>>, vector<256x1xi32>
    tpu.vector_store %arg6[%swap3A_113, %swap3A_114], %broadcast_in_dim3A_93 {strides = array<i32>} : memref<256x1xi32, #tpu.memory_space<vmem>>, vector<256x1xi32>,
    %swap3A_116 = arith.constant 0 : index
    %swap3A_117 = arith.constant 0 : index
    %swap3A_118 = vector.load %arg7[%swap3A_116, %swap3A_117] : memref<256x5xf32, #tpu.memory_space<vmem>>, vector<256x5xf32>
    tpu.vector_store %arg7[%swap3A_116, %swap3A_117], %select_n3A_82 {strides = array<i32>} : memref<256x5xf32, #tpu.memory_space<vmem>>, vector<256x5xf32>,
    return
  }
}

</mosaic_0001>

<sc_bundles>
// kernel: gather_offload_async_start
scs
__scs_entry_jumppad:
0x0: {  	(pc) =	sbr.rel $0x88, $3  }
0x1: {  	(tag) =	ssettag $0x0;
	lr =	simm.s32 $0x1  }
0x2: {  	[smem:$0x3F9B] =	sst lr;
	_ =	strace $0xD0000000  }
0x3: {  	_ = 	snop  }
0x4: {  	_ = 	snop  }
0x5: {  	_ = 	snop  }
0x6: {  	_ = 	snop  }
0x7: {  	_ = 	snop  }
__scs_overlays_trampoline_lowered:
0x8: {  	[smem:$0x3FAA] =	sst s0  }
0x9: {  	[smem:$0x3FAB] =	sst s1  }
0xa: {  	[smem:$0x3FAC] =	sst s2  }
0xb: {  	[smem:$0x3FAD] =	sst s3  }
0xc: {  	[smem:$0x3FAE] =	sst s4  }
0xd: {  	[smem:$0x3FAF] =	sst s5  }
0xe: {  	[smem:$0x3FB0] =	sst s6  }
0xf: {  	[smem:$0x3FB1] =	sst s7  }
0x10: {  	[smem:$0x3FB2] =	sst s8  }
0x11: {  	[smem:$0x3FB3] =	sst s9;
	s0 =	simm.s32 @!p0 $0x0  }
0x12: {  	s1 =	sld [smem:$0x3F99];
	s0 =	simm.s32 @p0 $0x1  }
0x13: {  	[smem:$0x3FB4] =	sst s0;
	s0 =	simm.s32 @!p1 $0x0  }
0x14: {  	s2 =	sld [smem:$0x3F98];
	s0 =	simm.s32 @p1 $0x1  }
0x15: {  	[smem:$0x3FB5] =	sst s0;
	s0 =	simm.s32 @!p2 $0x0  }
0x16: {  	s3 =	sld [smem:$0x3FDB];
	s0 =	simm.s32 @p2 $0x1  }
0x17: {  	s4 =	simm.s32 $0x1BF5;
	[smem:$0x3FB7] =	sst s0  }
0x18: {  	s0 =	sld [smem:$0x3F9A];
	_ =	swait.ge [sflag:s4], $0x0  }
0x19: {  	s7 =	sld [smem:$0x3F9B]  }
0x1a: {  	s8 =	sadd.s32 $0xFFFFE003, lr  }
0x1b: {  	s9 =	sadd.s32 $0xFFFFFEF7, lr;
	s5 =	simm.s32 $0xFFFFFFFF;
	p2 =	slt.u32 s8, $0xFFFFF086  }
0x1c: {  	p1 =	slt.u32 s9, $0xF7A;
	s5 =	simm.s32 @!p2 $0x0  }
0x1d: {  	s5 =	simm.s32 @p1 $0x1;
	p0 =	seq.s32 s7, s2  }
0x1e: {  	s7 =	smul.u32 @!p0 $0xF7A, s2;
	p2 =	seq.s32 @!p0 s5, $0x0  }
0x1f: {  	s9 =	smul.u32 $0xF7A, s1;
	s8 =	simm.s32 @!p0 $0x1BF5;
	p2 =	por !p2, p0  }
0x20: {  	[sflag:s8] =	ssyncset.s32 @!p0 $0xFFFFF086;
	s6 =	sadd.s32 @!p0 s3, s7;
	s7 =	simm.s32 @!p0 $0x108  }
0x21: {  	s3 =	sadd.s32 s3, s9;
	s6 =	sadd.s32 @!p0 $0x88, s6;
	s7 =	simm.s32 @p2 $0x1082  }
0x22: {  	[simem:s7], [sflag:s8] =	dma.local @!p0 [hbm:s6], $0xF7A  }
0x23: {  	s9 =	sor.u32 $0xD0000000, s2;
	s6 =	simm.s32 $0x108;
	_ =	swait.ge @!p0 [sflag:s8], $0x0  }
0x24: {  	s3 =	sadd.s32 $0x88, s3;
	s6 =	simm.s32 @!p1 $0x1082;
	[sflag:s4] =	ssyncset.s32 $0xFFFFF086  }
0x25: {  	[simem:s6], [sflag:s4] =	dma.local [hbm:s3], $0xF7A  }
0x26: {  	[smem:$0x3F9B] =	sst s1;
	(tag) =	ssettag s2;
	_ =	strace s9  }
0x27: {  	s1 =	sld [smem:$0x3FAB]  }
0x28: {  	s2 =	sld [smem:$0x3FAC]  }
0x29: {  	s4 =	sld [smem:$0x3FAE]  }
0x2a: {  	p0 =	seq.s32 s5, $0x0;
	s5 =	sld [smem:$0x3FAF]  }
0x2b: {  	s6 =	sld [smem:$0x3FB0]  }
0x2c: {  	s7 =	sld [smem:$0x3FB1]  }
0x2d: {  	s3 =	simm.s32 $0x108;
	s8 =	sld [smem:$0x3FB2]  }
0x2e: {  	s3 =	simm.s32 @!p0 $0x1082;
	s9 =	sld [smem:$0x3FB3]  }
0x2f: {  	lr =	sadd.s32 s0, s3;
	s0 =	sld [smem:$0x3FAA]  }
0x30: {  	s3 =	sld [smem:$0x3FAD]  }
0x31: {  	[smem:$0x3FB6] =	sst s10  }
0x32: {  	s10 =	sld [smem:$0x3FB4];
	_ =	sdelay $0x3  }
0x33: {  	p0 =	seq.s32 s10, $0x1;
	s10 =	sld [smem:$0x3FB6];
	_ =	sdelay $0x3  }
0x34: {  	[smem:$0x3FB6] =	sst s10  }
0x35: {  	s10 =	sld [smem:$0x3FB5];
	_ =	sdelay $0x3  }
0x36: {  	p1 =	seq.s32 s10, $0x1;
	s10 =	sld [smem:$0x3FB6];
	_ =	sdelay $0x3  }
0x37: {  	[smem:$0x3FB6] =	sst s10  }
0x38: {  	s10 =	sld [smem:$0x3FB7]  }
0x39: {  	_ = 	snop;
	(pc) =	sbr.ind lr, $3  }
0x3a: {  	_ = 	snop  }
0x3b: {  	_ = 	snop  }
0x3c: {  	p2 =	seq.s32 s10, $0x1;
	s10 =	sld [smem:$0x3FB6]  }
0x3d: {  	_ =	shalt  }
0x3e: {  	_ =	shalt  }
0x3f: {  	_ =	shalt  }
0x40: {  	_ =	shalt  }
0x41: {  	_ =	shalt  }
0x42: {  	_ =	shalt  }
0x43: {  	_ =	shalt  }
0x44: {  	_ =	shalt  }
0x45: {  	_ =	shalt  }
0x46: {  	_ =	shalt  }
0x47: {  	_ =	shalt  }
0x48: {  	_ =	shalt  }
0x49: {  	_ =	shalt  }
0x4a: {  	_ =	shalt  }
0x4b: {  	_ =	shalt  }
0x4c: {  	_ =	shalt  }
0x4d: {  	_ =	shalt  }
0x4e: {  	_ =	shalt  }
0x4f: {  	_ =	shalt  }
0x50: {  	_ =	shalt  }
0x51: {  	_ =	shalt  }
0x52: {  	_ =	shalt  }
0x53: {  	_ =	shalt  }
0x54: {  	_ =	shalt  }
0x55: {  	_ =	shalt  }
0x56: {  	_ =	shalt  }
0x57: {  	_ =	shalt  }
0x58: {  	_ =	shalt  }
0x59: {  	_ =	shalt  }
0x5a: {  	_ =	shalt  }
0x5b: {  	_ =	shalt  }
0x5c: {  	_ =	shalt  }
0x5d: {  	_ =	shalt  }
0x5e: {  	_ =	shalt  }
0x5f: {  	_ =	shalt  }
0x60: {  	_ =	shalt  }
0x61: {  	_ =	shalt  }
0x62: {  	_ =	shalt  }
0x63: {  	_ =	shalt  }
0x64: {  	_ =	shalt  }
0x65: {  	_ =	shalt  }
0x66: {  	_ =	shalt  }
0x67: {  	_ =	shalt  }
0x68: {  	_ =	shalt  }
0x69: {  	_ =	shalt  }
0x6a: {  	_ =	shalt  }
0x6b: {  	_ =	shalt  }
0x6c: {  	_ =	shalt  }
0x6d: {  	_ =	shalt  }
0x6e: {  	_ =	shalt  }
0x6f: {  	_ =	shalt  }
0x70: {  	_ =	shalt  }
0x71: {  	_ =	shalt  }
0x72: {  	_ =	shalt  }
0x73: {  	_ =	shalt  }
0x74: {  	_ =	shalt  }
0x75: {  	_ =	shalt  }
0x76: {  	_ =	shalt  }
0x77: {  	_ =	shalt  }
0x78: {  	_ =	shalt  }
0x79: {  	_ =	shalt  }
0x7a: {  	_ =	shalt  }
0x7b: {  	_ =	shalt  }
0x7c: {  	_ =	shalt  }
0x7d: {  	_ =	shalt  }
0x7e: {  	_ =	shalt  }
0x7f: {  	_ =	shalt  }
0x80: {  	_ =	shalt  }
0x81: {  	_ =	shalt  }
0x82: {  	_ =	shalt  }
0x83: {  	_ =	shalt  }
0x84: {  	_ =	shalt  }
0x85: {  	_ =	shalt  }
0x86: {  	_ =	shalt  }
0x87: {  	_ =	shalt  }
.Lfunc_end0:
.L_simem_size_0:
called_computation_lowered:
.L_overlay_start_0:
0x88: {  	s2 =	sld [smem:$0x3FD9]  }
0x89: {  	s3 =	sld [smem:$0x3FFE];
	_ =	sdelay $0x1  }
0x8a: {  	s1 =	srdreg.scid  }
0x8b: {  	s0 =	sand.u32 $0x1, s1  }
0x8c: {  	s14 =	sshll.u32 s0, $0xA;
	s2 =	sadd.s32 s3, s2  }
0x8d: {  	s2 =	sadd.s32 s2, s14  }
0x8e: {  	[smem:$0x3FC2] =	sst s2  }
0x8f: {  	_ = 	snop  }
0x90: {  	s2 =	sld [smem:$0x3FD0];
	_ =	sdelay $0x2  }
0x91: {  	s15 =	simm.s32 $0xA;
	s4 =	simm.s32 $0x10  }
0x92: {  	[smem:s4], [sflag:s15] =	dma.local [hbm:s2], $0x1  }
0x93: {  	_ =	swait.eq [sflag:s15], $0x1  }
0x94: {  	[sflag:s15] =	ssyncset.done $0x0  }
0x95: {  	[sflag:s15] =	ssyncadd.s32 $0xFFFFFFFF  }
0x96: {  	s16 =	sld [smem:$0x12];
	(tm) =	ssettm $0x1  }
0x97: {  	s17 =	sld [smem:$0x3FFB];
	_ =	sdelay $0x3  }
0x98: {  	_ =	strace s17  }
0x99: {  	s3 =	sld [smem:$0x3FFC];
	_ =	sdelay $0x3  }
0x9a: {  	_ =	strace s3  }
0x9b: {  	s3 =	sld [smem:$0x3FFD];
	_ =	sdelay $0x3  }
0x9c: {  	_ =	strace s3  }
0x9d: {  	_ =	strace $0x8FFFFFFF  }
0x9e: {  	s18 =	sld [smem:$0x3FDB];
	_ =	sdelay $0x1  }
0x9f: {  	s19 =	simm.s32 $_scs_section_size  }
0xa0: {  	s5 =	simm.s32 $_size__tile_overlayer_lowered;
	s6 =	simm.s32 $_tile_overlayer_lowered  }
0xa1: {  	s22 =	simm.s32 $0x1BFF;
	s21 =	sshll.u32 s6, $0x1;
	s3 =	sadd.s32 s19, s18  }
0xa2: {  	s7 =	simm.s32 $0x0;
	s20 =	sshll.u32 s5, $0x1;
	s5 =	sadd.s32 s21, s3  }
0xa3: {  	[timem:s7], [sflag:s22] =	dma.local [hbm:s5], s20  }
0xa4: {  	_ =	swait.ge [sflag:s22], s20  }
0xa5: {  	s4 =	ssub.s32 $0x0, s20;
	[sflag:s22] =	ssyncset.done $0x0  }
0xa6: {  	[sflag:s22] =	ssyncadd.s32 s4;
	_ =	sdelay $0x1  }
0xa7: {  	s23 =	simm.s32 $0x1B8B  }
0xa8: {  	_ =	swait.ge [sflag:s23], $0x1  }
0xa9: {  	[sflag:s23] =	ssyncset.done $0x0  }
0xaa: {  	s25 =	simm.s32 $0x1B8E;
	s24 =	sld [smem:$0x3FFE];
	[sflag:s23] =	ssyncadd.s32 $0xFFFFFFFF  }
0xab: {  	s26 =	simm.s32 $execute0_lowered;
	[smem:$0x3FD2] =	sst s25  }
0xac: {  	s5 =	sshll.u32 s26, $0x1;
	_ =	strace $0x80000046;
	[dreg:$0x1] =	wrdreg $0xFFFFFFFF  }
0xad: {  	s28 =	simm.s32 $_size_execute0_lowered;
	s3 =	sadd.s32 s3, s5;
	[dreg:$0x0] =	wrdreg $0x0  }
0xae: {  	s5 =	sshll.u32 s28, $0x1;
	[dreg:$0x2] =	wrdreg s3  }
0xaf: {  	[dreg:$0x3] =	wrdreg s5  }
0xb0: {  	[dreg:$0x4] =	wrdreg $0xC0  }
0xb1: {  	_ =	task [dreg:s7], $0x5FFFF  }
0xb2: {  	[dreg:$0x1] =	wrdreg $0xFFFFFFFF  }
0xb3: {  	[dreg:$0x0] =	wrdreg $0x60  }
0xb4: {  	[dreg:$0x2] =	wrdreg s16  }
0xb5: {  	[dreg:$0x3] =	wrdreg s24  }
0xb6: {  	[dreg:$0x4] =	wrdreg $0x9  }
0xb7: {  	_ =	task.clear_ibuf [dreg:s7], $0x5FFFF;
	_ =	strace $0x90000046  }
0xb8: {  	s29 =	simm.s32 $0x9;
	_ =	strace $0x80000048  }
0xb9: {  	_ =	swait.ge [sflag:s29], $0x1  }
0xba: {  	[sflag:s29] =	ssyncadd.s32 $0xFFFFFFFF  }
0xbb: {  	_ =	strace $0x90000048  }
0xbc: {  	_ =	sfence  }
0xbd: {  	s30 =	sld [smem:$0x0];
	_ =	sdelay $0x2  }
0xbe: {  	s31 =	sshll.u32 s1, $0xD;
	s1 =	sshrl.u32 s1, $0x2  }
0xbf: {  	s3 =	sand.u32 $0x4000, s31;
	s1 =	sadd.s32 s1, s30  }
0xc0: {  	s0 =	sor.u32 s3, s0;
	s1 =	sshll.u32 s1, $0x11  }
0xc1: {  	s0 =	sor.u32 s1, s0  }
0xc2: {  	s0 =	sadd.s32 $0x8F2B, s0  }
0xc3: {  	[sflag:s0] =	ssyncadd.remote.s32 $0x1  }
0xc4: {  	_ =	sfence.sel $0xFFFF  }
0xc5: {  	[dreg:$0x0] =	wrdreg $0xFFFFFFFF;
	(pc) =	sbr.abs _section_cstart, $3  }
0xc6: {  	[dreg:$0x1] =	wrdreg $0xFFFFFFFF  }
0xc7: {  	_ =	task.clear_ibuf [dreg:s7], $0x2FFFF;
	_ =	strace $0x9FFFFFFF  }
0xc8: {  	(tm) =	ssettm $0x7FFFFFFF  }
0xc9: {  	_ =	shalt  }
tec
execute0_lowered:
.L_overlay_start_1:
0x0: {  	(tag) =	ssettag $0x1  }
0x1: {  	s1 =	srdreg.scid;
	s2 =	rddreg [dreg:$0x0]  }
0x2: {  	s0 =	stileid.u32;
	s6 =	rddreg [dreg:$0x1];
	s1 =	sshll.u32 s1, $0x5  }
0x3: {  	s7 =	simm.s32 $0x1;
	s3 =	sshll.u32 s0, $0x6;
	s1 =	sand.u32 $0x20, s1  }
0x4: {  	s30 =	simm.s32 $0x2;
	s31 =	simm.s32 $0x3;
	s3 =	sor.u32 s3, s1  }
0x5: {  	s11 =	simm.s32 $0x0;
	s9 =	simm.s32 $0x0;
	s5 =	ssub.s32 $0x500, s3  }
0x6: {  	s4 =	sadd.s32 $0x1000, s6;
	s6 =	sadd.s32 $0x1200, s6;
	s8 =	sand.u32 $0x3E0, s5  }
0x7: {  	s1 =	rddreg [dreg:$0x2];
	_ =	strace $0x80000047;
	p0 =	sne.s32 s8, $0x0  }
0x8: {  	[sflag:s7] =	ssyncpa.u1 $0x0;
	s5 =	sshrl.u32 s5, $0xA;
	s7 =	simm.s32 @!p0 $0x0  }
0x9: {  	s10 =	smov.u32 s3;
	[sflag:s30] =	ssyncpa.u1 $0x0;
	s5 =	sadd.s32 s7, s5  }
0xa: {  	[sflag:s31] =	ssyncpa.u1 $0x0;
	s8 =	simm.s32 $0x0;
	s7 =	sadd.s32 $0x1, s5  }
.LBB2_1:
0xb: {  	p0 =	sge.u32 s9, s5  }
0xc: {  	s31 =	sadd.s32 $0xFFFFFFFF, s9;
	s12 =	sxor.u32 @!p0 $0xFFFFFFFF, s8;
	s13 =	sshrl.u32 @!p0 s10, $0x3  }
0xd: {  	s14 =	sand.u32 @!p0 $0x7, s10;
	s12 =	sand.u32 @!p0 $0x20, s12;
	s13 =	sadd.s32 @!p0 s4, s13  }
0xe: {  	[tilespmem:s12], [sflag:$0x2] =	stream.linear.gather @!p0 [hbm4b:s13+s14], $0x20, $0x38;
	[tilespmem:$0x80] =	vst v63  }
0xf: {  	p0 =	sge.u32 s31, s5  }
0x10: {  	s12 =	simm.s32 @!p0 $0x2  }
0x11: {  	_ =	swait.ge @!p0 [sflag:s12], $0x20  }
0x12: {  	[sflag:s12] =	ssyncset.done @!p0 $0x0  }
0x13: {  	[sflag:s12] =	ssyncadd.s32 @!p0 $0xFFFFFFE0;
	s12 =	sand.u32 @!p0 $0x20, s8  }
0x14: {  	(ifvalue) =	ssetifvalue @!p0 $0x7FFFFFFF;
	v0 =	vld.msk @!p0 [tilespmem:s12+$0x0 ss:$0x1], $0xffff;
	_ =	sdelay $0x4  }
0x15: {  	vm0 =	vgt.s32 @!p0 v0, $0x0  }
0x16: {  	v0 =	vnsel @!p0 vm0, $0x0, v0  }
0x17: {  	v0 =	vmin.u32 @!p0 v0, $0x4FF;
	_ =	sdelay $0x2  }
0x18: {  	s14 =	simm.s32 @!p0 $0x0  }
0x19: {  	s13 =	sor.u32 @!p0 $0x40, s12;
	(ifvalue) =	ssetifvalue @!p0 $0x7FFFFFFF;
	s15 =	sor.u32 @!p0 $0x10, s12;
	vm0 =	vmmov @!p0 $0xffff  }
0x1a: {  	[tilespmem:s13], [sflag:$0x1] =	stream.indirect_vreg.gather @!p0 [hbm4b:s2+s14], $0x1, v0, vm0, $0x4038;
	[tilespmem:$0x80] =	vst v63  }
0x1b: {  	v0 =	vld.msk @!p0 [tilespmem:s15+$0x0 ss:$0x1], $0xffff;
	_ =	sdelay $0x4  }
0x1c: {  	vm1 =	vgt.s32 @!p0 v0, $0x0  }
0x1d: {  	v0 =	vnsel @!p0 vm1, $0x0, v0  }
0x1e: {  	v0 =	vmin.u32 @!p0 v0, $0x4FF;
	_ =	sdelay $0x3  }
0x1f: {  	s12 =	sor.u32 @!p0 $0x50, s12;
	(ifvalue) =	ssetifvalue @!p0 $0x7FFFFFFF  }
0x20: {  	[tilespmem:s12], [sflag:$0x1] =	stream.indirect_vreg.gather @!p0 [hbm4b:s2+s14], $0x1, v0, vm0, $0x4038;
	[tilespmem:$0x80] =	vst v63  }
0x21: {  	s12 =	simm.s32 @!p0 $0x1  }
0x22: {  	_ =	swait.ge @!p0 [sflag:s12], $0x20  }
0x23: {  	s14 =	sshrl.u32 @!p0 s11, $0x3;
	[sflag:s12] =	ssyncset.done @!p0 $0x0  }
0x24: {  	s11 =	sand.u32 @!p0 $0x7, s11;
	[sflag:s12] =	ssyncadd.s32 @!p0 $0xFFFFFFE0;
	s12 =	sadd.s32 @!p0 s6, s14  }
0x25: {  	[hbm4b:s12+s11] =	stream.linear.scatter @!p0 [tilespmem:s13], [sflag:$0x3], $0x20, $0x38;
	[tilespmem:$0x80] =	vst v63  }
0x26: {  	s13 =	sadd.s32 $0x400, s10  }
0x27: {  	p1 =	sgt.s32 s13, $0x4FF  }
0x28: {  	s13 =	smov.u32 @p1 s3;
	p1 =	sne.s32 s9, s7  }
.Ltmp0:
0x29: {  	p0 =	slt.u32 s9, $0x2;
	(pc) =	sbr.rel @p1 .LBB2_1-.Ltmp0, $4  }
0x2a: {  	s12 =	simm.s32 @!p0 $0x3  }
0x2b: {  	_ =	swait.ge @!p0 [sflag:s12], $0x20  }
0x2c: {  	s8 =	sadd.s32 $0x20, s8;
	s11 =	smov.u32 s10;
	[sflag:s12] =	ssyncset.done @!p0 $0x0  }
0x2d: {  	s9 =	sadd.s32 $0x1, s9;
	s10 =	smov.u32 s13;
	[sflag:s12] =	ssyncadd.s32 @!p0 $0xFFFFFFE0  }
0x2e: {  	_ =	sfence.sel $0x180000  }
0x2f: {  	s2 =	simm.s32 $0x2;
	[bflag:$0x0] =	sbarrier.arrive $0xFFFF  }
0x30: {  	s30 =	simm.s32 $0x3;
	[sflag:s2] =	ssyncpa.u1 $0x1  }
0x31: {  	s31 =	simm.s32 $0x1;
	[sflag:s30] =	ssyncpa.u1 $0x1  }
0x32: {  	[sflag:s31] =	ssyncpa.u1 $0x1  }
0x33: {  	p0 =	sne.s32 s0, $0x0;
	_ =	strace $0x90000047  }
0x34: {  	s0 =	sadd.s32 @!p0 $0x100000, s1;
	[bflag:$0x2] =	sbarrier.arrive $0xFFFF  }
0x35: {  	[sflag:s0] =	ssyncadd.tile.s32 @!p0 $0x1;
	_ =	shalt  }
.Lfunc_end2:
_tile_overlayer_lowered:
.L_overlay_start_2:
0x36: {  	(tag) =	ssettag $0x2  }
0x37: {  	s0 =	rddreg [dreg:$0x0];
	s2 =	stileid.u32  }
0x38: {  	s1 =	rddreg [dreg:$0x1];
	p0 =	sne.s32 s2, $0x0  }
0x39: {  	s3 =	rddreg [dreg:$0x2];
	[bflag:$0x3] =	sbarrier.arrive $0xFFFF;
	s2 =	simm.s32 @!p0 $0x1C01  }
0x3a: {  	[timem:s3], [sflag:s2] =	dma.local @!p0 [hbm:s0], s1  }
0x3b: {  	s0 =	simm.s32 @!p0 $0x1  }
0x3c: {  	_ =	swait.ge @!p0 [sflag:s0], s1  }
0x3d: {  	s1 =	ssub.s32 @!p0 $0x0, s1;
	[sflag:s0] =	ssyncset.done @!p0 $0x0  }
0x3e: {  	[sflag:s0] =	ssyncadd.s32 @!p0 s1  }
0x3f: {  	[bflag:$0x3] =	sbarrier.arrive $0xFFFF  }
0x40: {  	_ =	shalt  }

</sc_bundles>
